<compile_context>
chip_gen: v7x
topology: tpu7x:2x2x1
jax: 0.10.2.dev20260603
libtpu: 0.0.44.dev20260713+nightly
codegen_flags: <defaults>
</compile_context>

<pallas_src>
import functools

import jax
import jax.numpy as jnp
from jax import lax
from jax.experimental import pallas as pl
from jax.experimental.pallas import tpu as pltpu
from jax.experimental.pallas import tpu_sc as plsc

L = 16
NC = 2
NS = 16
NW = NC * NS
B = 16384
D = 144
V = 180
VP = 192
ROWS = B // NW
BLK = 8192


_DOT_DIMS = (((1,), (0,)), ((), ()))


def _tc_body(emb_ref, pre_ref, w12_ref, b_ref, y_ref, s_ref):
    w12 = w12_ref[...]
    y = lax.dot_general(emb_ref[...], w12, _DOT_DIMS,
                        preferred_element_type=jnp.float32)
    y_ref[...] = y[:, 0:1].reshape(BLK) + b_ref[0]
    s = lax.dot_general(pre_ref[...], w12, _DOT_DIMS,
                        preferred_element_type=jnp.float32)
    s_ref[...] = s[:, 1:2].reshape(VP)


def _tc_dense(emb, pre_pad, w12, b):
    return pl.pallas_call(
        _tc_body,
        grid=(B // BLK,),
        in_specs=[
            pl.BlockSpec((BLK, D), lambda i: (i, 0)),
            pl.BlockSpec((VP, D), lambda i: (0, 0)),
            pl.BlockSpec((D, 128), lambda i: (0, 0)),
            pl.BlockSpec((1,), lambda i: (0,)),
        ],
        out_specs=[
            pl.BlockSpec((BLK,), lambda i: (i,)),
            pl.BlockSpec((VP,), lambda i: (0,)),
        ],
        out_shape=[
            jax.ShapeDtypeStruct((B,), jnp.float32),
            jax.ShapeDtypeStruct((VP,), jnp.float32),
        ],
    )(emb, pre_pad, w12, b)


def _sc_body(idx_hbm, y_hbm, s_hbm, out_hbm, idx_v, y_v, s_v, out_v):
    cid = lax.axis_index("c")
    sid = lax.axis_index("s")
    wid = cid * NS + sid
    base = wid * ROWS

    pltpu.sync_copy(idx_hbm.at[pl.ds(base, ROWS)], idx_v)
    pltpu.sync_copy(y_hbm.at[pl.ds(base, ROWS)], y_v)
    pltpu.sync_copy(s_hbm, s_v)

    chunks = [s_v[pl.ds(c * L, L)] for c in range(VP // L)]
    dnums = lax.GatherDimensionNumbers(
        offset_dims=(), collapsed_slice_dims=(0,), start_index_map=(0,))

    def vreg_gather(vals, lo):
        return lax.gather(
            vals, lo[:, None], dnums, (1,),
            mode=lax.GatherScatterMode.PROMISE_IN_BOUNDS)

    for g in range(ROWS // L):
        gi = idx_v[pl.ds(g * L, L)]
        hi = gi >> 4
        lo = gi & 15
        sv = jnp.zeros((L,), jnp.float32)
        for c in range(VP // L):
            sv = jnp.where(hi == c, vreg_gather(chunks[c], lo), sv)
        out_v[pl.ds(g * L, L)] = y_v[pl.ds(g * L, L)] + sv

    pltpu.sync_copy(out_v, out_hbm.at[pl.ds(base, ROWS)])


@functools.partial(
    pl.kernel,
    mesh=plsc.VectorSubcoreMesh(core_axis_name="c", subcore_axis_name="s"),
    out_type=jax.ShapeDtypeStruct((B,), jnp.float32),
    scratch_types=[
        pltpu.VMEM((ROWS,), jnp.int32),
        pltpu.VMEM((ROWS,), jnp.float32),
        pltpu.VMEM((VP,), jnp.float32),
        pltpu.VMEM((ROWS,), jnp.float32),
    ],
)
def _sc_gather_add(idx_hbm, y_hbm, s_hbm, out_hbm, *scratch):
    _sc_body(idx_hbm, y_hbm, s_hbm, out_hbm, *scratch)


def kernel(index, emb, pre_fix, W, b):
    w1 = W[:, :D]
    w2 = W[:, D:]
    w12 = jnp.concatenate(
        [w2.T, w1.T, jnp.zeros((D, 126), jnp.float32)], axis=1)
    pre_pad = jnp.pad(pre_fix, ((0, VP - V), (0, 0)))
    y, s = _tc_dense(emb, pre_pad, w12, b)
    out = _sc_gather_add(index.astype(jnp.int32), y, s)
    return out.reshape(B, 1)

# --- scband reference (transcript-rebuilt; emitter-appended) ---
"""Pipeline reference for scband-check-prompt-24086176596513 (READ-ONLY COPY).

The authoritative reference and input builder live on the scoring server;
editing this copy changes nothing except your own understanding.
"""

import jax, jax.numpy as jnp
import numpy as np


def setup_inputs(seed: int = 0) -> dict:
    key = jax.random.key(seed)
    k1, k2, k3, k4, k5 = jax.random.split(key, 5)
    index = jax.random.randint(k1, (16384,), 0, 180)
    emb = jax.random.normal(k2, (16384, 144), dtype=jnp.float32)
    # learned parameters per module __init__
    pre_fix = jax.random.normal(k3, (180, 144), dtype=jnp.float32)
    weight = jnp.full((1, 144), 0.01, dtype=jnp.float32)
    W = jnp.concatenate([weight, weight], axis=1)  # lin.weight: [1, 288]
    b = jnp.zeros((1,), dtype=jnp.float32)         # lin.bias
    return {"index": index, "emb": emb, "pre_fix": pre_fix, "W": W, "b": b}


def reference(index, emb, pre_fix, W, b):
    # tmp = concat([pre_fix[index], emb], dim=1)
    gathered = jnp.take(pre_fix, index, axis=0)          # [B, 144] gather (SparseCore)
    tmp = jnp.concatenate([gathered, emb], axis=1)       # [B, 288]
    out = tmp @ W.T + b                                  # nn.Linear(288, 1)
    return out

if __name__ == "__main__":
    import jax
    _d = setup_inputs()
    print(jax.jit(kernel)(*tuple(_d.values())))

</pallas_src>

<mosaic_0001>
#map = affine_map<(d0, d1) -> (0)>
module attributes {stable_mosaic.version = 14 : i64} {
  func.func @_sc_gather_add(%arg0: i32, %arg1: i32, %arg2: memref<16384xi32, #tpu.memory_space<hbm>>, %arg3: memref<16384xf32, #tpu.memory_space<hbm>>, %arg4: memref<192xf32, #tpu.memory_space<hbm>>, %arg5: memref<16384xf32, #tpu.memory_space<hbm>>, %arg6: memref<512xi32, #tpu.memory_space<vmem>>, %arg7: memref<512xf32, #tpu.memory_space<vmem>>, %arg8: memref<192xf32, #tpu.memory_space<vmem>>, %arg9: memref<512xf32, #tpu.memory_space<vmem>>) attributes {dimension_semantics = [#tpu.dimension_semantics<core_parallel>, #tpu.dimension_semantics<subcore_parallel>], iteration_bounds = array<i64: 2, 16>, scalar_prefetch = 0 : i64, scratch_operands = 4 : i64, tpu.core_type = #tpu.core_type<sc_vector_subcore>, window_params = [{transform_indices = #map}, {transform_indices = #map}, {transform_indices = #map}, {transform_indices = #map}]} {
    %mul3A = arith.constant 16 : i32
    %mul3A_0 = arith.muli %arg0, %mul3A : i32
    %add3A = arith.addi %mul3A_0, %arg1 : i32
    %mul3A_1 = arith.constant 512 : i32
    %mul3A_2 = arith.muli %add3A, %mul3A_1 : i32
    "tpu.region"() ({
      %run_scoped3A = tpu.sem_alloc : memref<!tpu.dma_semaphore, #tpu.memory_space<semaphore_mem>>
      %dma_start3A = tpu.memref_slice %arg2[%mul3A_2] : memref<16384xi32, #tpu.memory_space<hbm>> -> memref<512xi32, #tpu.memory_space<hbm>>
      %dma_start3A_3327 = tpu.memref_slice %arg2[%mul3A_2] : memref<16384xi32, #tpu.memory_space<hbm>> -> memref<512xi32, #tpu.memory_space<hbm>>
      tpu.enqueue_dma source(%dma_start3A_3327 : memref<512xi32, #tpu.memory_space<hbm>>) target(%arg6 : memref<512xi32, #tpu.memory_space<vmem>>) target_semaphore(%run_scoped3A : memref<!tpu.dma_semaphore, #tpu.memory_space<semaphore_mem>>)
      %dma_wait3A = tpu.memref_slice %arg2[%mul3A_2] : memref<16384xi32, #tpu.memory_space<hbm>> -> memref<512xi32, #tpu.memory_space<hbm>>
      %dma_wait3A_3328 = tpu.memref_slice %arg2[%mul3A_2] : memref<16384xi32, #tpu.memory_space<hbm>> -> memref<512xi32, #tpu.memory_space<hbm>>
      tpu.wait_dma2 semaphore(%run_scoped3A : memref<!tpu.dma_semaphore, #tpu.memory_space<semaphore_mem>>) src(%dma_wait3A_3328 : memref<512xi32, #tpu.memory_space<hbm>>) dst(%arg6 : memref<512xi32, #tpu.memory_space<vmem>>)
      tpu.yield
    }) : () -> ()
    "tpu.region"() ({
      %run_scoped3A = tpu.sem_alloc : memref<!tpu.dma_semaphore, #tpu.memory_space<semaphore_mem>>
      %dma_start3A = tpu.memref_slice %arg3[%mul3A_2] : memref<16384xf32, #tpu.memory_space<hbm>> -> memref<512xf32, #tpu.memory_space<hbm>>
      %dma_start3A_3327 = tpu.memref_slice %arg3[%mul3A_2] : memref<16384xf32, #tpu.memory_space<hbm>> -> memref<512xf32, #tpu.memory_space<hbm>>
      tpu.enqueue_dma source(%dma_start3A_3327 : memref<512xf32, #tpu.memory_space<hbm>>) target(%arg7 : memref<512xf32, #tpu.memory_space<vmem>>) target_semaphore(%run_scoped3A : memref<!tpu.dma_semaphore, #tpu.memory_space<semaphore_mem>>)
      %dma_wait3A = tpu.memref_slice %arg3[%mul3A_2] : memref<16384xf32, #tpu.memory_space<hbm>> -> memref<512xf32, #tpu.memory_space<hbm>>
      %dma_wait3A_3328 = tpu.memref_slice %arg3[%mul3A_2] : memref<16384xf32, #tpu.memory_space<hbm>> -> memref<512xf32, #tpu.memory_space<hbm>>
      tpu.wait_dma2 semaphore(%run_scoped3A : memref<!tpu.dma_semaphore, #tpu.memory_space<semaphore_mem>>) src(%dma_wait3A_3328 : memref<512xf32, #tpu.memory_space<hbm>>) dst(%arg7 : memref<512xf32, #tpu.memory_space<vmem>>)
      tpu.yield
    }) : () -> ()
    "tpu.region"() ({
      %run_scoped3A = tpu.sem_alloc : memref<!tpu.dma_semaphore, #tpu.memory_space<semaphore_mem>>
      tpu.enqueue_dma source(%arg4 : memref<192xf32, #tpu.memory_space<hbm>>) target(%arg8 : memref<192xf32, #tpu.memory_space<vmem>>) target_semaphore(%run_scoped3A : memref<!tpu.dma_semaphore, #tpu.memory_space<semaphore_mem>>)
      tpu.wait_dma2 semaphore(%run_scoped3A : memref<!tpu.dma_semaphore, #tpu.memory_space<semaphore_mem>>) src(%arg4 : memref<192xf32, #tpu.memory_space<hbm>>) dst(%arg8 : memref<192xf32, #tpu.memory_space<vmem>>)
      tpu.yield
    }) : () -> ()
    %get3A = arith.constant 0 : index
    %get3A_3 = tpu.vector_load %arg8[%get3A] {strides = array<i32>} : memref<192xf32, #tpu.memory_space<vmem>>, vector<16xf32>,
    %get3A_4 = vector.shape_cast %get3A_3 : vector<16xf32> to vector<16xf32>
    %get3A_5 = arith.constant 16 : index
    %get3A_6 = tpu.vector_load %arg8[%get3A_5] {strides = array<i32>} : memref<192xf32, #tpu.memory_space<vmem>>, vector<16xf32>,
    %get3A_7 = vector.shape_cast %get3A_6 : vector<16xf32> to vector<16xf32>
    %get3A_8 = arith.constant 32 : index
    %get3A_9 = tpu.vector_load %arg8[%get3A_8] {strides = array<i32>} : memref<192xf32, #tpu.memory_space<vmem>>, vector<16xf32>,
    %get3A_10 = vector.shape_cast %get3A_9 : vector<16xf32> to vector<16xf32>
    %get3A_11 = arith.constant 48 : index
    %get3A_12 = tpu.vector_load %arg8[%get3A_11] {strides = array<i32>} : memref<192xf32, #tpu.memory_space<vmem>>, vector<16xf32>,
    %get3A_13 = vector.shape_cast %get3A_12 : vector<16xf32> to vector<16xf32>
    %get3A_14 = arith.constant 64 : index
    %get3A_15 = tpu.vector_load %arg8[%get3A_14] {strides = array<i32>} : memref<192xf32, #tpu.memory_space<vmem>>, vector<16xf32>,
    %get3A_16 = vector.shape_cast %get3A_15 : vector<16xf32> to vector<16xf32>
    %get3A_17 = arith.constant 80 : index
    %get3A_18 = tpu.vector_load %arg8[%get3A_17] {strides = array<i32>} : memref<192xf32, #tpu.memory_space<vmem>>, vector<16xf32>,
    %get3A_19 = vector.shape_cast %get3A_18 : vector<16xf32> to vector<16xf32>
    %get3A_20 = arith.constant 96 : index
    %get3A_21 = tpu.vector_load %arg8[%get3A_20] {strides = array<i32>} : memref<192xf32, #tpu.memory_space<vmem>>, vector<16xf32>,
    %get3A_22 = vector.shape_cast %get3A_21 : vector<16xf32> to vector<16xf32>
    %get3A_23 = arith.constant 112 : index
    %get3A_24 = tpu.vector_load %arg8[%get3A_23] {strides = array<i32>} : memref<192xf32, #tpu.memory_space<vmem>>, vector<16xf32>,
    %get3A_25 = vector.shape_cast %get3A_24 : vector<16xf32> to vector<16xf32>
    %get3A_26 = arith.constant 128 : index
    %get3A_27 = tpu.vector_load %arg8[%get3A_26] {strides = array<i32>} : memref<192xf32, #tpu.memory_space<vmem>>, vector<16xf32>,
    %get3A_28 = vector.shape_cast %get3A_27 : vector<16xf32> to vector<16xf32>
    %get3A_29 = arith.constant 144 : index
    %get3A_30 = tpu.vector_load %arg8[%get3A_29] {strides = array<i32>} : memref<192xf32, #tpu.memory_space<vmem>>, vector<16xf32>,
    %get3A_31 = vector.shape_cast %get3A_30 : vector<16xf32> to vector<16xf32>
    %get3A_32 = arith.constant 160 : index
    %get3A_33 = tpu.vector_load %arg8[%get3A_32] {strides = array<i32>} : memref<192xf32, #tpu.memory_space<vmem>>, vector<16xf32>,
    %get3A_34 = vector.shape_cast %get3A_33 : vector<16xf32> to vector<16xf32>
    %get3A_35 = arith.constant 176 : index
    %get3A_36 = tpu.vector_load %arg8[%get3A_35] {strides = array<i32>} : memref<192xf32, #tpu.memory_space<vmem>>, vector<16xf32>,
    %get3A_37 = vector.shape_cast %get3A_36 : vector<16xf32> to vector<16xf32>
    %get3A_38 = arith.constant 0 : index
    %get3A_39 = tpu.vector_load %arg6[%get3A_38] {strides = array<i32>} : memref<512xi32, #tpu.memory_space<vmem>>, vector<16xi32>,
    %get3A_40 = vector.shape_cast %get3A_39 : vector<16xi32> to vector<16xi32>
    %shift_right_arithmetic3A = arith.constant 4 : i32
    %shift_right_arithmetic3A_41 = vector.broadcast %shift_right_arithmetic3A : i32 to vector<16xi32>
    %shift_right_arithmetic3A_42 = arith.shrsi %get3A_40, %shift_right_arithmetic3A_41 : vector<16xi32>
    %and3A = arith.constant 15 : i32
    %and3A_43 = vector.broadcast %and3A : i32 to vector<16xi32>
    %and3A_44 = arith.andi %get3A_40, %and3A_43 : vector<16xi32>
    %broadcast_in_dim3A = arith.constant 0.000000e+00 : f32
    %broadcast_in_dim3A_45 = vector.broadcast %broadcast_in_dim3A : f32 to vector<16xf32>
    %eq3A = arith.constant 0 : i32
    %eq3A_46 = vector.broadcast %eq3A : i32 to vector<16xi32>
    %eq3A_47 = arith.cmpi eq, %shift_right_arithmetic3A_42, %eq3A_46 : vector<16xi32>
    %broadcast_in_dim3A_48 = vector.shape_cast %and3A_44 : vector<16xi32> to vector<16x1xi32>
    %gather3A = vector.shape_cast %broadcast_in_dim3A_48 : vector<16x1xi32> to vector<16xi32>
    %gather3A_49 = tpu.dynamic_gather %get3A_4[%gather3A] in [0] : vector<16xf32>, vector<16xi32> -> vector<16xf32>
    %select_n3A = arith.select %eq3A_47, %gather3A_49, %broadcast_in_dim3A_45 : vector<16xi1>, vector<16xf32>
    %eq3A_50 = arith.constant 1 : i32
    %eq3A_51 = vector.broadcast %eq3A_50 : i32 to vector<16xi32>
    %eq3A_52 = arith.cmpi eq, %shift_right_arithmetic3A_42, %eq3A_51 : vector<16xi32>
    %broadcast_in_dim3A_53 = vector.shape_cast %and3A_44 : vector<16xi32> to vector<16x1xi32>
    %gather3A_54 = vector.shape_cast %broadcast_in_dim3A_53 : vector<16x1xi32> to vector<16xi32>
    %gather3A_55 = tpu.dynamic_gather %get3A_7[%gather3A_54] in [0] : vector<16xf32>, vector<16xi32> -> vector<16xf32>
    %select_n3A_56 = arith.select %eq3A_52, %gather3A_55, %select_n3A : vector<16xi1>, vector<16xf32>
    %eq3A_57 = arith.constant 2 : i32
    %eq3A_58 = vector.broadcast %eq3A_57 : i32 to vector<16xi32>
    %eq3A_59 = arith.cmpi eq, %shift_right_arithmetic3A_42, %eq3A_58 : vector<16xi32>
    %broadcast_in_dim3A_60 = vector.shape_cast %and3A_44 : vector<16xi32> to vector<16x1xi32>
    %gather3A_61 = vector.shape_cast %broadcast_in_dim3A_60 : vector<16x1xi32> to vector<16xi32>
    %gather3A_62 = tpu.dynamic_gather %get3A_10[%gather3A_61] in [0] : vector<16xf32>, vector<16xi32> -> vector<16xf32>
    %select_n3A_63 = arith.select %eq3A_59, %gather3A_62, %select_n3A_56 : vector<16xi1>, vector<16xf32>
    %eq3A_64 = arith.constant 3 : i32
    %eq3A_65 = vector.broadcast %eq3A_64 : i32 to vector<16xi32>
    %eq3A_66 = arith.cmpi eq, %shift_right_arithmetic3A_42, %eq3A_65 : vector<16xi32>
    %broadcast_in_dim3A_67 = vector.shape_cast %and3A_44 : vector<16xi32> to vector<16x1xi32>
    %gather3A_68 = vector.shape_cast %broadcast_in_dim3A_67 : vector<16x1xi32> to vector<16xi32>
    %gather3A_69 = tpu.dynamic_gather %get3A_13[%gather3A_68] in [0] : vector<16xf32>, vector<16xi32> -> vector<16xf32>
    %select_n3A_70 = arith.select %eq3A_66, %gather3A_69, %select_n3A_63 : vector<16xi1>, vector<16xf32>
    %eq3A_71 = arith.constant 4 : i32
    %eq3A_72 = vector.broadcast %eq3A_71 : i32 to vector<16xi32>
    %eq3A_73 = arith.cmpi eq, %shift_right_arithmetic3A_42, %eq3A_72 : vector<16xi32>
    %broadcast_in_dim3A_74 = vector.shape_cast %and3A_44 : vector<16xi32> to vector<16x1xi32>
    %gather3A_75 = vector.shape_cast %broadcast_in_dim3A_74 : vector<16x1xi32> to vector<16xi32>
    %gather3A_76 = tpu.dynamic_gather %get3A_16[%gather3A_75] in [0] : vector<16xf32>, vector<16xi32> -> vector<16xf32>
    %select_n3A_77 = arith.select %eq3A_73, %gather3A_76, %select_n3A_70 : vector<16xi1>, vector<16xf32>
    %eq3A_78 = arith.constant 5 : i32
    %eq3A_79 = vector.broadcast %eq3A_78 : i32 to vector<16xi32>
    %eq3A_80 = arith.cmpi eq, %shift_right_arithmetic3A_42, %eq3A_79 : vector<16xi32>
    %broadcast_in_dim3A_81 = vector.shape_cast %and3A_44 : vector<16xi32> to vector<16x1xi32>
    %gather3A_82 = vector.shape_cast %broadcast_in_dim3A_81 : vector<16x1xi32> to vector<16xi32>
    %gather3A_83 = tpu.dynamic_gather %get3A_19[%gather3A_82] in [0] : vector<16xf32>, vector<16xi32> -> vector<16xf32>
    %select_n3A_84 = arith.select %eq3A_80, %gather3A_83, %select_n3A_77 : vector<16xi1>, vector<16xf32>
    %eq3A_85 = arith.constant 6 : i32
    %eq3A_86 = vector.broadcast %eq3A_85 : i32 to vector<16xi32>
    %eq3A_87 = arith.cmpi eq, %shift_right_arithmetic3A_42, %eq3A_86 : vector<16xi32>
    %broadcast_in_dim3A_88 = vector.shape_cast %and3A_44 : vector<16xi32> to vector<16x1xi32>
    %gather3A_89 = vector.shape_cast %broadcast_in_dim3A_88 : vector<16x1xi32> to vector<16xi32>
    %gather3A_90 = tpu.dynamic_gather %get3A_22[%gather3A_89] in [0] : vector<16xf32>, vector<16xi32> -> vector<16xf32>
    %select_n3A_91 = arith.select %eq3A_87, %gather3A_90, %select_n3A_84 : vector<16xi1>, vector<16xf32>
    %eq3A_92 = arith.constant 7 : i32
    %eq3A_93 = vector.broadcast %eq3A_92 : i32 to vector<16xi32>
    %eq3A_94 = arith.cmpi eq, %shift_right_arithmetic3A_42, %eq3A_93 : vector<16xi32>
    %broadcast_in_dim3A_95 = vector.shape_cast %and3A_44 : vector<16xi32> to vector<16x1xi32>
    %gather3A_96 = vector.shape_cast %broadcast_in_dim3A_95 : vector<16x1xi32> to vector<16xi32>
    %gather3A_97 = tpu.dynamic_gather %get3A_25[%gather3A_96] in [0] : vector<16xf32>, vector<16xi32> -> vector<16xf32>
    %select_n3A_98 = arith.select %eq3A_94, %gather3A_97, %select_n3A_91 : vector<16xi1>, vector<16xf32>
    %eq3A_99 = arith.constant 8 : i32
    %eq3A_100 = vector.broadcast %eq3A_99 : i32 to vector<16xi32>
    %eq3A_101 = arith.cmpi eq, %shift_right_arithmetic3A_42, %eq3A_100 : vector<16xi32>
    %broadcast_in_dim3A_102 = vector.shape_cast %and3A_44 : vector<16xi32> to vector<16x1xi32>
    %gather3A_103 = vector.shape_cast %broadcast_in_dim3A_102 : vector<16x1xi32> to vector<16xi32>
    %gather3A_104 = tpu.dynamic_gather %get3A_28[%gather3A_103] in [0] : vector<16xf32>, vector<16xi32> -> vector<16xf32>
    %select_n3A_105 = arith.select %eq3A_101, %gather3A_104, %select_n3A_98 : vector<16xi1>, vector<16xf32>
    %eq3A_106 = arith.constant 9 : i32
    %eq3A_107 = vector.broadcast %eq3A_106 : i32 to vector<16xi32>
    %eq3A_108 = arith.cmpi eq, %shift_right_arithmetic3A_42, %eq3A_107 : vector<16xi32>
    %broadcast_in_dim3A_109 = vector.shape_cast %and3A_44 : vector<16xi32> to vector<16x1xi32>
    %gather3A_110 = vector.shape_cast %broadcast_in_dim3A_109 : vector<16x1xi32> to vector<16xi32>
    %gather3A_111 = tpu.dynamic_gather %get3A_31[%gather3A_110] in [0] : vector<16xf32>, vector<16xi32> -> vector<16xf32>
    %select_n3A_112 = arith.select %eq3A_108, %gather3A_111, %select_n3A_105 : vector<16xi1>, vector<16xf32>
    %eq3A_113 = arith.constant 10 : i32
    %eq3A_114 = vector.broadcast %eq3A_113 : i32 to vector<16xi32>
    %eq3A_115 = arith.cmpi eq, %shift_right_arithmetic3A_42, %eq3A_114 : vector<16xi32>
    %broadcast_in_dim3A_116 = vector.shape_cast %and3A_44 : vector<16xi32> to vector<16x1xi32>
    %gather3A_117 = vector.shape_cast %broadcast_in_dim3A_116 : vector<16x1xi32> to vector<16xi32>
    %gather3A_118 = tpu.dynamic_gather %get3A_34[%gather3A_117] in [0] : vector<16xf32>, vector<16xi32> -> vector<16xf32>
    %select_n3A_119 = arith.select %eq3A_115, %gather3A_118, %select_n3A_112 : vector<16xi1>, vector<16xf32>
    %eq3A_120 = arith.constant 11 : i32
    %eq3A_121 = vector.broadcast %eq3A_120 : i32 to vector<16xi32>
    %eq3A_122 = arith.cmpi eq, %shift_right_arithmetic3A_42, %eq3A_121 : vector<16xi32>
    %broadcast_in_dim3A_123 = vector.shape_cast %and3A_44 : vector<16xi32> to vector<16x1xi32>
    %gather3A_124 = vector.shape_cast %broadcast_in_dim3A_123 : vector<16x1xi32> to vector<16xi32>
    %gather3A_125 = tpu.dynamic_gather %get3A_37[%gather3A_124] in [0] : vector<16xf32>, vector<16xi32> -> vector<16xf32>
    %select_n3A_126 = arith.select %eq3A_122, %gather3A_125, %select_n3A_119 : vector<16xi1>, vector<16xf32>
    %get3A_127 = arith.constant 0 : index
    %get3A_128 = tpu.vector_load %arg7[%get3A_127] {strides = array<i32>} : memref<512xf32, #tpu.memory_space<vmem>>, vector<16xf32>,
    %get3A_129 = vector.shape_cast %get3A_128 : vector<16xf32> to vector<16xf32>
    %add3A_130 = arith.addf %get3A_129, %select_n3A_126 : vector<16xf32>
    %swap3A = arith.constant 0 : index
    %swap3A_131 = tpu.vector_load %arg9[%swap3A] {strides = array<i32>} : memref<512xf32, #tpu.memory_space<vmem>>, vector<16xf32>,
    %swap3A_132 = vector.shape_cast %swap3A_131 : vector<16xf32> to vector<16xf32>
    %swap3A_133 = vector.shape_cast %add3A_130 : vector<16xf32> to vector<16xf32>
    tpu.vector_store %arg9[%swap3A], %swap3A_133 {strides = array<i32>} : memref<512xf32, #tpu.memory_space<vmem>>, vector<16xf32>,
    %get3A_134 = arith.constant 16 : index
    %get3A_135 = tpu.vector_load %arg6[%get3A_134] {strides = array<i32>} : memref<512xi32, #tpu.memory_space<vmem>>, vector<16xi32>,
    %get3A_136 = vector.shape_cast %get3A_135 : vector<16xi32> to vector<16xi32>
    %shift_right_arithmetic3A_137 = arith.constant 4 : i32
    %shift_right_arithmetic3A_138 = vector.broadcast %shift_right_arithmetic3A_137 : i32 to vector<16xi32>
    %shift_right_arithmetic3A_139 = arith.shrsi %get3A_136, %shift_right_arithmetic3A_138 : vector<16xi32>
    %and3A_140 = arith.constant 15 : i32
    %and3A_141 = vector.broadcast %and3A_140 : i32 to vector<16xi32>
    %and3A_142 = arith.andi %get3A_136, %and3A_141 : vector<16xi32>
    %broadcast_in_dim3A_143 = arith.constant 0.000000e+00 : f32
    %broadcast_in_dim3A_144 = vector.broadcast %broadcast_in_dim3A_143 : f32 to vector<16xf32>
    %eq3A_145 = arith.constant 0 : i32
    %eq3A_146 = vector.broadcast %eq3A_145 : i32 to vector<16xi32>
    %eq3A_147 = arith.cmpi eq, %shift_right_arithmetic3A_139, %eq3A_146 : vector<16xi32>
    %broadcast_in_dim3A_148 = vector.shape_cast %and3A_142 : vector<16xi32> to vector<16x1xi32>
    %gather3A_149 = vector.shape_cast %broadcast_in_dim3A_148 : vector<16x1xi32> to vector<16xi32>
    %gather3A_150 = tpu.dynamic_gather %get3A_4[%gather3A_149] in [0] : vector<16xf32>, vector<16xi32> -> vector<16xf32>
    %select_n3A_151 = arith.select %eq3A_147, %gather3A_150, %broadcast_in_dim3A_144 : vector<16xi1>, vector<16xf32>
    %eq3A_152 = arith.constant 1 : i32
    %eq3A_153 = vector.broadcast %eq3A_152 : i32 to vector<16xi32>
    %eq3A_154 = arith.cmpi eq, %shift_right_arithmetic3A_139, %eq3A_153 : vector<16xi32>
    %broadcast_in_dim3A_155 = vector.shape_cast %and3A_142 : vector<16xi32> to vector<16x1xi32>
    %gather3A_156 = vector.shape_cast %broadcast_in_dim3A_155 : vector<16x1xi32> to vector<16xi32>
    %gather3A_157 = tpu.dynamic_gather %get3A_7[%gather3A_156] in [0] : vector<16xf32>, vector<16xi32> -> vector<16xf32>
    %select_n3A_158 = arith.select %eq3A_154, %gather3A_157, %select_n3A_151 : vector<16xi1>, vector<16xf32>
    %eq3A_159 = arith.constant 2 : i32
    %eq3A_160 = vector.broadcast %eq3A_159 : i32 to vector<16xi32>
    %eq3A_161 = arith.cmpi eq, %shift_right_arithmetic3A_139, %eq3A_160 : vector<16xi32>
    %broadcast_in_dim3A_162 = vector.shape_cast %and3A_142 : vector<16xi32> to vector<16x1xi32>
    %gather3A_163 = vector.shape_cast %broadcast_in_dim3A_162 : vector<16x1xi32> to vector<16xi32>
    %gather3A_164 = tpu.dynamic_gather %get3A_10[%gather3A_163] in [0] : vector<16xf32>, vector<16xi32> -> vector<16xf32>
    %select_n3A_165 = arith.select %eq3A_161, %gather3A_164, %select_n3A_158 : vector<16xi1>, vector<16xf32>
    %eq3A_166 = arith.constant 3 : i32
    %eq3A_167 = vector.broadcast %eq3A_166 : i32 to vector<16xi32>
    %eq3A_168 = arith.cmpi eq, %shift_right_arithmetic3A_139, %eq3A_167 : vector<16xi32>
    %broadcast_in_dim3A_169 = vector.shape_cast %and3A_142 : vector<16xi32> to vector<16x1xi32>
    %gather3A_170 = vector.shape_cast %broadcast_in_dim3A_169 : vector<16x1xi32> to vector<16xi32>
    %gather3A_171 = tpu.dynamic_gather %get3A_13[%gather3A_170] in [0] : vector<16xf32>, vector<16xi32> -> vector<16xf32>
    %select_n3A_172 = arith.select %eq3A_168, %gather3A_171, %select_n3A_165 : vector<16xi1>, vector<16xf32>
    %eq3A_173 = arith.constant 4 : i32
    %eq3A_174 = vector.broadcast %eq3A_173 : i32 to vector<16xi32>
    %eq3A_175 = arith.cmpi eq, %shift_right_arithmetic3A_139, %eq3A_174 : vector<16xi32>
    %broadcast_in_dim3A_176 = vector.shape_cast %and3A_142 : vector<16xi32> to vector<16x1xi32>
    %gather3A_177 = vector.shape_cast %broadcast_in_dim3A_176 : vector<16x1xi32> to vector<16xi32>
    %gather3A_178 = tpu.dynamic_gather %get3A_16[%gather3A_177] in [0] : vector<16xf32>, vector<16xi32> -> vector<16xf32>
    %select_n3A_179 = arith.select %eq3A_175, %gather3A_178, %select_n3A_172 : vector<16xi1>, vector<16xf32>
    %eq3A_180 = arith.constant 5 : i32
    %eq3A_181 = vector.broadcast %eq3A_180 : i32 to vector<16xi32>
    %eq3A_182 = arith.cmpi eq, %shift_right_arithmetic3A_139, %eq3A_181 : vector<16xi32>
    %broadcast_in_dim3A_183 = vector.shape_cast %and3A_142 : vector<16xi32> to vector<16x1xi32>
    %gather3A_184 = vector.shape_cast %broadcast_in_dim3A_183 : vector<16x1xi32> to vector<16xi32>
    %gather3A_185 = tpu.dynamic_gather %get3A_19[%gather3A_184] in [0] : vector<16xf32>, vector<16xi32> -> vector<16xf32>
    %select_n3A_186 = arith.select %eq3A_182, %gather3A_185, %select_n3A_179 : vector<16xi1>, vector<16xf32>
    %eq3A_187 = arith.constant 6 : i32
    %eq3A_188 = vector.broadcast %eq3A_187 : i32 to vector<16xi32>
    %eq3A_189 = arith.cmpi eq, %shift_right_arithmetic3A_139, %eq3A_188 : vector<16xi32>
    %broadcast_in_dim3A_190 = vector.shape_cast %and3A_142 : vector<16xi32> to vector<16x1xi32>
    %gather3A_191 = vector.shape_cast %broadcast_in_dim3A_190 : vector<16x1xi32> to vector<16xi32>
    %gather3A_192 = tpu.dynamic_gather %get3A_22[%gather3A_191] in [0] : vector<16xf32>, vector<16xi32> -> vector<16xf32>
    %select_n3A_193 = arith.select %eq3A_189, %gather3A_192, %select_n3A_186 : vector<16xi1>, vector<16xf32>
    %eq3A_194 = arith.constant 7 : i32
    %eq3A_195 = vector.broadcast %eq3A_194 : i32 to vector<16xi32>
    %eq3A_196 = arith.cmpi eq, %shift_right_arithmetic3A_139, %eq3A_195 : vector<16xi32>
    %broadcast_in_dim3A_197 = vector.shape_cast %and3A_142 : vector<16xi32> to vector<16x1xi32>
    %gather3A_198 = vector.shape_cast %broadcast_in_dim3A_197 : vector<16x1xi32> to vector<16xi32>
    %gather3A_199 = tpu.dynamic_gather %get3A_25[%gather3A_198] in [0] : vector<16xf32>, vector<16xi32> -> vector<16xf32>
    %select_n3A_200 = arith.select %eq3A_196, %gather3A_199, %select_n3A_193 : vector<16xi1>, vector<16xf32>
    %eq3A_201 = arith.constant 8 : i32
    %eq3A_202 = vector.broadcast %eq3A_201 : i32 to vector<16xi32>
    %eq3A_203 = arith.cmpi eq, %shift_right_arithmetic3A_139, %eq3A_202 : vector<16xi32>
    %broadcast_in_dim3A_204 = vector.shape_cast %and3A_142 : vector<16xi32> to vector<16x1xi32>
    %gather3A_205 = vector.shape_cast %broadcast_in_dim3A_204 : vector<16x1xi32> to vector<16xi32>
    %gather3A_206 = tpu.dynamic_gather %get3A_28[%gather3A_205] in [0] : vector<16xf32>, vector<16xi32> -> vector<16xf32>
    %select_n3A_207 = arith.select %eq3A_203, %gather3A_206, %select_n3A_200 : vector<16xi1>, vector<16xf32>
    %eq3A_208 = arith.constant 9 : i32
    %eq3A_209 = vector.broadcast %eq3A_208 : i32 to vector<16xi32>
    %eq3A_210 = arith.cmpi eq, %shift_right_arithmetic3A_139, %eq3A_209 : vector<16xi32>
    %broadcast_in_dim3A_211 = vector.shape_cast %and3A_142 : vector<16xi32> to vector<16x1xi32>
    %gather3A_212 = vector.shape_cast %broadcast_in_dim3A_211 : vector<16x1xi32> to vector<16xi32>
    %gather3A_213 = tpu.dynamic_gather %get3A_31[%gather3A_212] in [0] : vector<16xf32>, vector<16xi32> -> vector<16xf32>
    %select_n3A_214 = arith.select %eq3A_210, %gather3A_213, %select_n3A_207 : vector<16xi1>, vector<16xf32>
    %eq3A_215 = arith.constant 10 : i32
    %eq3A_216 = vector.broadcast %eq3A_215 : i32 to vector<16xi32>
    %eq3A_217 = arith.cmpi eq, %shift_right_arithmetic3A_139, %eq3A_216 : vector<16xi32>
    %broadcast_in_dim3A_218 = vector.shape_cast %and3A_142 : vector<16xi32> to vector<16x1xi32>
    %gather3A_219 = vector.shape_cast %broadcast_in_dim3A_218 : vector<16x1xi32> to vector<16xi32>
    %gather3A_220 = tpu.dynamic_gather %get3A_34[%gather3A_219] in [0] : vector<16xf32>, vector<16xi32> -> vector<16xf32>
    %select_n3A_221 = arith.select %eq3A_217, %gather3A_220, %select_n3A_214 : vector<16xi1>, vector<16xf32>
    %eq3A_222 = arith.constant 11 : i32
    %eq3A_223 = vector.broadcast %eq3A_222 : i32 to vector<16xi32>
    %eq3A_224 = arith.cmpi eq, %shift_right_arithmetic3A_139, %eq3A_223 : vector<16xi32>
    %broadcast_in_dim3A_225 = vector.shape_cast %and3A_142 : vector<16xi32> to vector<16x1xi32>
    %gather3A_226 = vector.shape_cast %broadcast_in_dim3A_225 : vector<16x1xi32> to vector<16xi32>
    %gather3A_227 = tpu.dynamic_gather %get3A_37[%gather3A_226] in [0] : vector<16xf32>, vector<16xi32> -> vector<16xf32>
    %select_n3A_228 = arith.select %eq3A_224, %gather3A_227, %select_n3A_221 : vector<16xi1>, vector<16xf32>
    %get3A_229 = arith.constant 16 : index
    %get3A_230 = tpu.vector_load %arg7[%get3A_229] {strides = array<i32>} : memref<512xf32, #tpu.memory_space<vmem>>, vector<16xf32>,
    %get3A_231 = vector.shape_cast %get3A_230 : vector<16xf32> to vector<16xf32>
    %add3A_232 = arith.addf %get3A_231, %select_n3A_228 : vector<16xf32>
    %swap3A_233 = arith.constant 16 : index
    %swap3A_234 = tpu.vector_load %arg9[%swap3A_233] {strides = array<i32>} : memref<512xf32, #tpu.memory_space<vmem>>, vector<16xf32>,
    %swap3A_235 = vector.shape_cast %swap3A_234 : vector<16xf32> to vector<16xf32>
    %swap3A_236 = vector.shape_cast %add3A_232 : vector<16xf32> to vector<16xf32>
    tpu.vector_store %arg9[%swap3A_233], %swap3A_236 {strides = array<i32>} : memref<512xf32, #tpu.memory_space<vmem>>, vector<16xf32>,
    %get3A_237 = arith.constant 32 : index
    %get3A_238 = tpu.vector_load %arg6[%get3A_237] {strides = array<i32>} : memref<512xi32, #tpu.memory_space<vmem>>, vector<16xi32>,
    %get3A_239 = vector.shape_cast %get3A_238 : vector<16xi32> to vector<16xi32>
    %shift_right_arithmetic3A_240 = arith.constant 4 : i32
    %shift_right_arithmetic3A_241 = vector.broadcast %shift_right_arithmetic3A_240 : i32 to vector<16xi32>
    %shift_right_arithmetic3A_242 = arith.shrsi %get3A_239, %shift_right_arithmetic3A_241 : vector<16xi32>
    %and3A_243 = arith.constant 15 : i32
    %and3A_244 = vector.broadcast %and3A_243 : i32 to vector<16xi32>
    %and3A_245 = arith.andi %get3A_239, %and3A_244 : vector<16xi32>
    %broadcast_in_dim3A_246 = arith.constant 0.000000e+00 : f32
    %broadcast_in_dim3A_247 = vector.broadcast %broadcast_in_dim3A_246 : f32 to vector<16xf32>
    %eq3A_248 = arith.constant 0 : i32
    %eq3A_249 = vector.broadcast %eq3A_248 : i32 to vector<16xi32>
    %eq3A_250 = arith.cmpi eq, %shift_right_arithmetic3A_242, %eq3A_249 : vector<16xi32>
    %broadcast_in_dim3A_251 = vector.shape_cast %and3A_245 : vector<16xi32> to vector<16x1xi32>
    %gather3A_252 = vector.shape_cast %broadcast_in_dim3A_251 : vector<16x1xi32> to vector<16xi32>
    %gather3A_253 = tpu.dynamic_gather %get3A_4[%gather3A_252] in [0] : vector<16xf32>, vector<16xi32> -> vector<16xf32>
    %select_n3A_254 = arith.select %eq3A_250, %gather3A_253, %broadcast_in_dim3A_247 : vector<16xi1>, vector<16xf32>
    %eq3A_255 = arith.constant 1 : i32
    %eq3A_256 = vector.broadcast %eq3A_255 : i32 to vector<16xi32>
    %eq3A_257 = arith.cmpi eq, %shift_right_arithmetic3A_242, %eq3A_256 : vector<16xi32>
    %broadcast_in_dim3A_258 = vector.shape_cast %and3A_245 : vector<16xi32> to vector<16x1xi32>
    %gather3A_259 = vector.shape_cast %broadcast_in_dim3A_258 : vector<16x1xi32> to vector<16xi32>
    %gather3A_260 = tpu.dynamic_gather %get3A_7[%gather3A_259] in [0] : vector<16xf32>, vector<16xi32> -> vector<16xf32>
    %select_n3A_261 = arith.select %eq3A_257, %gather3A_260, %select_n3A_254 : vector<16xi1>, vector<16xf32>
    %eq3A_262 = arith.constant 2 : i32
    %eq3A_263 = vector.broadcast %eq3A_262 : i32 to vector<16xi32>
    %eq3A_264 = arith.cmpi eq, %shift_right_arithmetic3A_242, %eq3A_263 : vector<16xi32>
    %broadcast_in_dim3A_265 = vector.shape_cast %and3A_245 : vector<16xi32> to vector<16x1xi32>
    %gather3A_266 = vector.shape_cast %broadcast_in_dim3A_265 : vector<16x1xi32> to vector<16xi32>
    %gather3A_267 = tpu.dynamic_gather %get3A_10[%gather3A_266] in [0] : vector<16xf32>, vector<16xi32> -> vector<16xf32>
    %select_n3A_268 = arith.select %eq3A_264, %gather3A_267, %select_n3A_261 : vector<16xi1>, vector<16xf32>
    %eq3A_269 = arith.constant 3 : i32
    %eq3A_270 = vector.broadcast %eq3A_269 : i32 to vector<16xi32>
    %eq3A_271 = arith.cmpi eq, %shift_right_arithmetic3A_242, %eq3A_270 : vector<16xi32>
    %broadcast_in_dim3A_272 = vector.shape_cast %and3A_245 : vector<16xi32> to vector<16x1xi32>
    %gather3A_273 = vector.shape_cast %broadcast_in_dim3A_272 : vector<16x1xi32> to vector<16xi32>
    %gather3A_274 = tpu.dynamic_gather %get3A_13[%gather3A_273] in [0] : vector<16xf32>, vector<16xi32> -> vector<16xf32>
    %select_n3A_275 = arith.select %eq3A_271, %gather3A_274, %select_n3A_268 : vector<16xi1>, vector<16xf32>
    %eq3A_276 = arith.constant 4 : i32
    %eq3A_277 = vector.broadcast %eq3A_276 : i32 to vector<16xi32>
    %eq3A_278 = arith.cmpi eq, %shift_right_arithmetic3A_242, %eq3A_277 : vector<16xi32>
    %broadcast_in_dim3A_279 = vector.shape_cast %and3A_245 : vector<16xi32> to vector<16x1xi32>
    %gather3A_280 = vector.shape_cast %broadcast_in_dim3A_279 : vector<16x1xi32> to vector<16xi32>
    %gather3A_281 = tpu.dynamic_gather %get3A_16[%gather3A_280] in [0] : vector<16xf32>, vector<16xi32> -> vector<16xf32>
    %select_n3A_282 = arith.select %eq3A_278, %gather3A_281, %select_n3A_275 : vector<16xi1>, vector<16xf32>
    %eq3A_283 = arith.constant 5 : i32
    %eq3A_284 = vector.broadcast %eq3A_283 : i32 to vector<16xi32>
    %eq3A_285 = arith.cmpi eq, %shift_right_arithmetic3A_242, %eq3A_284 : vector<16xi32>
    %broadcast_in_dim3A_286 = vector.shape_cast %and3A_245 : vector<16xi32> to vector<16x1xi32>
    %gather3A_287 = vector.shape_cast %broadcast_in_dim3A_286 : vector<16x1xi32> to vector<16xi32>
    %gather3A_288 = tpu.dynamic_gather %get3A_19[%gather3A_287] in [0] : vector<16xf32>, vector<16xi32> -> vector<16xf32>
    %select_n3A_289 = arith.select %eq3A_285, %gather3A_288, %select_n3A_282 : vector<16xi1>, vector<16xf32>
    %eq3A_290 = arith.constant 6 : i32
    %eq3A_291 = vector.broadcast %eq3A_290 : i32 to vector<16xi32>
    %eq3A_292 = arith.cmpi eq, %shift_right_arithmetic3A_242, %eq3A_291 : vector<16xi32>
    %broadcast_in_dim3A_293 = vector.shape_cast %and3A_245 : vector<16xi32> to vector<16x1xi32>
    %gather3A_294 = vector.shape_cast %broadcast_in_dim3A_293 : vector<16x1xi32> to vector<16xi32>
    %gather3A_295 = tpu.dynamic_gather %get3A_22[%gather3A_294] in [0] : vector<16xf32>, vector<16xi32> -> vector<16xf32>
    %select_n3A_296 = arith.select %eq3A_292, %gather3A_295, %select_n3A_289 : vector<16xi1>, vector<16xf32>
    %eq3A_297 = arith.constant 7 : i32
    %eq3A_298 = vector.broadcast %eq3A_297 : i32 to vector<16xi32>
    %eq3A_299 = arith.cmpi eq, %shift_right_arithmetic3A_242, %eq3A_298 : vector<16xi32>
    %broadcast_in_dim3A_300 = vector.shape_cast %and3A_245 : vector<16xi32> to vector<16x1xi32>
    %gather3A_301 = vector.shape_cast %broadcast_in_dim3A_300 : vector<16x1xi32> to vector<16xi32>
    %gather3A_302 = tpu.dynamic_gather %get3A_25[%gather3A_301] in [0] : vector<16xf32>, vector<16xi32> -> vector<16xf32>
    %select_n3A_303 = arith.select %eq3A_299, %gather3A_302, %select_n3A_296 : vector<16xi1>, vector<16xf32>
    %eq3A_304 = arith.constant 8 : i32
    %eq3A_305 = vector.broadcast %eq3A_304 : i32 to vector<16xi32>
    %eq3A_306 = arith.cmpi eq, %shift_right_arithmetic3A_242, %eq3A_305 : vector<16xi32>
    %broadcast_in_dim3A_307 = vector.shape_cast %and3A_245 : vector<16xi32> to vector<16x1xi32>
    %gather3A_308 = vector.shape_cast %broadcast_in_dim3A_307 : vector<16x1xi32> to vector<16xi32>
    %gather3A_309 = tpu.dynamic_gather %get3A_28[%gather3A_308] in [0] : vector<16xf32>, vector<16xi32> -> vector<16xf32>
    %select_n3A_310 = arith.select %eq3A_306, %gather3A_309, %select_n3A_303 : vector<16xi1>, vector<16xf32>
    %eq3A_311 = arith.constant 9 : i32
    %eq3A_312 = vector.broadcast %eq3A_311 : i32 to vector<16xi32>
    %eq3A_313 = arith.cmpi eq, %shift_right_arithmetic3A_242, %eq3A_312 : vector<16xi32>
    %broadcast_in_dim3A_314 = vector.shape_cast %and3A_245 : vector<16xi32> to vector<16x1xi32>
    %gather3A_315 = vector.shape_cast %broadcast_in_dim3A_314 : vector<16x1xi32> to vector<16xi32>
    %gather3A_316 = tpu.dynamic_gather %get3A_31[%gather3A_315] in [0] : vector<16xf32>, vector<16xi32> -> vector<16xf32>
    %select_n3A_317 = arith.select %eq3A_313, %gather3A_316, %select_n3A_310 : vector<16xi1>, vector<16xf32>
    %eq3A_318 = arith.constant 10 : i32
    %eq3A_319 = vector.broadcast %eq3A_318 : i32 to vector<16xi32>
    %eq3A_320 = arith.cmpi eq, %shift_right_arithmetic3A_242, %eq3A_319 : vector<16xi32>
    %broadcast_in_dim3A_321 = vector.shape_cast %and3A_245 : vector<16xi32> to vector<16x1xi32>
    %gather3A_322 = vector.shape_cast %broadcast_in_dim3A_321 : vector<16x1xi32> to vector<16xi32>
    %gather3A_323 = tpu.dynamic_gather %get3A_34[%gather3A_322] in [0] : vector<16xf32>, vector<16xi32> -> vector<16xf32>
    %select_n3A_324 = arith.select %eq3A_320, %gather3A_323, %select_n3A_317 : vector<16xi1>, vector<16xf32>
    %eq3A_325 = arith.constant 11 : i32
    %eq3A_326 = vector.broadcast %eq3A_325 : i32 to vector<16xi32>
    %eq3A_327 = arith.cmpi eq, %shift_right_arithmetic3A_242, %eq3A_326 : vector<16xi32>
    %broadcast_in_dim3A_328 = vector.shape_cast %and3A_245 : vector<16xi32> to vector<16x1xi32>
    %gather3A_329 = vector.shape_cast %broadcast_in_dim3A_328 : vector<16x1xi32> to vector<16xi32>
    %gather3A_330 = tpu.dynamic_gather %get3A_37[%gather3A_329] in [0] : vector<16xf32>, vector<16xi32> -> vector<16xf32>
    %select_n3A_331 = arith.select %eq3A_327, %gather3A_330, %select_n3A_324 : vector<16xi1>, vector<16xf32>
    %get3A_332 = arith.constant 32 : index
    %get3A_333 = tpu.vector_load %arg7[%get3A_332] {strides = array<i32>} : memref<512xf32, #tpu.memory_space<vmem>>, vector<16xf32>,
    %get3A_334 = vector.shape_cast %get3A_333 : vector<16xf32> to vector<16xf32>
    %add3A_335 = arith.addf %get3A_334, %select_n3A_331 : vector<16xf32>
    %swap3A_336 = arith.constant 32 : index
    %swap3A_337 = tpu.vector_load %arg9[%swap3A_336] {strides = array<i32>} : memref<512xf32, #tpu.memory_space<vmem>>, vector<16xf32>,
    %swap3A_338 = vector.shape_cast %swap3A_337 : vector<16xf32> to vector<16xf32>
    %swap3A_339 = vector.shape_cast %add3A_335 : vector<16xf32> to vector<16xf32>
    tpu.vector_store %arg9[%swap3A_336], %swap3A_339 {strides = array<i32>} : memref<512xf32, #tpu.memory_space<vmem>>, vector<16xf32>,
    %get3A_340 = arith.constant 48 : index
    %get3A_341 = tpu.vector_load %arg6[%get3A_340] {strides = array<i32>} : memref<512xi32, #tpu.memory_space<vmem>>, vector<16xi32>,
    %get3A_342 = vector.shape_cast %get3A_341 : vector<16xi32> to vector<16xi32>
    %shift_right_arithmetic3A_343 = arith.constant 4 : i32
    %shift_right_arithmetic3A_344 = vector.broadcast %shift_right_arithmetic3A_343 : i32 to vector<16xi32>
    %shift_right_arithmetic3A_345 = arith.shrsi %get3A_342, %shift_right_arithmetic3A_344 : vector<16xi32>
    %and3A_346 = arith.constant 15 : i32
    %and3A_347 = vector.broadcast %and3A_346 : i32 to vector<16xi32>
    %and3A_348 = arith.andi %get3A_342, %and3A_347 : vector<16xi32>
    %broadcast_in_dim3A_349 = arith.constant 0.000000e+00 : f32
    %broadcast_in_dim3A_350 = vector.broadcast %broadcast_in_dim3A_349 : f32 to vector<16xf32>
    %eq3A_351 = arith.constant 0 : i32
    %eq3A_352 = vector.broadcast %eq3A_351 : i32 to vector<16xi32>
    %eq3A_353 = arith.cmpi eq, %shift_right_arithmetic3A_345, %eq3A_352 : vector<16xi32>
    %broadcast_in_dim3A_354 = vector.shape_cast %and3A_348 : vector<16xi32> to vector<16x1xi32>
    %gather3A_355 = vector.shape_cast %broadcast_in_dim3A_354 : vector<16x1xi32> to vector<16xi32>
    %gather3A_356 = tpu.dynamic_gather %get3A_4[%gather3A_355] in [0] : vector<16xf32>, vector<16xi32> -> vector<16xf32>
    %select_n3A_357 = arith.select %eq3A_353, %gather3A_356, %broadcast_in_dim3A_350 : vector<16xi1>, vector<16xf32>
    %eq3A_358 = arith.constant 1 : i32
    %eq3A_359 = vector.broadcast %eq3A_358 : i32 to vector<16xi32>
    %eq3A_360 = arith.cmpi eq, %shift_right_arithmetic3A_345, %eq3A_359 : vector<16xi32>
    %broadcast_in_dim3A_361 = vector.shape_cast %and3A_348 : vector<16xi32> to vector<16x1xi32>
    %gather3A_362 = vector.shape_cast %broadcast_in_dim3A_361 : vector<16x1xi32> to vector<16xi32>
    %gather3A_363 = tpu.dynamic_gather %get3A_7[%gather3A_362] in [0] : vector<16xf32>, vector<16xi32> -> vector<16xf32>
    %select_n3A_364 = arith.select %eq3A_360, %gather3A_363, %select_n3A_357 : vector<16xi1>, vector<16xf32>
    %eq3A_365 = arith.constant 2 : i32
    %eq3A_366 = vector.broadcast %eq3A_365 : i32 to vector<16xi32>
    %eq3A_367 = arith.cmpi eq, %shift_right_arithmetic3A_345, %eq3A_366 : vector<16xi32>
    %broadcast_in_dim3A_368 = vector.shape_cast %and3A_348 : vector<16xi32> to vector<16x1xi32>
    %gather3A_369 = vector.shape_cast %broadcast_in_dim3A_368 : vector<16x1xi32> to vector<16xi32>
    %gather3A_370 = tpu.dynamic_gather %get3A_10[%gather3A_369] in [0] : vector<16xf32>, vector<16xi32> -> vector<16xf32>
    %select_n3A_371 = arith.select %eq3A_367, %gather3A_370, %select_n3A_364 : vector<16xi1>, vector<16xf32>
    %eq3A_372 = arith.constant 3 : i32
    %eq3A_373 = vector.broadcast %eq3A_372 : i32 to vector<16xi32>
    %eq3A_374 = arith.cmpi eq, %shift_right_arithmetic3A_345, %eq3A_373 : vector<16xi32>
    %broadcast_in_dim3A_375 = vector.shape_cast %and3A_348 : vector<16xi32> to vector<16x1xi32>
    %gather3A_376 = vector.shape_cast %broadcast_in_dim3A_375 : vector<16x1xi32> to vector<16xi32>
    %gather3A_377 = tpu.dynamic_gather %get3A_13[%gather3A_376] in [0] : vector<16xf32>, vector<16xi32> -> vector<16xf32>
    %select_n3A_378 = arith.select %eq3A_374, %gather3A_377, %select_n3A_371 : vector<16xi1>, vector<16xf32>
    %eq3A_379 = arith.constant 4 : i32
    %eq3A_380 = vector.broadcast %eq3A_379 : i32 to vector<16xi32>
    %eq3A_381 = arith.cmpi eq, %shift_right_arithmetic3A_345, %eq3A_380 : vector<16xi32>
    %broadcast_in_dim3A_382 = vector.shape_cast %and3A_348 : vector<16xi32> to vector<16x1xi32>
    %gather3A_383 = vector.shape_cast %broadcast_in_dim3A_382 : vector<16x1xi32> to vector<16xi32>
    %gather3A_384 = tpu.dynamic_gather %get3A_16[%gather3A_383] in [0] : vector<16xf32>, vector<16xi32> -> vector<16xf32>
    %select_n3A_385 = arith.select %eq3A_381, %gather3A_384, %select_n3A_378 : vector<16xi1>, vector<16xf32>
    %eq3A_386 = arith.constant 5 : i32
    %eq3A_387 = vector.broadcast %eq3A_386 : i32 to vector<16xi32>
    %eq3A_388 = arith.cmpi eq, %shift_right_arithmetic3A_345, %eq3A_387 : vector<16xi32>
    %broadcast_in_dim3A_389 = vector.shape_cast %and3A_348 : vector<16xi32> to vector<16x1xi32>
    %gather3A_390 = vector.shape_cast %broadcast_in_dim3A_389 : vector<16x1xi32> to vector<16xi32>
    %gather3A_391 = tpu.dynamic_gather %get3A_19[%gather3A_390] in [0] : vector<16xf32>, vector<16xi32> -> vector<16xf32>
    %select_n3A_392 = arith.select %eq3A_388, %gather3A_391, %select_n3A_385 : vector<16xi1>, vector<16xf32>
    %eq3A_393 = arith.constant 6 : i32
    %eq3A_394 = vector.broadcast %eq3A_393 : i32 to vector<16xi32>
    %eq3A_395 = arith.cmpi eq, %shift_right_arithmetic3A_345, %eq3A_394 : vector<16xi32>
    %broadcast_in_dim3A_396 = vector.shape_cast %and3A_348 : vector<16xi32> to vector<16x1xi32>
    %gather3A_397 = vector.shape_cast %broadcast_in_dim3A_396 : vector<16x1xi32> to vector<16xi32>
    %gather3A_398 = tpu.dynamic_gather %get3A_22[%gather3A_397] in [0] : vector<16xf32>, vector<16xi32> -> vector<16xf32>
    %select_n3A_399 = arith.select %eq3A_395, %gather3A_398, %select_n3A_392 : vector<16xi1>, vector<16xf32>
    %eq3A_400 = arith.constant 7 : i32
    %eq3A_401 = vector.broadcast %eq3A_400 : i32 to vector<16xi32>
    %eq3A_402 = arith.cmpi eq, %shift_right_arithmetic3A_345, %eq3A_401 : vector<16xi32>
    %broadcast_in_dim3A_403 = vector.shape_cast %and3A_348 : vector<16xi32> to vector<16x1xi32>
    %gather3A_404 = vector.shape_cast %broadcast_in_dim3A_403 : vector<16x1xi32> to vector<16xi32>
    %gather3A_405 = tpu.dynamic_gather %get3A_25[%gather3A_404] in [0] : vector<16xf32>, vector<16xi32> -> vector<16xf32>
    %select_n3A_406 = arith.select %eq3A_402, %gather3A_405, %select_n3A_399 : vector<16xi1>, vector<16xf32>
    %eq3A_407 = arith.constant 8 : i32
    %eq3A_408 = vector.broadcast %eq3A_407 : i32 to vector<16xi32>
    %eq3A_409 = arith.cmpi eq, %shift_right_arithmetic3A_345, %eq3A_408 : vector<16xi32>
    %broadcast_in_dim3A_410 = vector.shape_cast %and3A_348 : vector<16xi32> to vector<16x1xi32>
    %gather3A_411 = vector.shape_cast %broadcast_in_dim3A_410 : vector<16x1xi32> to vector<16xi32>
    %gather3A_412 = tpu.dynamic_gather %get3A_28[%gather3A_411] in [0] : vector<16xf32>, vector<16xi32> -> vector<16xf32>
    %select_n3A_413 = arith.select %eq3A_409, %gather3A_412, %select_n3A_406 : vector<16xi1>, vector<16xf32>
    %eq3A_414 = arith.constant 9 : i32
    %eq3A_415 = vector.broadcast %eq3A_414 : i32 to vector<16xi32>
    %eq3A_416 = arith.cmpi eq, %shift_right_arithmetic3A_345, %eq3A_415 : vector<16xi32>
    %broadcast_in_dim3A_417 = vector.shape_cast %and3A_348 : vector<16xi32> to vector<16x1xi32>
    %gather3A_418 = vector.shape_cast %broadcast_in_dim3A_417 : vector<16x1xi32> to vector<16xi32>
    %gather3A_419 = tpu.dynamic_gather %get3A_31[%gather3A_418] in [0] : vector<16xf32>, vector<16xi32> -> vector<16xf32>
    %select_n3A_420 = arith.select %eq3A_416, %gather3A_419, %select_n3A_413 : vector<16xi1>, vector<16xf32>
    %eq3A_421 = arith.constant 10 : i32
    %eq3A_422 = vector.broadcast %eq3A_421 : i32 to vector<16xi32>
    %eq3A_423 = arith.cmpi eq, %shift_right_arithmetic3A_345, %eq3A_422 : vector<16xi32>
    %broadcast_in_dim3A_424 = vector.shape_cast %and3A_348 : vector<16xi32> to vector<16x1xi32>
    %gather3A_425 = vector.shape_cast %broadcast_in_dim3A_424 : vector<16x1xi32> to vector<16xi32>
    %gather3A_426 = tpu.dynamic_gather %get3A_34[%gather3A_425] in [0] : vector<16xf32>, vector<16xi32> -> vector<16xf32>
    %select_n3A_427 = arith.select %eq3A_423, %gather3A_426, %select_n3A_420 : vector<16xi1>, vector<16xf32>
    %eq3A_428 = arith.constant 11 : i32
    %eq3A_429 = vector.broadcast %eq3A_428 : i32 to vector<16xi32>
    %eq3A_430 = arith.cmpi eq, %shift_right_arithmetic3A_345, %eq3A_429 : vector<16xi32>
    %broadcast_in_dim3A_431 = vector.shape_cast %and3A_348 : vector<16xi32> to vector<16x1xi32>
    %gather3A_432 = vector.shape_cast %broadcast_in_dim3A_431 : vector<16x1xi32> to vector<16xi32>
    %gather3A_433 = tpu.dynamic_gather %get3A_37[%gather3A_432] in [0] : vector<16xf32>, vector<16xi32> -> vector<16xf32>
    %select_n3A_434 = arith.select %eq3A_430, %gather3A_433, %select_n3A_427 : vector<16xi1>, vector<16xf32>
    %get3A_435 = arith.constant 48 : index
    %get3A_436 = tpu.vector_load %arg7[%get3A_435] {strides = array<i32>} : memref<512xf32, #tpu.memory_space<vmem>>, vector<16xf32>,
    %get3A_437 = vector.shape_cast %get3A_436 : vector<16xf32> to vector<16xf32>
    %add3A_438 = arith.addf %get3A_437, %select_n3A_434 : vector<16xf32>
    %swap3A_439 = arith.constant 48 : index
    %swap3A_440 = tpu.vector_load %arg9[%swap3A_439] {strides = array<i32>} : memref<512xf32, #tpu.memory_space<vmem>>, vector<16xf32>,
    %swap3A_441 = vector.shape_cast %swap3A_440 : vector<16xf32> to vector<16xf32>
    %swap3A_442 = vector.shape_cast %add3A_438 : vector<16xf32> to vector<16xf32>
    tpu.vector_store %arg9[%swap3A_439], %swap3A_442 {strides = array<i32>} : memref<512xf32, #tpu.memory_space<vmem>>, vector<16xf32>,
    %get3A_443 = arith.constant 64 : index
    %get3A_444 = tpu.vector_load %arg6[%get3A_443] {strides = array<i32>} : memref<512xi32, #tpu.memory_space<vmem>>, vector<16xi32>,
    %get3A_445 = vector.shape_cast %get3A_444 : vector<16xi32> to vector<16xi32>
    %shift_right_arithmetic3A_446 = arith.constant 4 : i32
    %shift_right_arithmetic3A_447 = vector.broadcast %shift_right_arithmetic3A_446 : i32 to vector<16xi32>
    %shift_right_arithmetic3A_448 = arith.shrsi %get3A_445, %shift_right_arithmetic3A_447 : vector<16xi32>
    %and3A_449 = arith.constant 15 : i32
    %and3A_450 = vector.broadcast %and3A_449 : i32 to vector<16xi32>
    %and3A_451 = arith.andi %get3A_445, %and3A_450 : vector<16xi32>
    %broadcast_in_dim3A_452 = arith.constant 0.000000e+00 : f32
    %broadcast_in_dim3A_453 = vector.broadcast %broadcast_in_dim3A_452 : f32 to vector<16xf32>
    %eq3A_454 = arith.constant 0 : i32
    %eq3A_455 = vector.broadcast %eq3A_454 : i32 to vector<16xi32>
    %eq3A_456 = arith.cmpi eq, %shift_right_arithmetic3A_448, %eq3A_455 : vector<16xi32>
    %broadcast_in_dim3A_457 = vector.shape_cast %and3A_451 : vector<16xi32> to vector<16x1xi32>
    %gather3A_458 = vector.shape_cast %broadcast_in_dim3A_457 : vector<16x1xi32> to vector<16xi32>
    %gather3A_459 = tpu.dynamic_gather %get3A_4[%gather3A_458] in [0] : vector<16xf32>, vector<16xi32> -> vector<16xf32>
    %select_n3A_460 = arith.select %eq3A_456, %gather3A_459, %broadcast_in_dim3A_453 : vector<16xi1>, vector<16xf32>
    %eq3A_461 = arith.constant 1 : i32
    %eq3A_462 = vector.broadcast %eq3A_461 : i32 to vector<16xi32>
    %eq3A_463 = arith.cmpi eq, %shift_right_arithmetic3A_448, %eq3A_462 : vector<16xi32>
    %broadcast_in_dim3A_464 = vector.shape_cast %and3A_451 : vector<16xi32> to vector<16x1xi32>
    %gather3A_465 = vector.shape_cast %broadcast_in_dim3A_464 : vector<16x1xi32> to vector<16xi32>
    %gather3A_466 = tpu.dynamic_gather %get3A_7[%gather3A_465] in [0] : vector<16xf32>, vector<16xi32> -> vector<16xf32>
    %select_n3A_467 = arith.select %eq3A_463, %gather3A_466, %select_n3A_460 : vector<16xi1>, vector<16xf32>
    %eq3A_468 = arith.constant 2 : i32
    %eq3A_469 = vector.broadcast %eq3A_468 : i32 to vector<16xi32>
    %eq3A_470 = arith.cmpi eq, %shift_right_arithmetic3A_448, %eq3A_469 : vector<16xi32>
    %broadcast_in_dim3A_471 = vector.shape_cast %and3A_451 : vector<16xi32> to vector<16x1xi32>
    %gather3A_472 = vector.shape_cast %broadcast_in_dim3A_471 : vector<16x1xi32> to vector<16xi32>
    %gather3A_473 = tpu.dynamic_gather %get3A_10[%gather3A_472] in [0] : vector<16xf32>, vector<16xi32> -> vector<16xf32>
    %select_n3A_474 = arith.select %eq3A_470, %gather3A_473, %select_n3A_467 : vector<16xi1>, vector<16xf32>
    %eq3A_475 = arith.constant 3 : i32
    %eq3A_476 = vector.broadcast %eq3A_475 : i32 to vector<16xi32>
    %eq3A_477 = arith.cmpi eq, %shift_right_arithmetic3A_448, %eq3A_476 : vector<16xi32>
    %broadcast_in_dim3A_478 = vector.shape_cast %and3A_451 : vector<16xi32> to vector<16x1xi32>
    %gather3A_479 = vector.shape_cast %broadcast_in_dim3A_478 : vector<16x1xi32> to vector<16xi32>
    %gather3A_480 = tpu.dynamic_gather %get3A_13[%gather3A_479] in [0] : vector<16xf32>, vector<16xi32> -> vector<16xf32>
    %select_n3A_481 = arith.select %eq3A_477, %gather3A_480, %select_n3A_474 : vector<16xi1>, vector<16xf32>
    %eq3A_482 = arith.constant 4 : i32
    %eq3A_483 = vector.broadcast %eq3A_482 : i32 to vector<16xi32>
    %eq3A_484 = arith.cmpi eq, %shift_right_arithmetic3A_448, %eq3A_483 : vector<16xi32>
    %broadcast_in_dim3A_485 = vector.shape_cast %and3A_451 : vector<16xi32> to vector<16x1xi32>
    %gather3A_486 = vector.shape_cast %broadcast_in_dim3A_485 : vector<16x1xi32> to vector<16xi32>
    %gather3A_487 = tpu.dynamic_gather %get3A_16[%gather3A_486] in [0] : vector<16xf32>, vector<16xi32> -> vector<16xf32>
    %select_n3A_488 = arith.select %eq3A_484, %gather3A_487, %select_n3A_481 : vector<16xi1>, vector<16xf32>
    %eq3A_489 = arith.constant 5 : i32
    %eq3A_490 = vector.broadcast %eq3A_489 : i32 to vector<16xi32>
    %eq3A_491 = arith.cmpi eq, %shift_right_arithmetic3A_448, %eq3A_490 : vector<16xi32>
    %broadcast_in_dim3A_492 = vector.shape_cast %and3A_451 : vector<16xi32> to vector<16x1xi32>
    %gather3A_493 = vector.shape_cast %broadcast_in_dim3A_492 : vector<16x1xi32> to vector<16xi32>
    %gather3A_494 = tpu.dynamic_gather %get3A_19[%gather3A_493] in [0] : vector<16xf32>, vector<16xi32> -> vector<16xf32>
    %select_n3A_495 = arith.select %eq3A_491, %gather3A_494, %select_n3A_488 : vector<16xi1>, vector<16xf32>
    %eq3A_496 = arith.constant 6 : i32
    %eq3A_497 = vector.broadcast %eq3A_496 : i32 to vector<16xi32>
    %eq3A_498 = arith.cmpi eq, %shift_right_arithmetic3A_448, %eq3A_497 : vector<16xi32>
    %broadcast_in_dim3A_499 = vector.shape_cast %and3A_451 : vector<16xi32> to vector<16x1xi32>
    %gather3A_500 = vector.shape_cast %broadcast_in_dim3A_499 : vector<16x1xi32> to vector<16xi32>
    %gather3A_501 = tpu.dynamic_gather %get3A_22[%gather3A_500] in [0] : vector<16xf32>, vector<16xi32> -> vector<16xf32>
    %select_n3A_502 = arith.select %eq3A_498, %gather3A_501, %select_n3A_495 : vector<16xi1>, vector<16xf32>
    %eq3A_503 = arith.constant 7 : i32
    %eq3A_504 = vector.broadcast %eq3A_503 : i32 to vector<16xi32>
    %eq3A_505 = arith.cmpi eq, %shift_right_arithmetic3A_448, %eq3A_504 : vector<16xi32>
    %broadcast_in_dim3A_506 = vector.shape_cast %and3A_451 : vector<16xi32> to vector<16x1xi32>
    %gather3A_507 = vector.shape_cast %broadcast_in_dim3A_506 : vector<16x1xi32> to vector<16xi32>
    %gather3A_508 = tpu.dynamic_gather %get3A_25[%gather3A_507] in [0] : vector<16xf32>, vector<16xi32> -> vector<16xf32>
    %select_n3A_509 = arith.select %eq3A_505, %gather3A_508, %select_n3A_502 : vector<16xi1>, vector<16xf32>
    %eq3A_510 = arith.constant 8 : i32
    %eq3A_511 = vector.broadcast %eq3A_510 : i32 to vector<16xi32>
    %eq3A_512 = arith.cmpi eq, %shift_right_arithmetic3A_448, %eq3A_511 : vector<16xi32>
    %broadcast_in_dim3A_513 = vector.shape_cast %and3A_451 : vector<16xi32> to vector<16x1xi32>
    %gather3A_514 = vector.shape_cast %broadcast_in_dim3A_513 : vector<16x1xi32> to vector<16xi32>
    %gather3A_515 = tpu.dynamic_gather %get3A_28[%gather3A_514] in [0] : vector<16xf32>, vector<16xi32> -> vector<16xf32>
    %select_n3A_516 = arith.select %eq3A_512, %gather3A_515, %select_n3A_509 : vector<16xi1>, vector<16xf32>
    %eq3A_517 = arith.constant 9 : i32
    %eq3A_518 = vector.broadcast %eq3A_517 : i32 to vector<16xi32>
    %eq3A_519 = arith.cmpi eq, %shift_right_arithmetic3A_448, %eq3A_518 : vector<16xi32>
    %broadcast_in_dim3A_520 = vector.shape_cast %and3A_451 : vector<16xi32> to vector<16x1xi32>
    %gather3A_521 = vector.shape_cast %broadcast_in_dim3A_520 : vector<16x1xi32> to vector<16xi32>
    %gather3A_522 = tpu.dynamic_gather %get3A_31[%gather3A_521] in [0] : vector<16xf32>, vector<16xi32> -> vector<16xf32>
    %select_n3A_523 = arith.select %eq3A_519, %gather3A_522, %select_n3A_516 : vector<16xi1>, vector<16xf32>
    %eq3A_524 = arith.constant 10 : i32
    %eq3A_525 = vector.broadcast %eq3A_524 : i32 to vector<16xi32>
    %eq3A_526 = arith.cmpi eq, %shift_right_arithmetic3A_448, %eq3A_525 : vector<16xi32>
    %broadcast_in_dim3A_527 = vector.shape_cast %and3A_451 : vector<16xi32> to vector<16x1xi32>
    %gather3A_528 = vector.shape_cast %broadcast_in_dim3A_527 : vector<16x1xi32> to vector<16xi32>
    %gather3A_529 = tpu.dynamic_gather %get3A_34[%gather3A_528] in [0] : vector<16xf32>, vector<16xi32> -> vector<16xf32>
    %select_n3A_530 = arith.select %eq3A_526, %gather3A_529, %select_n3A_523 : vector<16xi1>, vector<16xf32>
    %eq3A_531 = arith.constant 11 : i32
    %eq3A_532 = vector.broadcast %eq3A_531 : i32 to vector<16xi32>
    %eq3A_533 = arith.cmpi eq, %shift_right_arithmetic3A_448, %eq3A_532 : vector<16xi32>
    %broadcast_in_dim3A_534 = vector.shape_cast %and3A_451 : vector<16xi32> to vector<16x1xi32>
    %gather3A_535 = vector.shape_cast %broadcast_in_dim3A_534 : vector<16x1xi32> to vector<16xi32>
    %gather3A_536 = tpu.dynamic_gather %get3A_37[%gather3A_535] in [0] : vector<16xf32>, vector<16xi32> -> vector<16xf32>
    %select_n3A_537 = arith.select %eq3A_533, %gather3A_536, %select_n3A_530 : vector<16xi1>, vector<16xf32>
    %get3A_538 = arith.constant 64 : index
    %get3A_539 = tpu.vector_load %arg7[%get3A_538] {strides = array<i32>} : memref<512xf32, #tpu.memory_space<vmem>>, vector<16xf32>,
    %get3A_540 = vector.shape_cast %get3A_539 : vector<16xf32> to vector<16xf32>
    %add3A_541 = arith.addf %get3A_540, %select_n3A_537 : vector<16xf32>
    %swap3A_542 = arith.constant 64 : index
    %swap3A_543 = tpu.vector_load %arg9[%swap3A_542] {strides = array<i32>} : memref<512xf32, #tpu.memory_space<vmem>>, vector<16xf32>,
    %swap3A_544 = vector.shape_cast %swap3A_543 : vector<16xf32> to vector<16xf32>
    %swap3A_545 = vector.shape_cast %add3A_541 : vector<16xf32> to vector<16xf32>
    tpu.vector_store %arg9[%swap3A_542], %swap3A_545 {strides = array<i32>} : memref<512xf32, #tpu.memory_space<vmem>>, vector<16xf32>,
    %get3A_546 = arith.constant 80 : index
    %get3A_547 = tpu.vector_load %arg6[%get3A_546] {strides = array<i32>} : memref<512xi32, #tpu.memory_space<vmem>>, vector<16xi32>,
    %get3A_548 = vector.shape_cast %get3A_547 : vector<16xi32> to vector<16xi32>
    %shift_right_arithmetic3A_549 = arith.constant 4 : i32
    %shift_right_arithmetic3A_550 = vector.broadcast %shift_right_arithmetic3A_549 : i32 to vector<16xi32>
    %shift_right_arithmetic3A_551 = arith.shrsi %get3A_548, %shift_right_arithmetic3A_550 : vector<16xi32>
    %and3A_552 = arith.constant 15 : i32
    %and3A_553 = vector.broadcast %and3A_552 : i32 to vector<16xi32>
    %and3A_554 = arith.andi %get3A_548, %and3A_553 : vector<16xi32>
    %broadcast_in_dim3A_555 = arith.constant 0.000000e+00 : f32
    %broadcast_in_dim3A_556 = vector.broadcast %broadcast_in_dim3A_555 : f32 to vector<16xf32>
    %eq3A_557 = arith.constant 0 : i32
    %eq3A_558 = vector.broadcast %eq3A_557 : i32 to vector<16xi32>
    %eq3A_559 = arith.cmpi eq, %shift_right_arithmetic3A_551, %eq3A_558 : vector<16xi32>
    %broadcast_in_dim3A_560 = vector.shape_cast %and3A_554 : vector<16xi32> to vector<16x1xi32>
    %gather3A_561 = vector.shape_cast %broadcast_in_dim3A_560 : vector<16x1xi32> to vector<16xi32>
    %gather3A_562 = tpu.dynamic_gather %get3A_4[%gather3A_561] in [0] : vector<16xf32>, vector<16xi32> -> vector<16xf32>
    %select_n3A_563 = arith.select %eq3A_559, %gather3A_562, %broadcast_in_dim3A_556 : vector<16xi1>, vector<16xf32>
    %eq3A_564 = arith.constant 1 : i32
    %eq3A_565 = vector.broadcast %eq3A_564 : i32 to vector<16xi32>
    %eq3A_566 = arith.cmpi eq, %shift_right_arithmetic3A_551, %eq3A_565 : vector<16xi32>
    %broadcast_in_dim3A_567 = vector.shape_cast %and3A_554 : vector<16xi32> to vector<16x1xi32>
    %gather3A_568 = vector.shape_cast %broadcast_in_dim3A_567 : vector<16x1xi32> to vector<16xi32>
    %gather3A_569 = tpu.dynamic_gather %get3A_7[%gather3A_568] in [0] : vector<16xf32>, vector<16xi32> -> vector<16xf32>
    %select_n3A_570 = arith.select %eq3A_566, %gather3A_569, %select_n3A_563 : vector<16xi1>, vector<16xf32>
    %eq3A_571 = arith.constant 2 : i32
    %eq3A_572 = vector.broadcast %eq3A_571 : i32 to vector<16xi32>
    %eq3A_573 = arith.cmpi eq, %shift_right_arithmetic3A_551, %eq3A_572 : vector<16xi32>
    %broadcast_in_dim3A_574 = vector.shape_cast %and3A_554 : vector<16xi32> to vector<16x1xi32>
    %gather3A_575 = vector.shape_cast %broadcast_in_dim3A_574 : vector<16x1xi32> to vector<16xi32>
    %gather3A_576 = tpu.dynamic_gather %get3A_10[%gather3A_575] in [0] : vector<16xf32>, vector<16xi32> -> vector<16xf32>
    %select_n3A_577 = arith.select %eq3A_573, %gather3A_576, %select_n3A_570 : vector<16xi1>, vector<16xf32>
    %eq3A_578 = arith.constant 3 : i32
    %eq3A_579 = vector.broadcast %eq3A_578 : i32 to vector<16xi32>
    %eq3A_580 = arith.cmpi eq, %shift_right_arithmetic3A_551, %eq3A_579 : vector<16xi32>
    %broadcast_in_dim3A_581 = vector.shape_cast %and3A_554 : vector<16xi32> to vector<16x1xi32>
    %gather3A_582 = vector.shape_cast %broadcast_in_dim3A_581 : vector<16x1xi32> to vector<16xi32>
    %gather3A_583 = tpu.dynamic_gather %get3A_13[%gather3A_582] in [0] : vector<16xf32>, vector<16xi32> -> vector<16xf32>
    %select_n3A_584 = arith.select %eq3A_580, %gather3A_583, %select_n3A_577 : vector<16xi1>, vector<16xf32>
    %eq3A_585 = arith.constant 4 : i32
    %eq3A_586 = vector.broadcast %eq3A_585 : i32 to vector<16xi32>
    %eq3A_587 = arith.cmpi eq, %shift_right_arithmetic3A_551, %eq3A_586 : vector<16xi32>
    %broadcast_in_dim3A_588 = vector.shape_cast %and3A_554 : vector<16xi32> to vector<16x1xi32>
    %gather3A_589 = vector.shape_cast %broadcast_in_dim3A_588 : vector<16x1xi32> to vector<16xi32>
    %gather3A_590 = tpu.dynamic_gather %get3A_16[%gather3A_589] in [0] : vector<16xf32>, vector<16xi32> -> vector<16xf32>
    %select_n3A_591 = arith.select %eq3A_587, %gather3A_590, %select_n3A_584 : vector<16xi1>, vector<16xf32>
    %eq3A_592 = arith.constant 5 : i32
    %eq3A_593 = vector.broadcast %eq3A_592 : i32 to vector<16xi32>
    %eq3A_594 = arith.cmpi eq, %shift_right_arithmetic3A_551, %eq3A_593 : vector<16xi32>
    %broadcast_in_dim3A_595 = vector.shape_cast %and3A_554 : vector<16xi32> to vector<16x1xi32>
    %gather3A_596 = vector.shape_cast %broadcast_in_dim3A_595 : vector<16x1xi32> to vector<16xi32>
    %gather3A_597 = tpu.dynamic_gather %get3A_19[%gather3A_596] in [0] : vector<16xf32>, vector<16xi32> -> vector<16xf32>
    %select_n3A_598 = arith.select %eq3A_594, %gather3A_597, %select_n3A_591 : vector<16xi1>, vector<16xf32>
    %eq3A_599 = arith.constant 6 : i32
    %eq3A_600 = vector.broadcast %eq3A_599 : i32 to vector<16xi32>
    %eq3A_601 = arith.cmpi eq, %shift_right_arithmetic3A_551, %eq3A_600 : vector<16xi32>
    %broadcast_in_dim3A_602 = vector.shape_cast %and3A_554 : vector<16xi32> to vector<16x1xi32>
    %gather3A_603 = vector.shape_cast %broadcast_in_dim3A_602 : vector<16x1xi32> to vector<16xi32>
    %gather3A_604 = tpu.dynamic_gather %get3A_22[%gather3A_603] in [0] : vector<16xf32>, vector<16xi32> -> vector<16xf32>
    %select_n3A_605 = arith.select %eq3A_601, %gather3A_604, %select_n3A_598 : vector<16xi1>, vector<16xf32>
    %eq3A_606 = arith.constant 7 : i32
    %eq3A_607 = vector.broadcast %eq3A_606 : i32 to vector<16xi32>
    %eq3A_608 = arith.cmpi eq, %shift_right_arithmetic3A_551, %eq3A_607 : vector<16xi32>
    %broadcast_in_dim3A_609 = vector.shape_cast %and3A_554 : vector<16xi32> to vector<16x1xi32>
    %gather3A_610 = vector.shape_cast %broadcast_in_dim3A_609 : vector<16x1xi32> to vector<16xi32>
    %gather3A_611 = tpu.dynamic_gather %get3A_25[%gather3A_610] in [0] : vector<16xf32>, vector<16xi32> -> vector<16xf32>
    %select_n3A_612 = arith.select %eq3A_608, %gather3A_611, %select_n3A_605 : vector<16xi1>, vector<16xf32>
    %eq3A_613 = arith.constant 8 : i32
    %eq3A_614 = vector.broadcast %eq3A_613 : i32 to vector<16xi32>
    %eq3A_615 = arith.cmpi eq, %shift_right_arithmetic3A_551, %eq3A_614 : vector<16xi32>
    %broadcast_in_dim3A_616 = vector.shape_cast %and3A_554 : vector<16xi32> to vector<16x1xi32>
    %gather3A_617 = vector.shape_cast %broadcast_in_dim3A_616 : vector<16x1xi32> to vector<16xi32>
    %gather3A_618 = tpu.dynamic_gather %get3A_28[%gather3A_617] in [0] : vector<16xf32>, vector<16xi32> -> vector<16xf32>
    %select_n3A_619 = arith.select %eq3A_615, %gather3A_618, %select_n3A_612 : vector<16xi1>, vector<16xf32>
    %eq3A_620 = arith.constant 9 : i32
    %eq3A_621 = vector.broadcast %eq3A_620 : i32 to vector<16xi32>
    %eq3A_622 = arith.cmpi eq, %shift_right_arithmetic3A_551, %eq3A_621 : vector<16xi32>
    %broadcast_in_dim3A_623 = vector.shape_cast %and3A_554 : vector<16xi32> to vector<16x1xi32>
    %gather3A_624 = vector.shape_cast %broadcast_in_dim3A_623 : vector<16x1xi32> to vector<16xi32>
    %gather3A_625 = tpu.dynamic_gather %get3A_31[%gather3A_624] in [0] : vector<16xf32>, vector<16xi32> -> vector<16xf32>
    %select_n3A_626 = arith.select %eq3A_622, %gather3A_625, %select_n3A_619 : vector<16xi1>, vector<16xf32>
    %eq3A_627 = arith.constant 10 : i32
    %eq3A_628 = vector.broadcast %eq3A_627 : i32 to vector<16xi32>
    %eq3A_629 = arith.cmpi eq, %shift_right_arithmetic3A_551, %eq3A_628 : vector<16xi32>
    %broadcast_in_dim3A_630 = vector.shape_cast %and3A_554 : vector<16xi32> to vector<16x1xi32>
    %gather3A_631 = vector.shape_cast %broadcast_in_dim3A_630 : vector<16x1xi32> to vector<16xi32>
    %gather3A_632 = tpu.dynamic_gather %get3A_34[%gather3A_631] in [0] : vector<16xf32>, vector<16xi32> -> vector<16xf32>
    %select_n3A_633 = arith.select %eq3A_629, %gather3A_632, %select_n3A_626 : vector<16xi1>, vector<16xf32>
    %eq3A_634 = arith.constant 11 : i32
    %eq3A_635 = vector.broadcast %eq3A_634 : i32 to vector<16xi32>
    %eq3A_636 = arith.cmpi eq, %shift_right_arithmetic3A_551, %eq3A_635 : vector<16xi32>
    %broadcast_in_dim3A_637 = vector.shape_cast %and3A_554 : vector<16xi32> to vector<16x1xi32>
    %gather3A_638 = vector.shape_cast %broadcast_in_dim3A_637 : vector<16x1xi32> to vector<16xi32>
    %gather3A_639 = tpu.dynamic_gather %get3A_37[%gather3A_638] in [0] : vector<16xf32>, vector<16xi32> -> vector<16xf32>
    %select_n3A_640 = arith.select %eq3A_636, %gather3A_639, %select_n3A_633 : vector<16xi1>, vector<16xf32>
    %get3A_641 = arith.constant 80 : index
    %get3A_642 = tpu.vector_load %arg7[%get3A_641] {strides = array<i32>} : memref<512xf32, #tpu.memory_space<vmem>>, vector<16xf32>,
    %get3A_643 = vector.shape_cast %get3A_642 : vector<16xf32> to vector<16xf32>
    %add3A_644 = arith.addf %get3A_643, %select_n3A_640 : vector<16xf32>
    %swap3A_645 = arith.constant 80 : index
    %swap3A_646 = tpu.vector_load %arg9[%swap3A_645] {strides = array<i32>} : memref<512xf32, #tpu.memory_space<vmem>>, vector<16xf32>,
    %swap3A_647 = vector.shape_cast %swap3A_646 : vector<16xf32> to vector<16xf32>
    %swap3A_648 = vector.shape_cast %add3A_644 : vector<16xf32> to vector<16xf32>
    tpu.vector_store %arg9[%swap3A_645], %swap3A_648 {strides = array<i32>} : memref<512xf32, #tpu.memory_space<vmem>>, vector<16xf32>,
    %get3A_649 = arith.constant 96 : index
    %get3A_650 = tpu.vector_load %arg6[%get3A_649] {strides = array<i32>} : memref<512xi32, #tpu.memory_space<vmem>>, vector<16xi32>,
    %get3A_651 = vector.shape_cast %get3A_650 : vector<16xi32> to vector<16xi32>
    %shift_right_arithmetic3A_652 = arith.constant 4 : i32
    %shift_right_arithmetic3A_653 = vector.broadcast %shift_right_arithmetic3A_652 : i32 to vector<16xi32>
    %shift_right_arithmetic3A_654 = arith.shrsi %get3A_651, %shift_right_arithmetic3A_653 : vector<16xi32>
    %and3A_655 = arith.constant 15 : i32
    %and3A_656 = vector.broadcast %and3A_655 : i32 to vector<16xi32>
    %and3A_657 = arith.andi %get3A_651, %and3A_656 : vector<16xi32>
    %broadcast_in_dim3A_658 = arith.constant 0.000000e+00 : f32
    %broadcast_in_dim3A_659 = vector.broadcast %broadcast_in_dim3A_658 : f32 to vector<16xf32>
    %eq3A_660 = arith.constant 0 : i32
    %eq3A_661 = vector.broadcast %eq3A_660 : i32 to vector<16xi32>
    %eq3A_662 = arith.cmpi eq, %shift_right_arithmetic3A_654, %eq3A_661 : vector<16xi32>
    %broadcast_in_dim3A_663 = vector.shape_cast %and3A_657 : vector<16xi32> to vector<16x1xi32>
    %gather3A_664 = vector.shape_cast %broadcast_in_dim3A_663 : vector<16x1xi32> to vector<16xi32>
    %gather3A_665 = tpu.dynamic_gather %get3A_4[%gather3A_664] in [0] : vector<16xf32>, vector<16xi32> -> vector<16xf32>
    %select_n3A_666 = arith.select %eq3A_662, %gather3A_665, %broadcast_in_dim3A_659 : vector<16xi1>, vector<16xf32>
    %eq3A_667 = arith.constant 1 : i32
    %eq3A_668 = vector.broadcast %eq3A_667 : i32 to vector<16xi32>
    %eq3A_669 = arith.cmpi eq, %shift_right_arithmetic3A_654, %eq3A_668 : vector<16xi32>
    %broadcast_in_dim3A_670 = vector.shape_cast %and3A_657 : vector<16xi32> to vector<16x1xi32>
    %gather3A_671 = vector.shape_cast %broadcast_in_dim3A_670 : vector<16x1xi32> to vector<16xi32>
    %gather3A_672 = tpu.dynamic_gather %get3A_7[%gather3A_671] in [0] : vector<16xf32>, vector<16xi32> -> vector<16xf32>
    %select_n3A_673 = arith.select %eq3A_669, %gather3A_672, %select_n3A_666 : vector<16xi1>, vector<16xf32>
    %eq3A_674 = arith.constant 2 : i32
    %eq3A_675 = vector.broadcast %eq3A_674 : i32 to vector<16xi32>
    %eq3A_676 = arith.cmpi eq, %shift_right_arithmetic3A_654, %eq3A_675 : vector<16xi32>
    %broadcast_in_dim3A_677 = vector.shape_cast %and3A_657 : vector<16xi32> to vector<16x1xi32>
    %gather3A_678 = vector.shape_cast %broadcast_in_dim3A_677 : vector<16x1xi32> to vector<16xi32>
    %gather3A_679 = tpu.dynamic_gather %get3A_10[%gather3A_678] in [0] : vector<16xf32>, vector<16xi32> -> vector<16xf32>
    %select_n3A_680 = arith.select %eq3A_676, %gather3A_679, %select_n3A_673 : vector<16xi1>, vector<16xf32>
    %eq3A_681 = arith.constant 3 : i32
    %eq3A_682 = vector.broadcast %eq3A_681 : i32 to vector<16xi32>
    %eq3A_683 = arith.cmpi eq, %shift_right_arithmetic3A_654, %eq3A_682 : vector<16xi32>
    %broadcast_in_dim3A_684 = vector.shape_cast %and3A_657 : vector<16xi32> to vector<16x1xi32>
    %gather3A_685 = vector.shape_cast %broadcast_in_dim3A_684 : vector<16x1xi32> to vector<16xi32>
    %gather3A_686 = tpu.dynamic_gather %get3A_13[%gather3A_685] in [0] : vector<16xf32>, vector<16xi32> -> vector<16xf32>
    %select_n3A_687 = arith.select %eq3A_683, %gather3A_686, %select_n3A_680 : vector<16xi1>, vector<16xf32>
    %eq3A_688 = arith.constant 4 : i32
    %eq3A_689 = vector.broadcast %eq3A_688 : i32 to vector<16xi32>
    %eq3A_690 = arith.cmpi eq, %shift_right_arithmetic3A_654, %eq3A_689 : vector<16xi32>
    %broadcast_in_dim3A_691 = vector.shape_cast %and3A_657 : vector<16xi32> to vector<16x1xi32>
    %gather3A_692 = vector.shape_cast %broadcast_in_dim3A_691 : vector<16x1xi32> to vector<16xi32>
    %gather3A_693 = tpu.dynamic_gather %get3A_16[%gather3A_692] in [0] : vector<16xf32>, vector<16xi32> -> vector<16xf32>
    %select_n3A_694 = arith.select %eq3A_690, %gather3A_693, %select_n3A_687 : vector<16xi1>, vector<16xf32>
    %eq3A_695 = arith.constant 5 : i32
    %eq3A_696 = vector.broadcast %eq3A_695 : i32 to vector<16xi32>
    %eq3A_697 = arith.cmpi eq, %shift_right_arithmetic3A_654, %eq3A_696 : vector<16xi32>
    %broadcast_in_dim3A_698 = vector.shape_cast %and3A_657 : vector<16xi32> to vector<16x1xi32>
    %gather3A_699 = vector.shape_cast %broadcast_in_dim3A_698 : vector<16x1xi32> to vector<16xi32>
    %gather3A_700 = tpu.dynamic_gather %get3A_19[%gather3A_699] in [0] : vector<16xf32>, vector<16xi32> -> vector<16xf32>
    %select_n3A_701 = arith.select %eq3A_697, %gather3A_700, %select_n3A_694 : vector<16xi1>, vector<16xf32>
    %eq3A_702 = arith.constant 6 : i32
    %eq3A_703 = vector.broadcast %eq3A_702 : i32 to vector<16xi32>
    %eq3A_704 = arith.cmpi eq, %shift_right_arithmetic3A_654, %eq3A_703 : vector<16xi32>
    %broadcast_in_dim3A_705 = vector.shape_cast %and3A_657 : vector<16xi32> to vector<16x1xi32>
    %gather3A_706 = vector.shape_cast %broadcast_in_dim3A_705 : vector<16x1xi32> to vector<16xi32>
    %gather3A_707 = tpu.dynamic_gather %get3A_22[%gather3A_706] in [0] : vector<16xf32>, vector<16xi32> -> vector<16xf32>
    %select_n3A_708 = arith.select %eq3A_704, %gather3A_707, %select_n3A_701 : vector<16xi1>, vector<16xf32>
    %eq3A_709 = arith.constant 7 : i32
    %eq3A_710 = vector.broadcast %eq3A_709 : i32 to vector<16xi32>
    %eq3A_711 = arith.cmpi eq, %shift_right_arithmetic3A_654, %eq3A_710 : vector<16xi32>
    %broadcast_in_dim3A_712 = vector.shape_cast %and3A_657 : vector<16xi32> to vector<16x1xi32>
    %gather3A_713 = vector.shape_cast %broadcast_in_dim3A_712 : vector<16x1xi32> to vector<16xi32>
    %gather3A_714 = tpu.dynamic_gather %get3A_25[%gather3A_713] in [0] : vector<16xf32>, vector<16xi32> -> vector<16xf32>
    %select_n3A_715 = arith.select %eq3A_711, %gather3A_714, %select_n3A_708 : vector<16xi1>, vector<16xf32>
    %eq3A_716 = arith.constant 8 : i32
    %eq3A_717 = vector.broadcast %eq3A_716 : i32 to vector<16xi32>
    %eq3A_718 = arith.cmpi eq, %shift_right_arithmetic3A_654, %eq3A_717 : vector<16xi32>
    %broadcast_in_dim3A_719 = vector.shape_cast %and3A_657 : vector<16xi32> to vector<16x1xi32>
    %gather3A_720 = vector.shape_cast %broadcast_in_dim3A_719 : vector<16x1xi32> to vector<16xi32>
    %gather3A_721 = tpu.dynamic_gather %get3A_28[%gather3A_720] in [0] : vector<16xf32>, vector<16xi32> -> vector<16xf32>
    %select_n3A_722 = arith.select %eq3A_718, %gather3A_721, %select_n3A_715 : vector<16xi1>, vector<16xf32>
    %eq3A_723 = arith.constant 9 : i32
    %eq3A_724 = vector.broadcast %eq3A_723 : i32 to vector<16xi32>
    %eq3A_725 = arith.cmpi eq, %shift_right_arithmetic3A_654, %eq3A_724 : vector<16xi32>
    %broadcast_in_dim3A_726 = vector.shape_cast %and3A_657 : vector<16xi32> to vector<16x1xi32>
    %gather3A_727 = vector.shape_cast %broadcast_in_dim3A_726 : vector<16x1xi32> to vector<16xi32>
    %gather3A_728 = tpu.dynamic_gather %get3A_31[%gather3A_727] in [0] : vector<16xf32>, vector<16xi32> -> vector<16xf32>
    %select_n3A_729 = arith.select %eq3A_725, %gather3A_728, %select_n3A_722 : vector<16xi1>, vector<16xf32>
    %eq3A_730 = arith.constant 10 : i32
    %eq3A_731 = vector.broadcast %eq3A_730 : i32 to vector<16xi32>
    %eq3A_732 = arith.cmpi eq, %shift_right_arithmetic3A_654, %eq3A_731 : vector<16xi32>
    %broadcast_in_dim3A_733 = vector.shape_cast %and3A_657 : vector<16xi32> to vector<16x1xi32>
    %gather3A_734 = vector.shape_cast %broadcast_in_dim3A_733 : vector<16x1xi32> to vector<16xi32>
    %gather3A_735 = tpu.dynamic_gather %get3A_34[%gather3A_734] in [0] : vector<16xf32>, vector<16xi32> -> vector<16xf32>
    %select_n3A_736 = arith.select %eq3A_732, %gather3A_735, %select_n3A_729 : vector<16xi1>, vector<16xf32>
    %eq3A_737 = arith.constant 11 : i32
    %eq3A_738 = vector.broadcast %eq3A_737 : i32 to vector<16xi32>
    %eq3A_739 = arith.cmpi eq, %shift_right_arithmetic3A_654, %eq3A_738 : vector<16xi32>
    %broadcast_in_dim3A_740 = vector.shape_cast %and3A_657 : vector<16xi32> to vector<16x1xi32>
    %gather3A_741 = vector.shape_cast %broadcast_in_dim3A_740 : vector<16x1xi32> to vector<16xi32>
    %gather3A_742 = tpu.dynamic_gather %get3A_37[%gather3A_741] in [0] : vector<16xf32>, vector<16xi32> -> vector<16xf32>
    %select_n3A_743 = arith.select %eq3A_739, %gather3A_742, %select_n3A_736 : vector<16xi1>, vector<16xf32>
    %get3A_744 = arith.constant 96 : index
    %get3A_745 = tpu.vector_load %arg7[%get3A_744] {strides = array<i32>} : memref<512xf32, #tpu.memory_space<vmem>>, vector<16xf32>,
    %get3A_746 = vector.shape_cast %get3A_745 : vector<16xf32> to vector<16xf32>
    %add3A_747 = arith.addf %get3A_746, %select_n3A_743 : vector<16xf32>
    %swap3A_748 = arith.constant 96 : index
    %swap3A_749 = tpu.vector_load %arg9[%swap3A_748] {strides = array<i32>} : memref<512xf32, #tpu.memory_space<vmem>>, vector<16xf32>,
    %swap3A_750 = vector.shape_cast %swap3A_749 : vector<16xf32> to vector<16xf32>
    %swap3A_751 = vector.shape_cast %add3A_747 : vector<16xf32> to vector<16xf32>
    tpu.vector_store %arg9[%swap3A_748], %swap3A_751 {strides = array<i32>} : memref<512xf32, #tpu.memory_space<vmem>>, vector<16xf32>,
    %get3A_752 = arith.constant 112 : index
    %get3A_753 = tpu.vector_load %arg6[%get3A_752] {strides = array<i32>} : memref<512xi32, #tpu.memory_space<vmem>>, vector<16xi32>,
    %get3A_754 = vector.shape_cast %get3A_753 : vector<16xi32> to vector<16xi32>
    %shift_right_arithmetic3A_755 = arith.constant 4 : i32
    %shift_right_arithmetic3A_756 = vector.broadcast %shift_right_arithmetic3A_755 : i32 to vector<16xi32>
    %shift_right_arithmetic3A_757 = arith.shrsi %get3A_754, %shift_right_arithmetic3A_756 : vector<16xi32>
    %and3A_758 = arith.constant 15 : i32
    %and3A_759 = vector.broadcast %and3A_758 : i32 to vector<16xi32>
    %and3A_760 = arith.andi %get3A_754, %and3A_759 : vector<16xi32>
    %broadcast_in_dim3A_761 = arith.constant 0.000000e+00 : f32
    %broadcast_in_dim3A_762 = vector.broadcast %broadcast_in_dim3A_761 : f32 to vector<16xf32>
    %eq3A_763 = arith.constant 0 : i32
    %eq3A_764 = vector.broadcast %eq3A_763 : i32 to vector<16xi32>
    %eq3A_765 = arith.cmpi eq, %shift_right_arithmetic3A_757, %eq3A_764 : vector<16xi32>
    %broadcast_in_dim3A_766 = vector.shape_cast %and3A_760 : vector<16xi32> to vector<16x1xi32>
    %gather3A_767 = vector.shape_cast %broadcast_in_dim3A_766 : vector<16x1xi32> to vector<16xi32>
    %gather3A_768 = tpu.dynamic_gather %get3A_4[%gather3A_767] in [0] : vector<16xf32>, vector<16xi32> -> vector<16xf32>
    %select_n3A_769 = arith.select %eq3A_765, %gather3A_768, %broadcast_in_dim3A_762 : vector<16xi1>, vector<16xf32>
    %eq3A_770 = arith.constant 1 : i32
    %eq3A_771 = vector.broadcast %eq3A_770 : i32 to vector<16xi32>
    %eq3A_772 = arith.cmpi eq, %shift_right_arithmetic3A_757, %eq3A_771 : vector<16xi32>
    %broadcast_in_dim3A_773 = vector.shape_cast %and3A_760 : vector<16xi32> to vector<16x1xi32>
    %gather3A_774 = vector.shape_cast %broadcast_in_dim3A_773 : vector<16x1xi32> to vector<16xi32>
    %gather3A_775 = tpu.dynamic_gather %get3A_7[%gather3A_774] in [0] : vector<16xf32>, vector<16xi32> -> vector<16xf32>
    %select_n3A_776 = arith.select %eq3A_772, %gather3A_775, %select_n3A_769 : vector<16xi1>, vector<16xf32>
    %eq3A_777 = arith.constant 2 : i32
    %eq3A_778 = vector.broadcast %eq3A_777 : i32 to vector<16xi32>
    %eq3A_779 = arith.cmpi eq, %shift_right_arithmetic3A_757, %eq3A_778 : vector<16xi32>
    %broadcast_in_dim3A_780 = vector.shape_cast %and3A_760 : vector<16xi32> to vector<16x1xi32>
    %gather3A_781 = vector.shape_cast %broadcast_in_dim3A_780 : vector<16x1xi32> to vector<16xi32>
    %gather3A_782 = tpu.dynamic_gather %get3A_10[%gather3A_781] in [0] : vector<16xf32>, vector<16xi32> -> vector<16xf32>
    %select_n3A_783 = arith.select %eq3A_779, %gather3A_782, %select_n3A_776 : vector<16xi1>, vector<16xf32>
    %eq3A_784 = arith.constant 3 : i32
    %eq3A_785 = vector.broadcast %eq3A_784 : i32 to vector<16xi32>
    %eq3A_786 = arith.cmpi eq, %shift_right_arithmetic3A_757, %eq3A_785 : vector<16xi32>
    %broadcast_in_dim3A_787 = vector.shape_cast %and3A_760 : vector<16xi32> to vector<16x1xi32>
    %gather3A_788 = vector.shape_cast %broadcast_in_dim3A_787 : vector<16x1xi32> to vector<16xi32>
    %gather3A_789 = tpu.dynamic_gather %get3A_13[%gather3A_788] in [0] : vector<16xf32>, vector<16xi32> -> vector<16xf32>
    %select_n3A_790 = arith.select %eq3A_786, %gather3A_789, %select_n3A_783 : vector<16xi1>, vector<16xf32>
    %eq3A_791 = arith.constant 4 : i32
    %eq3A_792 = vector.broadcast %eq3A_791 : i32 to vector<16xi32>
    %eq3A_793 = arith.cmpi eq, %shift_right_arithmetic3A_757, %eq3A_792 : vector<16xi32>
    %broadcast_in_dim3A_794 = vector.shape_cast %and3A_760 : vector<16xi32> to vector<16x1xi32>
    %gather3A_795 = vector.shape_cast %broadcast_in_dim3A_794 : vector<16x1xi32> to vector<16xi32>
    %gather3A_796 = tpu.dynamic_gather %get3A_16[%gather3A_795] in [0] : vector<16xf32>, vector<16xi32> -> vector<16xf32>
    %select_n3A_797 = arith.select %eq3A_793, %gather3A_796, %select_n3A_790 : vector<16xi1>, vector<16xf32>
    %eq3A_798 = arith.constant 5 : i32
    %eq3A_799 = vector.broadcast %eq3A_798 : i32 to vector<16xi32>
    %eq3A_800 = arith.cmpi eq, %shift_right_arithmetic3A_757, %eq3A_799 : vector<16xi32>
    %broadcast_in_dim3A_801 = vector.shape_cast %and3A_760 : vector<16xi32> to vector<16x1xi32>
    %gather3A_802 = vector.shape_cast %broadcast_in_dim3A_801 : vector<16x1xi32> to vector<16xi32>
    %gather3A_803 = tpu.dynamic_gather %get3A_19[%gather3A_802] in [0] : vector<16xf32>, vector<16xi32> -> vector<16xf32>
    %select_n3A_804 = arith.select %eq3A_800, %gather3A_803, %select_n3A_797 : vector<16xi1>, vector<16xf32>
    %eq3A_805 = arith.constant 6 : i32
    %eq3A_806 = vector.broadcast %eq3A_805 : i32 to vector<16xi32>
    %eq3A_807 = arith.cmpi eq, %shift_right_arithmetic3A_757, %eq3A_806 : vector<16xi32>
    %broadcast_in_dim3A_808 = vector.shape_cast %and3A_760 : vector<16xi32> to vector<16x1xi32>
    %gather3A_809 = vector.shape_cast %broadcast_in_dim3A_808 : vector<16x1xi32> to vector<16xi32>
    %gather3A_810 = tpu.dynamic_gather %get3A_22[%gather3A_809] in [0] : vector<16xf32>, vector<16xi32> -> vector<16xf32>
    %select_n3A_811 = arith.select %eq3A_807, %gather3A_810, %select_n3A_804 : vector<16xi1>, vector<16xf32>
    %eq3A_812 = arith.constant 7 : i32
    %eq3A_813 = vector.broadcast %eq3A_812 : i32 to vector<16xi32>
    %eq3A_814 = arith.cmpi eq, %shift_right_arithmetic3A_757, %eq3A_813 : vector<16xi32>
    %broadcast_in_dim3A_815 = vector.shape_cast %and3A_760 : vector<16xi32> to vector<16x1xi32>
    %gather3A_816 = vector.shape_cast %broadcast_in_dim3A_815 : vector<16x1xi32> to vector<16xi32>
    %gather3A_817 = tpu.dynamic_gather %get3A_25[%gather3A_816] in [0] : vector<16xf32>, vector<16xi32> -> vector<16xf32>
    %select_n3A_818 = arith.select %eq3A_814, %gather3A_817, %select_n3A_811 : vector<16xi1>, vector<16xf32>
    %eq3A_819 = arith.constant 8 : i32
    %eq3A_820 = vector.broadcast %eq3A_819 : i32 to vector<16xi32>
    %eq3A_821 = arith.cmpi eq, %shift_right_arithmetic3A_757, %eq3A_820 : vector<16xi32>
    %broadcast_in_dim3A_822 = vector.shape_cast %and3A_760 : vector<16xi32> to vector<16x1xi32>
    %gather3A_823 = vector.shape_cast %broadcast_in_dim3A_822 : vector<16x1xi32> to vector<16xi32>
    %gather3A_824 = tpu.dynamic_gather %get3A_28[%gather3A_823] in [0] : vector<16xf32>, vector<16xi32> -> vector<16xf32>
    %select_n3A_825 = arith.select %eq3A_821, %gather3A_824, %select_n3A_818 : vector<16xi1>, vector<16xf32>
    %eq3A_826 = arith.constant 9 : i32
    %eq3A_827 = vector.broadcast %eq3A_826 : i32 to vector<16xi32>
    %eq3A_828 = arith.cmpi eq, %shift_right_arithmetic3A_757, %eq3A_827 : vector<16xi32>
    %broadcast_in_dim3A_829 = vector.shape_cast %and3A_760 : vector<16xi32> to vector<16x1xi32>
    %gather3A_830 = vector.shape_cast %broadcast_in_dim3A_829 : vector<16x1xi32> to vector<16xi32>
    %gather3A_831 = tpu.dynamic_gather %get3A_31[%gather3A_830] in [0] : vector<16xf32>, vector<16xi32> -> vector<16xf32>
    %select_n3A_832 = arith.select %eq3A_828, %gather3A_831, %select_n3A_825 : vector<16xi1>, vector<16xf32>
    %eq3A_833 = arith.constant 10 : i32
    %eq3A_834 = vector.broadcast %eq3A_833 : i32 to vector<16xi32>
    %eq3A_835 = arith.cmpi eq, %shift_right_arithmetic3A_757, %eq3A_834 : vector<16xi32>
    %broadcast_in_dim3A_836 = vector.shape_cast %and3A_760 : vector<16xi32> to vector<16x1xi32>
    %gather3A_837 = vector.shape_cast %broadcast_in_dim3A_836 : vector<16x1xi32> to vector<16xi32>
    %gather3A_838 = tpu.dynamic_gather %get3A_34[%gather3A_837] in [0] : vector<16xf32>, vector<16xi32> -> vector<16xf32>
    %select_n3A_839 = arith.select %eq3A_835, %gather3A_838, %select_n3A_832 : vector<16xi1>, vector<16xf32>
    %eq3A_840 = arith.constant 11 : i32
    %eq3A_841 = vector.broadcast %eq3A_840 : i32 to vector<16xi32>
    %eq3A_842 = arith.cmpi eq, %shift_right_arithmetic3A_757, %eq3A_841 : vector<16xi32>
    %broadcast_in_dim3A_843 = vector.shape_cast %and3A_760 : vector<16xi32> to vector<16x1xi32>
    %gather3A_844 = vector.shape_cast %broadcast_in_dim3A_843 : vector<16x1xi32> to vector<16xi32>
    %gather3A_845 = tpu.dynamic_gather %get3A_37[%gather3A_844] in [0] : vector<16xf32>, vector<16xi32> -> vector<16xf32>
    %select_n3A_846 = arith.select %eq3A_842, %gather3A_845, %select_n3A_839 : vector<16xi1>, vector<16xf32>
    %get3A_847 = arith.constant 112 : index
    %get3A_848 = tpu.vector_load %arg7[%get3A_847] {strides = array<i32>} : memref<512xf32, #tpu.memory_space<vmem>>, vector<16xf32>,
    %get3A_849 = vector.shape_cast %get3A_848 : vector<16xf32> to vector<16xf32>
    %add3A_850 = arith.addf %get3A_849, %select_n3A_846 : vector<16xf32>
    %swap3A_851 = arith.constant 112 : index
    %swap3A_852 = tpu.vector_load %arg9[%swap3A_851] {strides = array<i32>} : memref<512xf32, #tpu.memory_space<vmem>>, vector<16xf32>,
    %swap3A_853 = vector.shape_cast %swap3A_852 : vector<16xf32> to vector<16xf32>
    %swap3A_854 = vector.shape_cast %add3A_850 : vector<16xf32> to vector<16xf32>
    tpu.vector_store %arg9[%swap3A_851], %swap3A_854 {strides = array<i32>} : memref<512xf32, #tpu.memory_space<vmem>>, vector<16xf32>,
    %get3A_855 = arith.constant 128 : index
    %get3A_856 = tpu.vector_load %arg6[%get3A_855] {strides = array<i32>} : memref<512xi32, #tpu.memory_space<vmem>>, vector<16xi32>,
    %get3A_857 = vector.shape_cast %get3A_856 : vector<16xi32> to vector<16xi32>
    %shift_right_arithmetic3A_858 = arith.constant 4 : i32
    %shift_right_arithmetic3A_859 = vector.broadcast %shift_right_arithmetic3A_858 : i32 to vector<16xi32>
    %shift_right_arithmetic3A_860 = arith.shrsi %get3A_857, %shift_right_arithmetic3A_859 : vector<16xi32>
    %and3A_861 = arith.constant 15 : i32
    %and3A_862 = vector.broadcast %and3A_861 : i32 to vector<16xi32>
    %and3A_863 = arith.andi %get3A_857, %and3A_862 : vector<16xi32>
    %broadcast_in_dim3A_864 = arith.constant 0.000000e+00 : f32
    %broadcast_in_dim3A_865 = vector.broadcast %broadcast_in_dim3A_864 : f32 to vector<16xf32>
    %eq3A_866 = arith.constant 0 : i32
    %eq3A_867 = vector.broadcast %eq3A_866 : i32 to vector<16xi32>
    %eq3A_868 = arith.cmpi eq, %shift_right_arithmetic3A_860, %eq3A_867 : vector<16xi32>
    %broadcast_in_dim3A_869 = vector.shape_cast %and3A_863 : vector<16xi32> to vector<16x1xi32>
    %gather3A_870 = vector.shape_cast %broadcast_in_dim3A_869 : vector<16x1xi32> to vector<16xi32>
    %gather3A_871 = tpu.dynamic_gather %get3A_4[%gather3A_870] in [0] : vector<16xf32>, vector<16xi32> -> vector<16xf32>
    %select_n3A_872 = arith.select %eq3A_868, %gather3A_871, %broadcast_in_dim3A_865 : vector<16xi1>, vector<16xf32>
    %eq3A_873 = arith.constant 1 : i32
    %eq3A_874 = vector.broadcast %eq3A_873 : i32 to vector<16xi32>
    %eq3A_875 = arith.cmpi eq, %shift_right_arithmetic3A_860, %eq3A_874 : vector<16xi32>
    %broadcast_in_dim3A_876 = vector.shape_cast %and3A_863 : vector<16xi32> to vector<16x1xi32>
    %gather3A_877 = vector.shape_cast %broadcast_in_dim3A_876 : vector<16x1xi32> to vector<16xi32>
    %gather3A_878 = tpu.dynamic_gather %get3A_7[%gather3A_877] in [0] : vector<16xf32>, vector<16xi32> -> vector<16xf32>
    %select_n3A_879 = arith.select %eq3A_875, %gather3A_878, %select_n3A_872 : vector<16xi1>, vector<16xf32>
    %eq3A_880 = arith.constant 2 : i32
    %eq3A_881 = vector.broadcast %eq3A_880 : i32 to vector<16xi32>
    %eq3A_882 = arith.cmpi eq, %shift_right_arithmetic3A_860, %eq3A_881 : vector<16xi32>
    %broadcast_in_dim3A_883 = vector.shape_cast %and3A_863 : vector<16xi32> to vector<16x1xi32>
    %gather3A_884 = vector.shape_cast %broadcast_in_dim3A_883 : vector<16x1xi32> to vector<16xi32>
    %gather3A_885 = tpu.dynamic_gather %get3A_10[%gather3A_884] in [0] : vector<16xf32>, vector<16xi32> -> vector<16xf32>
    %select_n3A_886 = arith.select %eq3A_882, %gather3A_885, %select_n3A_879 : vector<16xi1>, vector<16xf32>
    %eq3A_887 = arith.constant 3 : i32
    %eq3A_888 = vector.broadcast %eq3A_887 : i32 to vector<16xi32>
    %eq3A_889 = arith.cmpi eq, %shift_right_arithmetic3A_860, %eq3A_888 : vector<16xi32>
    %broadcast_in_dim3A_890 = vector.shape_cast %and3A_863 : vector<16xi32> to vector<16x1xi32>
    %gather3A_891 = vector.shape_cast %broadcast_in_dim3A_890 : vector<16x1xi32> to vector<16xi32>
    %gather3A_892 = tpu.dynamic_gather %get3A_13[%gather3A_891] in [0] : vector<16xf32>, vector<16xi32> -> vector<16xf32>
    %select_n3A_893 = arith.select %eq3A_889, %gather3A_892, %select_n3A_886 : vector<16xi1>, vector<16xf32>
    %eq3A_894 = arith.constant 4 : i32
    %eq3A_895 = vector.broadcast %eq3A_894 : i32 to vector<16xi32>
    %eq3A_896 = arith.cmpi eq, %shift_right_arithmetic3A_860, %eq3A_895 : vector<16xi32>
    %broadcast_in_dim3A_897 = vector.shape_cast %and3A_863 : vector<16xi32> to vector<16x1xi32>
    %gather3A_898 = vector.shape_cast %broadcast_in_dim3A_897 : vector<16x1xi32> to vector<16xi32>
    %gather3A_899 = tpu.dynamic_gather %get3A_16[%gather3A_898] in [0] : vector<16xf32>, vector<16xi32> -> vector<16xf32>
    %select_n3A_900 = arith.select %eq3A_896, %gather3A_899, %select_n3A_893 : vector<16xi1>, vector<16xf32>
    %eq3A_901 = arith.constant 5 : i32
    %eq3A_902 = vector.broadcast %eq3A_901 : i32 to vector<16xi32>
    %eq3A_903 = arith.cmpi eq, %shift_right_arithmetic3A_860, %eq3A_902 : vector<16xi32>
    %broadcast_in_dim3A_904 = vector.shape_cast %and3A_863 : vector<16xi32> to vector<16x1xi32>
    %gather3A_905 = vector.shape_cast %broadcast_in_dim3A_904 : vector<16x1xi32> to vector<16xi32>
    %gather3A_906 = tpu.dynamic_gather %get3A_19[%gather3A_905] in [0] : vector<16xf32>, vector<16xi32> -> vector<16xf32>
    %select_n3A_907 = arith.select %eq3A_903, %gather3A_906, %select_n3A_900 : vector<16xi1>, vector<16xf32>
    %eq3A_908 = arith.constant 6 : i32
    %eq3A_909 = vector.broadcast %eq3A_908 : i32 to vector<16xi32>
    %eq3A_910 = arith.cmpi eq, %shift_right_arithmetic3A_860, %eq3A_909 : vector<16xi32>
    %broadcast_in_dim3A_911 = vector.shape_cast %and3A_863 : vector<16xi32> to vector<16x1xi32>
    %gather3A_912 = vector.shape_cast %broadcast_in_dim3A_911 : vector<16x1xi32> to vector<16xi32>
    %gather3A_913 = tpu.dynamic_gather %get3A_22[%gather3A_912] in [0] : vector<16xf32>, vector<16xi32> -> vector<16xf32>
    %select_n3A_914 = arith.select %eq3A_910, %gather3A_913, %select_n3A_907 : vector<16xi1>, vector<16xf32>
    %eq3A_915 = arith.constant 7 : i32
    %eq3A_916 = vector.broadcast %eq3A_915 : i32 to vector<16xi32>
    %eq3A_917 = arith.cmpi eq, %shift_right_arithmetic3A_860, %eq3A_916 : vector<16xi32>
    %broadcast_in_dim3A_918 = vector.shape_cast %and3A_863 : vector<16xi32> to vector<16x1xi32>
    %gather3A_919 = vector.shape_cast %broadcast_in_dim3A_918 : vector<16x1xi32> to vector<16xi32>
    %gather3A_920 = tpu.dynamic_gather %get3A_25[%gather3A_919] in [0] : vector<16xf32>, vector<16xi32> -> vector<16xf32>
    %select_n3A_921 = arith.select %eq3A_917, %gather3A_920, %select_n3A_914 : vector<16xi1>, vector<16xf32>
    %eq3A_922 = arith.constant 8 : i32
    %eq3A_923 = vector.broadcast %eq3A_922 : i32 to vector<16xi32>
    %eq3A_924 = arith.cmpi eq, %shift_right_arithmetic3A_860, %eq3A_923 : vector<16xi32>
    %broadcast_in_dim3A_925 = vector.shape_cast %and3A_863 : vector<16xi32> to vector<16x1xi32>
    %gather3A_926 = vector.shape_cast %broadcast_in_dim3A_925 : vector<16x1xi32> to vector<16xi32>
    %gather3A_927 = tpu.dynamic_gather %get3A_28[%gather3A_926] in [0] : vector<16xf32>, vector<16xi32> -> vector<16xf32>
    %select_n3A_928 = arith.select %eq3A_924, %gather3A_927, %select_n3A_921 : vector<16xi1>, vector<16xf32>
    %eq3A_929 = arith.constant 9 : i32
    %eq3A_930 = vector.broadcast %eq3A_929 : i32 to vector<16xi32>
    %eq3A_931 = arith.cmpi eq, %shift_right_arithmetic3A_860, %eq3A_930 : vector<16xi32>
    %broadcast_in_dim3A_932 = vector.shape_cast %and3A_863 : vector<16xi32> to vector<16x1xi32>
    %gather3A_933 = vector.shape_cast %broadcast_in_dim3A_932 : vector<16x1xi32> to vector<16xi32>
    %gather3A_934 = tpu.dynamic_gather %get3A_31[%gather3A_933] in [0] : vector<16xf32>, vector<16xi32> -> vector<16xf32>
    %select_n3A_935 = arith.select %eq3A_931, %gather3A_934, %select_n3A_928 : vector<16xi1>, vector<16xf32>
    %eq3A_936 = arith.constant 10 : i32
    %eq3A_937 = vector.broadcast %eq3A_936 : i32 to vector<16xi32>
    %eq3A_938 = arith.cmpi eq, %shift_right_arithmetic3A_860, %eq3A_937 : vector<16xi32>
    %broadcast_in_dim3A_939 = vector.shape_cast %and3A_863 : vector<16xi32> to vector<16x1xi32>
    %gather3A_940 = vector.shape_cast %broadcast_in_dim3A_939 : vector<16x1xi32> to vector<16xi32>
    %gather3A_941 = tpu.dynamic_gather %get3A_34[%gather3A_940] in [0] : vector<16xf32>, vector<16xi32> -> vector<16xf32>
    %select_n3A_942 = arith.select %eq3A_938, %gather3A_941, %select_n3A_935 : vector<16xi1>, vector<16xf32>
    %eq3A_943 = arith.constant 11 : i32
    %eq3A_944 = vector.broadcast %eq3A_943 : i32 to vector<16xi32>
    %eq3A_945 = arith.cmpi eq, %shift_right_arithmetic3A_860, %eq3A_944 : vector<16xi32>
    %broadcast_in_dim3A_946 = vector.shape_cast %and3A_863 : vector<16xi32> to vector<16x1xi32>
    %gather3A_947 = vector.shape_cast %broadcast_in_dim3A_946 : vector<16x1xi32> to vector<16xi32>
    %gather3A_948 = tpu.dynamic_gather %get3A_37[%gather3A_947] in [0] : vector<16xf32>, vector<16xi32> -> vector<16xf32>
    %select_n3A_949 = arith.select %eq3A_945, %gather3A_948, %select_n3A_942 : vector<16xi1>, vector<16xf32>
    %get3A_950 = arith.constant 128 : index
    %get3A_951 = tpu.vector_load %arg7[%get3A_950] {strides = array<i32>} : memref<512xf32, #tpu.memory_space<vmem>>, vector<16xf32>,
    %get3A_952 = vector.shape_cast %get3A_951 : vector<16xf32> to vector<16xf32>
    %add3A_953 = arith.addf %get3A_952, %select_n3A_949 : vector<16xf32>
    %swap3A_954 = arith.constant 128 : index
    %swap3A_955 = tpu.vector_load %arg9[%swap3A_954] {strides = array<i32>} : memref<512xf32, #tpu.memory_space<vmem>>, vector<16xf32>,
    %swap3A_956 = vector.shape_cast %swap3A_955 : vector<16xf32> to vector<16xf32>
    %swap3A_957 = vector.shape_cast %add3A_953 : vector<16xf32> to vector<16xf32>
    tpu.vector_store %arg9[%swap3A_954], %swap3A_957 {strides = array<i32>} : memref<512xf32, #tpu.memory_space<vmem>>, vector<16xf32>,
    %get3A_958 = arith.constant 144 : index
    %get3A_959 = tpu.vector_load %arg6[%get3A_958] {strides = array<i32>} : memref<512xi32, #tpu.memory_space<vmem>>, vector<16xi32>,
    %get3A_960 = vector.shape_cast %get3A_959 : vector<16xi32> to vector<16xi32>
    %shift_right_arithmetic3A_961 = arith.constant 4 : i32
    %shift_right_arithmetic3A_962 = vector.broadcast %shift_right_arithmetic3A_961 : i32 to vector<16xi32>
    %shift_right_arithmetic3A_963 = arith.shrsi %get3A_960, %shift_right_arithmetic3A_962 : vector<16xi32>
    %and3A_964 = arith.constant 15 : i32
    %and3A_965 = vector.broadcast %and3A_964 : i32 to vector<16xi32>
    %and3A_966 = arith.andi %get3A_960, %and3A_965 : vector<16xi32>
    %broadcast_in_dim3A_967 = arith.constant 0.000000e+00 : f32
    %broadcast_in_dim3A_968 = vector.broadcast %broadcast_in_dim3A_967 : f32 to vector<16xf32>
    %eq3A_969 = arith.constant 0 : i32
    %eq3A_970 = vector.broadcast %eq3A_969 : i32 to vector<16xi32>
    %eq3A_971 = arith.cmpi eq, %shift_right_arithmetic3A_963, %eq3A_970 : vector<16xi32>
    %broadcast_in_dim3A_972 = vector.shape_cast %and3A_966 : vector<16xi32> to vector<16x1xi32>
    %gather3A_973 = vector.shape_cast %broadcast_in_dim3A_972 : vector<16x1xi32> to vector<16xi32>
    %gather3A_974 = tpu.dynamic_gather %get3A_4[%gather3A_973] in [0] : vector<16xf32>, vector<16xi32> -> vector<16xf32>
    %select_n3A_975 = arith.select %eq3A_971, %gather3A_974, %broadcast_in_dim3A_968 : vector<16xi1>, vector<16xf32>
    %eq3A_976 = arith.constant 1 : i32
    %eq3A_977 = vector.broadcast %eq3A_976 : i32 to vector<16xi32>
    %eq3A_978 = arith.cmpi eq, %shift_right_arithmetic3A_963, %eq3A_977 : vector<16xi32>
    %broadcast_in_dim3A_979 = vector.shape_cast %and3A_966 : vector<16xi32> to vector<16x1xi32>
    %gather3A_980 = vector.shape_cast %broadcast_in_dim3A_979 : vector<16x1xi32> to vector<16xi32>
    %gather3A_981 = tpu.dynamic_gather %get3A_7[%gather3A_980] in [0] : vector<16xf32>, vector<16xi32> -> vector<16xf32>
    %select_n3A_982 = arith.select %eq3A_978, %gather3A_981, %select_n3A_975 : vector<16xi1>, vector<16xf32>
    %eq3A_983 = arith.constant 2 : i32
    %eq3A_984 = vector.broadcast %eq3A_983 : i32 to vector<16xi32>
    %eq3A_985 = arith.cmpi eq, %shift_right_arithmetic3A_963, %eq3A_984 : vector<16xi32>
    %broadcast_in_dim3A_986 = vector.shape_cast %and3A_966 : vector<16xi32> to vector<16x1xi32>
    %gather3A_987 = vector.shape_cast %broadcast_in_dim3A_986 : vector<16x1xi32> to vector<16xi32>
    %gather3A_988 = tpu.dynamic_gather %get3A_10[%gather3A_987] in [0] : vector<16xf32>, vector<16xi32> -> vector<16xf32>
    %select_n3A_989 = arith.select %eq3A_985, %gather3A_988, %select_n3A_982 : vector<16xi1>, vector<16xf32>
    %eq3A_990 = arith.constant 3 : i32
    %eq3A_991 = vector.broadcast %eq3A_990 : i32 to vector<16xi32>
    %eq3A_992 = arith.cmpi eq, %shift_right_arithmetic3A_963, %eq3A_991 : vector<16xi32>
    %broadcast_in_dim3A_993 = vector.shape_cast %and3A_966 : vector<16xi32> to vector<16x1xi32>
    %gather3A_994 = vector.shape_cast %broadcast_in_dim3A_993 : vector<16x1xi32> to vector<16xi32>
    %gather3A_995 = tpu.dynamic_gather %get3A_13[%gather3A_994] in [0] : vector<16xf32>, vector<16xi32> -> vector<16xf32>
    %select_n3A_996 = arith.select %eq3A_992, %gather3A_995, %select_n3A_989 : vector<16xi1>, vector<16xf32>
    %eq3A_997 = arith.constant 4 : i32
    %eq3A_998 = vector.broadcast %eq3A_997 : i32 to vector<16xi32>
    %eq3A_999 = arith.cmpi eq, %shift_right_arithmetic3A_963, %eq3A_998 : vector<16xi32>
    %broadcast_in_dim3A_1000 = vector.shape_cast %and3A_966 : vector<16xi32> to vector<16x1xi32>
    %gather3A_1001 = vector.shape_cast %broadcast_in_dim3A_1000 : vector<16x1xi32> to vector<16xi32>
    %gather3A_1002 = tpu.dynamic_gather %get3A_16[%gather3A_1001] in [0] : vector<16xf32>, vector<16xi32> -> vector<16xf32>
    %select_n3A_1003 = arith.select %eq3A_999, %gather3A_1002, %select_n3A_996 : vector<16xi1>, vector<16xf32>
    %eq3A_1004 = arith.constant 5 : i32
    %eq3A_1005 = vector.broadcast %eq3A_1004 : i32 to vector<16xi32>
    %eq3A_1006 = arith.cmpi eq, %shift_right_arithmetic3A_963, %eq3A_1005 : vector<16xi32>
    %broadcast_in_dim3A_1007 = vector.shape_cast %and3A_966 : vector<16xi32> to vector<16x1xi32>
    %gather3A_1008 = vector.shape_cast %broadcast_in_dim3A_1007 : vector<16x1xi32> to vector<16xi32>
    %gather3A_1009 = tpu.dynamic_gather %get3A_19[%gather3A_1008] in [0] : vector<16xf32>, vector<16xi32> -> vector<16xf32>
    %select_n3A_1010 = arith.select %eq3A_1006, %gather3A_1009, %select_n3A_1003 : vector<16xi1>, vector<16xf32>
    %eq3A_1011 = arith.constant 6 : i32
    %eq3A_1012 = vector.broadcast %eq3A_1011 : i32 to vector<16xi32>
    %eq3A_1013 = arith.cmpi eq, %shift_right_arithmetic3A_963, %eq3A_1012 : vector<16xi32>
    %broadcast_in_dim3A_1014 = vector.shape_cast %and3A_966 : vector<16xi32> to vector<16x1xi32>
    %gather3A_1015 = vector.shape_cast %broadcast_in_dim3A_1014 : vector<16x1xi32> to vector<16xi32>
    %gather3A_1016 = tpu.dynamic_gather %get3A_22[%gather3A_1015] in [0] : vector<16xf32>, vector<16xi32> -> vector<16xf32>
    %select_n3A_1017 = arith.select %eq3A_1013, %gather3A_1016, %select_n3A_1010 : vector<16xi1>, vector<16xf32>
    %eq3A_1018 = arith.constant 7 : i32
    %eq3A_1019 = vector.broadcast %eq3A_1018 : i32 to vector<16xi32>
    %eq3A_1020 = arith.cmpi eq, %shift_right_arithmetic3A_963, %eq3A_1019 : vector<16xi32>
    %broadcast_in_dim3A_1021 = vector.shape_cast %and3A_966 : vector<16xi32> to vector<16x1xi32>
    %gather3A_1022 = vector.shape_cast %broadcast_in_dim3A_1021 : vector<16x1xi32> to vector<16xi32>
    %gather3A_1023 = tpu.dynamic_gather %get3A_25[%gather3A_1022] in [0] : vector<16xf32>, vector<16xi32> -> vector<16xf32>
    %select_n3A_1024 = arith.select %eq3A_1020, %gather3A_1023, %select_n3A_1017 : vector<16xi1>, vector<16xf32>
    %eq3A_1025 = arith.constant 8 : i32
    %eq3A_1026 = vector.broadcast %eq3A_1025 : i32 to vector<16xi32>
    %eq3A_1027 = arith.cmpi eq, %shift_right_arithmetic3A_963, %eq3A_1026 : vector<16xi32>
    %broadcast_in_dim3A_1028 = vector.shape_cast %and3A_966 : vector<16xi32> to vector<16x1xi32>
    %gather3A_1029 = vector.shape_cast %broadcast_in_dim3A_1028 : vector<16x1xi32> to vector<16xi32>
    %gather3A_1030 = tpu.dynamic_gather %get3A_28[%gather3A_1029] in [0] : vector<16xf32>, vector<16xi32> -> vector<16xf32>
    %select_n3A_1031 = arith.select %eq3A_1027, %gather3A_1030, %select_n3A_1024 : vector<16xi1>, vector<16xf32>
    %eq3A_1032 = arith.constant 9 : i32
    %eq3A_1033 = vector.broadcast %eq3A_1032 : i32 to vector<16xi32>
    %eq3A_1034 = arith.cmpi eq, %shift_right_arithmetic3A_963, %eq3A_1033 : vector<16xi32>
    %broadcast_in_dim3A_1035 = vector.shape_cast %and3A_966 : vector<16xi32> to vector<16x1xi32>
    %gather3A_1036 = vector.shape_cast %broadcast_in_dim3A_1035 : vector<16x1xi32> to vector<16xi32>
    %gather3A_1037 = tpu.dynamic_gather %get3A_31[%gather3A_1036] in [0] : vector<16xf32>, vector<16xi32> -> vector<16xf32>
    %select_n3A_1038 = arith.select %eq3A_1034, %gather3A_1037, %select_n3A_1031 : vector<16xi1>, vector<16xf32>
    %eq3A_1039 = arith.constant 10 : i32
    %eq3A_1040 = vector.broadcast %eq3A_1039 : i32 to vector<16xi32>
    %eq3A_1041 = arith.cmpi eq, %shift_right_arithmetic3A_963, %eq3A_1040 : vector<16xi32>
    %broadcast_in_dim3A_1042 = vector.shape_cast %and3A_966 : vector<16xi32> to vector<16x1xi32>
    %gather3A_1043 = vector.shape_cast %broadcast_in_dim3A_1042 : vector<16x1xi32> to vector<16xi32>
    %gather3A_1044 = tpu.dynamic_gather %get3A_34[%gather3A_1043] in [0] : vector<16xf32>, vector<16xi32> -> vector<16xf32>
    %select_n3A_1045 = arith.select %eq3A_1041, %gather3A_1044, %select_n3A_1038 : vector<16xi1>, vector<16xf32>
    %eq3A_1046 = arith.constant 11 : i32
    %eq3A_1047 = vector.broadcast %eq3A_1046 : i32 to vector<16xi32>
    %eq3A_1048 = arith.cmpi eq, %shift_right_arithmetic3A_963, %eq3A_1047 : vector<16xi32>
    %broadcast_in_dim3A_1049 = vector.shape_cast %and3A_966 : vector<16xi32> to vector<16x1xi32>
    %gather3A_1050 = vector.shape_cast %broadcast_in_dim3A_1049 : vector<16x1xi32> to vector<16xi32>
    %gather3A_1051 = tpu.dynamic_gather %get3A_37[%gather3A_1050] in [0] : vector<16xf32>, vector<16xi32> -> vector<16xf32>
    %select_n3A_1052 = arith.select %eq3A_1048, %gather3A_1051, %select_n3A_1045 : vector<16xi1>, vector<16xf32>
    %get3A_1053 = arith.constant 144 : index
    %get3A_1054 = tpu.vector_load %arg7[%get3A_1053] {strides = array<i32>} : memref<512xf32, #tpu.memory_space<vmem>>, vector<16xf32>,
    %get3A_1055 = vector.shape_cast %get3A_1054 : vector<16xf32> to vector<16xf32>
    %add3A_1056 = arith.addf %get3A_1055, %select_n3A_1052 : vector<16xf32>
    %swap3A_1057 = arith.constant 144 : index
    %swap3A_1058 = tpu.vector_load %arg9[%swap3A_1057] {strides = array<i32>} : memref<512xf32, #tpu.memory_space<vmem>>, vector<16xf32>,
    %swap3A_1059 = vector.shape_cast %swap3A_1058 : vector<16xf32> to vector<16xf32>
    %swap3A_1060 = vector.shape_cast %add3A_1056 : vector<16xf32> to vector<16xf32>
    tpu.vector_store %arg9[%swap3A_1057], %swap3A_1060 {strides = array<i32>} : memref<512xf32, #tpu.memory_space<vmem>>, vector<16xf32>,
    %get3A_1061 = arith.constant 160 : index
    %get3A_1062 = tpu.vector_load %arg6[%get3A_1061] {strides = array<i32>} : memref<512xi32, #tpu.memory_space<vmem>>, vector<16xi32>,
    %get3A_1063 = vector.shape_cast %get3A_1062 : vector<16xi32> to vector<16xi32>
    %shift_right_arithmetic3A_1064 = arith.constant 4 : i32
    %shift_right_arithmetic3A_1065 = vector.broadcast %shift_right_arithmetic3A_1064 : i32 to vector<16xi32>
    %shift_right_arithmetic3A_1066 = arith.shrsi %get3A_1063, %shift_right_arithmetic3A_1065 : vector<16xi32>
    %and3A_1067 = arith.constant 15 : i32
    %and3A_1068 = vector.broadcast %and3A_1067 : i32 to vector<16xi32>
    %and3A_1069 = arith.andi %get3A_1063, %and3A_1068 : vector<16xi32>
    %broadcast_in_dim3A_1070 = arith.constant 0.000000e+00 : f32
    %broadcast_in_dim3A_1071 = vector.broadcast %broadcast_in_dim3A_1070 : f32 to vector<16xf32>
    %eq3A_1072 = arith.constant 0 : i32
    %eq3A_1073 = vector.broadcast %eq3A_1072 : i32 to vector<16xi32>
    %eq3A_1074 = arith.cmpi eq, %shift_right_arithmetic3A_1066, %eq3A_1073 : vector<16xi32>
    %broadcast_in_dim3A_1075 = vector.shape_cast %and3A_1069 : vector<16xi32> to vector<16x1xi32>
    %gather3A_1076 = vector.shape_cast %broadcast_in_dim3A_1075 : vector<16x1xi32> to vector<16xi32>
    %gather3A_1077 = tpu.dynamic_gather %get3A_4[%gather3A_1076] in [0] : vector<16xf32>, vector<16xi32> -> vector<16xf32>
    %select_n3A_1078 = arith.select %eq3A_1074, %gather3A_1077, %broadcast_in_dim3A_1071 : vector<16xi1>, vector<16xf32>
    %eq3A_1079 = arith.constant 1 : i32
    %eq3A_1080 = vector.broadcast %eq3A_1079 : i32 to vector<16xi32>
    %eq3A_1081 = arith.cmpi eq, %shift_right_arithmetic3A_1066, %eq3A_1080 : vector<16xi32>
    %broadcast_in_dim3A_1082 = vector.shape_cast %and3A_1069 : vector<16xi32> to vector<16x1xi32>
    %gather3A_1083 = vector.shape_cast %broadcast_in_dim3A_1082 : vector<16x1xi32> to vector<16xi32>
    %gather3A_1084 = tpu.dynamic_gather %get3A_7[%gather3A_1083] in [0] : vector<16xf32>, vector<16xi32> -> vector<16xf32>
    %select_n3A_1085 = arith.select %eq3A_1081, %gather3A_1084, %select_n3A_1078 : vector<16xi1>, vector<16xf32>
    %eq3A_1086 = arith.constant 2 : i32
    %eq3A_1087 = vector.broadcast %eq3A_1086 : i32 to vector<16xi32>
    %eq3A_1088 = arith.cmpi eq, %shift_right_arithmetic3A_1066, %eq3A_1087 : vector<16xi32>
    %broadcast_in_dim3A_1089 = vector.shape_cast %and3A_1069 : vector<16xi32> to vector<16x1xi32>
    %gather3A_1090 = vector.shape_cast %broadcast_in_dim3A_1089 : vector<16x1xi32> to vector<16xi32>
    %gather3A_1091 = tpu.dynamic_gather %get3A_10[%gather3A_1090] in [0] : vector<16xf32>, vector<16xi32> -> vector<16xf32>
    %select_n3A_1092 = arith.select %eq3A_1088, %gather3A_1091, %select_n3A_1085 : vector<16xi1>, vector<16xf32>
    %eq3A_1093 = arith.constant 3 : i32
    %eq3A_1094 = vector.broadcast %eq3A_1093 : i32 to vector<16xi32>
    %eq3A_1095 = arith.cmpi eq, %shift_right_arithmetic3A_1066, %eq3A_1094 : vector<16xi32>
    %broadcast_in_dim3A_1096 = vector.shape_cast %and3A_1069 : vector<16xi32> to vector<16x1xi32>
    %gather3A_1097 = vector.shape_cast %broadcast_in_dim3A_1096 : vector<16x1xi32> to vector<16xi32>
    %gather3A_1098 = tpu.dynamic_gather %get3A_13[%gather3A_1097] in [0] : vector<16xf32>, vector<16xi32> -> vector<16xf32>
    %select_n3A_1099 = arith.select %eq3A_1095, %gather3A_1098, %select_n3A_1092 : vector<16xi1>, vector<16xf32>
    %eq3A_1100 = arith.constant 4 : i32
    %eq3A_1101 = vector.broadcast %eq3A_1100 : i32 to vector<16xi32>
    %eq3A_1102 = arith.cmpi eq, %shift_right_arithmetic3A_1066, %eq3A_1101 : vector<16xi32>
    %broadcast_in_dim3A_1103 = vector.shape_cast %and3A_1069 : vector<16xi32> to vector<16x1xi32>
    %gather3A_1104 = vector.shape_cast %broadcast_in_dim3A_1103 : vector<16x1xi32> to vector<16xi32>
    %gather3A_1105 = tpu.dynamic_gather %get3A_16[%gather3A_1104] in [0] : vector<16xf32>, vector<16xi32> -> vector<16xf32>
    %select_n3A_1106 = arith.select %eq3A_1102, %gather3A_1105, %select_n3A_1099 : vector<16xi1>, vector<16xf32>
    %eq3A_1107 = arith.constant 5 : i32
    %eq3A_1108 = vector.broadcast %eq3A_1107 : i32 to vector<16xi32>
    %eq3A_1109 = arith.cmpi eq, %shift_right_arithmetic3A_1066, %eq3A_1108 : vector<16xi32>
    %broadcast_in_dim3A_1110 = vector.shape_cast %and3A_1069 : vector<16xi32> to vector<16x1xi32>
    %gather3A_1111 = vector.shape_cast %broadcast_in_dim3A_1110 : vector<16x1xi32> to vector<16xi32>
    %gather3A_1112 = tpu.dynamic_gather %get3A_19[%gather3A_1111] in [0] : vector<16xf32>, vector<16xi32> -> vector<16xf32>
    %select_n3A_1113 = arith.select %eq3A_1109, %gather3A_1112, %select_n3A_1106 : vector<16xi1>, vector<16xf32>
    %eq3A_1114 = arith.constant 6 : i32
    %eq3A_1115 = vector.broadcast %eq3A_1114 : i32 to vector<16xi32>
    %eq3A_1116 = arith.cmpi eq, %shift_right_arithmetic3A_1066, %eq3A_1115 : vector<16xi32>
    %broadcast_in_dim3A_1117 = vector.shape_cast %and3A_1069 : vector<16xi32> to vector<16x1xi32>
    %gather3A_1118 = vector.shape_cast %broadcast_in_dim3A_1117 : vector<16x1xi32> to vector<16xi32>
    %gather3A_1119 = tpu.dynamic_gather %get3A_22[%gather3A_1118] in [0] : vector<16xf32>, vector<16xi32> -> vector<16xf32>
    %select_n3A_1120 = arith.select %eq3A_1116, %gather3A_1119, %select_n3A_1113 : vector<16xi1>, vector<16xf32>
    %eq3A_1121 = arith.constant 7 : i32
    %eq3A_1122 = vector.broadcast %eq3A_1121 : i32 to vector<16xi32>
    %eq3A_1123 = arith.cmpi eq, %shift_right_arithmetic3A_1066, %eq3A_1122 : vector<16xi32>
    %broadcast_in_dim3A_1124 = vector.shape_cast %and3A_1069 : vector<16xi32> to vector<16x1xi32>
    %gather3A_1125 = vector.shape_cast %broadcast_in_dim3A_1124 : vector<16x1xi32> to vector<16xi32>
    %gather3A_1126 = tpu.dynamic_gather %get3A_25[%gather3A_1125] in [0] : vector<16xf32>, vector<16xi32> -> vector<16xf32>
    %select_n3A_1127 = arith.select %eq3A_1123, %gather3A_1126, %select_n3A_1120 : vector<16xi1>, vector<16xf32>
    %eq3A_1128 = arith.constant 8 : i32
    %eq3A_1129 = vector.broadcast %eq3A_1128 : i32 to vector<16xi32>
    %eq3A_1130 = arith.cmpi eq, %shift_right_arithmetic3A_1066, %eq3A_1129 : vector<16xi32>
    %broadcast_in_dim3A_1131 = vector.shape_cast %and3A_1069 : vector<16xi32> to vector<16x1xi32>
    %gather3A_1132 = vector.shape_cast %broadcast_in_dim3A_1131 : vector<16x1xi32> to vector<16xi32>
    %gather3A_1133 = tpu.dynamic_gather %get3A_28[%gather3A_1132] in [0] : vector<16xf32>, vector<16xi32> -> vector<16xf32>
    %select_n3A_1134 = arith.select %eq3A_1130, %gather3A_1133, %select_n3A_1127 : vector<16xi1>, vector<16xf32>
    %eq3A_1135 = arith.constant 9 : i32
    %eq3A_1136 = vector.broadcast %eq3A_1135 : i32 to vector<16xi32>
    %eq3A_1137 = arith.cmpi eq, %shift_right_arithmetic3A_1066, %eq3A_1136 : vector<16xi32>
    %broadcast_in_dim3A_1138 = vector.shape_cast %and3A_1069 : vector<16xi32> to vector<16x1xi32>
    %gather3A_1139 = vector.shape_cast %broadcast_in_dim3A_1138 : vector<16x1xi32> to vector<16xi32>
    %gather3A_1140 = tpu.dynamic_gather %get3A_31[%gather3A_1139] in [0] : vector<16xf32>, vector<16xi32> -> vector<16xf32>
    %select_n3A_1141 = arith.select %eq3A_1137, %gather3A_1140, %select_n3A_1134 : vector<16xi1>, vector<16xf32>
    %eq3A_1142 = arith.constant 10 : i32
    %eq3A_1143 = vector.broadcast %eq3A_1142 : i32 to vector<16xi32>
    %eq3A_1144 = arith.cmpi eq, %shift_right_arithmetic3A_1066, %eq3A_1143 : vector<16xi32>
    %broadcast_in_dim3A_1145 = vector.shape_cast %and3A_1069 : vector<16xi32> to vector<16x1xi32>
    %gather3A_1146 = vector.shape_cast %broadcast_in_dim3A_1145 : vector<16x1xi32> to vector<16xi32>
    %gather3A_1147 = tpu.dynamic_gather %get3A_34[%gather3A_1146] in [0] : vector<16xf32>, vector<16xi32> -> vector<16xf32>
    %select_n3A_1148 = arith.select %eq3A_1144, %gather3A_1147, %select_n3A_1141 : vector<16xi1>, vector<16xf32>
    %eq3A_1149 = arith.constant 11 : i32
    %eq3A_1150 = vector.broadcast %eq3A_1149 : i32 to vector<16xi32>
    %eq3A_1151 = arith.cmpi eq, %shift_right_arithmetic3A_1066, %eq3A_1150 : vector<16xi32>
    %broadcast_in_dim3A_1152 = vector.shape_cast %and3A_1069 : vector<16xi32> to vector<16x1xi32>
    %gather3A_1153 = vector.shape_cast %broadcast_in_dim3A_1152 : vector<16x1xi32> to vector<16xi32>
    %gather3A_1154 = tpu.dynamic_gather %get3A_37[%gather3A_1153] in [0] : vector<16xf32>, vector<16xi32> -> vector<16xf32>
    %select_n3A_1155 = arith.select %eq3A_1151, %gather3A_1154, %select_n3A_1148 : vector<16xi1>, vector<16xf32>
    %get3A_1156 = arith.constant 160 : index
    %get3A_1157 = tpu.vector_load %arg7[%get3A_1156] {strides = array<i32>} : memref<512xf32, #tpu.memory_space<vmem>>, vector<16xf32>,
    %get3A_1158 = vector.shape_cast %get3A_1157 : vector<16xf32> to vector<16xf32>
    %add3A_1159 = arith.addf %get3A_1158, %select_n3A_1155 : vector<16xf32>
    %swap3A_1160 = arith.constant 160 : index
    %swap3A_1161 = tpu.vector_load %arg9[%swap3A_1160] {strides = array<i32>} : memref<512xf32, #tpu.memory_space<vmem>>, vector<16xf32>,
    %swap3A_1162 = vector.shape_cast %swap3A_1161 : vector<16xf32> to vector<16xf32>
    %swap3A_1163 = vector.shape_cast %add3A_1159 : vector<16xf32> to vector<16xf32>
    tpu.vector_store %arg9[%swap3A_1160], %swap3A_1163 {strides = array<i32>} : memref<512xf32, #tpu.memory_space<vmem>>, vector<16xf32>,
    %get3A_1164 = arith.constant 176 : index
    %get3A_1165 = tpu.vector_load %arg6[%get3A_1164] {strides = array<i32>} : memref<512xi32, #tpu.memory_space<vmem>>, vector<16xi32>,
    %get3A_1166 = vector.shape_cast %get3A_1165 : vector<16xi32> to vector<16xi32>
    %shift_right_arithmetic3A_1167 = arith.constant 4 : i32
    %shift_right_arithmetic3A_1168 = vector.broadcast %shift_right_arithmetic3A_1167 : i32 to vector<16xi32>
    %shift_right_arithmetic3A_1169 = arith.shrsi %get3A_1166, %shift_right_arithmetic3A_1168 : vector<16xi32>
    %and3A_1170 = arith.constant 15 : i32
    %and3A_1171 = vector.broadcast %and3A_1170 : i32 to vector<16xi32>
    %and3A_1172 = arith.andi %get3A_1166, %and3A_1171 : vector<16xi32>
    %broadcast_in_dim3A_1173 = arith.constant 0.000000e+00 : f32
    %broadcast_in_dim3A_1174 = vector.broadcast %broadcast_in_dim3A_1173 : f32 to vector<16xf32>
    %eq3A_1175 = arith.constant 0 : i32
    %eq3A_1176 = vector.broadcast %eq3A_1175 : i32 to vector<16xi32>
    %eq3A_1177 = arith.cmpi eq, %shift_right_arithmetic3A_1169, %eq3A_1176 : vector<16xi32>
    %broadcast_in_dim3A_1178 = vector.shape_cast %and3A_1172 : vector<16xi32> to vector<16x1xi32>
    %gather3A_1179 = vector.shape_cast %broadcast_in_dim3A_1178 : vector<16x1xi32> to vector<16xi32>
    %gather3A_1180 = tpu.dynamic_gather %get3A_4[%gather3A_1179] in [0] : vector<16xf32>, vector<16xi32> -> vector<16xf32>
    %select_n3A_1181 = arith.select %eq3A_1177, %gather3A_1180, %broadcast_in_dim3A_1174 : vector<16xi1>, vector<16xf32>
    %eq3A_1182 = arith.constant 1 : i32
    %eq3A_1183 = vector.broadcast %eq3A_1182 : i32 to vector<16xi32>
    %eq3A_1184 = arith.cmpi eq, %shift_right_arithmetic3A_1169, %eq3A_1183 : vector<16xi32>
    %broadcast_in_dim3A_1185 = vector.shape_cast %and3A_1172 : vector<16xi32> to vector<16x1xi32>
    %gather3A_1186 = vector.shape_cast %broadcast_in_dim3A_1185 : vector<16x1xi32> to vector<16xi32>
    %gather3A_1187 = tpu.dynamic_gather %get3A_7[%gather3A_1186] in [0] : vector<16xf32>, vector<16xi32> -> vector<16xf32>
    %select_n3A_1188 = arith.select %eq3A_1184, %gather3A_1187, %select_n3A_1181 : vector<16xi1>, vector<16xf32>
    %eq3A_1189 = arith.constant 2 : i32
    %eq3A_1190 = vector.broadcast %eq3A_1189 : i32 to vector<16xi32>
    %eq3A_1191 = arith.cmpi eq, %shift_right_arithmetic3A_1169, %eq3A_1190 : vector<16xi32>
    %broadcast_in_dim3A_1192 = vector.shape_cast %and3A_1172 : vector<16xi32> to vector<16x1xi32>
    %gather3A_1193 = vector.shape_cast %broadcast_in_dim3A_1192 : vector<16x1xi32> to vector<16xi32>
    %gather3A_1194 = tpu.dynamic_gather %get3A_10[%gather3A_1193] in [0] : vector<16xf32>, vector<16xi32> -> vector<16xf32>
    %select_n3A_1195 = arith.select %eq3A_1191, %gather3A_1194, %select_n3A_1188 : vector<16xi1>, vector<16xf32>
    %eq3A_1196 = arith.constant 3 : i32
    %eq3A_1197 = vector.broadcast %eq3A_1196 : i32 to vector<16xi32>
    %eq3A_1198 = arith.cmpi eq, %shift_right_arithmetic3A_1169, %eq3A_1197 : vector<16xi32>
    %broadcast_in_dim3A_1199 = vector.shape_cast %and3A_1172 : vector<16xi32> to vector<16x1xi32>
    %gather3A_1200 = vector.shape_cast %broadcast_in_dim3A_1199 : vector<16x1xi32> to vector<16xi32>
    %gather3A_1201 = tpu.dynamic_gather %get3A_13[%gather3A_1200] in [0] : vector<16xf32>, vector<16xi32> -> vector<16xf32>
    %select_n3A_1202 = arith.select %eq3A_1198, %gather3A_1201, %select_n3A_1195 : vector<16xi1>, vector<16xf32>
    %eq3A_1203 = arith.constant 4 : i32
    %eq3A_1204 = vector.broadcast %eq3A_1203 : i32 to vector<16xi32>
    %eq3A_1205 = arith.cmpi eq, %shift_right_arithmetic3A_1169, %eq3A_1204 : vector<16xi32>
    %broadcast_in_dim3A_1206 = vector.shape_cast %and3A_1172 : vector<16xi32> to vector<16x1xi32>
    %gather3A_1207 = vector.shape_cast %broadcast_in_dim3A_1206 : vector<16x1xi32> to vector<16xi32>
    %gather3A_1208 = tpu.dynamic_gather %get3A_16[%gather3A_1207] in [0] : vector<16xf32>, vector<16xi32> -> vector<16xf32>
    %select_n3A_1209 = arith.select %eq3A_1205, %gather3A_1208, %select_n3A_1202 : vector<16xi1>, vector<16xf32>
    %eq3A_1210 = arith.constant 5 : i32
    %eq3A_1211 = vector.broadcast %eq3A_1210 : i32 to vector<16xi32>
    %eq3A_1212 = arith.cmpi eq, %shift_right_arithmetic3A_1169, %eq3A_1211 : vector<16xi32>
    %broadcast_in_dim3A_1213 = vector.shape_cast %and3A_1172 : vector<16xi32> to vector<16x1xi32>
    %gather3A_1214 = vector.shape_cast %broadcast_in_dim3A_1213 : vector<16x1xi32> to vector<16xi32>
    %gather3A_1215 = tpu.dynamic_gather %get3A_19[%gather3A_1214] in [0] : vector<16xf32>, vector<16xi32> -> vector<16xf32>
    %select_n3A_1216 = arith.select %eq3A_1212, %gather3A_1215, %select_n3A_1209 : vector<16xi1>, vector<16xf32>
    %eq3A_1217 = arith.constant 6 : i32
    %eq3A_1218 = vector.broadcast %eq3A_1217 : i32 to vector<16xi32>
    %eq3A_1219 = arith.cmpi eq, %shift_right_arithmetic3A_1169, %eq3A_1218 : vector<16xi32>
    %broadcast_in_dim3A_1220 = vector.shape_cast %and3A_1172 : vector<16xi32> to vector<16x1xi32>
    %gather3A_1221 = vector.shape_cast %broadcast_in_dim3A_1220 : vector<16x1xi32> to vector<16xi32>
    %gather3A_1222 = tpu.dynamic_gather %get3A_22[%gather3A_1221] in [0] : vector<16xf32>, vector<16xi32> -> vector<16xf32>
    %select_n3A_1223 = arith.select %eq3A_1219, %gather3A_1222, %select_n3A_1216 : vector<16xi1>, vector<16xf32>
    %eq3A_1224 = arith.constant 7 : i32
    %eq3A_1225 = vector.broadcast %eq3A_1224 : i32 to vector<16xi32>
    %eq3A_1226 = arith.cmpi eq, %shift_right_arithmetic3A_1169, %eq3A_1225 : vector<16xi32>
    %broadcast_in_dim3A_1227 = vector.shape_cast %and3A_1172 : vector<16xi32> to vector<16x1xi32>
    %gather3A_1228 = vector.shape_cast %broadcast_in_dim3A_1227 : vector<16x1xi32> to vector<16xi32>
    %gather3A_1229 = tpu.dynamic_gather %get3A_25[%gather3A_1228] in [0] : vector<16xf32>, vector<16xi32> -> vector<16xf32>
    %select_n3A_1230 = arith.select %eq3A_1226, %gather3A_1229, %select_n3A_1223 : vector<16xi1>, vector<16xf32>
    %eq3A_1231 = arith.constant 8 : i32
    %eq3A_1232 = vector.broadcast %eq3A_1231 : i32 to vector<16xi32>
    %eq3A_1233 = arith.cmpi eq, %shift_right_arithmetic3A_1169, %eq3A_1232 : vector<16xi32>
    %broadcast_in_dim3A_1234 = vector.shape_cast %and3A_1172 : vector<16xi32> to vector<16x1xi32>
    %gather3A_1235 = vector.shape_cast %broadcast_in_dim3A_1234 : vector<16x1xi32> to vector<16xi32>
    %gather3A_1236 = tpu.dynamic_gather %get3A_28[%gather3A_1235] in [0] : vector<16xf32>, vector<16xi32> -> vector<16xf32>
    %select_n3A_1237 = arith.select %eq3A_1233, %gather3A_1236, %select_n3A_1230 : vector<16xi1>, vector<16xf32>
    %eq3A_1238 = arith.constant 9 : i32
    %eq3A_1239 = vector.broadcast %eq3A_1238 : i32 to vector<16xi32>
    %eq3A_1240 = arith.cmpi eq, %shift_right_arithmetic3A_1169, %eq3A_1239 : vector<16xi32>
    %broadcast_in_dim3A_1241 = vector.shape_cast %and3A_1172 : vector<16xi32> to vector<16x1xi32>
    %gather3A_1242 = vector.shape_cast %broadcast_in_dim3A_1241 : vector<16x1xi32> to vector<16xi32>
    %gather3A_1243 = tpu.dynamic_gather %get3A_31[%gather3A_1242] in [0] : vector<16xf32>, vector<16xi32> -> vector<16xf32>
    %select_n3A_1244 = arith.select %eq3A_1240, %gather3A_1243, %select_n3A_1237 : vector<16xi1>, vector<16xf32>
    %eq3A_1245 = arith.constant 10 : i32
    %eq3A_1246 = vector.broadcast %eq3A_1245 : i32 to vector<16xi32>
    %eq3A_1247 = arith.cmpi eq, %shift_right_arithmetic3A_1169, %eq3A_1246 : vector<16xi32>
    %broadcast_in_dim3A_1248 = vector.shape_cast %and3A_1172 : vector<16xi32> to vector<16x1xi32>
    %gather3A_1249 = vector.shape_cast %broadcast_in_dim3A_1248 : vector<16x1xi32> to vector<16xi32>
    %gather3A_1250 = tpu.dynamic_gather %get3A_34[%gather3A_1249] in [0] : vector<16xf32>, vector<16xi32> -> vector<16xf32>
    %select_n3A_1251 = arith.select %eq3A_1247, %gather3A_1250, %select_n3A_1244 : vector<16xi1>, vector<16xf32>
    %eq3A_1252 = arith.constant 11 : i32
    %eq3A_1253 = vector.broadcast %eq3A_1252 : i32 to vector<16xi32>
    %eq3A_1254 = arith.cmpi eq, %shift_right_arithmetic3A_1169, %eq3A_1253 : vector<16xi32>
    %broadcast_in_dim3A_1255 = vector.shape_cast %and3A_1172 : vector<16xi32> to vector<16x1xi32>
    %gather3A_1256 = vector.shape_cast %broadcast_in_dim3A_1255 : vector<16x1xi32> to vector<16xi32>
    %gather3A_1257 = tpu.dynamic_gather %get3A_37[%gather3A_1256] in [0] : vector<16xf32>, vector<16xi32> -> vector<16xf32>
    %select_n3A_1258 = arith.select %eq3A_1254, %gather3A_1257, %select_n3A_1251 : vector<16xi1>, vector<16xf32>
    %get3A_1259 = arith.constant 176 : index
    %get3A_1260 = tpu.vector_load %arg7[%get3A_1259] {strides = array<i32>} : memref<512xf32, #tpu.memory_space<vmem>>, vector<16xf32>,
    %get3A_1261 = vector.shape_cast %get3A_1260 : vector<16xf32> to vector<16xf32>
    %add3A_1262 = arith.addf %get3A_1261, %select_n3A_1258 : vector<16xf32>
    %swap3A_1263 = arith.constant 176 : index
    %swap3A_1264 = tpu.vector_load %arg9[%swap3A_1263] {strides = array<i32>} : memref<512xf32, #tpu.memory_space<vmem>>, vector<16xf32>,
    %swap3A_1265 = vector.shape_cast %swap3A_1264 : vector<16xf32> to vector<16xf32>
    %swap3A_1266 = vector.shape_cast %add3A_1262 : vector<16xf32> to vector<16xf32>
    tpu.vector_store %arg9[%swap3A_1263], %swap3A_1266 {strides = array<i32>} : memref<512xf32, #tpu.memory_space<vmem>>, vector<16xf32>,
    %get3A_1267 = arith.constant 192 : index
    %get3A_1268 = tpu.vector_load %arg6[%get3A_1267] {strides = array<i32>} : memref<512xi32, #tpu.memory_space<vmem>>, vector<16xi32>,
    %get3A_1269 = vector.shape_cast %get3A_1268 : vector<16xi32> to vector<16xi32>
    %shift_right_arithmetic3A_1270 = arith.constant 4 : i32
    %shift_right_arithmetic3A_1271 = vector.broadcast %shift_right_arithmetic3A_1270 : i32 to vector<16xi32>
    %shift_right_arithmetic3A_1272 = arith.shrsi %get3A_1269, %shift_right_arithmetic3A_1271 : vector<16xi32>
    %and3A_1273 = arith.constant 15 : i32
    %and3A_1274 = vector.broadcast %and3A_1273 : i32 to vector<16xi32>
    %and3A_1275 = arith.andi %get3A_1269, %and3A_1274 : vector<16xi32>
    %broadcast_in_dim3A_1276 = arith.constant 0.000000e+00 : f32
    %broadcast_in_dim3A_1277 = vector.broadcast %broadcast_in_dim3A_1276 : f32 to vector<16xf32>
    %eq3A_1278 = arith.constant 0 : i32
    %eq3A_1279 = vector.broadcast %eq3A_1278 : i32 to vector<16xi32>
    %eq3A_1280 = arith.cmpi eq, %shift_right_arithmetic3A_1272, %eq3A_1279 : vector<16xi32>
    %broadcast_in_dim3A_1281 = vector.shape_cast %and3A_1275 : vector<16xi32> to vector<16x1xi32>
    %gather3A_1282 = vector.shape_cast %broadcast_in_dim3A_1281 : vector<16x1xi32> to vector<16xi32>
    %gather3A_1283 = tpu.dynamic_gather %get3A_4[%gather3A_1282] in [0] : vector<16xf32>, vector<16xi32> -> vector<16xf32>
    %select_n3A_1284 = arith.select %eq3A_1280, %gather3A_1283, %broadcast_in_dim3A_1277 : vector<16xi1>, vector<16xf32>
    %eq3A_1285 = arith.constant 1 : i32
    %eq3A_1286 = vector.broadcast %eq3A_1285 : i32 to vector<16xi32>
    %eq3A_1287 = arith.cmpi eq, %shift_right_arithmetic3A_1272, %eq3A_1286 : vector<16xi32>
    %broadcast_in_dim3A_1288 = vector.shape_cast %and3A_1275 : vector<16xi32> to vector<16x1xi32>
    %gather3A_1289 = vector.shape_cast %broadcast_in_dim3A_1288 : vector<16x1xi32> to vector<16xi32>
    %gather3A_1290 = tpu.dynamic_gather %get3A_7[%gather3A_1289] in [0] : vector<16xf32>, vector<16xi32> -> vector<16xf32>
    %select_n3A_1291 = arith.select %eq3A_1287, %gather3A_1290, %select_n3A_1284 : vector<16xi1>, vector<16xf32>
    %eq3A_1292 = arith.constant 2 : i32
    %eq3A_1293 = vector.broadcast %eq3A_1292 : i32 to vector<16xi32>
    %eq3A_1294 = arith.cmpi eq, %shift_right_arithmetic3A_1272, %eq3A_1293 : vector<16xi32>
    %broadcast_in_dim3A_1295 = vector.shape_cast %and3A_1275 : vector<16xi32> to vector<16x1xi32>
    %gather3A_1296 = vector.shape_cast %broadcast_in_dim3A_1295 : vector<16x1xi32> to vector<16xi32>
    %gather3A_1297 = tpu.dynamic_gather %get3A_10[%gather3A_1296] in [0] : vector<16xf32>, vector<16xi32> -> vector<16xf32>
    %select_n3A_1298 = arith.select %eq3A_1294, %gather3A_1297, %select_n3A_1291 : vector<16xi1>, vector<16xf32>
    %eq3A_1299 = arith.constant 3 : i32
    %eq3A_1300 = vector.broadcast %eq3A_1299 : i32 to vector<16xi32>
    %eq3A_1301 = arith.cmpi eq, %shift_right_arithmetic3A_1272, %eq3A_1300 : vector<16xi32>
    %broadcast_in_dim3A_1302 = vector.shape_cast %and3A_1275 : vector<16xi32> to vector<16x1xi32>
    %gather3A_1303 = vector.shape_cast %broadcast_in_dim3A_1302 : vector<16x1xi32> to vector<16xi32>
    %gather3A_1304 = tpu.dynamic_gather %get3A_13[%gather3A_1303] in [0] : vector<16xf32>, vector<16xi32> -> vector<16xf32>
    %select_n3A_1305 = arith.select %eq3A_1301, %gather3A_1304, %select_n3A_1298 : vector<16xi1>, vector<16xf32>
    %eq3A_1306 = arith.constant 4 : i32
    %eq3A_1307 = vector.broadcast %eq3A_1306 : i32 to vector<16xi32>
    %eq3A_1308 = arith.cmpi eq, %shift_right_arithmetic3A_1272, %eq3A_1307 : vector<16xi32>
    %broadcast_in_dim3A_1309 = vector.shape_cast %and3A_1275 : vector<16xi32> to vector<16x1xi32>
    %gather3A_1310 = vector.shape_cast %broadcast_in_dim3A_1309 : vector<16x1xi32> to vector<16xi32>
    %gather3A_1311 = tpu.dynamic_gather %get3A_16[%gather3A_1310] in [0] : vector<16xf32>, vector<16xi32> -> vector<16xf32>
    %select_n3A_1312 = arith.select %eq3A_1308, %gather3A_1311, %select_n3A_1305 : vector<16xi1>, vector<16xf32>
    %eq3A_1313 = arith.constant 5 : i32
    %eq3A_1314 = vector.broadcast %eq3A_1313 : i32 to vector<16xi32>
    %eq3A_1315 = arith.cmpi eq, %shift_right_arithmetic3A_1272, %eq3A_1314 : vector<16xi32>
    %broadcast_in_dim3A_1316 = vector.shape_cast %and3A_1275 : vector<16xi32> to vector<16x1xi32>
    %gather3A_1317 = vector.shape_cast %broadcast_in_dim3A_1316 : vector<16x1xi32> to vector<16xi32>
    %gather3A_1318 = tpu.dynamic_gather %get3A_19[%gather3A_1317] in [0] : vector<16xf32>, vector<16xi32> -> vector<16xf32>
    %select_n3A_1319 = arith.select %eq3A_1315, %gather3A_1318, %select_n3A_1312 : vector<16xi1>, vector<16xf32>
    %eq3A_1320 = arith.constant 6 : i32
    %eq3A_1321 = vector.broadcast %eq3A_1320 : i32 to vector<16xi32>
    %eq3A_1322 = arith.cmpi eq, %shift_right_arithmetic3A_1272, %eq3A_1321 : vector<16xi32>
    %broadcast_in_dim3A_1323 = vector.shape_cast %and3A_1275 : vector<16xi32> to vector<16x1xi32>
    %gather3A_1324 = vector.shape_cast %broadcast_in_dim3A_1323 : vector<16x1xi32> to vector<16xi32>
    %gather3A_1325 = tpu.dynamic_gather %get3A_22[%gather3A_1324] in [0] : vector<16xf32>, vector<16xi32> -> vector<16xf32>
    %select_n3A_1326 = arith.select %eq3A_1322, %gather3A_1325, %select_n3A_1319 : vector<16xi1>, vector<16xf32>
    %eq3A_1327 = arith.constant 7 : i32
    %eq3A_1328 = vector.broadcast %eq3A_1327 : i32 to vector<16xi32>
    %eq3A_1329 = arith.cmpi eq, %shift_right_arithmetic3A_1272, %eq3A_1328 : vector<16xi32>
    %broadcast_in_dim3A_1330 = vector.shape_cast %and3A_1275 : vector<16xi32> to vector<16x1xi32>
    %gather3A_1331 = vector.shape_cast %broadcast_in_dim3A_1330 : vector<16x1xi32> to vector<16xi32>
    %gather3A_1332 = tpu.dynamic_gather %get3A_25[%gather3A_1331] in [0] : vector<16xf32>, vector<16xi32> -> vector<16xf32>
    %select_n3A_1333 = arith.select %eq3A_1329, %gather3A_1332, %select_n3A_1326 : vector<16xi1>, vector<16xf32>
    %eq3A_1334 = arith.constant 8 : i32
    %eq3A_1335 = vector.broadcast %eq3A_1334 : i32 to vector<16xi32>
    %eq3A_1336 = arith.cmpi eq, %shift_right_arithmetic3A_1272, %eq3A_1335 : vector<16xi32>
    %broadcast_in_dim3A_1337 = vector.shape_cast %and3A_1275 : vector<16xi32> to vector<16x1xi32>
    %gather3A_1338 = vector.shape_cast %broadcast_in_dim3A_1337 : vector<16x1xi32> to vector<16xi32>
    %gather3A_1339 = tpu.dynamic_gather %get3A_28[%gather3A_1338] in [0] : vector<16xf32>, vector<16xi32> -> vector<16xf32>
    %select_n3A_1340 = arith.select %eq3A_1336, %gather3A_1339, %select_n3A_1333 : vector<16xi1>, vector<16xf32>
    %eq3A_1341 = arith.constant 9 : i32
    %eq3A_1342 = vector.broadcast %eq3A_1341 : i32 to vector<16xi32>
    %eq3A_1343 = arith.cmpi eq, %shift_right_arithmetic3A_1272, %eq3A_1342 : vector<16xi32>
    %broadcast_in_dim3A_1344 = vector.shape_cast %and3A_1275 : vector<16xi32> to vector<16x1xi32>
    %gather3A_1345 = vector.shape_cast %broadcast_in_dim3A_1344 : vector<16x1xi32> to vector<16xi32>
    %gather3A_1346 = tpu.dynamic_gather %get3A_31[%gather3A_1345] in [0] : vector<16xf32>, vector<16xi32> -> vector<16xf32>
    %select_n3A_1347 = arith.select %eq3A_1343, %gather3A_1346, %select_n3A_1340 : vector<16xi1>, vector<16xf32>
    %eq3A_1348 = arith.constant 10 : i32
    %eq3A_1349 = vector.broadcast %eq3A_1348 : i32 to vector<16xi32>
    %eq3A_1350 = arith.cmpi eq, %shift_right_arithmetic3A_1272, %eq3A_1349 : vector<16xi32>
    %broadcast_in_dim3A_1351 = vector.shape_cast %and3A_1275 : vector<16xi32> to vector<16x1xi32>
    %gather3A_1352 = vector.shape_cast %broadcast_in_dim3A_1351 : vector<16x1xi32> to vector<16xi32>
    %gather3A_1353 = tpu.dynamic_gather %get3A_34[%gather3A_1352] in [0] : vector<16xf32>, vector<16xi32> -> vector<16xf32>
    %select_n3A_1354 = arith.select %eq3A_1350, %gather3A_1353, %select_n3A_1347 : vector<16xi1>, vector<16xf32>
    %eq3A_1355 = arith.constant 11 : i32
    %eq3A_1356 = vector.broadcast %eq3A_1355 : i32 to vector<16xi32>
    %eq3A_1357 = arith.cmpi eq, %shift_right_arithmetic3A_1272, %eq3A_1356 : vector<16xi32>
    %broadcast_in_dim3A_1358 = vector.shape_cast %and3A_1275 : vector<16xi32> to vector<16x1xi32>
    %gather3A_1359 = vector.shape_cast %broadcast_in_dim3A_1358 : vector<16x1xi32> to vector<16xi32>
    %gather3A_1360 = tpu.dynamic_gather %get3A_37[%gather3A_1359] in [0] : vector<16xf32>, vector<16xi32> -> vector<16xf32>
    %select_n3A_1361 = arith.select %eq3A_1357, %gather3A_1360, %select_n3A_1354 : vector<16xi1>, vector<16xf32>
    %get3A_1362 = arith.constant 192 : index
    %get3A_1363 = tpu.vector_load %arg7[%get3A_1362] {strides = array<i32>} : memref<512xf32, #tpu.memory_space<vmem>>, vector<16xf32>,
    %get3A_1364 = vector.shape_cast %get3A_1363 : vector<16xf32> to vector<16xf32>
    %add3A_1365 = arith.addf %get3A_1364, %select_n3A_1361 : vector<16xf32>
    %swap3A_1366 = arith.constant 192 : index
    %swap3A_1367 = tpu.vector_load %arg9[%swap3A_1366] {strides = array<i32>} : memref<512xf32, #tpu.memory_space<vmem>>, vector<16xf32>,
    %swap3A_1368 = vector.shape_cast %swap3A_1367 : vector<16xf32> to vector<16xf32>
    %swap3A_1369 = vector.shape_cast %add3A_1365 : vector<16xf32> to vector<16xf32>
    tpu.vector_store %arg9[%swap3A_1366], %swap3A_1369 {strides = array<i32>} : memref<512xf32, #tpu.memory_space<vmem>>, vector<16xf32>,
    %get3A_1370 = arith.constant 208 : index
    %get3A_1371 = tpu.vector_load %arg6[%get3A_1370] {strides = array<i32>} : memref<512xi32, #tpu.memory_space<vmem>>, vector<16xi32>,
    %get3A_1372 = vector.shape_cast %get3A_1371 : vector<16xi32> to vector<16xi32>
    %shift_right_arithmetic3A_1373 = arith.constant 4 : i32
    %shift_right_arithmetic3A_1374 = vector.broadcast %shift_right_arithmetic3A_1373 : i32 to vector<16xi32>
    %shift_right_arithmetic3A_1375 = arith.shrsi %get3A_1372, %shift_right_arithmetic3A_1374 : vector<16xi32>
    %and3A_1376 = arith.constant 15 : i32
    %and3A_1377 = vector.broadcast %and3A_1376 : i32 to vector<16xi32>
    %and3A_1378 = arith.andi %get3A_1372, %and3A_1377 : vector<16xi32>
    %broadcast_in_dim3A_1379 = arith.constant 0.000000e+00 : f32
    %broadcast_in_dim3A_1380 = vector.broadcast %broadcast_in_dim3A_1379 : f32 to vector<16xf32>
    %eq3A_1381 = arith.constant 0 : i32
    %eq3A_1382 = vector.broadcast %eq3A_1381 : i32 to vector<16xi32>
    %eq3A_1383 = arith.cmpi eq, %shift_right_arithmetic3A_1375, %eq3A_1382 : vector<16xi32>
    %broadcast_in_dim3A_1384 = vector.shape_cast %and3A_1378 : vector<16xi32> to vector<16x1xi32>
    %gather3A_1385 = vector.shape_cast %broadcast_in_dim3A_1384 : vector<16x1xi32> to vector<16xi32>
    %gather3A_1386 = tpu.dynamic_gather %get3A_4[%gather3A_1385] in [0] : vector<16xf32>, vector<16xi32> -> vector<16xf32>
    %select_n3A_1387 = arith.select %eq3A_1383, %gather3A_1386, %broadcast_in_dim3A_1380 : vector<16xi1>, vector<16xf32>
    %eq3A_1388 = arith.constant 1 : i32
    %eq3A_1389 = vector.broadcast %eq3A_1388 : i32 to vector<16xi32>
    %eq3A_1390 = arith.cmpi eq, %shift_right_arithmetic3A_1375, %eq3A_1389 : vector<16xi32>
    %broadcast_in_dim3A_1391 = vector.shape_cast %and3A_1378 : vector<16xi32> to vector<16x1xi32>
    %gather3A_1392 = vector.shape_cast %broadcast_in_dim3A_1391 : vector<16x1xi32> to vector<16xi32>
    %gather3A_1393 = tpu.dynamic_gather %get3A_7[%gather3A_1392] in [0] : vector<16xf32>, vector<16xi32> -> vector<16xf32>
    %select_n3A_1394 = arith.select %eq3A_1390, %gather3A_1393, %select_n3A_1387 : vector<16xi1>, vector<16xf32>
    %eq3A_1395 = arith.constant 2 : i32
    %eq3A_1396 = vector.broadcast %eq3A_1395 : i32 to vector<16xi32>
    %eq3A_1397 = arith.cmpi eq, %shift_right_arithmetic3A_1375, %eq3A_1396 : vector<16xi32>
    %broadcast_in_dim3A_1398 = vector.shape_cast %and3A_1378 : vector<16xi32> to vector<16x1xi32>
    %gather3A_1399 = vector.shape_cast %broadcast_in_dim3A_1398 : vector<16x1xi32> to vector<16xi32>
    %gather3A_1400 = tpu.dynamic_gather %get3A_10[%gather3A_1399] in [0] : vector<16xf32>, vector<16xi32> -> vector<16xf32>
    %select_n3A_1401 = arith.select %eq3A_1397, %gather3A_1400, %select_n3A_1394 : vector<16xi1>, vector<16xf32>
    %eq3A_1402 = arith.constant 3 : i32
    %eq3A_1403 = vector.broadcast %eq3A_1402 : i32 to vector<16xi32>
    %eq3A_1404 = arith.cmpi eq, %shift_right_arithmetic3A_1375, %eq3A_1403 : vector<16xi32>
    %broadcast_in_dim3A_1405 = vector.shape_cast %and3A_1378 : vector<16xi32> to vector<16x1xi32>
    %gather3A_1406 = vector.shape_cast %broadcast_in_dim3A_1405 : vector<16x1xi32> to vector<16xi32>
    %gather3A_1407 = tpu.dynamic_gather %get3A_13[%gather3A_1406] in [0] : vector<16xf32>, vector<16xi32> -> vector<16xf32>
    %select_n3A_1408 = arith.select %eq3A_1404, %gather3A_1407, %select_n3A_1401 : vector<16xi1>, vector<16xf32>
    %eq3A_1409 = arith.constant 4 : i32
    %eq3A_1410 = vector.broadcast %eq3A_1409 : i32 to vector<16xi32>
    %eq3A_1411 = arith.cmpi eq, %shift_right_arithmetic3A_1375, %eq3A_1410 : vector<16xi32>
    %broadcast_in_dim3A_1412 = vector.shape_cast %and3A_1378 : vector<16xi32> to vector<16x1xi32>
    %gather3A_1413 = vector.shape_cast %broadcast_in_dim3A_1412 : vector<16x1xi32> to vector<16xi32>
    %gather3A_1414 = tpu.dynamic_gather %get3A_16[%gather3A_1413] in [0] : vector<16xf32>, vector<16xi32> -> vector<16xf32>
    %select_n3A_1415 = arith.select %eq3A_1411, %gather3A_1414, %select_n3A_1408 : vector<16xi1>, vector<16xf32>
    %eq3A_1416 = arith.constant 5 : i32
    %eq3A_1417 = vector.broadcast %eq3A_1416 : i32 to vector<16xi32>
    %eq3A_1418 = arith.cmpi eq, %shift_right_arithmetic3A_1375, %eq3A_1417 : vector<16xi32>
    %broadcast_in_dim3A_1419 = vector.shape_cast %and3A_1378 : vector<16xi32> to vector<16x1xi32>
    %gather3A_1420 = vector.shape_cast %broadcast_in_dim3A_1419 : vector<16x1xi32> to vector<16xi32>
    %gather3A_1421 = tpu.dynamic_gather %get3A_19[%gather3A_1420] in [0] : vector<16xf32>, vector<16xi32> -> vector<16xf32>
    %select_n3A_1422 = arith.select %eq3A_1418, %gather3A_1421, %select_n3A_1415 : vector<16xi1>, vector<16xf32>
    %eq3A_1423 = arith.constant 6 : i32
    %eq3A_1424 = vector.broadcast %eq3A_1423 : i32 to vector<16xi32>
    %eq3A_1425 = arith.cmpi eq, %shift_right_arithmetic3A_1375, %eq3A_1424 : vector<16xi32>
    %broadcast_in_dim3A_1426 = vector.shape_cast %and3A_1378 : vector<16xi32> to vector<16x1xi32>
    %gather3A_1427 = vector.shape_cast %broadcast_in_dim3A_1426 : vector<16x1xi32> to vector<16xi32>
    %gather3A_1428 = tpu.dynamic_gather %get3A_22[%gather3A_1427] in [0] : vector<16xf32>, vector<16xi32> -> vector<16xf32>
    %select_n3A_1429 = arith.select %eq3A_1425, %gather3A_1428, %select_n3A_1422 : vector<16xi1>, vector<16xf32>
    %eq3A_1430 = arith.constant 7 : i32
    %eq3A_1431 = vector.broadcast %eq3A_1430 : i32 to vector<16xi32>
    %eq3A_1432 = arith.cmpi eq, %shift_right_arithmetic3A_1375, %eq3A_1431 : vector<16xi32>
    %broadcast_in_dim3A_1433 = vector.shape_cast %and3A_1378 : vector<16xi32> to vector<16x1xi32>
    %gather3A_1434 = vector.shape_cast %broadcast_in_dim3A_1433 : vector<16x1xi32> to vector<16xi32>
    %gather3A_1435 = tpu.dynamic_gather %get3A_25[%gather3A_1434] in [0] : vector<16xf32>, vector<16xi32> -> vector<16xf32>
    %select_n3A_1436 = arith.select %eq3A_1432, %gather3A_1435, %select_n3A_1429 : vector<16xi1>, vector<16xf32>
    %eq3A_1437 = arith.constant 8 : i32
    %eq3A_1438 = vector.broadcast %eq3A_1437 : i32 to vector<16xi32>
    %eq3A_1439 = arith.cmpi eq, %shift_right_arithmetic3A_1375, %eq3A_1438 : vector<16xi32>
    %broadcast_in_dim3A_1440 = vector.shape_cast %and3A_1378 : vector<16xi32> to vector<16x1xi32>
    %gather3A_1441 = vector.shape_cast %broadcast_in_dim3A_1440 : vector<16x1xi32> to vector<16xi32>
    %gather3A_1442 = tpu.dynamic_gather %get3A_28[%gather3A_1441] in [0] : vector<16xf32>, vector<16xi32> -> vector<16xf32>
    %select_n3A_1443 = arith.select %eq3A_1439, %gather3A_1442, %select_n3A_1436 : vector<16xi1>, vector<16xf32>
    %eq3A_1444 = arith.constant 9 : i32
    %eq3A_1445 = vector.broadcast %eq3A_1444 : i32 to vector<16xi32>
    %eq3A_1446 = arith.cmpi eq, %shift_right_arithmetic3A_1375, %eq3A_1445 : vector<16xi32>
    %broadcast_in_dim3A_1447 = vector.shape_cast %and3A_1378 : vector<16xi32> to vector<16x1xi32>
    %gather3A_1448 = vector.shape_cast %broadcast_in_dim3A_1447 : vector<16x1xi32> to vector<16xi32>
    %gather3A_1449 = tpu.dynamic_gather %get3A_31[%gather3A_1448] in [0] : vector<16xf32>, vector<16xi32> -> vector<16xf32>
    %select_n3A_1450 = arith.select %eq3A_1446, %gather3A_1449, %select_n3A_1443 : vector<16xi1>, vector<16xf32>
    %eq3A_1451 = arith.constant 10 : i32
    %eq3A_1452 = vector.broadcast %eq3A_1451 : i32 to vector<16xi32>
    %eq3A_1453 = arith.cmpi eq, %shift_right_arithmetic3A_1375, %eq3A_1452 : vector<16xi32>
    %broadcast_in_dim3A_1454 = vector.shape_cast %and3A_1378 : vector<16xi32> to vector<16x1xi32>
    %gather3A_1455 = vector.shape_cast %broadcast_in_dim3A_1454 : vector<16x1xi32> to vector<16xi32>
    %gather3A_1456 = tpu.dynamic_gather %get3A_34[%gather3A_1455] in [0] : vector<16xf32>, vector<16xi32> -> vector<16xf32>
    %select_n3A_1457 = arith.select %eq3A_1453, %gather3A_1456, %select_n3A_1450 : vector<16xi1>, vector<16xf32>
    %eq3A_1458 = arith.constant 11 : i32
    %eq3A_1459 = vector.broadcast %eq3A_1458 : i32 to vector<16xi32>
    %eq3A_1460 = arith.cmpi eq, %shift_right_arithmetic3A_1375, %eq3A_1459 : vector<16xi32>
    %broadcast_in_dim3A_1461 = vector.shape_cast %and3A_1378 : vector<16xi32> to vector<16x1xi32>
    %gather3A_1462 = vector.shape_cast %broadcast_in_dim3A_1461 : vector<16x1xi32> to vector<16xi32>
    %gather3A_1463 = tpu.dynamic_gather %get3A_37[%gather3A_1462] in [0] : vector<16xf32>, vector<16xi32> -> vector<16xf32>
    %select_n3A_1464 = arith.select %eq3A_1460, %gather3A_1463, %select_n3A_1457 : vector<16xi1>, vector<16xf32>
    %get3A_1465 = arith.constant 208 : index
    %get3A_1466 = tpu.vector_load %arg7[%get3A_1465] {strides = array<i32>} : memref<512xf32, #tpu.memory_space<vmem>>, vector<16xf32>,
    %get3A_1467 = vector.shape_cast %get3A_1466 : vector<16xf32> to vector<16xf32>
    %add3A_1468 = arith.addf %get3A_1467, %select_n3A_1464 : vector<16xf32>
    %swap3A_1469 = arith.constant 208 : index
    %swap3A_1470 = tpu.vector_load %arg9[%swap3A_1469] {strides = array<i32>} : memref<512xf32, #tpu.memory_space<vmem>>, vector<16xf32>,
    %swap3A_1471 = vector.shape_cast %swap3A_1470 : vector<16xf32> to vector<16xf32>
    %swap3A_1472 = vector.shape_cast %add3A_1468 : vector<16xf32> to vector<16xf32>
    tpu.vector_store %arg9[%swap3A_1469], %swap3A_1472 {strides = array<i32>} : memref<512xf32, #tpu.memory_space<vmem>>, vector<16xf32>,
    %get3A_1473 = arith.constant 224 : index
    %get3A_1474 = tpu.vector_load %arg6[%get3A_1473] {strides = array<i32>} : memref<512xi32, #tpu.memory_space<vmem>>, vector<16xi32>,
    %get3A_1475 = vector.shape_cast %get3A_1474 : vector<16xi32> to vector<16xi32>
    %shift_right_arithmetic3A_1476 = arith.constant 4 : i32
    %shift_right_arithmetic3A_1477 = vector.broadcast %shift_right_arithmetic3A_1476 : i32 to vector<16xi32>
    %shift_right_arithmetic3A_1478 = arith.shrsi %get3A_1475, %shift_right_arithmetic3A_1477 : vector<16xi32>
    %and3A_1479 = arith.constant 15 : i32
    %and3A_1480 = vector.broadcast %and3A_1479 : i32 to vector<16xi32>
    %and3A_1481 = arith.andi %get3A_1475, %and3A_1480 : vector<16xi32>
    %broadcast_in_dim3A_1482 = arith.constant 0.000000e+00 : f32
    %broadcast_in_dim3A_1483 = vector.broadcast %broadcast_in_dim3A_1482 : f32 to vector<16xf32>
    %eq3A_1484 = arith.constant 0 : i32
    %eq3A_1485 = vector.broadcast %eq3A_1484 : i32 to vector<16xi32>
    %eq3A_1486 = arith.cmpi eq, %shift_right_arithmetic3A_1478, %eq3A_1485 : vector<16xi32>
    %broadcast_in_dim3A_1487 = vector.shape_cast %and3A_1481 : vector<16xi32> to vector<16x1xi32>
    %gather3A_1488 = vector.shape_cast %broadcast_in_dim3A_1487 : vector<16x1xi32> to vector<16xi32>
    %gather3A_1489 = tpu.dynamic_gather %get3A_4[%gather3A_1488] in [0] : vector<16xf32>, vector<16xi32> -> vector<16xf32>
    %select_n3A_1490 = arith.select %eq3A_1486, %gather3A_1489, %broadcast_in_dim3A_1483 : vector<16xi1>, vector<16xf32>
    %eq3A_1491 = arith.constant 1 : i32
    %eq3A_1492 = vector.broadcast %eq3A_1491 : i32 to vector<16xi32>
    %eq3A_1493 = arith.cmpi eq, %shift_right_arithmetic3A_1478, %eq3A_1492 : vector<16xi32>
    %broadcast_in_dim3A_1494 = vector.shape_cast %and3A_1481 : vector<16xi32> to vector<16x1xi32>
    %gather3A_1495 = vector.shape_cast %broadcast_in_dim3A_1494 : vector<16x1xi32> to vector<16xi32>
    %gather3A_1496 = tpu.dynamic_gather %get3A_7[%gather3A_1495] in [0] : vector<16xf32>, vector<16xi32> -> vector<16xf32>
    %select_n3A_1497 = arith.select %eq3A_1493, %gather3A_1496, %select_n3A_1490 : vector<16xi1>, vector<16xf32>
    %eq3A_1498 = arith.constant 2 : i32
    %eq3A_1499 = vector.broadcast %eq3A_1498 : i32 to vector<16xi32>
    %eq3A_1500 = arith.cmpi eq, %shift_right_arithmetic3A_1478, %eq3A_1499 : vector<16xi32>
    %broadcast_in_dim3A_1501 = vector.shape_cast %and3A_1481 : vector<16xi32> to vector<16x1xi32>
    %gather3A_1502 = vector.shape_cast %broadcast_in_dim3A_1501 : vector<16x1xi32> to vector<16xi32>
    %gather3A_1503 = tpu.dynamic_gather %get3A_10[%gather3A_1502] in [0] : vector<16xf32>, vector<16xi32> -> vector<16xf32>
    %select_n3A_1504 = arith.select %eq3A_1500, %gather3A_1503, %select_n3A_1497 : vector<16xi1>, vector<16xf32>
    %eq3A_1505 = arith.constant 3 : i32
    %eq3A_1506 = vector.broadcast %eq3A_1505 : i32 to vector<16xi32>
    %eq3A_1507 = arith.cmpi eq, %shift_right_arithmetic3A_1478, %eq3A_1506 : vector<16xi32>
    %broadcast_in_dim3A_1508 = vector.shape_cast %and3A_1481 : vector<16xi32> to vector<16x1xi32>
    %gather3A_1509 = vector.shape_cast %broadcast_in_dim3A_1508 : vector<16x1xi32> to vector<16xi32>
    %gather3A_1510 = tpu.dynamic_gather %get3A_13[%gather3A_1509] in [0] : vector<16xf32>, vector<16xi32> -> vector<16xf32>
    %select_n3A_1511 = arith.select %eq3A_1507, %gather3A_1510, %select_n3A_1504 : vector<16xi1>, vector<16xf32>
    %eq3A_1512 = arith.constant 4 : i32
    %eq3A_1513 = vector.broadcast %eq3A_1512 : i32 to vector<16xi32>
    %eq3A_1514 = arith.cmpi eq, %shift_right_arithmetic3A_1478, %eq3A_1513 : vector<16xi32>
    %broadcast_in_dim3A_1515 = vector.shape_cast %and3A_1481 : vector<16xi32> to vector<16x1xi32>
    %gather3A_1516 = vector.shape_cast %broadcast_in_dim3A_1515 : vector<16x1xi32> to vector<16xi32>
    %gather3A_1517 = tpu.dynamic_gather %get3A_16[%gather3A_1516] in [0] : vector<16xf32>, vector<16xi32> -> vector<16xf32>
    %select_n3A_1518 = arith.select %eq3A_1514, %gather3A_1517, %select_n3A_1511 : vector<16xi1>, vector<16xf32>
    %eq3A_1519 = arith.constant 5 : i32
    %eq3A_1520 = vector.broadcast %eq3A_1519 : i32 to vector<16xi32>
    %eq3A_1521 = arith.cmpi eq, %shift_right_arithmetic3A_1478, %eq3A_1520 : vector<16xi32>
    %broadcast_in_dim3A_1522 = vector.shape_cast %and3A_1481 : vector<16xi32> to vector<16x1xi32>
    %gather3A_1523 = vector.shape_cast %broadcast_in_dim3A_1522 : vector<16x1xi32> to vector<16xi32>
    %gather3A_1524 = tpu.dynamic_gather %get3A_19[%gather3A_1523] in [0] : vector<16xf32>, vector<16xi32> -> vector<16xf32>
    %select_n3A_1525 = arith.select %eq3A_1521, %gather3A_1524, %select_n3A_1518 : vector<16xi1>, vector<16xf32>
    %eq3A_1526 = arith.constant 6 : i32
    %eq3A_1527 = vector.broadcast %eq3A_1526 : i32 to vector<16xi32>
    %eq3A_1528 = arith.cmpi eq, %shift_right_arithmetic3A_1478, %eq3A_1527 : vector<16xi32>
    %broadcast_in_dim3A_1529 = vector.shape_cast %and3A_1481 : vector<16xi32> to vector<16x1xi32>
    %gather3A_1530 = vector.shape_cast %broadcast_in_dim3A_1529 : vector<16x1xi32> to vector<16xi32>
    %gather3A_1531 = tpu.dynamic_gather %get3A_22[%gather3A_1530] in [0] : vector<16xf32>, vector<16xi32> -> vector<16xf32>
    %select_n3A_1532 = arith.select %eq3A_1528, %gather3A_1531, %select_n3A_1525 : vector<16xi1>, vector<16xf32>
    %eq3A_1533 = arith.constant 7 : i32
    %eq3A_1534 = vector.broadcast %eq3A_1533 : i32 to vector<16xi32>
    %eq3A_1535 = arith.cmpi eq, %shift_right_arithmetic3A_1478, %eq3A_1534 : vector<16xi32>
    %broadcast_in_dim3A_1536 = vector.shape_cast %and3A_1481 : vector<16xi32> to vector<16x1xi32>
    %gather3A_1537 = vector.shape_cast %broadcast_in_dim3A_1536 : vector<16x1xi32> to vector<16xi32>
    %gather3A_1538 = tpu.dynamic_gather %get3A_25[%gather3A_1537] in [0] : vector<16xf32>, vector<16xi32> -> vector<16xf32>
    %select_n3A_1539 = arith.select %eq3A_1535, %gather3A_1538, %select_n3A_1532 : vector<16xi1>, vector<16xf32>
    %eq3A_1540 = arith.constant 8 : i32
    %eq3A_1541 = vector.broadcast %eq3A_1540 : i32 to vector<16xi32>
    %eq3A_1542 = arith.cmpi eq, %shift_right_arithmetic3A_1478, %eq3A_1541 : vector<16xi32>
    %broadcast_in_dim3A_1543 = vector.shape_cast %and3A_1481 : vector<16xi32> to vector<16x1xi32>
    %gather3A_1544 = vector.shape_cast %broadcast_in_dim3A_1543 : vector<16x1xi32> to vector<16xi32>
    %gather3A_1545 = tpu.dynamic_gather %get3A_28[%gather3A_1544] in [0] : vector<16xf32>, vector<16xi32> -> vector<16xf32>
    %select_n3A_1546 = arith.select %eq3A_1542, %gather3A_1545, %select_n3A_1539 : vector<16xi1>, vector<16xf32>
    %eq3A_1547 = arith.constant 9 : i32
    %eq3A_1548 = vector.broadcast %eq3A_1547 : i32 to vector<16xi32>
    %eq3A_1549 = arith.cmpi eq, %shift_right_arithmetic3A_1478, %eq3A_1548 : vector<16xi32>
    %broadcast_in_dim3A_1550 = vector.shape_cast %and3A_1481 : vector<16xi32> to vector<16x1xi32>
    %gather3A_1551 = vector.shape_cast %broadcast_in_dim3A_1550 : vector<16x1xi32> to vector<16xi32>
    %gather3A_1552 = tpu.dynamic_gather %get3A_31[%gather3A_1551] in [0] : vector<16xf32>, vector<16xi32> -> vector<16xf32>
    %select_n3A_1553 = arith.select %eq3A_1549, %gather3A_1552, %select_n3A_1546 : vector<16xi1>, vector<16xf32>
    %eq3A_1554 = arith.constant 10 : i32
    %eq3A_1555 = vector.broadcast %eq3A_1554 : i32 to vector<16xi32>
    %eq3A_1556 = arith.cmpi eq, %shift_right_arithmetic3A_1478, %eq3A_1555 : vector<16xi32>
    %broadcast_in_dim3A_1557 = vector.shape_cast %and3A_1481 : vector<16xi32> to vector<16x1xi32>
    %gather3A_1558 = vector.shape_cast %broadcast_in_dim3A_1557 : vector<16x1xi32> to vector<16xi32>
    %gather3A_1559 = tpu.dynamic_gather %get3A_34[%gather3A_1558] in [0] : vector<16xf32>, vector<16xi32> -> vector<16xf32>
    %select_n3A_1560 = arith.select %eq3A_1556, %gather3A_1559, %select_n3A_1553 : vector<16xi1>, vector<16xf32>
    %eq3A_1561 = arith.constant 11 : i32
    %eq3A_1562 = vector.broadcast %eq3A_1561 : i32 to vector<16xi32>
    %eq3A_1563 = arith.cmpi eq, %shift_right_arithmetic3A_1478, %eq3A_1562 : vector<16xi32>
    %broadcast_in_dim3A_1564 = vector.shape_cast %and3A_1481 : vector<16xi32> to vector<16x1xi32>
    %gather3A_1565 = vector.shape_cast %broadcast_in_dim3A_1564 : vector<16x1xi32> to vector<16xi32>
    %gather3A_1566 = tpu.dynamic_gather %get3A_37[%gather3A_1565] in [0] : vector<16xf32>, vector<16xi32> -> vector<16xf32>
    %select_n3A_1567 = arith.select %eq3A_1563, %gather3A_1566, %select_n3A_1560 : vector<16xi1>, vector<16xf32>
    %get3A_1568 = arith.constant 224 : index
    %get3A_1569 = tpu.vector_load %arg7[%get3A_1568] {strides = array<i32>} : memref<512xf32, #tpu.memory_space<vmem>>, vector<16xf32>,
    %get3A_1570 = vector.shape_cast %get3A_1569 : vector<16xf32> to vector<16xf32>
    %add3A_1571 = arith.addf %get3A_1570, %select_n3A_1567 : vector<16xf32>
    %swap3A_1572 = arith.constant 224 : index
    %swap3A_1573 = tpu.vector_load %arg9[%swap3A_1572] {strides = array<i32>} : memref<512xf32, #tpu.memory_space<vmem>>, vector<16xf32>,
    %swap3A_1574 = vector.shape_cast %swap3A_1573 : vector<16xf32> to vector<16xf32>
    %swap3A_1575 = vector.shape_cast %add3A_1571 : vector<16xf32> to vector<16xf32>
    tpu.vector_store %arg9[%swap3A_1572], %swap3A_1575 {strides = array<i32>} : memref<512xf32, #tpu.memory_space<vmem>>, vector<16xf32>,
    %get3A_1576 = arith.constant 240 : index
    %get3A_1577 = tpu.vector_load %arg6[%get3A_1576] {strides = array<i32>} : memref<512xi32, #tpu.memory_space<vmem>>, vector<16xi32>,
    %get3A_1578 = vector.shape_cast %get3A_1577 : vector<16xi32> to vector<16xi32>
    %shift_right_arithmetic3A_1579 = arith.constant 4 : i32
    %shift_right_arithmetic3A_1580 = vector.broadcast %shift_right_arithmetic3A_1579 : i32 to vector<16xi32>
    %shift_right_arithmetic3A_1581 = arith.shrsi %get3A_1578, %shift_right_arithmetic3A_1580 : vector<16xi32>
    %and3A_1582 = arith.constant 15 : i32
    %and3A_1583 = vector.broadcast %and3A_1582 : i32 to vector<16xi32>
    %and3A_1584 = arith.andi %get3A_1578, %and3A_1583 : vector<16xi32>
    %broadcast_in_dim3A_1585 = arith.constant 0.000000e+00 : f32
    %broadcast_in_dim3A_1586 = vector.broadcast %broadcast_in_dim3A_1585 : f32 to vector<16xf32>
    %eq3A_1587 = arith.constant 0 : i32
    %eq3A_1588 = vector.broadcast %eq3A_1587 : i32 to vector<16xi32>
    %eq3A_1589 = arith.cmpi eq, %shift_right_arithmetic3A_1581, %eq3A_1588 : vector<16xi32>
    %broadcast_in_dim3A_1590 = vector.shape_cast %and3A_1584 : vector<16xi32> to vector<16x1xi32>
    %gather3A_1591 = vector.shape_cast %broadcast_in_dim3A_1590 : vector<16x1xi32> to vector<16xi32>
    %gather3A_1592 = tpu.dynamic_gather %get3A_4[%gather3A_1591] in [0] : vector<16xf32>, vector<16xi32> -> vector<16xf32>
    %select_n3A_1593 = arith.select %eq3A_1589, %gather3A_1592, %broadcast_in_dim3A_1586 : vector<16xi1>, vector<16xf32>
    %eq3A_1594 = arith.constant 1 : i32
    %eq3A_1595 = vector.broadcast %eq3A_1594 : i32 to vector<16xi32>
    %eq3A_1596 = arith.cmpi eq, %shift_right_arithmetic3A_1581, %eq3A_1595 : vector<16xi32>
    %broadcast_in_dim3A_1597 = vector.shape_cast %and3A_1584 : vector<16xi32> to vector<16x1xi32>
    %gather3A_1598 = vector.shape_cast %broadcast_in_dim3A_1597 : vector<16x1xi32> to vector<16xi32>
    %gather3A_1599 = tpu.dynamic_gather %get3A_7[%gather3A_1598] in [0] : vector<16xf32>, vector<16xi32> -> vector<16xf32>
    %select_n3A_1600 = arith.select %eq3A_1596, %gather3A_1599, %select_n3A_1593 : vector<16xi1>, vector<16xf32>
    %eq3A_1601 = arith.constant 2 : i32
    %eq3A_1602 = vector.broadcast %eq3A_1601 : i32 to vector<16xi32>
    %eq3A_1603 = arith.cmpi eq, %shift_right_arithmetic3A_1581, %eq3A_1602 : vector<16xi32>
    %broadcast_in_dim3A_1604 = vector.shape_cast %and3A_1584 : vector<16xi32> to vector<16x1xi32>
    %gather3A_1605 = vector.shape_cast %broadcast_in_dim3A_1604 : vector<16x1xi32> to vector<16xi32>
    %gather3A_1606 = tpu.dynamic_gather %get3A_10[%gather3A_1605] in [0] : vector<16xf32>, vector<16xi32> -> vector<16xf32>
    %select_n3A_1607 = arith.select %eq3A_1603, %gather3A_1606, %select_n3A_1600 : vector<16xi1>, vector<16xf32>
    %eq3A_1608 = arith.constant 3 : i32
    %eq3A_1609 = vector.broadcast %eq3A_1608 : i32 to vector<16xi32>
    %eq3A_1610 = arith.cmpi eq, %shift_right_arithmetic3A_1581, %eq3A_1609 : vector<16xi32>
    %broadcast_in_dim3A_1611 = vector.shape_cast %and3A_1584 : vector<16xi32> to vector<16x1xi32>
    %gather3A_1612 = vector.shape_cast %broadcast_in_dim3A_1611 : vector<16x1xi32> to vector<16xi32>
    %gather3A_1613 = tpu.dynamic_gather %get3A_13[%gather3A_1612] in [0] : vector<16xf32>, vector<16xi32> -> vector<16xf32>
    %select_n3A_1614 = arith.select %eq3A_1610, %gather3A_1613, %select_n3A_1607 : vector<16xi1>, vector<16xf32>
    %eq3A_1615 = arith.constant 4 : i32
    %eq3A_1616 = vector.broadcast %eq3A_1615 : i32 to vector<16xi32>
    %eq3A_1617 = arith.cmpi eq, %shift_right_arithmetic3A_1581, %eq3A_1616 : vector<16xi32>
    %broadcast_in_dim3A_1618 = vector.shape_cast %and3A_1584 : vector<16xi32> to vector<16x1xi32>
    %gather3A_1619 = vector.shape_cast %broadcast_in_dim3A_1618 : vector<16x1xi32> to vector<16xi32>
    %gather3A_1620 = tpu.dynamic_gather %get3A_16[%gather3A_1619] in [0] : vector<16xf32>, vector<16xi32> -> vector<16xf32>
    %select_n3A_1621 = arith.select %eq3A_1617, %gather3A_1620, %select_n3A_1614 : vector<16xi1>, vector<16xf32>
    %eq3A_1622 = arith.constant 5 : i32
    %eq3A_1623 = vector.broadcast %eq3A_1622 : i32 to vector<16xi32>
    %eq3A_1624 = arith.cmpi eq, %shift_right_arithmetic3A_1581, %eq3A_1623 : vector<16xi32>
    %broadcast_in_dim3A_1625 = vector.shape_cast %and3A_1584 : vector<16xi32> to vector<16x1xi32>
    %gather3A_1626 = vector.shape_cast %broadcast_in_dim3A_1625 : vector<16x1xi32> to vector<16xi32>
    %gather3A_1627 = tpu.dynamic_gather %get3A_19[%gather3A_1626] in [0] : vector<16xf32>, vector<16xi32> -> vector<16xf32>
    %select_n3A_1628 = arith.select %eq3A_1624, %gather3A_1627, %select_n3A_1621 : vector<16xi1>, vector<16xf32>
    %eq3A_1629 = arith.constant 6 : i32
    %eq3A_1630 = vector.broadcast %eq3A_1629 : i32 to vector<16xi32>
    %eq3A_1631 = arith.cmpi eq, %shift_right_arithmetic3A_1581, %eq3A_1630 : vector<16xi32>
    %broadcast_in_dim3A_1632 = vector.shape_cast %and3A_1584 : vector<16xi32> to vector<16x1xi32>
    %gather3A_1633 = vector.shape_cast %broadcast_in_dim3A_1632 : vector<16x1xi32> to vector<16xi32>
    %gather3A_1634 = tpu.dynamic_gather %get3A_22[%gather3A_1633] in [0] : vector<16xf32>, vector<16xi32> -> vector<16xf32>
    %select_n3A_1635 = arith.select %eq3A_1631, %gather3A_1634, %select_n3A_1628 : vector<16xi1>, vector<16xf32>
    %eq3A_1636 = arith.constant 7 : i32
    %eq3A_1637 = vector.broadcast %eq3A_1636 : i32 to vector<16xi32>
    %eq3A_1638 = arith.cmpi eq, %shift_right_arithmetic3A_1581, %eq3A_1637 : vector<16xi32>
    %broadcast_in_dim3A_1639 = vector.shape_cast %and3A_1584 : vector<16xi32> to vector<16x1xi32>
    %gather3A_1640 = vector.shape_cast %broadcast_in_dim3A_1639 : vector<16x1xi32> to vector<16xi32>
    %gather3A_1641 = tpu.dynamic_gather %get3A_25[%gather3A_1640] in [0] : vector<16xf32>, vector<16xi32> -> vector<16xf32>
    %select_n3A_1642 = arith.select %eq3A_1638, %gather3A_1641, %select_n3A_1635 : vector<16xi1>, vector<16xf32>
    %eq3A_1643 = arith.constant 8 : i32
    %eq3A_1644 = vector.broadcast %eq3A_1643 : i32 to vector<16xi32>
    %eq3A_1645 = arith.cmpi eq, %shift_right_arithmetic3A_1581, %eq3A_1644 : vector<16xi32>
    %broadcast_in_dim3A_1646 = vector.shape_cast %and3A_1584 : vector<16xi32> to vector<16x1xi32>
    %gather3A_1647 = vector.shape_cast %broadcast_in_dim3A_1646 : vector<16x1xi32> to vector<16xi32>
    %gather3A_1648 = tpu.dynamic_gather %get3A_28[%gather3A_1647] in [0] : vector<16xf32>, vector<16xi32> -> vector<16xf32>
    %select_n3A_1649 = arith.select %eq3A_1645, %gather3A_1648, %select_n3A_1642 : vector<16xi1>, vector<16xf32>
    %eq3A_1650 = arith.constant 9 : i32
    %eq3A_1651 = vector.broadcast %eq3A_1650 : i32 to vector<16xi32>
    %eq3A_1652 = arith.cmpi eq, %shift_right_arithmetic3A_1581, %eq3A_1651 : vector<16xi32>
    %broadcast_in_dim3A_1653 = vector.shape_cast %and3A_1584 : vector<16xi32> to vector<16x1xi32>
    %gather3A_1654 = vector.shape_cast %broadcast_in_dim3A_1653 : vector<16x1xi32> to vector<16xi32>
    %gather3A_1655 = tpu.dynamic_gather %get3A_31[%gather3A_1654] in [0] : vector<16xf32>, vector<16xi32> -> vector<16xf32>
    %select_n3A_1656 = arith.select %eq3A_1652, %gather3A_1655, %select_n3A_1649 : vector<16xi1>, vector<16xf32>
    %eq3A_1657 = arith.constant 10 : i32
    %eq3A_1658 = vector.broadcast %eq3A_1657 : i32 to vector<16xi32>
    %eq3A_1659 = arith.cmpi eq, %shift_right_arithmetic3A_1581, %eq3A_1658 : vector<16xi32>
    %broadcast_in_dim3A_1660 = vector.shape_cast %and3A_1584 : vector<16xi32> to vector<16x1xi32>
    %gather3A_1661 = vector.shape_cast %broadcast_in_dim3A_1660 : vector<16x1xi32> to vector<16xi32>
    %gather3A_1662 = tpu.dynamic_gather %get3A_34[%gather3A_1661] in [0] : vector<16xf32>, vector<16xi32> -> vector<16xf32>
    %select_n3A_1663 = arith.select %eq3A_1659, %gather3A_1662, %select_n3A_1656 : vector<16xi1>, vector<16xf32>
    %eq3A_1664 = arith.constant 11 : i32
    %eq3A_1665 = vector.broadcast %eq3A_1664 : i32 to vector<16xi32>
    %eq3A_1666 = arith.cmpi eq, %shift_right_arithmetic3A_1581, %eq3A_1665 : vector<16xi32>
    %broadcast_in_dim3A_1667 = vector.shape_cast %and3A_1584 : vector<16xi32> to vector<16x1xi32>
    %gather3A_1668 = vector.shape_cast %broadcast_in_dim3A_1667 : vector<16x1xi32> to vector<16xi32>
    %gather3A_1669 = tpu.dynamic_gather %get3A_37[%gather3A_1668] in [0] : vector<16xf32>, vector<16xi32> -> vector<16xf32>
    %select_n3A_1670 = arith.select %eq3A_1666, %gather3A_1669, %select_n3A_1663 : vector<16xi1>, vector<16xf32>
    %get3A_1671 = arith.constant 240 : index
    %get3A_1672 = tpu.vector_load %arg7[%get3A_1671] {strides = array<i32>} : memref<512xf32, #tpu.memory_space<vmem>>, vector<16xf32>,
    %get3A_1673 = vector.shape_cast %get3A_1672 : vector<16xf32> to vector<16xf32>
    %add3A_1674 = arith.addf %get3A_1673, %select_n3A_1670 : vector<16xf32>
    %swap3A_1675 = arith.constant 240 : index
    %swap3A_1676 = tpu.vector_load %arg9[%swap3A_1675] {strides = array<i32>} : memref<512xf32, #tpu.memory_space<vmem>>, vector<16xf32>,
    %swap3A_1677 = vector.shape_cast %swap3A_1676 : vector<16xf32> to vector<16xf32>
    %swap3A_1678 = vector.shape_cast %add3A_1674 : vector<16xf32> to vector<16xf32>
    tpu.vector_store %arg9[%swap3A_1675], %swap3A_1678 {strides = array<i32>} : memref<512xf32, #tpu.memory_space<vmem>>, vector<16xf32>,
    %get3A_1679 = arith.constant 256 : index
    %get3A_1680 = tpu.vector_load %arg6[%get3A_1679] {strides = array<i32>} : memref<512xi32, #tpu.memory_space<vmem>>, vector<16xi32>,
    %get3A_1681 = vector.shape_cast %get3A_1680 : vector<16xi32> to vector<16xi32>
    %shift_right_arithmetic3A_1682 = arith.constant 4 : i32
    %shift_right_arithmetic3A_1683 = vector.broadcast %shift_right_arithmetic3A_1682 : i32 to vector<16xi32>
    %shift_right_arithmetic3A_1684 = arith.shrsi %get3A_1681, %shift_right_arithmetic3A_1683 : vector<16xi32>
    %and3A_1685 = arith.constant 15 : i32
    %and3A_1686 = vector.broadcast %and3A_1685 : i32 to vector<16xi32>
    %and3A_1687 = arith.andi %get3A_1681, %and3A_1686 : vector<16xi32>
    %broadcast_in_dim3A_1688 = arith.constant 0.000000e+00 : f32
    %broadcast_in_dim3A_1689 = vector.broadcast %broadcast_in_dim3A_1688 : f32 to vector<16xf32>
    %eq3A_1690 = arith.constant 0 : i32
    %eq3A_1691 = vector.broadcast %eq3A_1690 : i32 to vector<16xi32>
    %eq3A_1692 = arith.cmpi eq, %shift_right_arithmetic3A_1684, %eq3A_1691 : vector<16xi32>
    %broadcast_in_dim3A_1693 = vector.shape_cast %and3A_1687 : vector<16xi32> to vector<16x1xi32>
    %gather3A_1694 = vector.shape_cast %broadcast_in_dim3A_1693 : vector<16x1xi32> to vector<16xi32>
    %gather3A_1695 = tpu.dynamic_gather %get3A_4[%gather3A_1694] in [0] : vector<16xf32>, vector<16xi32> -> vector<16xf32>
    %select_n3A_1696 = arith.select %eq3A_1692, %gather3A_1695, %broadcast_in_dim3A_1689 : vector<16xi1>, vector<16xf32>
    %eq3A_1697 = arith.constant 1 : i32
    %eq3A_1698 = vector.broadcast %eq3A_1697 : i32 to vector<16xi32>
    %eq3A_1699 = arith.cmpi eq, %shift_right_arithmetic3A_1684, %eq3A_1698 : vector<16xi32>
    %broadcast_in_dim3A_1700 = vector.shape_cast %and3A_1687 : vector<16xi32> to vector<16x1xi32>
    %gather3A_1701 = vector.shape_cast %broadcast_in_dim3A_1700 : vector<16x1xi32> to vector<16xi32>
    %gather3A_1702 = tpu.dynamic_gather %get3A_7[%gather3A_1701] in [0] : vector<16xf32>, vector<16xi32> -> vector<16xf32>
    %select_n3A_1703 = arith.select %eq3A_1699, %gather3A_1702, %select_n3A_1696 : vector<16xi1>, vector<16xf32>
    %eq3A_1704 = arith.constant 2 : i32
    %eq3A_1705 = vector.broadcast %eq3A_1704 : i32 to vector<16xi32>
    %eq3A_1706 = arith.cmpi eq, %shift_right_arithmetic3A_1684, %eq3A_1705 : vector<16xi32>
    %broadcast_in_dim3A_1707 = vector.shape_cast %and3A_1687 : vector<16xi32> to vector<16x1xi32>
    %gather3A_1708 = vector.shape_cast %broadcast_in_dim3A_1707 : vector<16x1xi32> to vector<16xi32>
    %gather3A_1709 = tpu.dynamic_gather %get3A_10[%gather3A_1708] in [0] : vector<16xf32>, vector<16xi32> -> vector<16xf32>
    %select_n3A_1710 = arith.select %eq3A_1706, %gather3A_1709, %select_n3A_1703 : vector<16xi1>, vector<16xf32>
    %eq3A_1711 = arith.constant 3 : i32
    %eq3A_1712 = vector.broadcast %eq3A_1711 : i32 to vector<16xi32>
    %eq3A_1713 = arith.cmpi eq, %shift_right_arithmetic3A_1684, %eq3A_1712 : vector<16xi32>
    %broadcast_in_dim3A_1714 = vector.shape_cast %and3A_1687 : vector<16xi32> to vector<16x1xi32>
    %gather3A_1715 = vector.shape_cast %broadcast_in_dim3A_1714 : vector<16x1xi32> to vector<16xi32>
    %gather3A_1716 = tpu.dynamic_gather %get3A_13[%gather3A_1715] in [0] : vector<16xf32>, vector<16xi32> -> vector<16xf32>
    %select_n3A_1717 = arith.select %eq3A_1713, %gather3A_1716, %select_n3A_1710 : vector<16xi1>, vector<16xf32>
    %eq3A_1718 = arith.constant 4 : i32
    %eq3A_1719 = vector.broadcast %eq3A_1718 : i32 to vector<16xi32>
    %eq3A_1720 = arith.cmpi eq, %shift_right_arithmetic3A_1684, %eq3A_1719 : vector<16xi32>
    %broadcast_in_dim3A_1721 = vector.shape_cast %and3A_1687 : vector<16xi32> to vector<16x1xi32>
    %gather3A_1722 = vector.shape_cast %broadcast_in_dim3A_1721 : vector<16x1xi32> to vector<16xi32>
    %gather3A_1723 = tpu.dynamic_gather %get3A_16[%gather3A_1722] in [0] : vector<16xf32>, vector<16xi32> -> vector<16xf32>
    %select_n3A_1724 = arith.select %eq3A_1720, %gather3A_1723, %select_n3A_1717 : vector<16xi1>, vector<16xf32>
    %eq3A_1725 = arith.constant 5 : i32
    %eq3A_1726 = vector.broadcast %eq3A_1725 : i32 to vector<16xi32>
    %eq3A_1727 = arith.cmpi eq, %shift_right_arithmetic3A_1684, %eq3A_1726 : vector<16xi32>
    %broadcast_in_dim3A_1728 = vector.shape_cast %and3A_1687 : vector<16xi32> to vector<16x1xi32>
    %gather3A_1729 = vector.shape_cast %broadcast_in_dim3A_1728 : vector<16x1xi32> to vector<16xi32>
    %gather3A_1730 = tpu.dynamic_gather %get3A_19[%gather3A_1729] in [0] : vector<16xf32>, vector<16xi32> -> vector<16xf32>
    %select_n3A_1731 = arith.select %eq3A_1727, %gather3A_1730, %select_n3A_1724 : vector<16xi1>, vector<16xf32>
    %eq3A_1732 = arith.constant 6 : i32
    %eq3A_1733 = vector.broadcast %eq3A_1732 : i32 to vector<16xi32>
    %eq3A_1734 = arith.cmpi eq, %shift_right_arithmetic3A_1684, %eq3A_1733 : vector<16xi32>
    %broadcast_in_dim3A_1735 = vector.shape_cast %and3A_1687 : vector<16xi32> to vector<16x1xi32>
    %gather3A_1736 = vector.shape_cast %broadcast_in_dim3A_1735 : vector<16x1xi32> to vector<16xi32>
    %gather3A_1737 = tpu.dynamic_gather %get3A_22[%gather3A_1736] in [0] : vector<16xf32>, vector<16xi32> -> vector<16xf32>
    %select_n3A_1738 = arith.select %eq3A_1734, %gather3A_1737, %select_n3A_1731 : vector<16xi1>, vector<16xf32>
    %eq3A_1739 = arith.constant 7 : i32
    %eq3A_1740 = vector.broadcast %eq3A_1739 : i32 to vector<16xi32>
    %eq3A_1741 = arith.cmpi eq, %shift_right_arithmetic3A_1684, %eq3A_1740 : vector<16xi32>
    %broadcast_in_dim3A_1742 = vector.shape_cast %and3A_1687 : vector<16xi32> to vector<16x1xi32>
    %gather3A_1743 = vector.shape_cast %broadcast_in_dim3A_1742 : vector<16x1xi32> to vector<16xi32>
    %gather3A_1744 = tpu.dynamic_gather %get3A_25[%gather3A_1743] in [0] : vector<16xf32>, vector<16xi32> -> vector<16xf32>
    %select_n3A_1745 = arith.select %eq3A_1741, %gather3A_1744, %select_n3A_1738 : vector<16xi1>, vector<16xf32>
    %eq3A_1746 = arith.constant 8 : i32
    %eq3A_1747 = vector.broadcast %eq3A_1746 : i32 to vector<16xi32>
    %eq3A_1748 = arith.cmpi eq, %shift_right_arithmetic3A_1684, %eq3A_1747 : vector<16xi32>
    %broadcast_in_dim3A_1749 = vector.shape_cast %and3A_1687 : vector<16xi32> to vector<16x1xi32>
    %gather3A_1750 = vector.shape_cast %broadcast_in_dim3A_1749 : vector<16x1xi32> to vector<16xi32>
    %gather3A_1751 = tpu.dynamic_gather %get3A_28[%gather3A_1750] in [0] : vector<16xf32>, vector<16xi32> -> vector<16xf32>
    %select_n3A_1752 = arith.select %eq3A_1748, %gather3A_1751, %select_n3A_1745 : vector<16xi1>, vector<16xf32>
    %eq3A_1753 = arith.constant 9 : i32
    %eq3A_1754 = vector.broadcast %eq3A_1753 : i32 to vector<16xi32>
    %eq3A_1755 = arith.cmpi eq, %shift_right_arithmetic3A_1684, %eq3A_1754 : vector<16xi32>
    %broadcast_in_dim3A_1756 = vector.shape_cast %and3A_1687 : vector<16xi32> to vector<16x1xi32>
    %gather3A_1757 = vector.shape_cast %broadcast_in_dim3A_1756 : vector<16x1xi32> to vector<16xi32>
    %gather3A_1758 = tpu.dynamic_gather %get3A_31[%gather3A_1757] in [0] : vector<16xf32>, vector<16xi32> -> vector<16xf32>
    %select_n3A_1759 = arith.select %eq3A_1755, %gather3A_1758, %select_n3A_1752 : vector<16xi1>, vector<16xf32>
    %eq3A_1760 = arith.constant 10 : i32
    %eq3A_1761 = vector.broadcast %eq3A_1760 : i32 to vector<16xi32>
    %eq3A_1762 = arith.cmpi eq, %shift_right_arithmetic3A_1684, %eq3A_1761 : vector<16xi32>
    %broadcast_in_dim3A_1763 = vector.shape_cast %and3A_1687 : vector<16xi32> to vector<16x1xi32>
    %gather3A_1764 = vector.shape_cast %broadcast_in_dim3A_1763 : vector<16x1xi32> to vector<16xi32>
    %gather3A_1765 = tpu.dynamic_gather %get3A_34[%gather3A_1764] in [0] : vector<16xf32>, vector<16xi32> -> vector<16xf32>
    %select_n3A_1766 = arith.select %eq3A_1762, %gather3A_1765, %select_n3A_1759 : vector<16xi1>, vector<16xf32>
    %eq3A_1767 = arith.constant 11 : i32
    %eq3A_1768 = vector.broadcast %eq3A_1767 : i32 to vector<16xi32>
    %eq3A_1769 = arith.cmpi eq, %shift_right_arithmetic3A_1684, %eq3A_1768 : vector<16xi32>
    %broadcast_in_dim3A_1770 = vector.shape_cast %and3A_1687 : vector<16xi32> to vector<16x1xi32>
    %gather3A_1771 = vector.shape_cast %broadcast_in_dim3A_1770 : vector<16x1xi32> to vector<16xi32>
    %gather3A_1772 = tpu.dynamic_gather %get3A_37[%gather3A_1771] in [0] : vector<16xf32>, vector<16xi32> -> vector<16xf32>
    %select_n3A_1773 = arith.select %eq3A_1769, %gather3A_1772, %select_n3A_1766 : vector<16xi1>, vector<16xf32>
    %get3A_1774 = arith.constant 256 : index
    %get3A_1775 = tpu.vector_load %arg7[%get3A_1774] {strides = array<i32>} : memref<512xf32, #tpu.memory_space<vmem>>, vector<16xf32>,
    %get3A_1776 = vector.shape_cast %get3A_1775 : vector<16xf32> to vector<16xf32>
    %add3A_1777 = arith.addf %get3A_1776, %select_n3A_1773 : vector<16xf32>
    %swap3A_1778 = arith.constant 256 : index
    %swap3A_1779 = tpu.vector_load %arg9[%swap3A_1778] {strides = array<i32>} : memref<512xf32, #tpu.memory_space<vmem>>, vector<16xf32>,
    %swap3A_1780 = vector.shape_cast %swap3A_1779 : vector<16xf32> to vector<16xf32>
    %swap3A_1781 = vector.shape_cast %add3A_1777 : vector<16xf32> to vector<16xf32>
    tpu.vector_store %arg9[%swap3A_1778], %swap3A_1781 {strides = array<i32>} : memref<512xf32, #tpu.memory_space<vmem>>, vector<16xf32>,
    %get3A_1782 = arith.constant 272 : index
    %get3A_1783 = tpu.vector_load %arg6[%get3A_1782] {strides = array<i32>} : memref<512xi32, #tpu.memory_space<vmem>>, vector<16xi32>,
    %get3A_1784 = vector.shape_cast %get3A_1783 : vector<16xi32> to vector<16xi32>
    %shift_right_arithmetic3A_1785 = arith.constant 4 : i32
    %shift_right_arithmetic3A_1786 = vector.broadcast %shift_right_arithmetic3A_1785 : i32 to vector<16xi32>
    %shift_right_arithmetic3A_1787 = arith.shrsi %get3A_1784, %shift_right_arithmetic3A_1786 : vector<16xi32>
    %and3A_1788 = arith.constant 15 : i32
    %and3A_1789 = vector.broadcast %and3A_1788 : i32 to vector<16xi32>
    %and3A_1790 = arith.andi %get3A_1784, %and3A_1789 : vector<16xi32>
    %broadcast_in_dim3A_1791 = arith.constant 0.000000e+00 : f32
    %broadcast_in_dim3A_1792 = vector.broadcast %broadcast_in_dim3A_1791 : f32 to vector<16xf32>
    %eq3A_1793 = arith.constant 0 : i32
    %eq3A_1794 = vector.broadcast %eq3A_1793 : i32 to vector<16xi32>
    %eq3A_1795 = arith.cmpi eq, %shift_right_arithmetic3A_1787, %eq3A_1794 : vector<16xi32>
    %broadcast_in_dim3A_1796 = vector.shape_cast %and3A_1790 : vector<16xi32> to vector<16x1xi32>
    %gather3A_1797 = vector.shape_cast %broadcast_in_dim3A_1796 : vector<16x1xi32> to vector<16xi32>
    %gather3A_1798 = tpu.dynamic_gather %get3A_4[%gather3A_1797] in [0] : vector<16xf32>, vector<16xi32> -> vector<16xf32>
    %select_n3A_1799 = arith.select %eq3A_1795, %gather3A_1798, %broadcast_in_dim3A_1792 : vector<16xi1>, vector<16xf32>
    %eq3A_1800 = arith.constant 1 : i32
    %eq3A_1801 = vector.broadcast %eq3A_1800 : i32 to vector<16xi32>
    %eq3A_1802 = arith.cmpi eq, %shift_right_arithmetic3A_1787, %eq3A_1801 : vector<16xi32>
    %broadcast_in_dim3A_1803 = vector.shape_cast %and3A_1790 : vector<16xi32> to vector<16x1xi32>
    %gather3A_1804 = vector.shape_cast %broadcast_in_dim3A_1803 : vector<16x1xi32> to vector<16xi32>
    %gather3A_1805 = tpu.dynamic_gather %get3A_7[%gather3A_1804] in [0] : vector<16xf32>, vector<16xi32> -> vector<16xf32>
    %select_n3A_1806 = arith.select %eq3A_1802, %gather3A_1805, %select_n3A_1799 : vector<16xi1>, vector<16xf32>
    %eq3A_1807 = arith.constant 2 : i32
    %eq3A_1808 = vector.broadcast %eq3A_1807 : i32 to vector<16xi32>
    %eq3A_1809 = arith.cmpi eq, %shift_right_arithmetic3A_1787, %eq3A_1808 : vector<16xi32>
    %broadcast_in_dim3A_1810 = vector.shape_cast %and3A_1790 : vector<16xi32> to vector<16x1xi32>
    %gather3A_1811 = vector.shape_cast %broadcast_in_dim3A_1810 : vector<16x1xi32> to vector<16xi32>
    %gather3A_1812 = tpu.dynamic_gather %get3A_10[%gather3A_1811] in [0] : vector<16xf32>, vector<16xi32> -> vector<16xf32>
    %select_n3A_1813 = arith.select %eq3A_1809, %gather3A_1812, %select_n3A_1806 : vector<16xi1>, vector<16xf32>
    %eq3A_1814 = arith.constant 3 : i32
    %eq3A_1815 = vector.broadcast %eq3A_1814 : i32 to vector<16xi32>
    %eq3A_1816 = arith.cmpi eq, %shift_right_arithmetic3A_1787, %eq3A_1815 : vector<16xi32>
    %broadcast_in_dim3A_1817 = vector.shape_cast %and3A_1790 : vector<16xi32> to vector<16x1xi32>
    %gather3A_1818 = vector.shape_cast %broadcast_in_dim3A_1817 : vector<16x1xi32> to vector<16xi32>
    %gather3A_1819 = tpu.dynamic_gather %get3A_13[%gather3A_1818] in [0] : vector<16xf32>, vector<16xi32> -> vector<16xf32>
    %select_n3A_1820 = arith.select %eq3A_1816, %gather3A_1819, %select_n3A_1813 : vector<16xi1>, vector<16xf32>
    %eq3A_1821 = arith.constant 4 : i32
    %eq3A_1822 = vector.broadcast %eq3A_1821 : i32 to vector<16xi32>
    %eq3A_1823 = arith.cmpi eq, %shift_right_arithmetic3A_1787, %eq3A_1822 : vector<16xi32>
    %broadcast_in_dim3A_1824 = vector.shape_cast %and3A_1790 : vector<16xi32> to vector<16x1xi32>
    %gather3A_1825 = vector.shape_cast %broadcast_in_dim3A_1824 : vector<16x1xi32> to vector<16xi32>
    %gather3A_1826 = tpu.dynamic_gather %get3A_16[%gather3A_1825] in [0] : vector<16xf32>, vector<16xi32> -> vector<16xf32>
    %select_n3A_1827 = arith.select %eq3A_1823, %gather3A_1826, %select_n3A_1820 : vector<16xi1>, vector<16xf32>
    %eq3A_1828 = arith.constant 5 : i32
    %eq3A_1829 = vector.broadcast %eq3A_1828 : i32 to vector<16xi32>
    %eq3A_1830 = arith.cmpi eq, %shift_right_arithmetic3A_1787, %eq3A_1829 : vector<16xi32>
    %broadcast_in_dim3A_1831 = vector.shape_cast %and3A_1790 : vector<16xi32> to vector<16x1xi32>
    %gather3A_1832 = vector.shape_cast %broadcast_in_dim3A_1831 : vector<16x1xi32> to vector<16xi32>
    %gather3A_1833 = tpu.dynamic_gather %get3A_19[%gather3A_1832] in [0] : vector<16xf32>, vector<16xi32> -> vector<16xf32>
    %select_n3A_1834 = arith.select %eq3A_1830, %gather3A_1833, %select_n3A_1827 : vector<16xi1>, vector<16xf32>
    %eq3A_1835 = arith.constant 6 : i32
    %eq3A_1836 = vector.broadcast %eq3A_1835 : i32 to vector<16xi32>
    %eq3A_1837 = arith.cmpi eq, %shift_right_arithmetic3A_1787, %eq3A_1836 : vector<16xi32>
    %broadcast_in_dim3A_1838 = vector.shape_cast %and3A_1790 : vector<16xi32> to vector<16x1xi32>
    %gather3A_1839 = vector.shape_cast %broadcast_in_dim3A_1838 : vector<16x1xi32> to vector<16xi32>
    %gather3A_1840 = tpu.dynamic_gather %get3A_22[%gather3A_1839] in [0] : vector<16xf32>, vector<16xi32> -> vector<16xf32>
    %select_n3A_1841 = arith.select %eq3A_1837, %gather3A_1840, %select_n3A_1834 : vector<16xi1>, vector<16xf32>
    %eq3A_1842 = arith.constant 7 : i32
    %eq3A_1843 = vector.broadcast %eq3A_1842 : i32 to vector<16xi32>
    %eq3A_1844 = arith.cmpi eq, %shift_right_arithmetic3A_1787, %eq3A_1843 : vector<16xi32>
    %broadcast_in_dim3A_1845 = vector.shape_cast %and3A_1790 : vector<16xi32> to vector<16x1xi32>
    %gather3A_1846 = vector.shape_cast %broadcast_in_dim3A_1845 : vector<16x1xi32> to vector<16xi32>
    %gather3A_1847 = tpu.dynamic_gather %get3A_25[%gather3A_1846] in [0] : vector<16xf32>, vector<16xi32> -> vector<16xf32>
    %select_n3A_1848 = arith.select %eq3A_1844, %gather3A_1847, %select_n3A_1841 : vector<16xi1>, vector<16xf32>
    %eq3A_1849 = arith.constant 8 : i32
    %eq3A_1850 = vector.broadcast %eq3A_1849 : i32 to vector<16xi32>
    %eq3A_1851 = arith.cmpi eq, %shift_right_arithmetic3A_1787, %eq3A_1850 : vector<16xi32>
    %broadcast_in_dim3A_1852 = vector.shape_cast %and3A_1790 : vector<16xi32> to vector<16x1xi32>
    %gather3A_1853 = vector.shape_cast %broadcast_in_dim3A_1852 : vector<16x1xi32> to vector<16xi32>
    %gather3A_1854 = tpu.dynamic_gather %get3A_28[%gather3A_1853] in [0] : vector<16xf32>, vector<16xi32> -> vector<16xf32>
    %select_n3A_1855 = arith.select %eq3A_1851, %gather3A_1854, %select_n3A_1848 : vector<16xi1>, vector<16xf32>
    %eq3A_1856 = arith.constant 9 : i32
    %eq3A_1857 = vector.broadcast %eq3A_1856 : i32 to vector<16xi32>
    %eq3A_1858 = arith.cmpi eq, %shift_right_arithmetic3A_1787, %eq3A_1857 : vector<16xi32>
    %broadcast_in_dim3A_1859 = vector.shape_cast %and3A_1790 : vector<16xi32> to vector<16x1xi32>
    %gather3A_1860 = vector.shape_cast %broadcast_in_dim3A_1859 : vector<16x1xi32> to vector<16xi32>
    %gather3A_1861 = tpu.dynamic_gather %get3A_31[%gather3A_1860] in [0] : vector<16xf32>, vector<16xi32> -> vector<16xf32>
    %select_n3A_1862 = arith.select %eq3A_1858, %gather3A_1861, %select_n3A_1855 : vector<16xi1>, vector<16xf32>
    %eq3A_1863 = arith.constant 10 : i32
    %eq3A_1864 = vector.broadcast %eq3A_1863 : i32 to vector<16xi32>
    %eq3A_1865 = arith.cmpi eq, %shift_right_arithmetic3A_1787, %eq3A_1864 : vector<16xi32>
    %broadcast_in_dim3A_1866 = vector.shape_cast %and3A_1790 : vector<16xi32> to vector<16x1xi32>
    %gather3A_1867 = vector.shape_cast %broadcast_in_dim3A_1866 : vector<16x1xi32> to vector<16xi32>
    %gather3A_1868 = tpu.dynamic_gather %get3A_34[%gather3A_1867] in [0] : vector<16xf32>, vector<16xi32> -> vector<16xf32>
    %select_n3A_1869 = arith.select %eq3A_1865, %gather3A_1868, %select_n3A_1862 : vector<16xi1>, vector<16xf32>
    %eq3A_1870 = arith.constant 11 : i32
    %eq3A_1871 = vector.broadcast %eq3A_1870 : i32 to vector<16xi32>
    %eq3A_1872 = arith.cmpi eq, %shift_right_arithmetic3A_1787, %eq3A_1871 : vector<16xi32>
    %broadcast_in_dim3A_1873 = vector.shape_cast %and3A_1790 : vector<16xi32> to vector<16x1xi32>
    %gather3A_1874 = vector.shape_cast %broadcast_in_dim3A_1873 : vector<16x1xi32> to vector<16xi32>
    %gather3A_1875 = tpu.dynamic_gather %get3A_37[%gather3A_1874] in [0] : vector<16xf32>, vector<16xi32> -> vector<16xf32>
    %select_n3A_1876 = arith.select %eq3A_1872, %gather3A_1875, %select_n3A_1869 : vector<16xi1>, vector<16xf32>
    %get3A_1877 = arith.constant 272 : index
    %get3A_1878 = tpu.vector_load %arg7[%get3A_1877] {strides = array<i32>} : memref<512xf32, #tpu.memory_space<vmem>>, vector<16xf32>,
    %get3A_1879 = vector.shape_cast %get3A_1878 : vector<16xf32> to vector<16xf32>
    %add3A_1880 = arith.addf %get3A_1879, %select_n3A_1876 : vector<16xf32>
    %swap3A_1881 = arith.constant 272 : index
    %swap3A_1882 = tpu.vector_load %arg9[%swap3A_1881] {strides = array<i32>} : memref<512xf32, #tpu.memory_space<vmem>>, vector<16xf32>,
    %swap3A_1883 = vector.shape_cast %swap3A_1882 : vector<16xf32> to vector<16xf32>
    %swap3A_1884 = vector.shape_cast %add3A_1880 : vector<16xf32> to vector<16xf32>
    tpu.vector_store %arg9[%swap3A_1881], %swap3A_1884 {strides = array<i32>} : memref<512xf32, #tpu.memory_space<vmem>>, vector<16xf32>,
    %get3A_1885 = arith.constant 288 : index
    %get3A_1886 = tpu.vector_load %arg6[%get3A_1885] {strides = array<i32>} : memref<512xi32, #tpu.memory_space<vmem>>, vector<16xi32>,
    %get3A_1887 = vector.shape_cast %get3A_1886 : vector<16xi32> to vector<16xi32>
    %shift_right_arithmetic3A_1888 = arith.constant 4 : i32
    %shift_right_arithmetic3A_1889 = vector.broadcast %shift_right_arithmetic3A_1888 : i32 to vector<16xi32>
    %shift_right_arithmetic3A_1890 = arith.shrsi %get3A_1887, %shift_right_arithmetic3A_1889 : vector<16xi32>
    %and3A_1891 = arith.constant 15 : i32
    %and3A_1892 = vector.broadcast %and3A_1891 : i32 to vector<16xi32>
    %and3A_1893 = arith.andi %get3A_1887, %and3A_1892 : vector<16xi32>
    %broadcast_in_dim3A_1894 = arith.constant 0.000000e+00 : f32
    %broadcast_in_dim3A_1895 = vector.broadcast %broadcast_in_dim3A_1894 : f32 to vector<16xf32>
    %eq3A_1896 = arith.constant 0 : i32
    %eq3A_1897 = vector.broadcast %eq3A_1896 : i32 to vector<16xi32>
    %eq3A_1898 = arith.cmpi eq, %shift_right_arithmetic3A_1890, %eq3A_1897 : vector<16xi32>
    %broadcast_in_dim3A_1899 = vector.shape_cast %and3A_1893 : vector<16xi32> to vector<16x1xi32>
    %gather3A_1900 = vector.shape_cast %broadcast_in_dim3A_1899 : vector<16x1xi32> to vector<16xi32>
    %gather3A_1901 = tpu.dynamic_gather %get3A_4[%gather3A_1900] in [0] : vector<16xf32>, vector<16xi32> -> vector<16xf32>
    %select_n3A_1902 = arith.select %eq3A_1898, %gather3A_1901, %broadcast_in_dim3A_1895 : vector<16xi1>, vector<16xf32>
    %eq3A_1903 = arith.constant 1 : i32
    %eq3A_1904 = vector.broadcast %eq3A_1903 : i32 to vector<16xi32>
    %eq3A_1905 = arith.cmpi eq, %shift_right_arithmetic3A_1890, %eq3A_1904 : vector<16xi32>
    %broadcast_in_dim3A_1906 = vector.shape_cast %and3A_1893 : vector<16xi32> to vector<16x1xi32>
    %gather3A_1907 = vector.shape_cast %broadcast_in_dim3A_1906 : vector<16x1xi32> to vector<16xi32>
    %gather3A_1908 = tpu.dynamic_gather %get3A_7[%gather3A_1907] in [0] : vector<16xf32>, vector<16xi32> -> vector<16xf32>
    %select_n3A_1909 = arith.select %eq3A_1905, %gather3A_1908, %select_n3A_1902 : vector<16xi1>, vector<16xf32>
    %eq3A_1910 = arith.constant 2 : i32
    %eq3A_1911 = vector.broadcast %eq3A_1910 : i32 to vector<16xi32>
    %eq3A_1912 = arith.cmpi eq, %shift_right_arithmetic3A_1890, %eq3A_1911 : vector<16xi32>
    %broadcast_in_dim3A_1913 = vector.shape_cast %and3A_1893 : vector<16xi32> to vector<16x1xi32>
    %gather3A_1914 = vector.shape_cast %broadcast_in_dim3A_1913 : vector<16x1xi32> to vector<16xi32>
    %gather3A_1915 = tpu.dynamic_gather %get3A_10[%gather3A_1914] in [0] : vector<16xf32>, vector<16xi32> -> vector<16xf32>
    %select_n3A_1916 = arith.select %eq3A_1912, %gather3A_1915, %select_n3A_1909 : vector<16xi1>, vector<16xf32>
    %eq3A_1917 = arith.constant 3 : i32
    %eq3A_1918 = vector.broadcast %eq3A_1917 : i32 to vector<16xi32>
    %eq3A_1919 = arith.cmpi eq, %shift_right_arithmetic3A_1890, %eq3A_1918 : vector<16xi32>
    %broadcast_in_dim3A_1920 = vector.shape_cast %and3A_1893 : vector<16xi32> to vector<16x1xi32>
    %gather3A_1921 = vector.shape_cast %broadcast_in_dim3A_1920 : vector<16x1xi32> to vector<16xi32>
    %gather3A_1922 = tpu.dynamic_gather %get3A_13[%gather3A_1921] in [0] : vector<16xf32>, vector<16xi32> -> vector<16xf32>
    %select_n3A_1923 = arith.select %eq3A_1919, %gather3A_1922, %select_n3A_1916 : vector<16xi1>, vector<16xf32>
    %eq3A_1924 = arith.constant 4 : i32
    %eq3A_1925 = vector.broadcast %eq3A_1924 : i32 to vector<16xi32>
    %eq3A_1926 = arith.cmpi eq, %shift_right_arithmetic3A_1890, %eq3A_1925 : vector<16xi32>
    %broadcast_in_dim3A_1927 = vector.shape_cast %and3A_1893 : vector<16xi32> to vector<16x1xi32>
    %gather3A_1928 = vector.shape_cast %broadcast_in_dim3A_1927 : vector<16x1xi32> to vector<16xi32>
    %gather3A_1929 = tpu.dynamic_gather %get3A_16[%gather3A_1928] in [0] : vector<16xf32>, vector<16xi32> -> vector<16xf32>
    %select_n3A_1930 = arith.select %eq3A_1926, %gather3A_1929, %select_n3A_1923 : vector<16xi1>, vector<16xf32>
    %eq3A_1931 = arith.constant 5 : i32
    %eq3A_1932 = vector.broadcast %eq3A_1931 : i32 to vector<16xi32>
    %eq3A_1933 = arith.cmpi eq, %shift_right_arithmetic3A_1890, %eq3A_1932 : vector<16xi32>
    %broadcast_in_dim3A_1934 = vector.shape_cast %and3A_1893 : vector<16xi32> to vector<16x1xi32>
    %gather3A_1935 = vector.shape_cast %broadcast_in_dim3A_1934 : vector<16x1xi32> to vector<16xi32>
    %gather3A_1936 = tpu.dynamic_gather %get3A_19[%gather3A_1935] in [0] : vector<16xf32>, vector<16xi32> -> vector<16xf32>
    %select_n3A_1937 = arith.select %eq3A_1933, %gather3A_1936, %select_n3A_1930 : vector<16xi1>, vector<16xf32>
    %eq3A_1938 = arith.constant 6 : i32
    %eq3A_1939 = vector.broadcast %eq3A_1938 : i32 to vector<16xi32>
    %eq3A_1940 = arith.cmpi eq, %shift_right_arithmetic3A_1890, %eq3A_1939 : vector<16xi32>
    %broadcast_in_dim3A_1941 = vector.shape_cast %and3A_1893 : vector<16xi32> to vector<16x1xi32>
    %gather3A_1942 = vector.shape_cast %broadcast_in_dim3A_1941 : vector<16x1xi32> to vector<16xi32>
    %gather3A_1943 = tpu.dynamic_gather %get3A_22[%gather3A_1942] in [0] : vector<16xf32>, vector<16xi32> -> vector<16xf32>
    %select_n3A_1944 = arith.select %eq3A_1940, %gather3A_1943, %select_n3A_1937 : vector<16xi1>, vector<16xf32>
    %eq3A_1945 = arith.constant 7 : i32
    %eq3A_1946 = vector.broadcast %eq3A_1945 : i32 to vector<16xi32>
    %eq3A_1947 = arith.cmpi eq, %shift_right_arithmetic3A_1890, %eq3A_1946 : vector<16xi32>
    %broadcast_in_dim3A_1948 = vector.shape_cast %and3A_1893 : vector<16xi32> to vector<16x1xi32>
    %gather3A_1949 = vector.shape_cast %broadcast_in_dim3A_1948 : vector<16x1xi32> to vector<16xi32>
    %gather3A_1950 = tpu.dynamic_gather %get3A_25[%gather3A_1949] in [0] : vector<16xf32>, vector<16xi32> -> vector<16xf32>
    %select_n3A_1951 = arith.select %eq3A_1947, %gather3A_1950, %select_n3A_1944 : vector<16xi1>, vector<16xf32>
    %eq3A_1952 = arith.constant 8 : i32
    %eq3A_1953 = vector.broadcast %eq3A_1952 : i32 to vector<16xi32>
    %eq3A_1954 = arith.cmpi eq, %shift_right_arithmetic3A_1890, %eq3A_1953 : vector<16xi32>
    %broadcast_in_dim3A_1955 = vector.shape_cast %and3A_1893 : vector<16xi32> to vector<16x1xi32>
    %gather3A_1956 = vector.shape_cast %broadcast_in_dim3A_1955 : vector<16x1xi32> to vector<16xi32>
    %gather3A_1957 = tpu.dynamic_gather %get3A_28[%gather3A_1956] in [0] : vector<16xf32>, vector<16xi32> -> vector<16xf32>
    %select_n3A_1958 = arith.select %eq3A_1954, %gather3A_1957, %select_n3A_1951 : vector<16xi1>, vector<16xf32>
    %eq3A_1959 = arith.constant 9 : i32
    %eq3A_1960 = vector.broadcast %eq3A_1959 : i32 to vector<16xi32>
    %eq3A_1961 = arith.cmpi eq, %shift_right_arithmetic3A_1890, %eq3A_1960 : vector<16xi32>
    %broadcast_in_dim3A_1962 = vector.shape_cast %and3A_1893 : vector<16xi32> to vector<16x1xi32>
    %gather3A_1963 = vector.shape_cast %broadcast_in_dim3A_1962 : vector<16x1xi32> to vector<16xi32>
    %gather3A_1964 = tpu.dynamic_gather %get3A_31[%gather3A_1963] in [0] : vector<16xf32>, vector<16xi32> -> vector<16xf32>
    %select_n3A_1965 = arith.select %eq3A_1961, %gather3A_1964, %select_n3A_1958 : vector<16xi1>, vector<16xf32>
    %eq3A_1966 = arith.constant 10 : i32
    %eq3A_1967 = vector.broadcast %eq3A_1966 : i32 to vector<16xi32>
    %eq3A_1968 = arith.cmpi eq, %shift_right_arithmetic3A_1890, %eq3A_1967 : vector<16xi32>
    %broadcast_in_dim3A_1969 = vector.shape_cast %and3A_1893 : vector<16xi32> to vector<16x1xi32>
    %gather3A_1970 = vector.shape_cast %broadcast_in_dim3A_1969 : vector<16x1xi32> to vector<16xi32>
    %gather3A_1971 = tpu.dynamic_gather %get3A_34[%gather3A_1970] in [0] : vector<16xf32>, vector<16xi32> -> vector<16xf32>
    %select_n3A_1972 = arith.select %eq3A_1968, %gather3A_1971, %select_n3A_1965 : vector<16xi1>, vector<16xf32>
    %eq3A_1973 = arith.constant 11 : i32
    %eq3A_1974 = vector.broadcast %eq3A_1973 : i32 to vector<16xi32>
    %eq3A_1975 = arith.cmpi eq, %shift_right_arithmetic3A_1890, %eq3A_1974 : vector<16xi32>
    %broadcast_in_dim3A_1976 = vector.shape_cast %and3A_1893 : vector<16xi32> to vector<16x1xi32>
    %gather3A_1977 = vector.shape_cast %broadcast_in_dim3A_1976 : vector<16x1xi32> to vector<16xi32>
    %gather3A_1978 = tpu.dynamic_gather %get3A_37[%gather3A_1977] in [0] : vector<16xf32>, vector<16xi32> -> vector<16xf32>
    %select_n3A_1979 = arith.select %eq3A_1975, %gather3A_1978, %select_n3A_1972 : vector<16xi1>, vector<16xf32>
    %get3A_1980 = arith.constant 288 : index
    %get3A_1981 = tpu.vector_load %arg7[%get3A_1980] {strides = array<i32>} : memref<512xf32, #tpu.memory_space<vmem>>, vector<16xf32>,
    %get3A_1982 = vector.shape_cast %get3A_1981 : vector<16xf32> to vector<16xf32>
    %add3A_1983 = arith.addf %get3A_1982, %select_n3A_1979 : vector<16xf32>
    %swap3A_1984 = arith.constant 288 : index
    %swap3A_1985 = tpu.vector_load %arg9[%swap3A_1984] {strides = array<i32>} : memref<512xf32, #tpu.memory_space<vmem>>, vector<16xf32>,
    %swap3A_1986 = vector.shape_cast %swap3A_1985 : vector<16xf32> to vector<16xf32>
    %swap3A_1987 = vector.shape_cast %add3A_1983 : vector<16xf32> to vector<16xf32>
    tpu.vector_store %arg9[%swap3A_1984], %swap3A_1987 {strides = array<i32>} : memref<512xf32, #tpu.memory_space<vmem>>, vector<16xf32>,
    %get3A_1988 = arith.constant 304 : index
    %get3A_1989 = tpu.vector_load %arg6[%get3A_1988] {strides = array<i32>} : memref<512xi32, #tpu.memory_space<vmem>>, vector<16xi32>,
    %get3A_1990 = vector.shape_cast %get3A_1989 : vector<16xi32> to vector<16xi32>
    %shift_right_arithmetic3A_1991 = arith.constant 4 : i32
    %shift_right_arithmetic3A_1992 = vector.broadcast %shift_right_arithmetic3A_1991 : i32 to vector<16xi32>
    %shift_right_arithmetic3A_1993 = arith.shrsi %get3A_1990, %shift_right_arithmetic3A_1992 : vector<16xi32>
    %and3A_1994 = arith.constant 15 : i32
    %and3A_1995 = vector.broadcast %and3A_1994 : i32 to vector<16xi32>
    %and3A_1996 = arith.andi %get3A_1990, %and3A_1995 : vector<16xi32>
    %broadcast_in_dim3A_1997 = arith.constant 0.000000e+00 : f32
    %broadcast_in_dim3A_1998 = vector.broadcast %broadcast_in_dim3A_1997 : f32 to vector<16xf32>
    %eq3A_1999 = arith.constant 0 : i32
    %eq3A_2000 = vector.broadcast %eq3A_1999 : i32 to vector<16xi32>
    %eq3A_2001 = arith.cmpi eq, %shift_right_arithmetic3A_1993, %eq3A_2000 : vector<16xi32>
    %broadcast_in_dim3A_2002 = vector.shape_cast %and3A_1996 : vector<16xi32> to vector<16x1xi32>
    %gather3A_2003 = vector.shape_cast %broadcast_in_dim3A_2002 : vector<16x1xi32> to vector<16xi32>
    %gather3A_2004 = tpu.dynamic_gather %get3A_4[%gather3A_2003] in [0] : vector<16xf32>, vector<16xi32> -> vector<16xf32>
    %select_n3A_2005 = arith.select %eq3A_2001, %gather3A_2004, %broadcast_in_dim3A_1998 : vector<16xi1>, vector<16xf32>
    %eq3A_2006 = arith.constant 1 : i32
    %eq3A_2007 = vector.broadcast %eq3A_2006 : i32 to vector<16xi32>
    %eq3A_2008 = arith.cmpi eq, %shift_right_arithmetic3A_1993, %eq3A_2007 : vector<16xi32>
    %broadcast_in_dim3A_2009 = vector.shape_cast %and3A_1996 : vector<16xi32> to vector<16x1xi32>
    %gather3A_2010 = vector.shape_cast %broadcast_in_dim3A_2009 : vector<16x1xi32> to vector<16xi32>
    %gather3A_2011 = tpu.dynamic_gather %get3A_7[%gather3A_2010] in [0] : vector<16xf32>, vector<16xi32> -> vector<16xf32>
    %select_n3A_2012 = arith.select %eq3A_2008, %gather3A_2011, %select_n3A_2005 : vector<16xi1>, vector<16xf32>
    %eq3A_2013 = arith.constant 2 : i32
    %eq3A_2014 = vector.broadcast %eq3A_2013 : i32 to vector<16xi32>
    %eq3A_2015 = arith.cmpi eq, %shift_right_arithmetic3A_1993, %eq3A_2014 : vector<16xi32>
    %broadcast_in_dim3A_2016 = vector.shape_cast %and3A_1996 : vector<16xi32> to vector<16x1xi32>
    %gather3A_2017 = vector.shape_cast %broadcast_in_dim3A_2016 : vector<16x1xi32> to vector<16xi32>
    %gather3A_2018 = tpu.dynamic_gather %get3A_10[%gather3A_2017] in [0] : vector<16xf32>, vector<16xi32> -> vector<16xf32>
    %select_n3A_2019 = arith.select %eq3A_2015, %gather3A_2018, %select_n3A_2012 : vector<16xi1>, vector<16xf32>
    %eq3A_2020 = arith.constant 3 : i32
    %eq3A_2021 = vector.broadcast %eq3A_2020 : i32 to vector<16xi32>
    %eq3A_2022 = arith.cmpi eq, %shift_right_arithmetic3A_1993, %eq3A_2021 : vector<16xi32>
    %broadcast_in_dim3A_2023 = vector.shape_cast %and3A_1996 : vector<16xi32> to vector<16x1xi32>
    %gather3A_2024 = vector.shape_cast %broadcast_in_dim3A_2023 : vector<16x1xi32> to vector<16xi32>
    %gather3A_2025 = tpu.dynamic_gather %get3A_13[%gather3A_2024] in [0] : vector<16xf32>, vector<16xi32> -> vector<16xf32>
    %select_n3A_2026 = arith.select %eq3A_2022, %gather3A_2025, %select_n3A_2019 : vector<16xi1>, vector<16xf32>
    %eq3A_2027 = arith.constant 4 : i32
    %eq3A_2028 = vector.broadcast %eq3A_2027 : i32 to vector<16xi32>
    %eq3A_2029 = arith.cmpi eq, %shift_right_arithmetic3A_1993, %eq3A_2028 : vector<16xi32>
    %broadcast_in_dim3A_2030 = vector.shape_cast %and3A_1996 : vector<16xi32> to vector<16x1xi32>
    %gather3A_2031 = vector.shape_cast %broadcast_in_dim3A_2030 : vector<16x1xi32> to vector<16xi32>
    %gather3A_2032 = tpu.dynamic_gather %get3A_16[%gather3A_2031] in [0] : vector<16xf32>, vector<16xi32> -> vector<16xf32>
    %select_n3A_2033 = arith.select %eq3A_2029, %gather3A_2032, %select_n3A_2026 : vector<16xi1>, vector<16xf32>
    %eq3A_2034 = arith.constant 5 : i32
    %eq3A_2035 = vector.broadcast %eq3A_2034 : i32 to vector<16xi32>
    %eq3A_2036 = arith.cmpi eq, %shift_right_arithmetic3A_1993, %eq3A_2035 : vector<16xi32>
    %broadcast_in_dim3A_2037 = vector.shape_cast %and3A_1996 : vector<16xi32> to vector<16x1xi32>
    %gather3A_2038 = vector.shape_cast %broadcast_in_dim3A_2037 : vector<16x1xi32> to vector<16xi32>
    %gather3A_2039 = tpu.dynamic_gather %get3A_19[%gather3A_2038] in [0] : vector<16xf32>, vector<16xi32> -> vector<16xf32>
    %select_n3A_2040 = arith.select %eq3A_2036, %gather3A_2039, %select_n3A_2033 : vector<16xi1>, vector<16xf32>
    %eq3A_2041 = arith.constant 6 : i32
    %eq3A_2042 = vector.broadcast %eq3A_2041 : i32 to vector<16xi32>
    %eq3A_2043 = arith.cmpi eq, %shift_right_arithmetic3A_1993, %eq3A_2042 : vector<16xi32>
    %broadcast_in_dim3A_2044 = vector.shape_cast %and3A_1996 : vector<16xi32> to vector<16x1xi32>
    %gather3A_2045 = vector.shape_cast %broadcast_in_dim3A_2044 : vector<16x1xi32> to vector<16xi32>
    %gather3A_2046 = tpu.dynamic_gather %get3A_22[%gather3A_2045] in [0] : vector<16xf32>, vector<16xi32> -> vector<16xf32>
    %select_n3A_2047 = arith.select %eq3A_2043, %gather3A_2046, %select_n3A_2040 : vector<16xi1>, vector<16xf32>
    %eq3A_2048 = arith.constant 7 : i32
    %eq3A_2049 = vector.broadcast %eq3A_2048 : i32 to vector<16xi32>
    %eq3A_2050 = arith.cmpi eq, %shift_right_arithmetic3A_1993, %eq3A_2049 : vector<16xi32>
    %broadcast_in_dim3A_2051 = vector.shape_cast %and3A_1996 : vector<16xi32> to vector<16x1xi32>
    %gather3A_2052 = vector.shape_cast %broadcast_in_dim3A_2051 : vector<16x1xi32> to vector<16xi32>
    %gather3A_2053 = tpu.dynamic_gather %get3A_25[%gather3A_2052] in [0] : vector<16xf32>, vector<16xi32> -> vector<16xf32>
    %select_n3A_2054 = arith.select %eq3A_2050, %gather3A_2053, %select_n3A_2047 : vector<16xi1>, vector<16xf32>
    %eq3A_2055 = arith.constant 8 : i32
    %eq3A_2056 = vector.broadcast %eq3A_2055 : i32 to vector<16xi32>
    %eq3A_2057 = arith.cmpi eq, %shift_right_arithmetic3A_1993, %eq3A_2056 : vector<16xi32>
    %broadcast_in_dim3A_2058 = vector.shape_cast %and3A_1996 : vector<16xi32> to vector<16x1xi32>
    %gather3A_2059 = vector.shape_cast %broadcast_in_dim3A_2058 : vector<16x1xi32> to vector<16xi32>
    %gather3A_2060 = tpu.dynamic_gather %get3A_28[%gather3A_2059] in [0] : vector<16xf32>, vector<16xi32> -> vector<16xf32>
    %select_n3A_2061 = arith.select %eq3A_2057, %gather3A_2060, %select_n3A_2054 : vector<16xi1>, vector<16xf32>
    %eq3A_2062 = arith.constant 9 : i32
    %eq3A_2063 = vector.broadcast %eq3A_2062 : i32 to vector<16xi32>
    %eq3A_2064 = arith.cmpi eq, %shift_right_arithmetic3A_1993, %eq3A_2063 : vector<16xi32>
    %broadcast_in_dim3A_2065 = vector.shape_cast %and3A_1996 : vector<16xi32> to vector<16x1xi32>
    %gather3A_2066 = vector.shape_cast %broadcast_in_dim3A_2065 : vector<16x1xi32> to vector<16xi32>
    %gather3A_2067 = tpu.dynamic_gather %get3A_31[%gather3A_2066] in [0] : vector<16xf32>, vector<16xi32> -> vector<16xf32>
    %select_n3A_2068 = arith.select %eq3A_2064, %gather3A_2067, %select_n3A_2061 : vector<16xi1>, vector<16xf32>
    %eq3A_2069 = arith.constant 10 : i32
    %eq3A_2070 = vector.broadcast %eq3A_2069 : i32 to vector<16xi32>
    %eq3A_2071 = arith.cmpi eq, %shift_right_arithmetic3A_1993, %eq3A_2070 : vector<16xi32>
    %broadcast_in_dim3A_2072 = vector.shape_cast %and3A_1996 : vector<16xi32> to vector<16x1xi32>
    %gather3A_2073 = vector.shape_cast %broadcast_in_dim3A_2072 : vector<16x1xi32> to vector<16xi32>
    %gather3A_2074 = tpu.dynamic_gather %get3A_34[%gather3A_2073] in [0] : vector<16xf32>, vector<16xi32> -> vector<16xf32>
    %select_n3A_2075 = arith.select %eq3A_2071, %gather3A_2074, %select_n3A_2068 : vector<16xi1>, vector<16xf32>
    %eq3A_2076 = arith.constant 11 : i32
    %eq3A_2077 = vector.broadcast %eq3A_2076 : i32 to vector<16xi32>
    %eq3A_2078 = arith.cmpi eq, %shift_right_arithmetic3A_1993, %eq3A_2077 : vector<16xi32>
    %broadcast_in_dim3A_2079 = vector.shape_cast %and3A_1996 : vector<16xi32> to vector<16x1xi32>
    %gather3A_2080 = vector.shape_cast %broadcast_in_dim3A_2079 : vector<16x1xi32> to vector<16xi32>
    %gather3A_2081 = tpu.dynamic_gather %get3A_37[%gather3A_2080] in [0] : vector<16xf32>, vector<16xi32> -> vector<16xf32>
    %select_n3A_2082 = arith.select %eq3A_2078, %gather3A_2081, %select_n3A_2075 : vector<16xi1>, vector<16xf32>
    %get3A_2083 = arith.constant 304 : index
    %get3A_2084 = tpu.vector_load %arg7[%get3A_2083] {strides = array<i32>} : memref<512xf32, #tpu.memory_space<vmem>>, vector<16xf32>,
    %get3A_2085 = vector.shape_cast %get3A_2084 : vector<16xf32> to vector<16xf32>
    %add3A_2086 = arith.addf %get3A_2085, %select_n3A_2082 : vector<16xf32>
    %swap3A_2087 = arith.constant 304 : index
    %swap3A_2088 = tpu.vector_load %arg9[%swap3A_2087] {strides = array<i32>} : memref<512xf32, #tpu.memory_space<vmem>>, vector<16xf32>,
    %swap3A_2089 = vector.shape_cast %swap3A_2088 : vector<16xf32> to vector<16xf32>
    %swap3A_2090 = vector.shape_cast %add3A_2086 : vector<16xf32> to vector<16xf32>
    tpu.vector_store %arg9[%swap3A_2087], %swap3A_2090 {strides = array<i32>} : memref<512xf32, #tpu.memory_space<vmem>>, vector<16xf32>,
    %get3A_2091 = arith.constant 320 : index
    %get3A_2092 = tpu.vector_load %arg6[%get3A_2091] {strides = array<i32>} : memref<512xi32, #tpu.memory_space<vmem>>, vector<16xi32>,
    %get3A_2093 = vector.shape_cast %get3A_2092 : vector<16xi32> to vector<16xi32>
    %shift_right_arithmetic3A_2094 = arith.constant 4 : i32
    %shift_right_arithmetic3A_2095 = vector.broadcast %shift_right_arithmetic3A_2094 : i32 to vector<16xi32>
    %shift_right_arithmetic3A_2096 = arith.shrsi %get3A_2093, %shift_right_arithmetic3A_2095 : vector<16xi32>
    %and3A_2097 = arith.constant 15 : i32
    %and3A_2098 = vector.broadcast %and3A_2097 : i32 to vector<16xi32>
    %and3A_2099 = arith.andi %get3A_2093, %and3A_2098 : vector<16xi32>
    %broadcast_in_dim3A_2100 = arith.constant 0.000000e+00 : f32
    %broadcast_in_dim3A_2101 = vector.broadcast %broadcast_in_dim3A_2100 : f32 to vector<16xf32>
    %eq3A_2102 = arith.constant 0 : i32
    %eq3A_2103 = vector.broadcast %eq3A_2102 : i32 to vector<16xi32>
    %eq3A_2104 = arith.cmpi eq, %shift_right_arithmetic3A_2096, %eq3A_2103 : vector<16xi32>
    %broadcast_in_dim3A_2105 = vector.shape_cast %and3A_2099 : vector<16xi32> to vector<16x1xi32>
    %gather3A_2106 = vector.shape_cast %broadcast_in_dim3A_2105 : vector<16x1xi32> to vector<16xi32>
    %gather3A_2107 = tpu.dynamic_gather %get3A_4[%gather3A_2106] in [0] : vector<16xf32>, vector<16xi32> -> vector<16xf32>
    %select_n3A_2108 = arith.select %eq3A_2104, %gather3A_2107, %broadcast_in_dim3A_2101 : vector<16xi1>, vector<16xf32>
    %eq3A_2109 = arith.constant 1 : i32
    %eq3A_2110 = vector.broadcast %eq3A_2109 : i32 to vector<16xi32>
    %eq3A_2111 = arith.cmpi eq, %shift_right_arithmetic3A_2096, %eq3A_2110 : vector<16xi32>
    %broadcast_in_dim3A_2112 = vector.shape_cast %and3A_2099 : vector<16xi32> to vector<16x1xi32>
    %gather3A_2113 = vector.shape_cast %broadcast_in_dim3A_2112 : vector<16x1xi32> to vector<16xi32>
    %gather3A_2114 = tpu.dynamic_gather %get3A_7[%gather3A_2113] in [0] : vector<16xf32>, vector<16xi32> -> vector<16xf32>
    %select_n3A_2115 = arith.select %eq3A_2111, %gather3A_2114, %select_n3A_2108 : vector<16xi1>, vector<16xf32>
    %eq3A_2116 = arith.constant 2 : i32
    %eq3A_2117 = vector.broadcast %eq3A_2116 : i32 to vector<16xi32>
    %eq3A_2118 = arith.cmpi eq, %shift_right_arithmetic3A_2096, %eq3A_2117 : vector<16xi32>
    %broadcast_in_dim3A_2119 = vector.shape_cast %and3A_2099 : vector<16xi32> to vector<16x1xi32>
    %gather3A_2120 = vector.shape_cast %broadcast_in_dim3A_2119 : vector<16x1xi32> to vector<16xi32>
    %gather3A_2121 = tpu.dynamic_gather %get3A_10[%gather3A_2120] in [0] : vector<16xf32>, vector<16xi32> -> vector<16xf32>
    %select_n3A_2122 = arith.select %eq3A_2118, %gather3A_2121, %select_n3A_2115 : vector<16xi1>, vector<16xf32>
    %eq3A_2123 = arith.constant 3 : i32
    %eq3A_2124 = vector.broadcast %eq3A_2123 : i32 to vector<16xi32>
    %eq3A_2125 = arith.cmpi eq, %shift_right_arithmetic3A_2096, %eq3A_2124 : vector<16xi32>
    %broadcast_in_dim3A_2126 = vector.shape_cast %and3A_2099 : vector<16xi32> to vector<16x1xi32>
    %gather3A_2127 = vector.shape_cast %broadcast_in_dim3A_2126 : vector<16x1xi32> to vector<16xi32>
    %gather3A_2128 = tpu.dynamic_gather %get3A_13[%gather3A_2127] in [0] : vector<16xf32>, vector<16xi32> -> vector<16xf32>
    %select_n3A_2129 = arith.select %eq3A_2125, %gather3A_2128, %select_n3A_2122 : vector<16xi1>, vector<16xf32>
    %eq3A_2130 = arith.constant 4 : i32
    %eq3A_2131 = vector.broadcast %eq3A_2130 : i32 to vector<16xi32>
    %eq3A_2132 = arith.cmpi eq, %shift_right_arithmetic3A_2096, %eq3A_2131 : vector<16xi32>
    %broadcast_in_dim3A_2133 = vector.shape_cast %and3A_2099 : vector<16xi32> to vector<16x1xi32>
    %gather3A_2134 = vector.shape_cast %broadcast_in_dim3A_2133 : vector<16x1xi32> to vector<16xi32>
    %gather3A_2135 = tpu.dynamic_gather %get3A_16[%gather3A_2134] in [0] : vector<16xf32>, vector<16xi32> -> vector<16xf32>
    %select_n3A_2136 = arith.select %eq3A_2132, %gather3A_2135, %select_n3A_2129 : vector<16xi1>, vector<16xf32>
    %eq3A_2137 = arith.constant 5 : i32
    %eq3A_2138 = vector.broadcast %eq3A_2137 : i32 to vector<16xi32>
    %eq3A_2139 = arith.cmpi eq, %shift_right_arithmetic3A_2096, %eq3A_2138 : vector<16xi32>
    %broadcast_in_dim3A_2140 = vector.shape_cast %and3A_2099 : vector<16xi32> to vector<16x1xi32>
    %gather3A_2141 = vector.shape_cast %broadcast_in_dim3A_2140 : vector<16x1xi32> to vector<16xi32>
    %gather3A_2142 = tpu.dynamic_gather %get3A_19[%gather3A_2141] in [0] : vector<16xf32>, vector<16xi32> -> vector<16xf32>
    %select_n3A_2143 = arith.select %eq3A_2139, %gather3A_2142, %select_n3A_2136 : vector<16xi1>, vector<16xf32>
    %eq3A_2144 = arith.constant 6 : i32
    %eq3A_2145 = vector.broadcast %eq3A_2144 : i32 to vector<16xi32>
    %eq3A_2146 = arith.cmpi eq, %shift_right_arithmetic3A_2096, %eq3A_2145 : vector<16xi32>
    %broadcast_in_dim3A_2147 = vector.shape_cast %and3A_2099 : vector<16xi32> to vector<16x1xi32>
    %gather3A_2148 = vector.shape_cast %broadcast_in_dim3A_2147 : vector<16x1xi32> to vector<16xi32>
    %gather3A_2149 = tpu.dynamic_gather %get3A_22[%gather3A_2148] in [0] : vector<16xf32>, vector<16xi32> -> vector<16xf32>
    %select_n3A_2150 = arith.select %eq3A_2146, %gather3A_2149, %select_n3A_2143 : vector<16xi1>, vector<16xf32>
    %eq3A_2151 = arith.constant 7 : i32
    %eq3A_2152 = vector.broadcast %eq3A_2151 : i32 to vector<16xi32>
    %eq3A_2153 = arith.cmpi eq, %shift_right_arithmetic3A_2096, %eq3A_2152 : vector<16xi32>
    %broadcast_in_dim3A_2154 = vector.shape_cast %and3A_2099 : vector<16xi32> to vector<16x1xi32>
    %gather3A_2155 = vector.shape_cast %broadcast_in_dim3A_2154 : vector<16x1xi32> to vector<16xi32>
    %gather3A_2156 = tpu.dynamic_gather %get3A_25[%gather3A_2155] in [0] : vector<16xf32>, vector<16xi32> -> vector<16xf32>
    %select_n3A_2157 = arith.select %eq3A_2153, %gather3A_2156, %select_n3A_2150 : vector<16xi1>, vector<16xf32>
    %eq3A_2158 = arith.constant 8 : i32
    %eq3A_2159 = vector.broadcast %eq3A_2158 : i32 to vector<16xi32>
    %eq3A_2160 = arith.cmpi eq, %shift_right_arithmetic3A_2096, %eq3A_2159 : vector<16xi32>
    %broadcast_in_dim3A_2161 = vector.shape_cast %and3A_2099 : vector<16xi32> to vector<16x1xi32>
    %gather3A_2162 = vector.shape_cast %broadcast_in_dim3A_2161 : vector<16x1xi32> to vector<16xi32>
    %gather3A_2163 = tpu.dynamic_gather %get3A_28[%gather3A_2162] in [0] : vector<16xf32>, vector<16xi32> -> vector<16xf32>
    %select_n3A_2164 = arith.select %eq3A_2160, %gather3A_2163, %select_n3A_2157 : vector<16xi1>, vector<16xf32>
    %eq3A_2165 = arith.constant 9 : i32
    %eq3A_2166 = vector.broadcast %eq3A_2165 : i32 to vector<16xi32>
    %eq3A_2167 = arith.cmpi eq, %shift_right_arithmetic3A_2096, %eq3A_2166 : vector<16xi32>
    %broadcast_in_dim3A_2168 = vector.shape_cast %and3A_2099 : vector<16xi32> to vector<16x1xi32>
    %gather3A_2169 = vector.shape_cast %broadcast_in_dim3A_2168 : vector<16x1xi32> to vector<16xi32>
    %gather3A_2170 = tpu.dynamic_gather %get3A_31[%gather3A_2169] in [0] : vector<16xf32>, vector<16xi32> -> vector<16xf32>
    %select_n3A_2171 = arith.select %eq3A_2167, %gather3A_2170, %select_n3A_2164 : vector<16xi1>, vector<16xf32>
    %eq3A_2172 = arith.constant 10 : i32
    %eq3A_2173 = vector.broadcast %eq3A_2172 : i32 to vector<16xi32>
    %eq3A_2174 = arith.cmpi eq, %shift_right_arithmetic3A_2096, %eq3A_2173 : vector<16xi32>
    %broadcast_in_dim3A_2175 = vector.shape_cast %and3A_2099 : vector<16xi32> to vector<16x1xi32>
    %gather3A_2176 = vector.shape_cast %broadcast_in_dim3A_2175 : vector<16x1xi32> to vector<16xi32>
    %gather3A_2177 = tpu.dynamic_gather %get3A_34[%gather3A_2176] in [0] : vector<16xf32>, vector<16xi32> -> vector<16xf32>
    %select_n3A_2178 = arith.select %eq3A_2174, %gather3A_2177, %select_n3A_2171 : vector<16xi1>, vector<16xf32>
    %eq3A_2179 = arith.constant 11 : i32
    %eq3A_2180 = vector.broadcast %eq3A_2179 : i32 to vector<16xi32>
    %eq3A_2181 = arith.cmpi eq, %shift_right_arithmetic3A_2096, %eq3A_2180 : vector<16xi32>
    %broadcast_in_dim3A_2182 = vector.shape_cast %and3A_2099 : vector<16xi32> to vector<16x1xi32>
    %gather3A_2183 = vector.shape_cast %broadcast_in_dim3A_2182 : vector<16x1xi32> to vector<16xi32>
    %gather3A_2184 = tpu.dynamic_gather %get3A_37[%gather3A_2183] in [0] : vector<16xf32>, vector<16xi32> -> vector<16xf32>
    %select_n3A_2185 = arith.select %eq3A_2181, %gather3A_2184, %select_n3A_2178 : vector<16xi1>, vector<16xf32>
    %get3A_2186 = arith.constant 320 : index
    %get3A_2187 = tpu.vector_load %arg7[%get3A_2186] {strides = array<i32>} : memref<512xf32, #tpu.memory_space<vmem>>, vector<16xf32>,
    %get3A_2188 = vector.shape_cast %get3A_2187 : vector<16xf32> to vector<16xf32>
    %add3A_2189 = arith.addf %get3A_2188, %select_n3A_2185 : vector<16xf32>
    %swap3A_2190 = arith.constant 320 : index
    %swap3A_2191 = tpu.vector_load %arg9[%swap3A_2190] {strides = array<i32>} : memref<512xf32, #tpu.memory_space<vmem>>, vector<16xf32>,
    %swap3A_2192 = vector.shape_cast %swap3A_2191 : vector<16xf32> to vector<16xf32>
    %swap3A_2193 = vector.shape_cast %add3A_2189 : vector<16xf32> to vector<16xf32>
    tpu.vector_store %arg9[%swap3A_2190], %swap3A_2193 {strides = array<i32>} : memref<512xf32, #tpu.memory_space<vmem>>, vector<16xf32>,
    %get3A_2194 = arith.constant 336 : index
    %get3A_2195 = tpu.vector_load %arg6[%get3A_2194] {strides = array<i32>} : memref<512xi32, #tpu.memory_space<vmem>>, vector<16xi32>,
    %get3A_2196 = vector.shape_cast %get3A_2195 : vector<16xi32> to vector<16xi32>
    %shift_right_arithmetic3A_2197 = arith.constant 4 : i32
    %shift_right_arithmetic3A_2198 = vector.broadcast %shift_right_arithmetic3A_2197 : i32 to vector<16xi32>
    %shift_right_arithmetic3A_2199 = arith.shrsi %get3A_2196, %shift_right_arithmetic3A_2198 : vector<16xi32>
    %and3A_2200 = arith.constant 15 : i32
    %and3A_2201 = vector.broadcast %and3A_2200 : i32 to vector<16xi32>
    %and3A_2202 = arith.andi %get3A_2196, %and3A_2201 : vector<16xi32>
    %broadcast_in_dim3A_2203 = arith.constant 0.000000e+00 : f32
    %broadcast_in_dim3A_2204 = vector.broadcast %broadcast_in_dim3A_2203 : f32 to vector<16xf32>
    %eq3A_2205 = arith.constant 0 : i32
    %eq3A_2206 = vector.broadcast %eq3A_2205 : i32 to vector<16xi32>
    %eq3A_2207 = arith.cmpi eq, %shift_right_arithmetic3A_2199, %eq3A_2206 : vector<16xi32>
    %broadcast_in_dim3A_2208 = vector.shape_cast %and3A_2202 : vector<16xi32> to vector<16x1xi32>
    %gather3A_2209 = vector.shape_cast %broadcast_in_dim3A_2208 : vector<16x1xi32> to vector<16xi32>
    %gather3A_2210 = tpu.dynamic_gather %get3A_4[%gather3A_2209] in [0] : vector<16xf32>, vector<16xi32> -> vector<16xf32>
    %select_n3A_2211 = arith.select %eq3A_2207, %gather3A_2210, %broadcast_in_dim3A_2204 : vector<16xi1>, vector<16xf32>
    %eq3A_2212 = arith.constant 1 : i32
    %eq3A_2213 = vector.broadcast %eq3A_2212 : i32 to vector<16xi32>
    %eq3A_2214 = arith.cmpi eq, %shift_right_arithmetic3A_2199, %eq3A_2213 : vector<16xi32>
    %broadcast_in_dim3A_2215 = vector.shape_cast %and3A_2202 : vector<16xi32> to vector<16x1xi32>
    %gather3A_2216 = vector.shape_cast %broadcast_in_dim3A_2215 : vector<16x1xi32> to vector<16xi32>
    %gather3A_2217 = tpu.dynamic_gather %get3A_7[%gather3A_2216] in [0] : vector<16xf32>, vector<16xi32> -> vector<16xf32>
    %select_n3A_2218 = arith.select %eq3A_2214, %gather3A_2217, %select_n3A_2211 : vector<16xi1>, vector<16xf32>
    %eq3A_2219 = arith.constant 2 : i32
    %eq3A_2220 = vector.broadcast %eq3A_2219 : i32 to vector<16xi32>
    %eq3A_2221 = arith.cmpi eq, %shift_right_arithmetic3A_2199, %eq3A_2220 : vector<16xi32>
    %broadcast_in_dim3A_2222 = vector.shape_cast %and3A_2202 : vector<16xi32> to vector<16x1xi32>
    %gather3A_2223 = vector.shape_cast %broadcast_in_dim3A_2222 : vector<16x1xi32> to vector<16xi32>
    %gather3A_2224 = tpu.dynamic_gather %get3A_10[%gather3A_2223] in [0] : vector<16xf32>, vector<16xi32> -> vector<16xf32>
    %select_n3A_2225 = arith.select %eq3A_2221, %gather3A_2224, %select_n3A_2218 : vector<16xi1>, vector<16xf32>
    %eq3A_2226 = arith.constant 3 : i32
    %eq3A_2227 = vector.broadcast %eq3A_2226 : i32 to vector<16xi32>
    %eq3A_2228 = arith.cmpi eq, %shift_right_arithmetic3A_2199, %eq3A_2227 : vector<16xi32>
    %broadcast_in_dim3A_2229 = vector.shape_cast %and3A_2202 : vector<16xi32> to vector<16x1xi32>
    %gather3A_2230 = vector.shape_cast %broadcast_in_dim3A_2229 : vector<16x1xi32> to vector<16xi32>
    %gather3A_2231 = tpu.dynamic_gather %get3A_13[%gather3A_2230] in [0] : vector<16xf32>, vector<16xi32> -> vector<16xf32>
    %select_n3A_2232 = arith.select %eq3A_2228, %gather3A_2231, %select_n3A_2225 : vector<16xi1>, vector<16xf32>
    %eq3A_2233 = arith.constant 4 : i32
    %eq3A_2234 = vector.broadcast %eq3A_2233 : i32 to vector<16xi32>
    %eq3A_2235 = arith.cmpi eq, %shift_right_arithmetic3A_2199, %eq3A_2234 : vector<16xi32>
    %broadcast_in_dim3A_2236 = vector.shape_cast %and3A_2202 : vector<16xi32> to vector<16x1xi32>
    %gather3A_2237 = vector.shape_cast %broadcast_in_dim3A_2236 : vector<16x1xi32> to vector<16xi32>
    %gather3A_2238 = tpu.dynamic_gather %get3A_16[%gather3A_2237] in [0] : vector<16xf32>, vector<16xi32> -> vector<16xf32>
    %select_n3A_2239 = arith.select %eq3A_2235, %gather3A_2238, %select_n3A_2232 : vector<16xi1>, vector<16xf32>
    %eq3A_2240 = arith.constant 5 : i32
    %eq3A_2241 = vector.broadcast %eq3A_2240 : i32 to vector<16xi32>
    %eq3A_2242 = arith.cmpi eq, %shift_right_arithmetic3A_2199, %eq3A_2241 : vector<16xi32>
    %broadcast_in_dim3A_2243 = vector.shape_cast %and3A_2202 : vector<16xi32> to vector<16x1xi32>
    %gather3A_2244 = vector.shape_cast %broadcast_in_dim3A_2243 : vector<16x1xi32> to vector<16xi32>
    %gather3A_2245 = tpu.dynamic_gather %get3A_19[%gather3A_2244] in [0] : vector<16xf32>, vector<16xi32> -> vector<16xf32>
    %select_n3A_2246 = arith.select %eq3A_2242, %gather3A_2245, %select_n3A_2239 : vector<16xi1>, vector<16xf32>
    %eq3A_2247 = arith.constant 6 : i32
    %eq3A_2248 = vector.broadcast %eq3A_2247 : i32 to vector<16xi32>
    %eq3A_2249 = arith.cmpi eq, %shift_right_arithmetic3A_2199, %eq3A_2248 : vector<16xi32>
    %broadcast_in_dim3A_2250 = vector.shape_cast %and3A_2202 : vector<16xi32> to vector<16x1xi32>
    %gather3A_2251 = vector.shape_cast %broadcast_in_dim3A_2250 : vector<16x1xi32> to vector<16xi32>
    %gather3A_2252 = tpu.dynamic_gather %get3A_22[%gather3A_2251] in [0] : vector<16xf32>, vector<16xi32> -> vector<16xf32>
    %select_n3A_2253 = arith.select %eq3A_2249, %gather3A_2252, %select_n3A_2246 : vector<16xi1>, vector<16xf32>
    %eq3A_2254 = arith.constant 7 : i32
    %eq3A_2255 = vector.broadcast %eq3A_2254 : i32 to vector<16xi32>
    %eq3A_2256 = arith.cmpi eq, %shift_right_arithmetic3A_2199, %eq3A_2255 : vector<16xi32>
    %broadcast_in_dim3A_2257 = vector.shape_cast %and3A_2202 : vector<16xi32> to vector<16x1xi32>
    %gather3A_2258 = vector.shape_cast %broadcast_in_dim3A_2257 : vector<16x1xi32> to vector<16xi32>
    %gather3A_2259 = tpu.dynamic_gather %get3A_25[%gather3A_2258] in [0] : vector<16xf32>, vector<16xi32> -> vector<16xf32>
    %select_n3A_2260 = arith.select %eq3A_2256, %gather3A_2259, %select_n3A_2253 : vector<16xi1>, vector<16xf32>
    %eq3A_2261 = arith.constant 8 : i32
    %eq3A_2262 = vector.broadcast %eq3A_2261 : i32 to vector<16xi32>
    %eq3A_2263 = arith.cmpi eq, %shift_right_arithmetic3A_2199, %eq3A_2262 : vector<16xi32>
    %broadcast_in_dim3A_2264 = vector.shape_cast %and3A_2202 : vector<16xi32> to vector<16x1xi32>
    %gather3A_2265 = vector.shape_cast %broadcast_in_dim3A_2264 : vector<16x1xi32> to vector<16xi32>
    %gather3A_2266 = tpu.dynamic_gather %get3A_28[%gather3A_2265] in [0] : vector<16xf32>, vector<16xi32> -> vector<16xf32>
    %select_n3A_2267 = arith.select %eq3A_2263, %gather3A_2266, %select_n3A_2260 : vector<16xi1>, vector<16xf32>
    %eq3A_2268 = arith.constant 9 : i32
    %eq3A_2269 = vector.broadcast %eq3A_2268 : i32 to vector<16xi32>
    %eq3A_2270 = arith.cmpi eq, %shift_right_arithmetic3A_2199, %eq3A_2269 : vector<16xi32>
    %broadcast_in_dim3A_2271 = vector.shape_cast %and3A_2202 : vector<16xi32> to vector<16x1xi32>
    %gather3A_2272 = vector.shape_cast %broadcast_in_dim3A_2271 : vector<16x1xi32> to vector<16xi32>
    %gather3A_2273 = tpu.dynamic_gather %get3A_31[%gather3A_2272] in [0] : vector<16xf32>, vector<16xi32> -> vector<16xf32>
    %select_n3A_2274 = arith.select %eq3A_2270, %gather3A_2273, %select_n3A_2267 : vector<16xi1>, vector<16xf32>
    %eq3A_2275 = arith.constant 10 : i32
    %eq3A_2276 = vector.broadcast %eq3A_2275 : i32 to vector<16xi32>
    %eq3A_2277 = arith.cmpi eq, %shift_right_arithmetic3A_2199, %eq3A_2276 : vector<16xi32>
    %broadcast_in_dim3A_2278 = vector.shape_cast %and3A_2202 : vector<16xi32> to vector<16x1xi32>
    %gather3A_2279 = vector.shape_cast %broadcast_in_dim3A_2278 : vector<16x1xi32> to vector<16xi32>
    %gather3A_2280 = tpu.dynamic_gather %get3A_34[%gather3A_2279] in [0] : vector<16xf32>, vector<16xi32> -> vector<16xf32>
    %select_n3A_2281 = arith.select %eq3A_2277, %gather3A_2280, %select_n3A_2274 : vector<16xi1>, vector<16xf32>
    %eq3A_2282 = arith.constant 11 : i32
    %eq3A_2283 = vector.broadcast %eq3A_2282 : i32 to vector<16xi32>
    %eq3A_2284 = arith.cmpi eq, %shift_right_arithmetic3A_2199, %eq3A_2283 : vector<16xi32>
    %broadcast_in_dim3A_2285 = vector.shape_cast %and3A_2202 : vector<16xi32> to vector<16x1xi32>
    %gather3A_2286 = vector.shape_cast %broadcast_in_dim3A_2285 : vector<16x1xi32> to vector<16xi32>
    %gather3A_2287 = tpu.dynamic_gather %get3A_37[%gather3A_2286] in [0] : vector<16xf32>, vector<16xi32> -> vector<16xf32>
    %select_n3A_2288 = arith.select %eq3A_2284, %gather3A_2287, %select_n3A_2281 : vector<16xi1>, vector<16xf32>
    %get3A_2289 = arith.constant 336 : index
    %get3A_2290 = tpu.vector_load %arg7[%get3A_2289] {strides = array<i32>} : memref<512xf32, #tpu.memory_space<vmem>>, vector<16xf32>,
    %get3A_2291 = vector.shape_cast %get3A_2290 : vector<16xf32> to vector<16xf32>
    %add3A_2292 = arith.addf %get3A_2291, %select_n3A_2288 : vector<16xf32>
    %swap3A_2293 = arith.constant 336 : index
    %swap3A_2294 = tpu.vector_load %arg9[%swap3A_2293] {strides = array<i32>} : memref<512xf32, #tpu.memory_space<vmem>>, vector<16xf32>,
    %swap3A_2295 = vector.shape_cast %swap3A_2294 : vector<16xf32> to vector<16xf32>
    %swap3A_2296 = vector.shape_cast %add3A_2292 : vector<16xf32> to vector<16xf32>
    tpu.vector_store %arg9[%swap3A_2293], %swap3A_2296 {strides = array<i32>} : memref<512xf32, #tpu.memory_space<vmem>>, vector<16xf32>,
    %get3A_2297 = arith.constant 352 : index
    %get3A_2298 = tpu.vector_load %arg6[%get3A_2297] {strides = array<i32>} : memref<512xi32, #tpu.memory_space<vmem>>, vector<16xi32>,
    %get3A_2299 = vector.shape_cast %get3A_2298 : vector<16xi32> to vector<16xi32>
    %shift_right_arithmetic3A_2300 = arith.constant 4 : i32
    %shift_right_arithmetic3A_2301 = vector.broadcast %shift_right_arithmetic3A_2300 : i32 to vector<16xi32>
    %shift_right_arithmetic3A_2302 = arith.shrsi %get3A_2299, %shift_right_arithmetic3A_2301 : vector<16xi32>
    %and3A_2303 = arith.constant 15 : i32
    %and3A_2304 = vector.broadcast %and3A_2303 : i32 to vector<16xi32>
    %and3A_2305 = arith.andi %get3A_2299, %and3A_2304 : vector<16xi32>
    %broadcast_in_dim3A_2306 = arith.constant 0.000000e+00 : f32
    %broadcast_in_dim3A_2307 = vector.broadcast %broadcast_in_dim3A_2306 : f32 to vector<16xf32>
    %eq3A_2308 = arith.constant 0 : i32
    %eq3A_2309 = vector.broadcast %eq3A_2308 : i32 to vector<16xi32>
    %eq3A_2310 = arith.cmpi eq, %shift_right_arithmetic3A_2302, %eq3A_2309 : vector<16xi32>
    %broadcast_in_dim3A_2311 = vector.shape_cast %and3A_2305 : vector<16xi32> to vector<16x1xi32>
    %gather3A_2312 = vector.shape_cast %broadcast_in_dim3A_2311 : vector<16x1xi32> to vector<16xi32>
    %gather3A_2313 = tpu.dynamic_gather %get3A_4[%gather3A_2312] in [0] : vector<16xf32>, vector<16xi32> -> vector<16xf32>
    %select_n3A_2314 = arith.select %eq3A_2310, %gather3A_2313, %broadcast_in_dim3A_2307 : vector<16xi1>, vector<16xf32>
    %eq3A_2315 = arith.constant 1 : i32
    %eq3A_2316 = vector.broadcast %eq3A_2315 : i32 to vector<16xi32>
    %eq3A_2317 = arith.cmpi eq, %shift_right_arithmetic3A_2302, %eq3A_2316 : vector<16xi32>
    %broadcast_in_dim3A_2318 = vector.shape_cast %and3A_2305 : vector<16xi32> to vector<16x1xi32>
    %gather3A_2319 = vector.shape_cast %broadcast_in_dim3A_2318 : vector<16x1xi32> to vector<16xi32>
    %gather3A_2320 = tpu.dynamic_gather %get3A_7[%gather3A_2319] in [0] : vector<16xf32>, vector<16xi32> -> vector<16xf32>
    %select_n3A_2321 = arith.select %eq3A_2317, %gather3A_2320, %select_n3A_2314 : vector<16xi1>, vector<16xf32>
    %eq3A_2322 = arith.constant 2 : i32
    %eq3A_2323 = vector.broadcast %eq3A_2322 : i32 to vector<16xi32>
    %eq3A_2324 = arith.cmpi eq, %shift_right_arithmetic3A_2302, %eq3A_2323 : vector<16xi32>
    %broadcast_in_dim3A_2325 = vector.shape_cast %and3A_2305 : vector<16xi32> to vector<16x1xi32>
    %gather3A_2326 = vector.shape_cast %broadcast_in_dim3A_2325 : vector<16x1xi32> to vector<16xi32>
    %gather3A_2327 = tpu.dynamic_gather %get3A_10[%gather3A_2326] in [0] : vector<16xf32>, vector<16xi32> -> vector<16xf32>
    %select_n3A_2328 = arith.select %eq3A_2324, %gather3A_2327, %select_n3A_2321 : vector<16xi1>, vector<16xf32>
    %eq3A_2329 = arith.constant 3 : i32
    %eq3A_2330 = vector.broadcast %eq3A_2329 : i32 to vector<16xi32>
    %eq3A_2331 = arith.cmpi eq, %shift_right_arithmetic3A_2302, %eq3A_2330 : vector<16xi32>
    %broadcast_in_dim3A_2332 = vector.shape_cast %and3A_2305 : vector<16xi32> to vector<16x1xi32>
    %gather3A_2333 = vector.shape_cast %broadcast_in_dim3A_2332 : vector<16x1xi32> to vector<16xi32>
    %gather3A_2334 = tpu.dynamic_gather %get3A_13[%gather3A_2333] in [0] : vector<16xf32>, vector<16xi32> -> vector<16xf32>
    %select_n3A_2335 = arith.select %eq3A_2331, %gather3A_2334, %select_n3A_2328 : vector<16xi1>, vector<16xf32>
    %eq3A_2336 = arith.constant 4 : i32
    %eq3A_2337 = vector.broadcast %eq3A_2336 : i32 to vector<16xi32>
    %eq3A_2338 = arith.cmpi eq, %shift_right_arithmetic3A_2302, %eq3A_2337 : vector<16xi32>
    %broadcast_in_dim3A_2339 = vector.shape_cast %and3A_2305 : vector<16xi32> to vector<16x1xi32>
    %gather3A_2340 = vector.shape_cast %broadcast_in_dim3A_2339 : vector<16x1xi32> to vector<16xi32>
    %gather3A_2341 = tpu.dynamic_gather %get3A_16[%gather3A_2340] in [0] : vector<16xf32>, vector<16xi32> -> vector<16xf32>
    %select_n3A_2342 = arith.select %eq3A_2338, %gather3A_2341, %select_n3A_2335 : vector<16xi1>, vector<16xf32>
    %eq3A_2343 = arith.constant 5 : i32
    %eq3A_2344 = vector.broadcast %eq3A_2343 : i32 to vector<16xi32>
    %eq3A_2345 = arith.cmpi eq, %shift_right_arithmetic3A_2302, %eq3A_2344 : vector<16xi32>
    %broadcast_in_dim3A_2346 = vector.shape_cast %and3A_2305 : vector<16xi32> to vector<16x1xi32>
    %gather3A_2347 = vector.shape_cast %broadcast_in_dim3A_2346 : vector<16x1xi32> to vector<16xi32>
    %gather3A_2348 = tpu.dynamic_gather %get3A_19[%gather3A_2347] in [0] : vector<16xf32>, vector<16xi32> -> vector<16xf32>
    %select_n3A_2349 = arith.select %eq3A_2345, %gather3A_2348, %select_n3A_2342 : vector<16xi1>, vector<16xf32>
    %eq3A_2350 = arith.constant 6 : i32
    %eq3A_2351 = vector.broadcast %eq3A_2350 : i32 to vector<16xi32>
    %eq3A_2352 = arith.cmpi eq, %shift_right_arithmetic3A_2302, %eq3A_2351 : vector<16xi32>
    %broadcast_in_dim3A_2353 = vector.shape_cast %and3A_2305 : vector<16xi32> to vector<16x1xi32>
    %gather3A_2354 = vector.shape_cast %broadcast_in_dim3A_2353 : vector<16x1xi32> to vector<16xi32>
    %gather3A_2355 = tpu.dynamic_gather %get3A_22[%gather3A_2354] in [0] : vector<16xf32>, vector<16xi32> -> vector<16xf32>
    %select_n3A_2356 = arith.select %eq3A_2352, %gather3A_2355, %select_n3A_2349 : vector<16xi1>, vector<16xf32>
    %eq3A_2357 = arith.constant 7 : i32
    %eq3A_2358 = vector.broadcast %eq3A_2357 : i32 to vector<16xi32>
    %eq3A_2359 = arith.cmpi eq, %shift_right_arithmetic3A_2302, %eq3A_2358 : vector<16xi32>
    %broadcast_in_dim3A_2360 = vector.shape_cast %and3A_2305 : vector<16xi32> to vector<16x1xi32>
    %gather3A_2361 = vector.shape_cast %broadcast_in_dim3A_2360 : vector<16x1xi32> to vector<16xi32>
    %gather3A_2362 = tpu.dynamic_gather %get3A_25[%gather3A_2361] in [0] : vector<16xf32>, vector<16xi32> -> vector<16xf32>
    %select_n3A_2363 = arith.select %eq3A_2359, %gather3A_2362, %select_n3A_2356 : vector<16xi1>, vector<16xf32>
    %eq3A_2364 = arith.constant 8 : i32
    %eq3A_2365 = vector.broadcast %eq3A_2364 : i32 to vector<16xi32>
    %eq3A_2366 = arith.cmpi eq, %shift_right_arithmetic3A_2302, %eq3A_2365 : vector<16xi32>
    %broadcast_in_dim3A_2367 = vector.shape_cast %and3A_2305 : vector<16xi32> to vector<16x1xi32>
    %gather3A_2368 = vector.shape_cast %broadcast_in_dim3A_2367 : vector<16x1xi32> to vector<16xi32>
    %gather3A_2369 = tpu.dynamic_gather %get3A_28[%gather3A_2368] in [0] : vector<16xf32>, vector<16xi32> -> vector<16xf32>
    %select_n3A_2370 = arith.select %eq3A_2366, %gather3A_2369, %select_n3A_2363 : vector<16xi1>, vector<16xf32>
    %eq3A_2371 = arith.constant 9 : i32
    %eq3A_2372 = vector.broadcast %eq3A_2371 : i32 to vector<16xi32>
    %eq3A_2373 = arith.cmpi eq, %shift_right_arithmetic3A_2302, %eq3A_2372 : vector<16xi32>
    %broadcast_in_dim3A_2374 = vector.shape_cast %and3A_2305 : vector<16xi32> to vector<16x1xi32>
    %gather3A_2375 = vector.shape_cast %broadcast_in_dim3A_2374 : vector<16x1xi32> to vector<16xi32>
    %gather3A_2376 = tpu.dynamic_gather %get3A_31[%gather3A_2375] in [0] : vector<16xf32>, vector<16xi32> -> vector<16xf32>
    %select_n3A_2377 = arith.select %eq3A_2373, %gather3A_2376, %select_n3A_2370 : vector<16xi1>, vector<16xf32>
    %eq3A_2378 = arith.constant 10 : i32
    %eq3A_2379 = vector.broadcast %eq3A_2378 : i32 to vector<16xi32>
    %eq3A_2380 = arith.cmpi eq, %shift_right_arithmetic3A_2302, %eq3A_2379 : vector<16xi32>
    %broadcast_in_dim3A_2381 = vector.shape_cast %and3A_2305 : vector<16xi32> to vector<16x1xi32>
    %gather3A_2382 = vector.shape_cast %broadcast_in_dim3A_2381 : vector<16x1xi32> to vector<16xi32>
    %gather3A_2383 = tpu.dynamic_gather %get3A_34[%gather3A_2382] in [0] : vector<16xf32>, vector<16xi32> -> vector<16xf32>
    %select_n3A_2384 = arith.select %eq3A_2380, %gather3A_2383, %select_n3A_2377 : vector<16xi1>, vector<16xf32>
    %eq3A_2385 = arith.constant 11 : i32
    %eq3A_2386 = vector.broadcast %eq3A_2385 : i32 to vector<16xi32>
    %eq3A_2387 = arith.cmpi eq, %shift_right_arithmetic3A_2302, %eq3A_2386 : vector<16xi32>
    %broadcast_in_dim3A_2388 = vector.shape_cast %and3A_2305 : vector<16xi32> to vector<16x1xi32>
    %gather3A_2389 = vector.shape_cast %broadcast_in_dim3A_2388 : vector<16x1xi32> to vector<16xi32>
    %gather3A_2390 = tpu.dynamic_gather %get3A_37[%gather3A_2389] in [0] : vector<16xf32>, vector<16xi32> -> vector<16xf32>
    %select_n3A_2391 = arith.select %eq3A_2387, %gather3A_2390, %select_n3A_2384 : vector<16xi1>, vector<16xf32>
    %get3A_2392 = arith.constant 352 : index
    %get3A_2393 = tpu.vector_load %arg7[%get3A_2392] {strides = array<i32>} : memref<512xf32, #tpu.memory_space<vmem>>, vector<16xf32>,
    %get3A_2394 = vector.shape_cast %get3A_2393 : vector<16xf32> to vector<16xf32>
    %add3A_2395 = arith.addf %get3A_2394, %select_n3A_2391 : vector<16xf32>
    %swap3A_2396 = arith.constant 352 : index
    %swap3A_2397 = tpu.vector_load %arg9[%swap3A_2396] {strides = array<i32>} : memref<512xf32, #tpu.memory_space<vmem>>, vector<16xf32>,
    %swap3A_2398 = vector.shape_cast %swap3A_2397 : vector<16xf32> to vector<16xf32>
    %swap3A_2399 = vector.shape_cast %add3A_2395 : vector<16xf32> to vector<16xf32>
    tpu.vector_store %arg9[%swap3A_2396], %swap3A_2399 {strides = array<i32>} : memref<512xf32, #tpu.memory_space<vmem>>, vector<16xf32>,
    %get3A_2400 = arith.constant 368 : index
    %get3A_2401 = tpu.vector_load %arg6[%get3A_2400] {strides = array<i32>} : memref<512xi32, #tpu.memory_space<vmem>>, vector<16xi32>,
    %get3A_2402 = vector.shape_cast %get3A_2401 : vector<16xi32> to vector<16xi32>
    %shift_right_arithmetic3A_2403 = arith.constant 4 : i32
    %shift_right_arithmetic3A_2404 = vector.broadcast %shift_right_arithmetic3A_2403 : i32 to vector<16xi32>
    %shift_right_arithmetic3A_2405 = arith.shrsi %get3A_2402, %shift_right_arithmetic3A_2404 : vector<16xi32>
    %and3A_2406 = arith.constant 15 : i32
    %and3A_2407 = vector.broadcast %and3A_2406 : i32 to vector<16xi32>
    %and3A_2408 = arith.andi %get3A_2402, %and3A_2407 : vector<16xi32>
    %broadcast_in_dim3A_2409 = arith.constant 0.000000e+00 : f32
    %broadcast_in_dim3A_2410 = vector.broadcast %broadcast_in_dim3A_2409 : f32 to vector<16xf32>
    %eq3A_2411 = arith.constant 0 : i32
    %eq3A_2412 = vector.broadcast %eq3A_2411 : i32 to vector<16xi32>
    %eq3A_2413 = arith.cmpi eq, %shift_right_arithmetic3A_2405, %eq3A_2412 : vector<16xi32>
    %broadcast_in_dim3A_2414 = vector.shape_cast %and3A_2408 : vector<16xi32> to vector<16x1xi32>
    %gather3A_2415 = vector.shape_cast %broadcast_in_dim3A_2414 : vector<16x1xi32> to vector<16xi32>
    %gather3A_2416 = tpu.dynamic_gather %get3A_4[%gather3A_2415] in [0] : vector<16xf32>, vector<16xi32> -> vector<16xf32>
    %select_n3A_2417 = arith.select %eq3A_2413, %gather3A_2416, %broadcast_in_dim3A_2410 : vector<16xi1>, vector<16xf32>
    %eq3A_2418 = arith.constant 1 : i32
    %eq3A_2419 = vector.broadcast %eq3A_2418 : i32 to vector<16xi32>
    %eq3A_2420 = arith.cmpi eq, %shift_right_arithmetic3A_2405, %eq3A_2419 : vector<16xi32>
    %broadcast_in_dim3A_2421 = vector.shape_cast %and3A_2408 : vector<16xi32> to vector<16x1xi32>
    %gather3A_2422 = vector.shape_cast %broadcast_in_dim3A_2421 : vector<16x1xi32> to vector<16xi32>
    %gather3A_2423 = tpu.dynamic_gather %get3A_7[%gather3A_2422] in [0] : vector<16xf32>, vector<16xi32> -> vector<16xf32>
    %select_n3A_2424 = arith.select %eq3A_2420, %gather3A_2423, %select_n3A_2417 : vector<16xi1>, vector<16xf32>
    %eq3A_2425 = arith.constant 2 : i32
    %eq3A_2426 = vector.broadcast %eq3A_2425 : i32 to vector<16xi32>
    %eq3A_2427 = arith.cmpi eq, %shift_right_arithmetic3A_2405, %eq3A_2426 : vector<16xi32>
    %broadcast_in_dim3A_2428 = vector.shape_cast %and3A_2408 : vector<16xi32> to vector<16x1xi32>
    %gather3A_2429 = vector.shape_cast %broadcast_in_dim3A_2428 : vector<16x1xi32> to vector<16xi32>
    %gather3A_2430 = tpu.dynamic_gather %get3A_10[%gather3A_2429] in [0] : vector<16xf32>, vector<16xi32> -> vector<16xf32>
    %select_n3A_2431 = arith.select %eq3A_2427, %gather3A_2430, %select_n3A_2424 : vector<16xi1>, vector<16xf32>
    %eq3A_2432 = arith.constant 3 : i32
    %eq3A_2433 = vector.broadcast %eq3A_2432 : i32 to vector<16xi32>
    %eq3A_2434 = arith.cmpi eq, %shift_right_arithmetic3A_2405, %eq3A_2433 : vector<16xi32>
    %broadcast_in_dim3A_2435 = vector.shape_cast %and3A_2408 : vector<16xi32> to vector<16x1xi32>
    %gather3A_2436 = vector.shape_cast %broadcast_in_dim3A_2435 : vector<16x1xi32> to vector<16xi32>
    %gather3A_2437 = tpu.dynamic_gather %get3A_13[%gather3A_2436] in [0] : vector<16xf32>, vector<16xi32> -> vector<16xf32>
    %select_n3A_2438 = arith.select %eq3A_2434, %gather3A_2437, %select_n3A_2431 : vector<16xi1>, vector<16xf32>
    %eq3A_2439 = arith.constant 4 : i32
    %eq3A_2440 = vector.broadcast %eq3A_2439 : i32 to vector<16xi32>
    %eq3A_2441 = arith.cmpi eq, %shift_right_arithmetic3A_2405, %eq3A_2440 : vector<16xi32>
    %broadcast_in_dim3A_2442 = vector.shape_cast %and3A_2408 : vector<16xi32> to vector<16x1xi32>
    %gather3A_2443 = vector.shape_cast %broadcast_in_dim3A_2442 : vector<16x1xi32> to vector<16xi32>
    %gather3A_2444 = tpu.dynamic_gather %get3A_16[%gather3A_2443] in [0] : vector<16xf32>, vector<16xi32> -> vector<16xf32>
    %select_n3A_2445 = arith.select %eq3A_2441, %gather3A_2444, %select_n3A_2438 : vector<16xi1>, vector<16xf32>
    %eq3A_2446 = arith.constant 5 : i32
    %eq3A_2447 = vector.broadcast %eq3A_2446 : i32 to vector<16xi32>
    %eq3A_2448 = arith.cmpi eq, %shift_right_arithmetic3A_2405, %eq3A_2447 : vector<16xi32>
    %broadcast_in_dim3A_2449 = vector.shape_cast %and3A_2408 : vector<16xi32> to vector<16x1xi32>
    %gather3A_2450 = vector.shape_cast %broadcast_in_dim3A_2449 : vector<16x1xi32> to vector<16xi32>
    %gather3A_2451 = tpu.dynamic_gather %get3A_19[%gather3A_2450] in [0] : vector<16xf32>, vector<16xi32> -> vector<16xf32>
    %select_n3A_2452 = arith.select %eq3A_2448, %gather3A_2451, %select_n3A_2445 : vector<16xi1>, vector<16xf32>
    %eq3A_2453 = arith.constant 6 : i32
    %eq3A_2454 = vector.broadcast %eq3A_2453 : i32 to vector<16xi32>
    %eq3A_2455 = arith.cmpi eq, %shift_right_arithmetic3A_2405, %eq3A_2454 : vector<16xi32>
    %broadcast_in_dim3A_2456 = vector.shape_cast %and3A_2408 : vector<16xi32> to vector<16x1xi32>
    %gather3A_2457 = vector.shape_cast %broadcast_in_dim3A_2456 : vector<16x1xi32> to vector<16xi32>
    %gather3A_2458 = tpu.dynamic_gather %get3A_22[%gather3A_2457] in [0] : vector<16xf32>, vector<16xi32> -> vector<16xf32>
    %select_n3A_2459 = arith.select %eq3A_2455, %gather3A_2458, %select_n3A_2452 : vector<16xi1>, vector<16xf32>
    %eq3A_2460 = arith.constant 7 : i32
    %eq3A_2461 = vector.broadcast %eq3A_2460 : i32 to vector<16xi32>
    %eq3A_2462 = arith.cmpi eq, %shift_right_arithmetic3A_2405, %eq3A_2461 : vector<16xi32>
    %broadcast_in_dim3A_2463 = vector.shape_cast %and3A_2408 : vector<16xi32> to vector<16x1xi32>
    %gather3A_2464 = vector.shape_cast %broadcast_in_dim3A_2463 : vector<16x1xi32> to vector<16xi32>
    %gather3A_2465 = tpu.dynamic_gather %get3A_25[%gather3A_2464] in [0] : vector<16xf32>, vector<16xi32> -> vector<16xf32>
    %select_n3A_2466 = arith.select %eq3A_2462, %gather3A_2465, %select_n3A_2459 : vector<16xi1>, vector<16xf32>
    %eq3A_2467 = arith.constant 8 : i32
    %eq3A_2468 = vector.broadcast %eq3A_2467 : i32 to vector<16xi32>
    %eq3A_2469 = arith.cmpi eq, %shift_right_arithmetic3A_2405, %eq3A_2468 : vector<16xi32>
    %broadcast_in_dim3A_2470 = vector.shape_cast %and3A_2408 : vector<16xi32> to vector<16x1xi32>
    %gather3A_2471 = vector.shape_cast %broadcast_in_dim3A_2470 : vector<16x1xi32> to vector<16xi32>
    %gather3A_2472 = tpu.dynamic_gather %get3A_28[%gather3A_2471] in [0] : vector<16xf32>, vector<16xi32> -> vector<16xf32>
    %select_n3A_2473 = arith.select %eq3A_2469, %gather3A_2472, %select_n3A_2466 : vector<16xi1>, vector<16xf32>
    %eq3A_2474 = arith.constant 9 : i32
    %eq3A_2475 = vector.broadcast %eq3A_2474 : i32 to vector<16xi32>
    %eq3A_2476 = arith.cmpi eq, %shift_right_arithmetic3A_2405, %eq3A_2475 : vector<16xi32>
    %broadcast_in_dim3A_2477 = vector.shape_cast %and3A_2408 : vector<16xi32> to vector<16x1xi32>
    %gather3A_2478 = vector.shape_cast %broadcast_in_dim3A_2477 : vector<16x1xi32> to vector<16xi32>
    %gather3A_2479 = tpu.dynamic_gather %get3A_31[%gather3A_2478] in [0] : vector<16xf32>, vector<16xi32> -> vector<16xf32>
    %select_n3A_2480 = arith.select %eq3A_2476, %gather3A_2479, %select_n3A_2473 : vector<16xi1>, vector<16xf32>
    %eq3A_2481 = arith.constant 10 : i32
    %eq3A_2482 = vector.broadcast %eq3A_2481 : i32 to vector<16xi32>
    %eq3A_2483 = arith.cmpi eq, %shift_right_arithmetic3A_2405, %eq3A_2482 : vector<16xi32>
    %broadcast_in_dim3A_2484 = vector.shape_cast %and3A_2408 : vector<16xi32> to vector<16x1xi32>
    %gather3A_2485 = vector.shape_cast %broadcast_in_dim3A_2484 : vector<16x1xi32> to vector<16xi32>
    %gather3A_2486 = tpu.dynamic_gather %get3A_34[%gather3A_2485] in [0] : vector<16xf32>, vector<16xi32> -> vector<16xf32>
    %select_n3A_2487 = arith.select %eq3A_2483, %gather3A_2486, %select_n3A_2480 : vector<16xi1>, vector<16xf32>
    %eq3A_2488 = arith.constant 11 : i32
    %eq3A_2489 = vector.broadcast %eq3A_2488 : i32 to vector<16xi32>
    %eq3A_2490 = arith.cmpi eq, %shift_right_arithmetic3A_2405, %eq3A_2489 : vector<16xi32>
    %broadcast_in_dim3A_2491 = vector.shape_cast %and3A_2408 : vector<16xi32> to vector<16x1xi32>
    %gather3A_2492 = vector.shape_cast %broadcast_in_dim3A_2491 : vector<16x1xi32> to vector<16xi32>
    %gather3A_2493 = tpu.dynamic_gather %get3A_37[%gather3A_2492] in [0] : vector<16xf32>, vector<16xi32> -> vector<16xf32>
    %select_n3A_2494 = arith.select %eq3A_2490, %gather3A_2493, %select_n3A_2487 : vector<16xi1>, vector<16xf32>
    %get3A_2495 = arith.constant 368 : index
    %get3A_2496 = tpu.vector_load %arg7[%get3A_2495] {strides = array<i32>} : memref<512xf32, #tpu.memory_space<vmem>>, vector<16xf32>,
    %get3A_2497 = vector.shape_cast %get3A_2496 : vector<16xf32> to vector<16xf32>
    %add3A_2498 = arith.addf %get3A_2497, %select_n3A_2494 : vector<16xf32>
    %swap3A_2499 = arith.constant 368 : index
    %swap3A_2500 = tpu.vector_load %arg9[%swap3A_2499] {strides = array<i32>} : memref<512xf32, #tpu.memory_space<vmem>>, vector<16xf32>,
    %swap3A_2501 = vector.shape_cast %swap3A_2500 : vector<16xf32> to vector<16xf32>
    %swap3A_2502 = vector.shape_cast %add3A_2498 : vector<16xf32> to vector<16xf32>
    tpu.vector_store %arg9[%swap3A_2499], %swap3A_2502 {strides = array<i32>} : memref<512xf32, #tpu.memory_space<vmem>>, vector<16xf32>,
    %get3A_2503 = arith.constant 384 : index
    %get3A_2504 = tpu.vector_load %arg6[%get3A_2503] {strides = array<i32>} : memref<512xi32, #tpu.memory_space<vmem>>, vector<16xi32>,
    %get3A_2505 = vector.shape_cast %get3A_2504 : vector<16xi32> to vector<16xi32>
    %shift_right_arithmetic3A_2506 = arith.constant 4 : i32
    %shift_right_arithmetic3A_2507 = vector.broadcast %shift_right_arithmetic3A_2506 : i32 to vector<16xi32>
    %shift_right_arithmetic3A_2508 = arith.shrsi %get3A_2505, %shift_right_arithmetic3A_2507 : vector<16xi32>
    %and3A_2509 = arith.constant 15 : i32
    %and3A_2510 = vector.broadcast %and3A_2509 : i32 to vector<16xi32>
    %and3A_2511 = arith.andi %get3A_2505, %and3A_2510 : vector<16xi32>
    %broadcast_in_dim3A_2512 = arith.constant 0.000000e+00 : f32
    %broadcast_in_dim3A_2513 = vector.broadcast %broadcast_in_dim3A_2512 : f32 to vector<16xf32>
    %eq3A_2514 = arith.constant 0 : i32
    %eq3A_2515 = vector.broadcast %eq3A_2514 : i32 to vector<16xi32>
    %eq3A_2516 = arith.cmpi eq, %shift_right_arithmetic3A_2508, %eq3A_2515 : vector<16xi32>
    %broadcast_in_dim3A_2517 = vector.shape_cast %and3A_2511 : vector<16xi32> to vector<16x1xi32>
    %gather3A_2518 = vector.shape_cast %broadcast_in_dim3A_2517 : vector<16x1xi32> to vector<16xi32>
    %gather3A_2519 = tpu.dynamic_gather %get3A_4[%gather3A_2518] in [0] : vector<16xf32>, vector<16xi32> -> vector<16xf32>
    %select_n3A_2520 = arith.select %eq3A_2516, %gather3A_2519, %broadcast_in_dim3A_2513 : vector<16xi1>, vector<16xf32>
    %eq3A_2521 = arith.constant 1 : i32
    %eq3A_2522 = vector.broadcast %eq3A_2521 : i32 to vector<16xi32>
    %eq3A_2523 = arith.cmpi eq, %shift_right_arithmetic3A_2508, %eq3A_2522 : vector<16xi32>
    %broadcast_in_dim3A_2524 = vector.shape_cast %and3A_2511 : vector<16xi32> to vector<16x1xi32>
    %gather3A_2525 = vector.shape_cast %broadcast_in_dim3A_2524 : vector<16x1xi32> to vector<16xi32>
    %gather3A_2526 = tpu.dynamic_gather %get3A_7[%gather3A_2525] in [0] : vector<16xf32>, vector<16xi32> -> vector<16xf32>
    %select_n3A_2527 = arith.select %eq3A_2523, %gather3A_2526, %select_n3A_2520 : vector<16xi1>, vector<16xf32>
    %eq3A_2528 = arith.constant 2 : i32
    %eq3A_2529 = vector.broadcast %eq3A_2528 : i32 to vector<16xi32>
    %eq3A_2530 = arith.cmpi eq, %shift_right_arithmetic3A_2508, %eq3A_2529 : vector<16xi32>
    %broadcast_in_dim3A_2531 = vector.shape_cast %and3A_2511 : vector<16xi32> to vector<16x1xi32>
    %gather3A_2532 = vector.shape_cast %broadcast_in_dim3A_2531 : vector<16x1xi32> to vector<16xi32>
    %gather3A_2533 = tpu.dynamic_gather %get3A_10[%gather3A_2532] in [0] : vector<16xf32>, vector<16xi32> -> vector<16xf32>
    %select_n3A_2534 = arith.select %eq3A_2530, %gather3A_2533, %select_n3A_2527 : vector<16xi1>, vector<16xf32>
    %eq3A_2535 = arith.constant 3 : i32
    %eq3A_2536 = vector.broadcast %eq3A_2535 : i32 to vector<16xi32>
    %eq3A_2537 = arith.cmpi eq, %shift_right_arithmetic3A_2508, %eq3A_2536 : vector<16xi32>
    %broadcast_in_dim3A_2538 = vector.shape_cast %and3A_2511 : vector<16xi32> to vector<16x1xi32>
    %gather3A_2539 = vector.shape_cast %broadcast_in_dim3A_2538 : vector<16x1xi32> to vector<16xi32>
    %gather3A_2540 = tpu.dynamic_gather %get3A_13[%gather3A_2539] in [0] : vector<16xf32>, vector<16xi32> -> vector<16xf32>
    %select_n3A_2541 = arith.select %eq3A_2537, %gather3A_2540, %select_n3A_2534 : vector<16xi1>, vector<16xf32>
    %eq3A_2542 = arith.constant 4 : i32
    %eq3A_2543 = vector.broadcast %eq3A_2542 : i32 to vector<16xi32>
    %eq3A_2544 = arith.cmpi eq, %shift_right_arithmetic3A_2508, %eq3A_2543 : vector<16xi32>
    %broadcast_in_dim3A_2545 = vector.shape_cast %and3A_2511 : vector<16xi32> to vector<16x1xi32>
    %gather3A_2546 = vector.shape_cast %broadcast_in_dim3A_2545 : vector<16x1xi32> to vector<16xi32>
    %gather3A_2547 = tpu.dynamic_gather %get3A_16[%gather3A_2546] in [0] : vector<16xf32>, vector<16xi32> -> vector<16xf32>
    %select_n3A_2548 = arith.select %eq3A_2544, %gather3A_2547, %select_n3A_2541 : vector<16xi1>, vector<16xf32>
    %eq3A_2549 = arith.constant 5 : i32
    %eq3A_2550 = vector.broadcast %eq3A_2549 : i32 to vector<16xi32>
    %eq3A_2551 = arith.cmpi eq, %shift_right_arithmetic3A_2508, %eq3A_2550 : vector<16xi32>
    %broadcast_in_dim3A_2552 = vector.shape_cast %and3A_2511 : vector<16xi32> to vector<16x1xi32>
    %gather3A_2553 = vector.shape_cast %broadcast_in_dim3A_2552 : vector<16x1xi32> to vector<16xi32>
    %gather3A_2554 = tpu.dynamic_gather %get3A_19[%gather3A_2553] in [0] : vector<16xf32>, vector<16xi32> -> vector<16xf32>
    %select_n3A_2555 = arith.select %eq3A_2551, %gather3A_2554, %select_n3A_2548 : vector<16xi1>, vector<16xf32>
    %eq3A_2556 = arith.constant 6 : i32
    %eq3A_2557 = vector.broadcast %eq3A_2556 : i32 to vector<16xi32>
    %eq3A_2558 = arith.cmpi eq, %shift_right_arithmetic3A_2508, %eq3A_2557 : vector<16xi32>
    %broadcast_in_dim3A_2559 = vector.shape_cast %and3A_2511 : vector<16xi32> to vector<16x1xi32>
    %gather3A_2560 = vector.shape_cast %broadcast_in_dim3A_2559 : vector<16x1xi32> to vector<16xi32>
    %gather3A_2561 = tpu.dynamic_gather %get3A_22[%gather3A_2560] in [0] : vector<16xf32>, vector<16xi32> -> vector<16xf32>
    %select_n3A_2562 = arith.select %eq3A_2558, %gather3A_2561, %select_n3A_2555 : vector<16xi1>, vector<16xf32>
    %eq3A_2563 = arith.constant 7 : i32
    %eq3A_2564 = vector.broadcast %eq3A_2563 : i32 to vector<16xi32>
    %eq3A_2565 = arith.cmpi eq, %shift_right_arithmetic3A_2508, %eq3A_2564 : vector<16xi32>
    %broadcast_in_dim3A_2566 = vector.shape_cast %and3A_2511 : vector<16xi32> to vector<16x1xi32>
    %gather3A_2567 = vector.shape_cast %broadcast_in_dim3A_2566 : vector<16x1xi32> to vector<16xi32>
    %gather3A_2568 = tpu.dynamic_gather %get3A_25[%gather3A_2567] in [0] : vector<16xf32>, vector<16xi32> -> vector<16xf32>
    %select_n3A_2569 = arith.select %eq3A_2565, %gather3A_2568, %select_n3A_2562 : vector<16xi1>, vector<16xf32>
    %eq3A_2570 = arith.constant 8 : i32
    %eq3A_2571 = vector.broadcast %eq3A_2570 : i32 to vector<16xi32>
    %eq3A_2572 = arith.cmpi eq, %shift_right_arithmetic3A_2508, %eq3A_2571 : vector<16xi32>
    %broadcast_in_dim3A_2573 = vector.shape_cast %and3A_2511 : vector<16xi32> to vector<16x1xi32>
    %gather3A_2574 = vector.shape_cast %broadcast_in_dim3A_2573 : vector<16x1xi32> to vector<16xi32>
    %gather3A_2575 = tpu.dynamic_gather %get3A_28[%gather3A_2574] in [0] : vector<16xf32>, vector<16xi32> -> vector<16xf32>
    %select_n3A_2576 = arith.select %eq3A_2572, %gather3A_2575, %select_n3A_2569 : vector<16xi1>, vector<16xf32>
    %eq3A_2577 = arith.constant 9 : i32
    %eq3A_2578 = vector.broadcast %eq3A_2577 : i32 to vector<16xi32>
    %eq3A_2579 = arith.cmpi eq, %shift_right_arithmetic3A_2508, %eq3A_2578 : vector<16xi32>
    %broadcast_in_dim3A_2580 = vector.shape_cast %and3A_2511 : vector<16xi32> to vector<16x1xi32>
    %gather3A_2581 = vector.shape_cast %broadcast_in_dim3A_2580 : vector<16x1xi32> to vector<16xi32>
    %gather3A_2582 = tpu.dynamic_gather %get3A_31[%gather3A_2581] in [0] : vector<16xf32>, vector<16xi32> -> vector<16xf32>
    %select_n3A_2583 = arith.select %eq3A_2579, %gather3A_2582, %select_n3A_2576 : vector<16xi1>, vector<16xf32>
    %eq3A_2584 = arith.constant 10 : i32
    %eq3A_2585 = vector.broadcast %eq3A_2584 : i32 to vector<16xi32>
    %eq3A_2586 = arith.cmpi eq, %shift_right_arithmetic3A_2508, %eq3A_2585 : vector<16xi32>
    %broadcast_in_dim3A_2587 = vector.shape_cast %and3A_2511 : vector<16xi32> to vector<16x1xi32>
    %gather3A_2588 = vector.shape_cast %broadcast_in_dim3A_2587 : vector<16x1xi32> to vector<16xi32>
    %gather3A_2589 = tpu.dynamic_gather %get3A_34[%gather3A_2588] in [0] : vector<16xf32>, vector<16xi32> -> vector<16xf32>
    %select_n3A_2590 = arith.select %eq3A_2586, %gather3A_2589, %select_n3A_2583 : vector<16xi1>, vector<16xf32>
    %eq3A_2591 = arith.constant 11 : i32
    %eq3A_2592 = vector.broadcast %eq3A_2591 : i32 to vector<16xi32>
    %eq3A_2593 = arith.cmpi eq, %shift_right_arithmetic3A_2508, %eq3A_2592 : vector<16xi32>
    %broadcast_in_dim3A_2594 = vector.shape_cast %and3A_2511 : vector<16xi32> to vector<16x1xi32>
    %gather3A_2595 = vector.shape_cast %broadcast_in_dim3A_2594 : vector<16x1xi32> to vector<16xi32>
    %gather3A_2596 = tpu.dynamic_gather %get3A_37[%gather3A_2595] in [0] : vector<16xf32>, vector<16xi32> -> vector<16xf32>
    %select_n3A_2597 = arith.select %eq3A_2593, %gather3A_2596, %select_n3A_2590 : vector<16xi1>, vector<16xf32>
    %get3A_2598 = arith.constant 384 : index
    %get3A_2599 = tpu.vector_load %arg7[%get3A_2598] {strides = array<i32>} : memref<512xf32, #tpu.memory_space<vmem>>, vector<16xf32>,
    %get3A_2600 = vector.shape_cast %get3A_2599 : vector<16xf32> to vector<16xf32>
    %add3A_2601 = arith.addf %get3A_2600, %select_n3A_2597 : vector<16xf32>
    %swap3A_2602 = arith.constant 384 : index
    %swap3A_2603 = tpu.vector_load %arg9[%swap3A_2602] {strides = array<i32>} : memref<512xf32, #tpu.memory_space<vmem>>, vector<16xf32>,
    %swap3A_2604 = vector.shape_cast %swap3A_2603 : vector<16xf32> to vector<16xf32>
    %swap3A_2605 = vector.shape_cast %add3A_2601 : vector<16xf32> to vector<16xf32>
    tpu.vector_store %arg9[%swap3A_2602], %swap3A_2605 {strides = array<i32>} : memref<512xf32, #tpu.memory_space<vmem>>, vector<16xf32>,
    %get3A_2606 = arith.constant 400 : index
    %get3A_2607 = tpu.vector_load %arg6[%get3A_2606] {strides = array<i32>} : memref<512xi32, #tpu.memory_space<vmem>>, vector<16xi32>,
    %get3A_2608 = vector.shape_cast %get3A_2607 : vector<16xi32> to vector<16xi32>
    %shift_right_arithmetic3A_2609 = arith.constant 4 : i32
    %shift_right_arithmetic3A_2610 = vector.broadcast %shift_right_arithmetic3A_2609 : i32 to vector<16xi32>
    %shift_right_arithmetic3A_2611 = arith.shrsi %get3A_2608, %shift_right_arithmetic3A_2610 : vector<16xi32>
    %and3A_2612 = arith.constant 15 : i32
    %and3A_2613 = vector.broadcast %and3A_2612 : i32 to vector<16xi32>
    %and3A_2614 = arith.andi %get3A_2608, %and3A_2613 : vector<16xi32>
    %broadcast_in_dim3A_2615 = arith.constant 0.000000e+00 : f32
    %broadcast_in_dim3A_2616 = vector.broadcast %broadcast_in_dim3A_2615 : f32 to vector<16xf32>
    %eq3A_2617 = arith.constant 0 : i32
    %eq3A_2618 = vector.broadcast %eq3A_2617 : i32 to vector<16xi32>
    %eq3A_2619 = arith.cmpi eq, %shift_right_arithmetic3A_2611, %eq3A_2618 : vector<16xi32>
    %broadcast_in_dim3A_2620 = vector.shape_cast %and3A_2614 : vector<16xi32> to vector<16x1xi32>
    %gather3A_2621 = vector.shape_cast %broadcast_in_dim3A_2620 : vector<16x1xi32> to vector<16xi32>
    %gather3A_2622 = tpu.dynamic_gather %get3A_4[%gather3A_2621] in [0] : vector<16xf32>, vector<16xi32> -> vector<16xf32>
    %select_n3A_2623 = arith.select %eq3A_2619, %gather3A_2622, %broadcast_in_dim3A_2616 : vector<16xi1>, vector<16xf32>
    %eq3A_2624 = arith.constant 1 : i32
    %eq3A_2625 = vector.broadcast %eq3A_2624 : i32 to vector<16xi32>
    %eq3A_2626 = arith.cmpi eq, %shift_right_arithmetic3A_2611, %eq3A_2625 : vector<16xi32>
    %broadcast_in_dim3A_2627 = vector.shape_cast %and3A_2614 : vector<16xi32> to vector<16x1xi32>
    %gather3A_2628 = vector.shape_cast %broadcast_in_dim3A_2627 : vector<16x1xi32> to vector<16xi32>
    %gather3A_2629 = tpu.dynamic_gather %get3A_7[%gather3A_2628] in [0] : vector<16xf32>, vector<16xi32> -> vector<16xf32>
    %select_n3A_2630 = arith.select %eq3A_2626, %gather3A_2629, %select_n3A_2623 : vector<16xi1>, vector<16xf32>
    %eq3A_2631 = arith.constant 2 : i32
    %eq3A_2632 = vector.broadcast %eq3A_2631 : i32 to vector<16xi32>
    %eq3A_2633 = arith.cmpi eq, %shift_right_arithmetic3A_2611, %eq3A_2632 : vector<16xi32>
    %broadcast_in_dim3A_2634 = vector.shape_cast %and3A_2614 : vector<16xi32> to vector<16x1xi32>
    %gather3A_2635 = vector.shape_cast %broadcast_in_dim3A_2634 : vector<16x1xi32> to vector<16xi32>
    %gather3A_2636 = tpu.dynamic_gather %get3A_10[%gather3A_2635] in [0] : vector<16xf32>, vector<16xi32> -> vector<16xf32>
    %select_n3A_2637 = arith.select %eq3A_2633, %gather3A_2636, %select_n3A_2630 : vector<16xi1>, vector<16xf32>
    %eq3A_2638 = arith.constant 3 : i32
    %eq3A_2639 = vector.broadcast %eq3A_2638 : i32 to vector<16xi32>
    %eq3A_2640 = arith.cmpi eq, %shift_right_arithmetic3A_2611, %eq3A_2639 : vector<16xi32>
    %broadcast_in_dim3A_2641 = vector.shape_cast %and3A_2614 : vector<16xi32> to vector<16x1xi32>
    %gather3A_2642 = vector.shape_cast %broadcast_in_dim3A_2641 : vector<16x1xi32> to vector<16xi32>
    %gather3A_2643 = tpu.dynamic_gather %get3A_13[%gather3A_2642] in [0] : vector<16xf32>, vector<16xi32> -> vector<16xf32>
    %select_n3A_2644 = arith.select %eq3A_2640, %gather3A_2643, %select_n3A_2637 : vector<16xi1>, vector<16xf32>
    %eq3A_2645 = arith.constant 4 : i32
    %eq3A_2646 = vector.broadcast %eq3A_2645 : i32 to vector<16xi32>
    %eq3A_2647 = arith.cmpi eq, %shift_right_arithmetic3A_2611, %eq3A_2646 : vector<16xi32>
    %broadcast_in_dim3A_2648 = vector.shape_cast %and3A_2614 : vector<16xi32> to vector<16x1xi32>
    %gather3A_2649 = vector.shape_cast %broadcast_in_dim3A_2648 : vector<16x1xi32> to vector<16xi32>
    %gather3A_2650 = tpu.dynamic_gather %get3A_16[%gather3A_2649] in [0] : vector<16xf32>, vector<16xi32> -> vector<16xf32>
    %select_n3A_2651 = arith.select %eq3A_2647, %gather3A_2650, %select_n3A_2644 : vector<16xi1>, vector<16xf32>
    %eq3A_2652 = arith.constant 5 : i32
    %eq3A_2653 = vector.broadcast %eq3A_2652 : i32 to vector<16xi32>
    %eq3A_2654 = arith.cmpi eq, %shift_right_arithmetic3A_2611, %eq3A_2653 : vector<16xi32>
    %broadcast_in_dim3A_2655 = vector.shape_cast %and3A_2614 : vector<16xi32> to vector<16x1xi32>
    %gather3A_2656 = vector.shape_cast %broadcast_in_dim3A_2655 : vector<16x1xi32> to vector<16xi32>
    %gather3A_2657 = tpu.dynamic_gather %get3A_19[%gather3A_2656] in [0] : vector<16xf32>, vector<16xi32> -> vector<16xf32>
    %select_n3A_2658 = arith.select %eq3A_2654, %gather3A_2657, %select_n3A_2651 : vector<16xi1>, vector<16xf32>
    %eq3A_2659 = arith.constant 6 : i32
    %eq3A_2660 = vector.broadcast %eq3A_2659 : i32 to vector<16xi32>
    %eq3A_2661 = arith.cmpi eq, %shift_right_arithmetic3A_2611, %eq3A_2660 : vector<16xi32>
    %broadcast_in_dim3A_2662 = vector.shape_cast %and3A_2614 : vector<16xi32> to vector<16x1xi32>
    %gather3A_2663 = vector.shape_cast %broadcast_in_dim3A_2662 : vector<16x1xi32> to vector<16xi32>
    %gather3A_2664 = tpu.dynamic_gather %get3A_22[%gather3A_2663] in [0] : vector<16xf32>, vector<16xi32> -> vector<16xf32>
    %select_n3A_2665 = arith.select %eq3A_2661, %gather3A_2664, %select_n3A_2658 : vector<16xi1>, vector<16xf32>
    %eq3A_2666 = arith.constant 7 : i32
    %eq3A_2667 = vector.broadcast %eq3A_2666 : i32 to vector<16xi32>
    %eq3A_2668 = arith.cmpi eq, %shift_right_arithmetic3A_2611, %eq3A_2667 : vector<16xi32>
    %broadcast_in_dim3A_2669 = vector.shape_cast %and3A_2614 : vector<16xi32> to vector<16x1xi32>
    %gather3A_2670 = vector.shape_cast %broadcast_in_dim3A_2669 : vector<16x1xi32> to vector<16xi32>
    %gather3A_2671 = tpu.dynamic_gather %get3A_25[%gather3A_2670] in [0] : vector<16xf32>, vector<16xi32> -> vector<16xf32>
    %select_n3A_2672 = arith.select %eq3A_2668, %gather3A_2671, %select_n3A_2665 : vector<16xi1>, vector<16xf32>
    %eq3A_2673 = arith.constant 8 : i32
    %eq3A_2674 = vector.broadcast %eq3A_2673 : i32 to vector<16xi32>
    %eq3A_2675 = arith.cmpi eq, %shift_right_arithmetic3A_2611, %eq3A_2674 : vector<16xi32>
    %broadcast_in_dim3A_2676 = vector.shape_cast %and3A_2614 : vector<16xi32> to vector<16x1xi32>
    %gather3A_2677 = vector.shape_cast %broadcast_in_dim3A_2676 : vector<16x1xi32> to vector<16xi32>
    %gather3A_2678 = tpu.dynamic_gather %get3A_28[%gather3A_2677] in [0] : vector<16xf32>, vector<16xi32> -> vector<16xf32>
    %select_n3A_2679 = arith.select %eq3A_2675, %gather3A_2678, %select_n3A_2672 : vector<16xi1>, vector<16xf32>
    %eq3A_2680 = arith.constant 9 : i32
    %eq3A_2681 = vector.broadcast %eq3A_2680 : i32 to vector<16xi32>
    %eq3A_2682 = arith.cmpi eq, %shift_right_arithmetic3A_2611, %eq3A_2681 : vector<16xi32>
    %broadcast_in_dim3A_2683 = vector.shape_cast %and3A_2614 : vector<16xi32> to vector<16x1xi32>
    %gather3A_2684 = vector.shape_cast %broadcast_in_dim3A_2683 : vector<16x1xi32> to vector<16xi32>
    %gather3A_2685 = tpu.dynamic_gather %get3A_31[%gather3A_2684] in [0] : vector<16xf32>, vector<16xi32> -> vector<16xf32>
    %select_n3A_2686 = arith.select %eq3A_2682, %gather3A_2685, %select_n3A_2679 : vector<16xi1>, vector<16xf32>
    %eq3A_2687 = arith.constant 10 : i32
    %eq3A_2688 = vector.broadcast %eq3A_2687 : i32 to vector<16xi32>
    %eq3A_2689 = arith.cmpi eq, %shift_right_arithmetic3A_2611, %eq3A_2688 : vector<16xi32>
    %broadcast_in_dim3A_2690 = vector.shape_cast %and3A_2614 : vector<16xi32> to vector<16x1xi32>
    %gather3A_2691 = vector.shape_cast %broadcast_in_dim3A_2690 : vector<16x1xi32> to vector<16xi32>
    %gather3A_2692 = tpu.dynamic_gather %get3A_34[%gather3A_2691] in [0] : vector<16xf32>, vector<16xi32> -> vector<16xf32>
    %select_n3A_2693 = arith.select %eq3A_2689, %gather3A_2692, %select_n3A_2686 : vector<16xi1>, vector<16xf32>
    %eq3A_2694 = arith.constant 11 : i32
    %eq3A_2695 = vector.broadcast %eq3A_2694 : i32 to vector<16xi32>
    %eq3A_2696 = arith.cmpi eq, %shift_right_arithmetic3A_2611, %eq3A_2695 : vector<16xi32>
    %broadcast_in_dim3A_2697 = vector.shape_cast %and3A_2614 : vector<16xi32> to vector<16x1xi32>
    %gather3A_2698 = vector.shape_cast %broadcast_in_dim3A_2697 : vector<16x1xi32> to vector<16xi32>
    %gather3A_2699 = tpu.dynamic_gather %get3A_37[%gather3A_2698] in [0] : vector<16xf32>, vector<16xi32> -> vector<16xf32>
    %select_n3A_2700 = arith.select %eq3A_2696, %gather3A_2699, %select_n3A_2693 : vector<16xi1>, vector<16xf32>
    %get3A_2701 = arith.constant 400 : index
    %get3A_2702 = tpu.vector_load %arg7[%get3A_2701] {strides = array<i32>} : memref<512xf32, #tpu.memory_space<vmem>>, vector<16xf32>,
    %get3A_2703 = vector.shape_cast %get3A_2702 : vector<16xf32> to vector<16xf32>
    %add3A_2704 = arith.addf %get3A_2703, %select_n3A_2700 : vector<16xf32>
    %swap3A_2705 = arith.constant 400 : index
    %swap3A_2706 = tpu.vector_load %arg9[%swap3A_2705] {strides = array<i32>} : memref<512xf32, #tpu.memory_space<vmem>>, vector<16xf32>,
    %swap3A_2707 = vector.shape_cast %swap3A_2706 : vector<16xf32> to vector<16xf32>
    %swap3A_2708 = vector.shape_cast %add3A_2704 : vector<16xf32> to vector<16xf32>
    tpu.vector_store %arg9[%swap3A_2705], %swap3A_2708 {strides = array<i32>} : memref<512xf32, #tpu.memory_space<vmem>>, vector<16xf32>,
    %get3A_2709 = arith.constant 416 : index
    %get3A_2710 = tpu.vector_load %arg6[%get3A_2709] {strides = array<i32>} : memref<512xi32, #tpu.memory_space<vmem>>, vector<16xi32>,
    %get3A_2711 = vector.shape_cast %get3A_2710 : vector<16xi32> to vector<16xi32>
    %shift_right_arithmetic3A_2712 = arith.constant 4 : i32
    %shift_right_arithmetic3A_2713 = vector.broadcast %shift_right_arithmetic3A_2712 : i32 to vector<16xi32>
    %shift_right_arithmetic3A_2714 = arith.shrsi %get3A_2711, %shift_right_arithmetic3A_2713 : vector<16xi32>
    %and3A_2715 = arith.constant 15 : i32
    %and3A_2716 = vector.broadcast %and3A_2715 : i32 to vector<16xi32>
    %and3A_2717 = arith.andi %get3A_2711, %and3A_2716 : vector<16xi32>
    %broadcast_in_dim3A_2718 = arith.constant 0.000000e+00 : f32
    %broadcast_in_dim3A_2719 = vector.broadcast %broadcast_in_dim3A_2718 : f32 to vector<16xf32>
    %eq3A_2720 = arith.constant 0 : i32
    %eq3A_2721 = vector.broadcast %eq3A_2720 : i32 to vector<16xi32>
    %eq3A_2722 = arith.cmpi eq, %shift_right_arithmetic3A_2714, %eq3A_2721 : vector<16xi32>
    %broadcast_in_dim3A_2723 = vector.shape_cast %and3A_2717 : vector<16xi32> to vector<16x1xi32>
    %gather3A_2724 = vector.shape_cast %broadcast_in_dim3A_2723 : vector<16x1xi32> to vector<16xi32>
    %gather3A_2725 = tpu.dynamic_gather %get3A_4[%gather3A_2724] in [0] : vector<16xf32>, vector<16xi32> -> vector<16xf32>
    %select_n3A_2726 = arith.select %eq3A_2722, %gather3A_2725, %broadcast_in_dim3A_2719 : vector<16xi1>, vector<16xf32>
    %eq3A_2727 = arith.constant 1 : i32
    %eq3A_2728 = vector.broadcast %eq3A_2727 : i32 to vector<16xi32>
    %eq3A_2729 = arith.cmpi eq, %shift_right_arithmetic3A_2714, %eq3A_2728 : vector<16xi32>
    %broadcast_in_dim3A_2730 = vector.shape_cast %and3A_2717 : vector<16xi32> to vector<16x1xi32>
    %gather3A_2731 = vector.shape_cast %broadcast_in_dim3A_2730 : vector<16x1xi32> to vector<16xi32>
    %gather3A_2732 = tpu.dynamic_gather %get3A_7[%gather3A_2731] in [0] : vector<16xf32>, vector<16xi32> -> vector<16xf32>
    %select_n3A_2733 = arith.select %eq3A_2729, %gather3A_2732, %select_n3A_2726 : vector<16xi1>, vector<16xf32>
    %eq3A_2734 = arith.constant 2 : i32
    %eq3A_2735 = vector.broadcast %eq3A_2734 : i32 to vector<16xi32>
    %eq3A_2736 = arith.cmpi eq, %shift_right_arithmetic3A_2714, %eq3A_2735 : vector<16xi32>
    %broadcast_in_dim3A_2737 = vector.shape_cast %and3A_2717 : vector<16xi32> to vector<16x1xi32>
    %gather3A_2738 = vector.shape_cast %broadcast_in_dim3A_2737 : vector<16x1xi32> to vector<16xi32>
    %gather3A_2739 = tpu.dynamic_gather %get3A_10[%gather3A_2738] in [0] : vector<16xf32>, vector<16xi32> -> vector<16xf32>
    %select_n3A_2740 = arith.select %eq3A_2736, %gather3A_2739, %select_n3A_2733 : vector<16xi1>, vector<16xf32>
    %eq3A_2741 = arith.constant 3 : i32
    %eq3A_2742 = vector.broadcast %eq3A_2741 : i32 to vector<16xi32>
    %eq3A_2743 = arith.cmpi eq, %shift_right_arithmetic3A_2714, %eq3A_2742 : vector<16xi32>
    %broadcast_in_dim3A_2744 = vector.shape_cast %and3A_2717 : vector<16xi32> to vector<16x1xi32>
    %gather3A_2745 = vector.shape_cast %broadcast_in_dim3A_2744 : vector<16x1xi32> to vector<16xi32>
    %gather3A_2746 = tpu.dynamic_gather %get3A_13[%gather3A_2745] in [0] : vector<16xf32>, vector<16xi32> -> vector<16xf32>
    %select_n3A_2747 = arith.select %eq3A_2743, %gather3A_2746, %select_n3A_2740 : vector<16xi1>, vector<16xf32>
    %eq3A_2748 = arith.constant 4 : i32
    %eq3A_2749 = vector.broadcast %eq3A_2748 : i32 to vector<16xi32>
    %eq3A_2750 = arith.cmpi eq, %shift_right_arithmetic3A_2714, %eq3A_2749 : vector<16xi32>
    %broadcast_in_dim3A_2751 = vector.shape_cast %and3A_2717 : vector<16xi32> to vector<16x1xi32>
    %gather3A_2752 = vector.shape_cast %broadcast_in_dim3A_2751 : vector<16x1xi32> to vector<16xi32>
    %gather3A_2753 = tpu.dynamic_gather %get3A_16[%gather3A_2752] in [0] : vector<16xf32>, vector<16xi32> -> vector<16xf32>
    %select_n3A_2754 = arith.select %eq3A_2750, %gather3A_2753, %select_n3A_2747 : vector<16xi1>, vector<16xf32>
    %eq3A_2755 = arith.constant 5 : i32
    %eq3A_2756 = vector.broadcast %eq3A_2755 : i32 to vector<16xi32>
    %eq3A_2757 = arith.cmpi eq, %shift_right_arithmetic3A_2714, %eq3A_2756 : vector<16xi32>
    %broadcast_in_dim3A_2758 = vector.shape_cast %and3A_2717 : vector<16xi32> to vector<16x1xi32>
    %gather3A_2759 = vector.shape_cast %broadcast_in_dim3A_2758 : vector<16x1xi32> to vector<16xi32>
    %gather3A_2760 = tpu.dynamic_gather %get3A_19[%gather3A_2759] in [0] : vector<16xf32>, vector<16xi32> -> vector<16xf32>
    %select_n3A_2761 = arith.select %eq3A_2757, %gather3A_2760, %select_n3A_2754 : vector<16xi1>, vector<16xf32>
    %eq3A_2762 = arith.constant 6 : i32
    %eq3A_2763 = vector.broadcast %eq3A_2762 : i32 to vector<16xi32>
    %eq3A_2764 = arith.cmpi eq, %shift_right_arithmetic3A_2714, %eq3A_2763 : vector<16xi32>
    %broadcast_in_dim3A_2765 = vector.shape_cast %and3A_2717 : vector<16xi32> to vector<16x1xi32>
    %gather3A_2766 = vector.shape_cast %broadcast_in_dim3A_2765 : vector<16x1xi32> to vector<16xi32>
    %gather3A_2767 = tpu.dynamic_gather %get3A_22[%gather3A_2766] in [0] : vector<16xf32>, vector<16xi32> -> vector<16xf32>
    %select_n3A_2768 = arith.select %eq3A_2764, %gather3A_2767, %select_n3A_2761 : vector<16xi1>, vector<16xf32>
    %eq3A_2769 = arith.constant 7 : i32
    %eq3A_2770 = vector.broadcast %eq3A_2769 : i32 to vector<16xi32>
    %eq3A_2771 = arith.cmpi eq, %shift_right_arithmetic3A_2714, %eq3A_2770 : vector<16xi32>
    %broadcast_in_dim3A_2772 = vector.shape_cast %and3A_2717 : vector<16xi32> to vector<16x1xi32>
    %gather3A_2773 = vector.shape_cast %broadcast_in_dim3A_2772 : vector<16x1xi32> to vector<16xi32>
    %gather3A_2774 = tpu.dynamic_gather %get3A_25[%gather3A_2773] in [0] : vector<16xf32>, vector<16xi32> -> vector<16xf32>
    %select_n3A_2775 = arith.select %eq3A_2771, %gather3A_2774, %select_n3A_2768 : vector<16xi1>, vector<16xf32>
    %eq3A_2776 = arith.constant 8 : i32
    %eq3A_2777 = vector.broadcast %eq3A_2776 : i32 to vector<16xi32>
    %eq3A_2778 = arith.cmpi eq, %shift_right_arithmetic3A_2714, %eq3A_2777 : vector<16xi32>
    %broadcast_in_dim3A_2779 = vector.shape_cast %and3A_2717 : vector<16xi32> to vector<16x1xi32>
    %gather3A_2780 = vector.shape_cast %broadcast_in_dim3A_2779 : vector<16x1xi32> to vector<16xi32>
    %gather3A_2781 = tpu.dynamic_gather %get3A_28[%gather3A_2780] in [0] : vector<16xf32>, vector<16xi32> -> vector<16xf32>
    %select_n3A_2782 = arith.select %eq3A_2778, %gather3A_2781, %select_n3A_2775 : vector<16xi1>, vector<16xf32>
    %eq3A_2783 = arith.constant 9 : i32
    %eq3A_2784 = vector.broadcast %eq3A_2783 : i32 to vector<16xi32>
    %eq3A_2785 = arith.cmpi eq, %shift_right_arithmetic3A_2714, %eq3A_2784 : vector<16xi32>
    %broadcast_in_dim3A_2786 = vector.shape_cast %and3A_2717 : vector<16xi32> to vector<16x1xi32>
    %gather3A_2787 = vector.shape_cast %broadcast_in_dim3A_2786 : vector<16x1xi32> to vector<16xi32>
    %gather3A_2788 = tpu.dynamic_gather %get3A_31[%gather3A_2787] in [0] : vector<16xf32>, vector<16xi32> -> vector<16xf32>
    %select_n3A_2789 = arith.select %eq3A_2785, %gather3A_2788, %select_n3A_2782 : vector<16xi1>, vector<16xf32>
    %eq3A_2790 = arith.constant 10 : i32
    %eq3A_2791 = vector.broadcast %eq3A_2790 : i32 to vector<16xi32>
    %eq3A_2792 = arith.cmpi eq, %shift_right_arithmetic3A_2714, %eq3A_2791 : vector<16xi32>
    %broadcast_in_dim3A_2793 = vector.shape_cast %and3A_2717 : vector<16xi32> to vector<16x1xi32>
    %gather3A_2794 = vector.shape_cast %broadcast_in_dim3A_2793 : vector<16x1xi32> to vector<16xi32>
    %gather3A_2795 = tpu.dynamic_gather %get3A_34[%gather3A_2794] in [0] : vector<16xf32>, vector<16xi32> -> vector<16xf32>
    %select_n3A_2796 = arith.select %eq3A_2792, %gather3A_2795, %select_n3A_2789 : vector<16xi1>, vector<16xf32>
    %eq3A_2797 = arith.constant 11 : i32
    %eq3A_2798 = vector.broadcast %eq3A_2797 : i32 to vector<16xi32>
    %eq3A_2799 = arith.cmpi eq, %shift_right_arithmetic3A_2714, %eq3A_2798 : vector<16xi32>
    %broadcast_in_dim3A_2800 = vector.shape_cast %and3A_2717 : vector<16xi32> to vector<16x1xi32>
    %gather3A_2801 = vector.shape_cast %broadcast_in_dim3A_2800 : vector<16x1xi32> to vector<16xi32>
    %gather3A_2802 = tpu.dynamic_gather %get3A_37[%gather3A_2801] in [0] : vector<16xf32>, vector<16xi32> -> vector<16xf32>
    %select_n3A_2803 = arith.select %eq3A_2799, %gather3A_2802, %select_n3A_2796 : vector<16xi1>, vector<16xf32>
    %get3A_2804 = arith.constant 416 : index
    %get3A_2805 = tpu.vector_load %arg7[%get3A_2804] {strides = array<i32>} : memref<512xf32, #tpu.memory_space<vmem>>, vector<16xf32>,
    %get3A_2806 = vector.shape_cast %get3A_2805 : vector<16xf32> to vector<16xf32>
    %add3A_2807 = arith.addf %get3A_2806, %select_n3A_2803 : vector<16xf32>
    %swap3A_2808 = arith.constant 416 : index
    %swap3A_2809 = tpu.vector_load %arg9[%swap3A_2808] {strides = array<i32>} : memref<512xf32, #tpu.memory_space<vmem>>, vector<16xf32>,
    %swap3A_2810 = vector.shape_cast %swap3A_2809 : vector<16xf32> to vector<16xf32>
    %swap3A_2811 = vector.shape_cast %add3A_2807 : vector<16xf32> to vector<16xf32>
    tpu.vector_store %arg9[%swap3A_2808], %swap3A_2811 {strides = array<i32>} : memref<512xf32, #tpu.memory_space<vmem>>, vector<16xf32>,
    %get3A_2812 = arith.constant 432 : index
    %get3A_2813 = tpu.vector_load %arg6[%get3A_2812] {strides = array<i32>} : memref<512xi32, #tpu.memory_space<vmem>>, vector<16xi32>,
    %get3A_2814 = vector.shape_cast %get3A_2813 : vector<16xi32> to vector<16xi32>
    %shift_right_arithmetic3A_2815 = arith.constant 4 : i32
    %shift_right_arithmetic3A_2816 = vector.broadcast %shift_right_arithmetic3A_2815 : i32 to vector<16xi32>
    %shift_right_arithmetic3A_2817 = arith.shrsi %get3A_2814, %shift_right_arithmetic3A_2816 : vector<16xi32>
    %and3A_2818 = arith.constant 15 : i32
    %and3A_2819 = vector.broadcast %and3A_2818 : i32 to vector<16xi32>
    %and3A_2820 = arith.andi %get3A_2814, %and3A_2819 : vector<16xi32>
    %broadcast_in_dim3A_2821 = arith.constant 0.000000e+00 : f32
    %broadcast_in_dim3A_2822 = vector.broadcast %broadcast_in_dim3A_2821 : f32 to vector<16xf32>
    %eq3A_2823 = arith.constant 0 : i32
    %eq3A_2824 = vector.broadcast %eq3A_2823 : i32 to vector<16xi32>
    %eq3A_2825 = arith.cmpi eq, %shift_right_arithmetic3A_2817, %eq3A_2824 : vector<16xi32>
    %broadcast_in_dim3A_2826 = vector.shape_cast %and3A_2820 : vector<16xi32> to vector<16x1xi32>
    %gather3A_2827 = vector.shape_cast %broadcast_in_dim3A_2826 : vector<16x1xi32> to vector<16xi32>
    %gather3A_2828 = tpu.dynamic_gather %get3A_4[%gather3A_2827] in [0] : vector<16xf32>, vector<16xi32> -> vector<16xf32>
    %select_n3A_2829 = arith.select %eq3A_2825, %gather3A_2828, %broadcast_in_dim3A_2822 : vector<16xi1>, vector<16xf32>
    %eq3A_2830 = arith.constant 1 : i32
    %eq3A_2831 = vector.broadcast %eq3A_2830 : i32 to vector<16xi32>
    %eq3A_2832 = arith.cmpi eq, %shift_right_arithmetic3A_2817, %eq3A_2831 : vector<16xi32>
    %broadcast_in_dim3A_2833 = vector.shape_cast %and3A_2820 : vector<16xi32> to vector<16x1xi32>
    %gather3A_2834 = vector.shape_cast %broadcast_in_dim3A_2833 : vector<16x1xi32> to vector<16xi32>
    %gather3A_2835 = tpu.dynamic_gather %get3A_7[%gather3A_2834] in [0] : vector<16xf32>, vector<16xi32> -> vector<16xf32>
    %select_n3A_2836 = arith.select %eq3A_2832, %gather3A_2835, %select_n3A_2829 : vector<16xi1>, vector<16xf32>
    %eq3A_2837 = arith.constant 2 : i32
    %eq3A_2838 = vector.broadcast %eq3A_2837 : i32 to vector<16xi32>
    %eq3A_2839 = arith.cmpi eq, %shift_right_arithmetic3A_2817, %eq3A_2838 : vector<16xi32>
    %broadcast_in_dim3A_2840 = vector.shape_cast %and3A_2820 : vector<16xi32> to vector<16x1xi32>
    %gather3A_2841 = vector.shape_cast %broadcast_in_dim3A_2840 : vector<16x1xi32> to vector<16xi32>
    %gather3A_2842 = tpu.dynamic_gather %get3A_10[%gather3A_2841] in [0] : vector<16xf32>, vector<16xi32> -> vector<16xf32>
    %select_n3A_2843 = arith.select %eq3A_2839, %gather3A_2842, %select_n3A_2836 : vector<16xi1>, vector<16xf32>
    %eq3A_2844 = arith.constant 3 : i32
    %eq3A_2845 = vector.broadcast %eq3A_2844 : i32 to vector<16xi32>
    %eq3A_2846 = arith.cmpi eq, %shift_right_arithmetic3A_2817, %eq3A_2845 : vector<16xi32>
    %broadcast_in_dim3A_2847 = vector.shape_cast %and3A_2820 : vector<16xi32> to vector<16x1xi32>
    %gather3A_2848 = vector.shape_cast %broadcast_in_dim3A_2847 : vector<16x1xi32> to vector<16xi32>
    %gather3A_2849 = tpu.dynamic_gather %get3A_13[%gather3A_2848] in [0] : vector<16xf32>, vector<16xi32> -> vector<16xf32>
    %select_n3A_2850 = arith.select %eq3A_2846, %gather3A_2849, %select_n3A_2843 : vector<16xi1>, vector<16xf32>
    %eq3A_2851 = arith.constant 4 : i32
    %eq3A_2852 = vector.broadcast %eq3A_2851 : i32 to vector<16xi32>
    %eq3A_2853 = arith.cmpi eq, %shift_right_arithmetic3A_2817, %eq3A_2852 : vector<16xi32>
    %broadcast_in_dim3A_2854 = vector.shape_cast %and3A_2820 : vector<16xi32> to vector<16x1xi32>
    %gather3A_2855 = vector.shape_cast %broadcast_in_dim3A_2854 : vector<16x1xi32> to vector<16xi32>
    %gather3A_2856 = tpu.dynamic_gather %get3A_16[%gather3A_2855] in [0] : vector<16xf32>, vector<16xi32> -> vector<16xf32>
    %select_n3A_2857 = arith.select %eq3A_2853, %gather3A_2856, %select_n3A_2850 : vector<16xi1>, vector<16xf32>
    %eq3A_2858 = arith.constant 5 : i32
    %eq3A_2859 = vector.broadcast %eq3A_2858 : i32 to vector<16xi32>
    %eq3A_2860 = arith.cmpi eq, %shift_right_arithmetic3A_2817, %eq3A_2859 : vector<16xi32>
    %broadcast_in_dim3A_2861 = vector.shape_cast %and3A_2820 : vector<16xi32> to vector<16x1xi32>
    %gather3A_2862 = vector.shape_cast %broadcast_in_dim3A_2861 : vector<16x1xi32> to vector<16xi32>
    %gather3A_2863 = tpu.dynamic_gather %get3A_19[%gather3A_2862] in [0] : vector<16xf32>, vector<16xi32> -> vector<16xf32>
    %select_n3A_2864 = arith.select %eq3A_2860, %gather3A_2863, %select_n3A_2857 : vector<16xi1>, vector<16xf32>
    %eq3A_2865 = arith.constant 6 : i32
    %eq3A_2866 = vector.broadcast %eq3A_2865 : i32 to vector<16xi32>
    %eq3A_2867 = arith.cmpi eq, %shift_right_arithmetic3A_2817, %eq3A_2866 : vector<16xi32>
    %broadcast_in_dim3A_2868 = vector.shape_cast %and3A_2820 : vector<16xi32> to vector<16x1xi32>
    %gather3A_2869 = vector.shape_cast %broadcast_in_dim3A_2868 : vector<16x1xi32> to vector<16xi32>
    %gather3A_2870 = tpu.dynamic_gather %get3A_22[%gather3A_2869] in [0] : vector<16xf32>, vector<16xi32> -> vector<16xf32>
    %select_n3A_2871 = arith.select %eq3A_2867, %gather3A_2870, %select_n3A_2864 : vector<16xi1>, vector<16xf32>
    %eq3A_2872 = arith.constant 7 : i32
    %eq3A_2873 = vector.broadcast %eq3A_2872 : i32 to vector<16xi32>
    %eq3A_2874 = arith.cmpi eq, %shift_right_arithmetic3A_2817, %eq3A_2873 : vector<16xi32>
    %broadcast_in_dim3A_2875 = vector.shape_cast %and3A_2820 : vector<16xi32> to vector<16x1xi32>
    %gather3A_2876 = vector.shape_cast %broadcast_in_dim3A_2875 : vector<16x1xi32> to vector<16xi32>
    %gather3A_2877 = tpu.dynamic_gather %get3A_25[%gather3A_2876] in [0] : vector<16xf32>, vector<16xi32> -> vector<16xf32>
    %select_n3A_2878 = arith.select %eq3A_2874, %gather3A_2877, %select_n3A_2871 : vector<16xi1>, vector<16xf32>
    %eq3A_2879 = arith.constant 8 : i32
    %eq3A_2880 = vector.broadcast %eq3A_2879 : i32 to vector<16xi32>
    %eq3A_2881 = arith.cmpi eq, %shift_right_arithmetic3A_2817, %eq3A_2880 : vector<16xi32>
    %broadcast_in_dim3A_2882 = vector.shape_cast %and3A_2820 : vector<16xi32> to vector<16x1xi32>
    %gather3A_2883 = vector.shape_cast %broadcast_in_dim3A_2882 : vector<16x1xi32> to vector<16xi32>
    %gather3A_2884 = tpu.dynamic_gather %get3A_28[%gather3A_2883] in [0] : vector<16xf32>, vector<16xi32> -> vector<16xf32>
    %select_n3A_2885 = arith.select %eq3A_2881, %gather3A_2884, %select_n3A_2878 : vector<16xi1>, vector<16xf32>
    %eq3A_2886 = arith.constant 9 : i32
    %eq3A_2887 = vector.broadcast %eq3A_2886 : i32 to vector<16xi32>
    %eq3A_2888 = arith.cmpi eq, %shift_right_arithmetic3A_2817, %eq3A_2887 : vector<16xi32>
    %broadcast_in_dim3A_2889 = vector.shape_cast %and3A_2820 : vector<16xi32> to vector<16x1xi32>
    %gather3A_2890 = vector.shape_cast %broadcast_in_dim3A_2889 : vector<16x1xi32> to vector<16xi32>
    %gather3A_2891 = tpu.dynamic_gather %get3A_31[%gather3A_2890] in [0] : vector<16xf32>, vector<16xi32> -> vector<16xf32>
    %select_n3A_2892 = arith.select %eq3A_2888, %gather3A_2891, %select_n3A_2885 : vector<16xi1>, vector<16xf32>
    %eq3A_2893 = arith.constant 10 : i32
    %eq3A_2894 = vector.broadcast %eq3A_2893 : i32 to vector<16xi32>
    %eq3A_2895 = arith.cmpi eq, %shift_right_arithmetic3A_2817, %eq3A_2894 : vector<16xi32>
    %broadcast_in_dim3A_2896 = vector.shape_cast %and3A_2820 : vector<16xi32> to vector<16x1xi32>
    %gather3A_2897 = vector.shape_cast %broadcast_in_dim3A_2896 : vector<16x1xi32> to vector<16xi32>
    %gather3A_2898 = tpu.dynamic_gather %get3A_34[%gather3A_2897] in [0] : vector<16xf32>, vector<16xi32> -> vector<16xf32>
    %select_n3A_2899 = arith.select %eq3A_2895, %gather3A_2898, %select_n3A_2892 : vector<16xi1>, vector<16xf32>
    %eq3A_2900 = arith.constant 11 : i32
    %eq3A_2901 = vector.broadcast %eq3A_2900 : i32 to vector<16xi32>
    %eq3A_2902 = arith.cmpi eq, %shift_right_arithmetic3A_2817, %eq3A_2901 : vector<16xi32>
    %broadcast_in_dim3A_2903 = vector.shape_cast %and3A_2820 : vector<16xi32> to vector<16x1xi32>
    %gather3A_2904 = vector.shape_cast %broadcast_in_dim3A_2903 : vector<16x1xi32> to vector<16xi32>
    %gather3A_2905 = tpu.dynamic_gather %get3A_37[%gather3A_2904] in [0] : vector<16xf32>, vector<16xi32> -> vector<16xf32>
    %select_n3A_2906 = arith.select %eq3A_2902, %gather3A_2905, %select_n3A_2899 : vector<16xi1>, vector<16xf32>
    %get3A_2907 = arith.constant 432 : index
    %get3A_2908 = tpu.vector_load %arg7[%get3A_2907] {strides = array<i32>} : memref<512xf32, #tpu.memory_space<vmem>>, vector<16xf32>,
    %get3A_2909 = vector.shape_cast %get3A_2908 : vector<16xf32> to vector<16xf32>
    %add3A_2910 = arith.addf %get3A_2909, %select_n3A_2906 : vector<16xf32>
    %swap3A_2911 = arith.constant 432 : index
    %swap3A_2912 = tpu.vector_load %arg9[%swap3A_2911] {strides = array<i32>} : memref<512xf32, #tpu.memory_space<vmem>>, vector<16xf32>,
    %swap3A_2913 = vector.shape_cast %swap3A_2912 : vector<16xf32> to vector<16xf32>
    %swap3A_2914 = vector.shape_cast %add3A_2910 : vector<16xf32> to vector<16xf32>
    tpu.vector_store %arg9[%swap3A_2911], %swap3A_2914 {strides = array<i32>} : memref<512xf32, #tpu.memory_space<vmem>>, vector<16xf32>,
    %get3A_2915 = arith.constant 448 : index
    %get3A_2916 = tpu.vector_load %arg6[%get3A_2915] {strides = array<i32>} : memref<512xi32, #tpu.memory_space<vmem>>, vector<16xi32>,
    %get3A_2917 = vector.shape_cast %get3A_2916 : vector<16xi32> to vector<16xi32>
    %shift_right_arithmetic3A_2918 = arith.constant 4 : i32
    %shift_right_arithmetic3A_2919 = vector.broadcast %shift_right_arithmetic3A_2918 : i32 to vector<16xi32>
    %shift_right_arithmetic3A_2920 = arith.shrsi %get3A_2917, %shift_right_arithmetic3A_2919 : vector<16xi32>
    %and3A_2921 = arith.constant 15 : i32
    %and3A_2922 = vector.broadcast %and3A_2921 : i32 to vector<16xi32>
    %and3A_2923 = arith.andi %get3A_2917, %and3A_2922 : vector<16xi32>
    %broadcast_in_dim3A_2924 = arith.constant 0.000000e+00 : f32
    %broadcast_in_dim3A_2925 = vector.broadcast %broadcast_in_dim3A_2924 : f32 to vector<16xf32>
    %eq3A_2926 = arith.constant 0 : i32
    %eq3A_2927 = vector.broadcast %eq3A_2926 : i32 to vector<16xi32>
    %eq3A_2928 = arith.cmpi eq, %shift_right_arithmetic3A_2920, %eq3A_2927 : vector<16xi32>
    %broadcast_in_dim3A_2929 = vector.shape_cast %and3A_2923 : vector<16xi32> to vector<16x1xi32>
    %gather3A_2930 = vector.shape_cast %broadcast_in_dim3A_2929 : vector<16x1xi32> to vector<16xi32>
    %gather3A_2931 = tpu.dynamic_gather %get3A_4[%gather3A_2930] in [0] : vector<16xf32>, vector<16xi32> -> vector<16xf32>
    %select_n3A_2932 = arith.select %eq3A_2928, %gather3A_2931, %broadcast_in_dim3A_2925 : vector<16xi1>, vector<16xf32>
    %eq3A_2933 = arith.constant 1 : i32
    %eq3A_2934 = vector.broadcast %eq3A_2933 : i32 to vector<16xi32>
    %eq3A_2935 = arith.cmpi eq, %shift_right_arithmetic3A_2920, %eq3A_2934 : vector<16xi32>
    %broadcast_in_dim3A_2936 = vector.shape_cast %and3A_2923 : vector<16xi32> to vector<16x1xi32>
    %gather3A_2937 = vector.shape_cast %broadcast_in_dim3A_2936 : vector<16x1xi32> to vector<16xi32>
    %gather3A_2938 = tpu.dynamic_gather %get3A_7[%gather3A_2937] in [0] : vector<16xf32>, vector<16xi32> -> vector<16xf32>
    %select_n3A_2939 = arith.select %eq3A_2935, %gather3A_2938, %select_n3A_2932 : vector<16xi1>, vector<16xf32>
    %eq3A_2940 = arith.constant 2 : i32
    %eq3A_2941 = vector.broadcast %eq3A_2940 : i32 to vector<16xi32>
    %eq3A_2942 = arith.cmpi eq, %shift_right_arithmetic3A_2920, %eq3A_2941 : vector<16xi32>
    %broadcast_in_dim3A_2943 = vector.shape_cast %and3A_2923 : vector<16xi32> to vector<16x1xi32>
    %gather3A_2944 = vector.shape_cast %broadcast_in_dim3A_2943 : vector<16x1xi32> to vector<16xi32>
    %gather3A_2945 = tpu.dynamic_gather %get3A_10[%gather3A_2944] in [0] : vector<16xf32>, vector<16xi32> -> vector<16xf32>
    %select_n3A_2946 = arith.select %eq3A_2942, %gather3A_2945, %select_n3A_2939 : vector<16xi1>, vector<16xf32>
    %eq3A_2947 = arith.constant 3 : i32
    %eq3A_2948 = vector.broadcast %eq3A_2947 : i32 to vector<16xi32>
    %eq3A_2949 = arith.cmpi eq, %shift_right_arithmetic3A_2920, %eq3A_2948 : vector<16xi32>
    %broadcast_in_dim3A_2950 = vector.shape_cast %and3A_2923 : vector<16xi32> to vector<16x1xi32>
    %gather3A_2951 = vector.shape_cast %broadcast_in_dim3A_2950 : vector<16x1xi32> to vector<16xi32>
    %gather3A_2952 = tpu.dynamic_gather %get3A_13[%gather3A_2951] in [0] : vector<16xf32>, vector<16xi32> -> vector<16xf32>
    %select_n3A_2953 = arith.select %eq3A_2949, %gather3A_2952, %select_n3A_2946 : vector<16xi1>, vector<16xf32>
    %eq3A_2954 = arith.constant 4 : i32
    %eq3A_2955 = vector.broadcast %eq3A_2954 : i32 to vector<16xi32>
    %eq3A_2956 = arith.cmpi eq, %shift_right_arithmetic3A_2920, %eq3A_2955 : vector<16xi32>
    %broadcast_in_dim3A_2957 = vector.shape_cast %and3A_2923 : vector<16xi32> to vector<16x1xi32>
    %gather3A_2958 = vector.shape_cast %broadcast_in_dim3A_2957 : vector<16x1xi32> to vector<16xi32>
    %gather3A_2959 = tpu.dynamic_gather %get3A_16[%gather3A_2958] in [0] : vector<16xf32>, vector<16xi32> -> vector<16xf32>
    %select_n3A_2960 = arith.select %eq3A_2956, %gather3A_2959, %select_n3A_2953 : vector<16xi1>, vector<16xf32>
    %eq3A_2961 = arith.constant 5 : i32
    %eq3A_2962 = vector.broadcast %eq3A_2961 : i32 to vector<16xi32>
    %eq3A_2963 = arith.cmpi eq, %shift_right_arithmetic3A_2920, %eq3A_2962 : vector<16xi32>
    %broadcast_in_dim3A_2964 = vector.shape_cast %and3A_2923 : vector<16xi32> to vector<16x1xi32>
    %gather3A_2965 = vector.shape_cast %broadcast_in_dim3A_2964 : vector<16x1xi32> to vector<16xi32>
    %gather3A_2966 = tpu.dynamic_gather %get3A_19[%gather3A_2965] in [0] : vector<16xf32>, vector<16xi32> -> vector<16xf32>
    %select_n3A_2967 = arith.select %eq3A_2963, %gather3A_2966, %select_n3A_2960 : vector<16xi1>, vector<16xf32>
    %eq3A_2968 = arith.constant 6 : i32
    %eq3A_2969 = vector.broadcast %eq3A_2968 : i32 to vector<16xi32>
    %eq3A_2970 = arith.cmpi eq, %shift_right_arithmetic3A_2920, %eq3A_2969 : vector<16xi32>
    %broadcast_in_dim3A_2971 = vector.shape_cast %and3A_2923 : vector<16xi32> to vector<16x1xi32>
    %gather3A_2972 = vector.shape_cast %broadcast_in_dim3A_2971 : vector<16x1xi32> to vector<16xi32>
    %gather3A_2973 = tpu.dynamic_gather %get3A_22[%gather3A_2972] in [0] : vector<16xf32>, vector<16xi32> -> vector<16xf32>
    %select_n3A_2974 = arith.select %eq3A_2970, %gather3A_2973, %select_n3A_2967 : vector<16xi1>, vector<16xf32>
    %eq3A_2975 = arith.constant 7 : i32
    %eq3A_2976 = vector.broadcast %eq3A_2975 : i32 to vector<16xi32>
    %eq3A_2977 = arith.cmpi eq, %shift_right_arithmetic3A_2920, %eq3A_2976 : vector<16xi32>
    %broadcast_in_dim3A_2978 = vector.shape_cast %and3A_2923 : vector<16xi32> to vector<16x1xi32>
    %gather3A_2979 = vector.shape_cast %broadcast_in_dim3A_2978 : vector<16x1xi32> to vector<16xi32>
    %gather3A_2980 = tpu.dynamic_gather %get3A_25[%gather3A_2979] in [0] : vector<16xf32>, vector<16xi32> -> vector<16xf32>
    %select_n3A_2981 = arith.select %eq3A_2977, %gather3A_2980, %select_n3A_2974 : vector<16xi1>, vector<16xf32>
    %eq3A_2982 = arith.constant 8 : i32
    %eq3A_2983 = vector.broadcast %eq3A_2982 : i32 to vector<16xi32>
    %eq3A_2984 = arith.cmpi eq, %shift_right_arithmetic3A_2920, %eq3A_2983 : vector<16xi32>
    %broadcast_in_dim3A_2985 = vector.shape_cast %and3A_2923 : vector<16xi32> to vector<16x1xi32>
    %gather3A_2986 = vector.shape_cast %broadcast_in_dim3A_2985 : vector<16x1xi32> to vector<16xi32>
    %gather3A_2987 = tpu.dynamic_gather %get3A_28[%gather3A_2986] in [0] : vector<16xf32>, vector<16xi32> -> vector<16xf32>
    %select_n3A_2988 = arith.select %eq3A_2984, %gather3A_2987, %select_n3A_2981 : vector<16xi1>, vector<16xf32>
    %eq3A_2989 = arith.constant 9 : i32
    %eq3A_2990 = vector.broadcast %eq3A_2989 : i32 to vector<16xi32>
    %eq3A_2991 = arith.cmpi eq, %shift_right_arithmetic3A_2920, %eq3A_2990 : vector<16xi32>
    %broadcast_in_dim3A_2992 = vector.shape_cast %and3A_2923 : vector<16xi32> to vector<16x1xi32>
    %gather3A_2993 = vector.shape_cast %broadcast_in_dim3A_2992 : vector<16x1xi32> to vector<16xi32>
    %gather3A_2994 = tpu.dynamic_gather %get3A_31[%gather3A_2993] in [0] : vector<16xf32>, vector<16xi32> -> vector<16xf32>
    %select_n3A_2995 = arith.select %eq3A_2991, %gather3A_2994, %select_n3A_2988 : vector<16xi1>, vector<16xf32>
    %eq3A_2996 = arith.constant 10 : i32
    %eq3A_2997 = vector.broadcast %eq3A_2996 : i32 to vector<16xi32>
    %eq3A_2998 = arith.cmpi eq, %shift_right_arithmetic3A_2920, %eq3A_2997 : vector<16xi32>
    %broadcast_in_dim3A_2999 = vector.shape_cast %and3A_2923 : vector<16xi32> to vector<16x1xi32>
    %gather3A_3000 = vector.shape_cast %broadcast_in_dim3A_2999 : vector<16x1xi32> to vector<16xi32>
    %gather3A_3001 = tpu.dynamic_gather %get3A_34[%gather3A_3000] in [0] : vector<16xf32>, vector<16xi32> -> vector<16xf32>
    %select_n3A_3002 = arith.select %eq3A_2998, %gather3A_3001, %select_n3A_2995 : vector<16xi1>, vector<16xf32>
    %eq3A_3003 = arith.constant 11 : i32
    %eq3A_3004 = vector.broadcast %eq3A_3003 : i32 to vector<16xi32>
    %eq3A_3005 = arith.cmpi eq, %shift_right_arithmetic3A_2920, %eq3A_3004 : vector<16xi32>
    %broadcast_in_dim3A_3006 = vector.shape_cast %and3A_2923 : vector<16xi32> to vector<16x1xi32>
    %gather3A_3007 = vector.shape_cast %broadcast_in_dim3A_3006 : vector<16x1xi32> to vector<16xi32>
    %gather3A_3008 = tpu.dynamic_gather %get3A_37[%gather3A_3007] in [0] : vector<16xf32>, vector<16xi32> -> vector<16xf32>
    %select_n3A_3009 = arith.select %eq3A_3005, %gather3A_3008, %select_n3A_3002 : vector<16xi1>, vector<16xf32>
    %get3A_3010 = arith.constant 448 : index
    %get3A_3011 = tpu.vector_load %arg7[%get3A_3010] {strides = array<i32>} : memref<512xf32, #tpu.memory_space<vmem>>, vector<16xf32>,
    %get3A_3012 = vector.shape_cast %get3A_3011 : vector<16xf32> to vector<16xf32>
    %add3A_3013 = arith.addf %get3A_3012, %select_n3A_3009 : vector<16xf32>
    %swap3A_3014 = arith.constant 448 : index
    %swap3A_3015 = tpu.vector_load %arg9[%swap3A_3014] {strides = array<i32>} : memref<512xf32, #tpu.memory_space<vmem>>, vector<16xf32>,
    %swap3A_3016 = vector.shape_cast %swap3A_3015 : vector<16xf32> to vector<16xf32>
    %swap3A_3017 = vector.shape_cast %add3A_3013 : vector<16xf32> to vector<16xf32>
    tpu.vector_store %arg9[%swap3A_3014], %swap3A_3017 {strides = array<i32>} : memref<512xf32, #tpu.memory_space<vmem>>, vector<16xf32>,
    %get3A_3018 = arith.constant 464 : index
    %get3A_3019 = tpu.vector_load %arg6[%get3A_3018] {strides = array<i32>} : memref<512xi32, #tpu.memory_space<vmem>>, vector<16xi32>,
    %get3A_3020 = vector.shape_cast %get3A_3019 : vector<16xi32> to vector<16xi32>
    %shift_right_arithmetic3A_3021 = arith.constant 4 : i32
    %shift_right_arithmetic3A_3022 = vector.broadcast %shift_right_arithmetic3A_3021 : i32 to vector<16xi32>
    %shift_right_arithmetic3A_3023 = arith.shrsi %get3A_3020, %shift_right_arithmetic3A_3022 : vector<16xi32>
    %and3A_3024 = arith.constant 15 : i32
    %and3A_3025 = vector.broadcast %and3A_3024 : i32 to vector<16xi32>
    %and3A_3026 = arith.andi %get3A_3020, %and3A_3025 : vector<16xi32>
    %broadcast_in_dim3A_3027 = arith.constant 0.000000e+00 : f32
    %broadcast_in_dim3A_3028 = vector.broadcast %broadcast_in_dim3A_3027 : f32 to vector<16xf32>
    %eq3A_3029 = arith.constant 0 : i32
    %eq3A_3030 = vector.broadcast %eq3A_3029 : i32 to vector<16xi32>
    %eq3A_3031 = arith.cmpi eq, %shift_right_arithmetic3A_3023, %eq3A_3030 : vector<16xi32>
    %broadcast_in_dim3A_3032 = vector.shape_cast %and3A_3026 : vector<16xi32> to vector<16x1xi32>
    %gather3A_3033 = vector.shape_cast %broadcast_in_dim3A_3032 : vector<16x1xi32> to vector<16xi32>
    %gather3A_3034 = tpu.dynamic_gather %get3A_4[%gather3A_3033] in [0] : vector<16xf32>, vector<16xi32> -> vector<16xf32>
    %select_n3A_3035 = arith.select %eq3A_3031, %gather3A_3034, %broadcast_in_dim3A_3028 : vector<16xi1>, vector<16xf32>
    %eq3A_3036 = arith.constant 1 : i32
    %eq3A_3037 = vector.broadcast %eq3A_3036 : i32 to vector<16xi32>
    %eq3A_3038 = arith.cmpi eq, %shift_right_arithmetic3A_3023, %eq3A_3037 : vector<16xi32>
    %broadcast_in_dim3A_3039 = vector.shape_cast %and3A_3026 : vector<16xi32> to vector<16x1xi32>
    %gather3A_3040 = vector.shape_cast %broadcast_in_dim3A_3039 : vector<16x1xi32> to vector<16xi32>
    %gather3A_3041 = tpu.dynamic_gather %get3A_7[%gather3A_3040] in [0] : vector<16xf32>, vector<16xi32> -> vector<16xf32>
    %select_n3A_3042 = arith.select %eq3A_3038, %gather3A_3041, %select_n3A_3035 : vector<16xi1>, vector<16xf32>
    %eq3A_3043 = arith.constant 2 : i32
    %eq3A_3044 = vector.broadcast %eq3A_3043 : i32 to vector<16xi32>
    %eq3A_3045 = arith.cmpi eq, %shift_right_arithmetic3A_3023, %eq3A_3044 : vector<16xi32>
    %broadcast_in_dim3A_3046 = vector.shape_cast %and3A_3026 : vector<16xi32> to vector<16x1xi32>
    %gather3A_3047 = vector.shape_cast %broadcast_in_dim3A_3046 : vector<16x1xi32> to vector<16xi32>
    %gather3A_3048 = tpu.dynamic_gather %get3A_10[%gather3A_3047] in [0] : vector<16xf32>, vector<16xi32> -> vector<16xf32>
    %select_n3A_3049 = arith.select %eq3A_3045, %gather3A_3048, %select_n3A_3042 : vector<16xi1>, vector<16xf32>
    %eq3A_3050 = arith.constant 3 : i32
    %eq3A_3051 = vector.broadcast %eq3A_3050 : i32 to vector<16xi32>
    %eq3A_3052 = arith.cmpi eq, %shift_right_arithmetic3A_3023, %eq3A_3051 : vector<16xi32>
    %broadcast_in_dim3A_3053 = vector.shape_cast %and3A_3026 : vector<16xi32> to vector<16x1xi32>
    %gather3A_3054 = vector.shape_cast %broadcast_in_dim3A_3053 : vector<16x1xi32> to vector<16xi32>
    %gather3A_3055 = tpu.dynamic_gather %get3A_13[%gather3A_3054] in [0] : vector<16xf32>, vector<16xi32> -> vector<16xf32>
    %select_n3A_3056 = arith.select %eq3A_3052, %gather3A_3055, %select_n3A_3049 : vector<16xi1>, vector<16xf32>
    %eq3A_3057 = arith.constant 4 : i32
    %eq3A_3058 = vector.broadcast %eq3A_3057 : i32 to vector<16xi32>
    %eq3A_3059 = arith.cmpi eq, %shift_right_arithmetic3A_3023, %eq3A_3058 : vector<16xi32>
    %broadcast_in_dim3A_3060 = vector.shape_cast %and3A_3026 : vector<16xi32> to vector<16x1xi32>
    %gather3A_3061 = vector.shape_cast %broadcast_in_dim3A_3060 : vector<16x1xi32> to vector<16xi32>
    %gather3A_3062 = tpu.dynamic_gather %get3A_16[%gather3A_3061] in [0] : vector<16xf32>, vector<16xi32> -> vector<16xf32>
    %select_n3A_3063 = arith.select %eq3A_3059, %gather3A_3062, %select_n3A_3056 : vector<16xi1>, vector<16xf32>
    %eq3A_3064 = arith.constant 5 : i32
    %eq3A_3065 = vector.broadcast %eq3A_3064 : i32 to vector<16xi32>
    %eq3A_3066 = arith.cmpi eq, %shift_right_arithmetic3A_3023, %eq3A_3065 : vector<16xi32>
    %broadcast_in_dim3A_3067 = vector.shape_cast %and3A_3026 : vector<16xi32> to vector<16x1xi32>
    %gather3A_3068 = vector.shape_cast %broadcast_in_dim3A_3067 : vector<16x1xi32> to vector<16xi32>
    %gather3A_3069 = tpu.dynamic_gather %get3A_19[%gather3A_3068] in [0] : vector<16xf32>, vector<16xi32> -> vector<16xf32>
    %select_n3A_3070 = arith.select %eq3A_3066, %gather3A_3069, %select_n3A_3063 : vector<16xi1>, vector<16xf32>
    %eq3A_3071 = arith.constant 6 : i32
    %eq3A_3072 = vector.broadcast %eq3A_3071 : i32 to vector<16xi32>
    %eq3A_3073 = arith.cmpi eq, %shift_right_arithmetic3A_3023, %eq3A_3072 : vector<16xi32>
    %broadcast_in_dim3A_3074 = vector.shape_cast %and3A_3026 : vector<16xi32> to vector<16x1xi32>
    %gather3A_3075 = vector.shape_cast %broadcast_in_dim3A_3074 : vector<16x1xi32> to vector<16xi32>
    %gather3A_3076 = tpu.dynamic_gather %get3A_22[%gather3A_3075] in [0] : vector<16xf32>, vector<16xi32> -> vector<16xf32>
    %select_n3A_3077 = arith.select %eq3A_3073, %gather3A_3076, %select_n3A_3070 : vector<16xi1>, vector<16xf32>
    %eq3A_3078 = arith.constant 7 : i32
    %eq3A_3079 = vector.broadcast %eq3A_3078 : i32 to vector<16xi32>
    %eq3A_3080 = arith.cmpi eq, %shift_right_arithmetic3A_3023, %eq3A_3079 : vector<16xi32>
    %broadcast_in_dim3A_3081 = vector.shape_cast %and3A_3026 : vector<16xi32> to vector<16x1xi32>
    %gather3A_3082 = vector.shape_cast %broadcast_in_dim3A_3081 : vector<16x1xi32> to vector<16xi32>
    %gather3A_3083 = tpu.dynamic_gather %get3A_25[%gather3A_3082] in [0] : vector<16xf32>, vector<16xi32> -> vector<16xf32>
    %select_n3A_3084 = arith.select %eq3A_3080, %gather3A_3083, %select_n3A_3077 : vector<16xi1>, vector<16xf32>
    %eq3A_3085 = arith.constant 8 : i32
    %eq3A_3086 = vector.broadcast %eq3A_3085 : i32 to vector<16xi32>
    %eq3A_3087 = arith.cmpi eq, %shift_right_arithmetic3A_3023, %eq3A_3086 : vector<16xi32>
    %broadcast_in_dim3A_3088 = vector.shape_cast %and3A_3026 : vector<16xi32> to vector<16x1xi32>
    %gather3A_3089 = vector.shape_cast %broadcast_in_dim3A_3088 : vector<16x1xi32> to vector<16xi32>
    %gather3A_3090 = tpu.dynamic_gather %get3A_28[%gather3A_3089] in [0] : vector<16xf32>, vector<16xi32> -> vector<16xf32>
    %select_n3A_3091 = arith.select %eq3A_3087, %gather3A_3090, %select_n3A_3084 : vector<16xi1>, vector<16xf32>
    %eq3A_3092 = arith.constant 9 : i32
    %eq3A_3093 = vector.broadcast %eq3A_3092 : i32 to vector<16xi32>
    %eq3A_3094 = arith.cmpi eq, %shift_right_arithmetic3A_3023, %eq3A_3093 : vector<16xi32>
    %broadcast_in_dim3A_3095 = vector.shape_cast %and3A_3026 : vector<16xi32> to vector<16x1xi32>
    %gather3A_3096 = vector.shape_cast %broadcast_in_dim3A_3095 : vector<16x1xi32> to vector<16xi32>
    %gather3A_3097 = tpu.dynamic_gather %get3A_31[%gather3A_3096] in [0] : vector<16xf32>, vector<16xi32> -> vector<16xf32>
    %select_n3A_3098 = arith.select %eq3A_3094, %gather3A_3097, %select_n3A_3091 : vector<16xi1>, vector<16xf32>
    %eq3A_3099 = arith.constant 10 : i32
    %eq3A_3100 = vector.broadcast %eq3A_3099 : i32 to vector<16xi32>
    %eq3A_3101 = arith.cmpi eq, %shift_right_arithmetic3A_3023, %eq3A_3100 : vector<16xi32>
    %broadcast_in_dim3A_3102 = vector.shape_cast %and3A_3026 : vector<16xi32> to vector<16x1xi32>
    %gather3A_3103 = vector.shape_cast %broadcast_in_dim3A_3102 : vector<16x1xi32> to vector<16xi32>
    %gather3A_3104 = tpu.dynamic_gather %get3A_34[%gather3A_3103] in [0] : vector<16xf32>, vector<16xi32> -> vector<16xf32>
    %select_n3A_3105 = arith.select %eq3A_3101, %gather3A_3104, %select_n3A_3098 : vector<16xi1>, vector<16xf32>
    %eq3A_3106 = arith.constant 11 : i32
    %eq3A_3107 = vector.broadcast %eq3A_3106 : i32 to vector<16xi32>
    %eq3A_3108 = arith.cmpi eq, %shift_right_arithmetic3A_3023, %eq3A_3107 : vector<16xi32>
    %broadcast_in_dim3A_3109 = vector.shape_cast %and3A_3026 : vector<16xi32> to vector<16x1xi32>
    %gather3A_3110 = vector.shape_cast %broadcast_in_dim3A_3109 : vector<16x1xi32> to vector<16xi32>
    %gather3A_3111 = tpu.dynamic_gather %get3A_37[%gather3A_3110] in [0] : vector<16xf32>, vector<16xi32> -> vector<16xf32>
    %select_n3A_3112 = arith.select %eq3A_3108, %gather3A_3111, %select_n3A_3105 : vector<16xi1>, vector<16xf32>
    %get3A_3113 = arith.constant 464 : index
    %get3A_3114 = tpu.vector_load %arg7[%get3A_3113] {strides = array<i32>} : memref<512xf32, #tpu.memory_space<vmem>>, vector<16xf32>,
    %get3A_3115 = vector.shape_cast %get3A_3114 : vector<16xf32> to vector<16xf32>
    %add3A_3116 = arith.addf %get3A_3115, %select_n3A_3112 : vector<16xf32>
    %swap3A_3117 = arith.constant 464 : index
    %swap3A_3118 = tpu.vector_load %arg9[%swap3A_3117] {strides = array<i32>} : memref<512xf32, #tpu.memory_space<vmem>>, vector<16xf32>,
    %swap3A_3119 = vector.shape_cast %swap3A_3118 : vector<16xf32> to vector<16xf32>
    %swap3A_3120 = vector.shape_cast %add3A_3116 : vector<16xf32> to vector<16xf32>
    tpu.vector_store %arg9[%swap3A_3117], %swap3A_3120 {strides = array<i32>} : memref<512xf32, #tpu.memory_space<vmem>>, vector<16xf32>,
    %get3A_3121 = arith.constant 480 : index
    %get3A_3122 = tpu.vector_load %arg6[%get3A_3121] {strides = array<i32>} : memref<512xi32, #tpu.memory_space<vmem>>, vector<16xi32>,
    %get3A_3123 = vector.shape_cast %get3A_3122 : vector<16xi32> to vector<16xi32>
    %shift_right_arithmetic3A_3124 = arith.constant 4 : i32
    %shift_right_arithmetic3A_3125 = vector.broadcast %shift_right_arithmetic3A_3124 : i32 to vector<16xi32>
    %shift_right_arithmetic3A_3126 = arith.shrsi %get3A_3123, %shift_right_arithmetic3A_3125 : vector<16xi32>
    %and3A_3127 = arith.constant 15 : i32
    %and3A_3128 = vector.broadcast %and3A_3127 : i32 to vector<16xi32>
    %and3A_3129 = arith.andi %get3A_3123, %and3A_3128 : vector<16xi32>
    %broadcast_in_dim3A_3130 = arith.constant 0.000000e+00 : f32
    %broadcast_in_dim3A_3131 = vector.broadcast %broadcast_in_dim3A_3130 : f32 to vector<16xf32>
    %eq3A_3132 = arith.constant 0 : i32
    %eq3A_3133 = vector.broadcast %eq3A_3132 : i32 to vector<16xi32>
    %eq3A_3134 = arith.cmpi eq, %shift_right_arithmetic3A_3126, %eq3A_3133 : vector<16xi32>
    %broadcast_in_dim3A_3135 = vector.shape_cast %and3A_3129 : vector<16xi32> to vector<16x1xi32>
    %gather3A_3136 = vector.shape_cast %broadcast_in_dim3A_3135 : vector<16x1xi32> to vector<16xi32>
    %gather3A_3137 = tpu.dynamic_gather %get3A_4[%gather3A_3136] in [0] : vector<16xf32>, vector<16xi32> -> vector<16xf32>
    %select_n3A_3138 = arith.select %eq3A_3134, %gather3A_3137, %broadcast_in_dim3A_3131 : vector<16xi1>, vector<16xf32>
    %eq3A_3139 = arith.constant 1 : i32
    %eq3A_3140 = vector.broadcast %eq3A_3139 : i32 to vector<16xi32>
    %eq3A_3141 = arith.cmpi eq, %shift_right_arithmetic3A_3126, %eq3A_3140 : vector<16xi32>
    %broadcast_in_dim3A_3142 = vector.shape_cast %and3A_3129 : vector<16xi32> to vector<16x1xi32>
    %gather3A_3143 = vector.shape_cast %broadcast_in_dim3A_3142 : vector<16x1xi32> to vector<16xi32>
    %gather3A_3144 = tpu.dynamic_gather %get3A_7[%gather3A_3143] in [0] : vector<16xf32>, vector<16xi32> -> vector<16xf32>
    %select_n3A_3145 = arith.select %eq3A_3141, %gather3A_3144, %select_n3A_3138 : vector<16xi1>, vector<16xf32>
    %eq3A_3146 = arith.constant 2 : i32
    %eq3A_3147 = vector.broadcast %eq3A_3146 : i32 to vector<16xi32>
    %eq3A_3148 = arith.cmpi eq, %shift_right_arithmetic3A_3126, %eq3A_3147 : vector<16xi32>
    %broadcast_in_dim3A_3149 = vector.shape_cast %and3A_3129 : vector<16xi32> to vector<16x1xi32>
    %gather3A_3150 = vector.shape_cast %broadcast_in_dim3A_3149 : vector<16x1xi32> to vector<16xi32>
    %gather3A_3151 = tpu.dynamic_gather %get3A_10[%gather3A_3150] in [0] : vector<16xf32>, vector<16xi32> -> vector<16xf32>
    %select_n3A_3152 = arith.select %eq3A_3148, %gather3A_3151, %select_n3A_3145 : vector<16xi1>, vector<16xf32>
    %eq3A_3153 = arith.constant 3 : i32
    %eq3A_3154 = vector.broadcast %eq3A_3153 : i32 to vector<16xi32>
    %eq3A_3155 = arith.cmpi eq, %shift_right_arithmetic3A_3126, %eq3A_3154 : vector<16xi32>
    %broadcast_in_dim3A_3156 = vector.shape_cast %and3A_3129 : vector<16xi32> to vector<16x1xi32>
    %gather3A_3157 = vector.shape_cast %broadcast_in_dim3A_3156 : vector<16x1xi32> to vector<16xi32>
    %gather3A_3158 = tpu.dynamic_gather %get3A_13[%gather3A_3157] in [0] : vector<16xf32>, vector<16xi32> -> vector<16xf32>
    %select_n3A_3159 = arith.select %eq3A_3155, %gather3A_3158, %select_n3A_3152 : vector<16xi1>, vector<16xf32>
    %eq3A_3160 = arith.constant 4 : i32
    %eq3A_3161 = vector.broadcast %eq3A_3160 : i32 to vector<16xi32>
    %eq3A_3162 = arith.cmpi eq, %shift_right_arithmetic3A_3126, %eq3A_3161 : vector<16xi32>
    %broadcast_in_dim3A_3163 = vector.shape_cast %and3A_3129 : vector<16xi32> to vector<16x1xi32>
    %gather3A_3164 = vector.shape_cast %broadcast_in_dim3A_3163 : vector<16x1xi32> to vector<16xi32>
    %gather3A_3165 = tpu.dynamic_gather %get3A_16[%gather3A_3164] in [0] : vector<16xf32>, vector<16xi32> -> vector<16xf32>
    %select_n3A_3166 = arith.select %eq3A_3162, %gather3A_3165, %select_n3A_3159 : vector<16xi1>, vector<16xf32>
    %eq3A_3167 = arith.constant 5 : i32
    %eq3A_3168 = vector.broadcast %eq3A_3167 : i32 to vector<16xi32>
    %eq3A_3169 = arith.cmpi eq, %shift_right_arithmetic3A_3126, %eq3A_3168 : vector<16xi32>
    %broadcast_in_dim3A_3170 = vector.shape_cast %and3A_3129 : vector<16xi32> to vector<16x1xi32>
    %gather3A_3171 = vector.shape_cast %broadcast_in_dim3A_3170 : vector<16x1xi32> to vector<16xi32>
    %gather3A_3172 = tpu.dynamic_gather %get3A_19[%gather3A_3171] in [0] : vector<16xf32>, vector<16xi32> -> vector<16xf32>
    %select_n3A_3173 = arith.select %eq3A_3169, %gather3A_3172, %select_n3A_3166 : vector<16xi1>, vector<16xf32>
    %eq3A_3174 = arith.constant 6 : i32
    %eq3A_3175 = vector.broadcast %eq3A_3174 : i32 to vector<16xi32>
    %eq3A_3176 = arith.cmpi eq, %shift_right_arithmetic3A_3126, %eq3A_3175 : vector<16xi32>
    %broadcast_in_dim3A_3177 = vector.shape_cast %and3A_3129 : vector<16xi32> to vector<16x1xi32>
    %gather3A_3178 = vector.shape_cast %broadcast_in_dim3A_3177 : vector<16x1xi32> to vector<16xi32>
    %gather3A_3179 = tpu.dynamic_gather %get3A_22[%gather3A_3178] in [0] : vector<16xf32>, vector<16xi32> -> vector<16xf32>
    %select_n3A_3180 = arith.select %eq3A_3176, %gather3A_3179, %select_n3A_3173 : vector<16xi1>, vector<16xf32>
    %eq3A_3181 = arith.constant 7 : i32
    %eq3A_3182 = vector.broadcast %eq3A_3181 : i32 to vector<16xi32>
    %eq3A_3183 = arith.cmpi eq, %shift_right_arithmetic3A_3126, %eq3A_3182 : vector<16xi32>
    %broadcast_in_dim3A_3184 = vector.shape_cast %and3A_3129 : vector<16xi32> to vector<16x1xi32>
    %gather3A_3185 = vector.shape_cast %broadcast_in_dim3A_3184 : vector<16x1xi32> to vector<16xi32>
    %gather3A_3186 = tpu.dynamic_gather %get3A_25[%gather3A_3185] in [0] : vector<16xf32>, vector<16xi32> -> vector<16xf32>
    %select_n3A_3187 = arith.select %eq3A_3183, %gather3A_3186, %select_n3A_3180 : vector<16xi1>, vector<16xf32>
    %eq3A_3188 = arith.constant 8 : i32
    %eq3A_3189 = vector.broadcast %eq3A_3188 : i32 to vector<16xi32>
    %eq3A_3190 = arith.cmpi eq, %shift_right_arithmetic3A_3126, %eq3A_3189 : vector<16xi32>
    %broadcast_in_dim3A_3191 = vector.shape_cast %and3A_3129 : vector<16xi32> to vector<16x1xi32>
    %gather3A_3192 = vector.shape_cast %broadcast_in_dim3A_3191 : vector<16x1xi32> to vector<16xi32>
    %gather3A_3193 = tpu.dynamic_gather %get3A_28[%gather3A_3192] in [0] : vector<16xf32>, vector<16xi32> -> vector<16xf32>
    %select_n3A_3194 = arith.select %eq3A_3190, %gather3A_3193, %select_n3A_3187 : vector<16xi1>, vector<16xf32>
    %eq3A_3195 = arith.constant 9 : i32
    %eq3A_3196 = vector.broadcast %eq3A_3195 : i32 to vector<16xi32>
    %eq3A_3197 = arith.cmpi eq, %shift_right_arithmetic3A_3126, %eq3A_3196 : vector<16xi32>
    %broadcast_in_dim3A_3198 = vector.shape_cast %and3A_3129 : vector<16xi32> to vector<16x1xi32>
    %gather3A_3199 = vector.shape_cast %broadcast_in_dim3A_3198 : vector<16x1xi32> to vector<16xi32>
    %gather3A_3200 = tpu.dynamic_gather %get3A_31[%gather3A_3199] in [0] : vector<16xf32>, vector<16xi32> -> vector<16xf32>
    %select_n3A_3201 = arith.select %eq3A_3197, %gather3A_3200, %select_n3A_3194 : vector<16xi1>, vector<16xf32>
    %eq3A_3202 = arith.constant 10 : i32
    %eq3A_3203 = vector.broadcast %eq3A_3202 : i32 to vector<16xi32>
    %eq3A_3204 = arith.cmpi eq, %shift_right_arithmetic3A_3126, %eq3A_3203 : vector<16xi32>
    %broadcast_in_dim3A_3205 = vector.shape_cast %and3A_3129 : vector<16xi32> to vector<16x1xi32>
    %gather3A_3206 = vector.shape_cast %broadcast_in_dim3A_3205 : vector<16x1xi32> to vector<16xi32>
    %gather3A_3207 = tpu.dynamic_gather %get3A_34[%gather3A_3206] in [0] : vector<16xf32>, vector<16xi32> -> vector<16xf32>
    %select_n3A_3208 = arith.select %eq3A_3204, %gather3A_3207, %select_n3A_3201 : vector<16xi1>, vector<16xf32>
    %eq3A_3209 = arith.constant 11 : i32
    %eq3A_3210 = vector.broadcast %eq3A_3209 : i32 to vector<16xi32>
    %eq3A_3211 = arith.cmpi eq, %shift_right_arithmetic3A_3126, %eq3A_3210 : vector<16xi32>
    %broadcast_in_dim3A_3212 = vector.shape_cast %and3A_3129 : vector<16xi32> to vector<16x1xi32>
    %gather3A_3213 = vector.shape_cast %broadcast_in_dim3A_3212 : vector<16x1xi32> to vector<16xi32>
    %gather3A_3214 = tpu.dynamic_gather %get3A_37[%gather3A_3213] in [0] : vector<16xf32>, vector<16xi32> -> vector<16xf32>
    %select_n3A_3215 = arith.select %eq3A_3211, %gather3A_3214, %select_n3A_3208 : vector<16xi1>, vector<16xf32>
    %get3A_3216 = arith.constant 480 : index
    %get3A_3217 = tpu.vector_load %arg7[%get3A_3216] {strides = array<i32>} : memref<512xf32, #tpu.memory_space<vmem>>, vector<16xf32>,
    %get3A_3218 = vector.shape_cast %get3A_3217 : vector<16xf32> to vector<16xf32>
    %add3A_3219 = arith.addf %get3A_3218, %select_n3A_3215 : vector<16xf32>
    %swap3A_3220 = arith.constant 480 : index
    %swap3A_3221 = tpu.vector_load %arg9[%swap3A_3220] {strides = array<i32>} : memref<512xf32, #tpu.memory_space<vmem>>, vector<16xf32>,
    %swap3A_3222 = vector.shape_cast %swap3A_3221 : vector<16xf32> to vector<16xf32>
    %swap3A_3223 = vector.shape_cast %add3A_3219 : vector<16xf32> to vector<16xf32>
    tpu.vector_store %arg9[%swap3A_3220], %swap3A_3223 {strides = array<i32>} : memref<512xf32, #tpu.memory_space<vmem>>, vector<16xf32>,
    %get3A_3224 = arith.constant 496 : index
    %get3A_3225 = tpu.vector_load %arg6[%get3A_3224] {strides = array<i32>} : memref<512xi32, #tpu.memory_space<vmem>>, vector<16xi32>,
    %get3A_3226 = vector.shape_cast %get3A_3225 : vector<16xi32> to vector<16xi32>
    %shift_right_arithmetic3A_3227 = arith.constant 4 : i32
    %shift_right_arithmetic3A_3228 = vector.broadcast %shift_right_arithmetic3A_3227 : i32 to vector<16xi32>
    %shift_right_arithmetic3A_3229 = arith.shrsi %get3A_3226, %shift_right_arithmetic3A_3228 : vector<16xi32>
    %and3A_3230 = arith.constant 15 : i32
    %and3A_3231 = vector.broadcast %and3A_3230 : i32 to vector<16xi32>
    %and3A_3232 = arith.andi %get3A_3226, %and3A_3231 : vector<16xi32>
    %broadcast_in_dim3A_3233 = arith.constant 0.000000e+00 : f32
    %broadcast_in_dim3A_3234 = vector.broadcast %broadcast_in_dim3A_3233 : f32 to vector<16xf32>
    %eq3A_3235 = arith.constant 0 : i32
    %eq3A_3236 = vector.broadcast %eq3A_3235 : i32 to vector<16xi32>
    %eq3A_3237 = arith.cmpi eq, %shift_right_arithmetic3A_3229, %eq3A_3236 : vector<16xi32>
    %broadcast_in_dim3A_3238 = vector.shape_cast %and3A_3232 : vector<16xi32> to vector<16x1xi32>
    %gather3A_3239 = vector.shape_cast %broadcast_in_dim3A_3238 : vector<16x1xi32> to vector<16xi32>
    %gather3A_3240 = tpu.dynamic_gather %get3A_4[%gather3A_3239] in [0] : vector<16xf32>, vector<16xi32> -> vector<16xf32>
    %select_n3A_3241 = arith.select %eq3A_3237, %gather3A_3240, %broadcast_in_dim3A_3234 : vector<16xi1>, vector<16xf32>
    %eq3A_3242 = arith.constant 1 : i32
    %eq3A_3243 = vector.broadcast %eq3A_3242 : i32 to vector<16xi32>
    %eq3A_3244 = arith.cmpi eq, %shift_right_arithmetic3A_3229, %eq3A_3243 : vector<16xi32>
    %broadcast_in_dim3A_3245 = vector.shape_cast %and3A_3232 : vector<16xi32> to vector<16x1xi32>
    %gather3A_3246 = vector.shape_cast %broadcast_in_dim3A_3245 : vector<16x1xi32> to vector<16xi32>
    %gather3A_3247 = tpu.dynamic_gather %get3A_7[%gather3A_3246] in [0] : vector<16xf32>, vector<16xi32> -> vector<16xf32>
    %select_n3A_3248 = arith.select %eq3A_3244, %gather3A_3247, %select_n3A_3241 : vector<16xi1>, vector<16xf32>
    %eq3A_3249 = arith.constant 2 : i32
    %eq3A_3250 = vector.broadcast %eq3A_3249 : i32 to vector<16xi32>
    %eq3A_3251 = arith.cmpi eq, %shift_right_arithmetic3A_3229, %eq3A_3250 : vector<16xi32>
    %broadcast_in_dim3A_3252 = vector.shape_cast %and3A_3232 : vector<16xi32> to vector<16x1xi32>
    %gather3A_3253 = vector.shape_cast %broadcast_in_dim3A_3252 : vector<16x1xi32> to vector<16xi32>
    %gather3A_3254 = tpu.dynamic_gather %get3A_10[%gather3A_3253] in [0] : vector<16xf32>, vector<16xi32> -> vector<16xf32>
    %select_n3A_3255 = arith.select %eq3A_3251, %gather3A_3254, %select_n3A_3248 : vector<16xi1>, vector<16xf32>
    %eq3A_3256 = arith.constant 3 : i32
    %eq3A_3257 = vector.broadcast %eq3A_3256 : i32 to vector<16xi32>
    %eq3A_3258 = arith.cmpi eq, %shift_right_arithmetic3A_3229, %eq3A_3257 : vector<16xi32>
    %broadcast_in_dim3A_3259 = vector.shape_cast %and3A_3232 : vector<16xi32> to vector<16x1xi32>
    %gather3A_3260 = vector.shape_cast %broadcast_in_dim3A_3259 : vector<16x1xi32> to vector<16xi32>
    %gather3A_3261 = tpu.dynamic_gather %get3A_13[%gather3A_3260] in [0] : vector<16xf32>, vector<16xi32> -> vector<16xf32>
    %select_n3A_3262 = arith.select %eq3A_3258, %gather3A_3261, %select_n3A_3255 : vector<16xi1>, vector<16xf32>
    %eq3A_3263 = arith.constant 4 : i32
    %eq3A_3264 = vector.broadcast %eq3A_3263 : i32 to vector<16xi32>
    %eq3A_3265 = arith.cmpi eq, %shift_right_arithmetic3A_3229, %eq3A_3264 : vector<16xi32>
    %broadcast_in_dim3A_3266 = vector.shape_cast %and3A_3232 : vector<16xi32> to vector<16x1xi32>
    %gather3A_3267 = vector.shape_cast %broadcast_in_dim3A_3266 : vector<16x1xi32> to vector<16xi32>
    %gather3A_3268 = tpu.dynamic_gather %get3A_16[%gather3A_3267] in [0] : vector<16xf32>, vector<16xi32> -> vector<16xf32>
    %select_n3A_3269 = arith.select %eq3A_3265, %gather3A_3268, %select_n3A_3262 : vector<16xi1>, vector<16xf32>
    %eq3A_3270 = arith.constant 5 : i32
    %eq3A_3271 = vector.broadcast %eq3A_3270 : i32 to vector<16xi32>
    %eq3A_3272 = arith.cmpi eq, %shift_right_arithmetic3A_3229, %eq3A_3271 : vector<16xi32>
    %broadcast_in_dim3A_3273 = vector.shape_cast %and3A_3232 : vector<16xi32> to vector<16x1xi32>
    %gather3A_3274 = vector.shape_cast %broadcast_in_dim3A_3273 : vector<16x1xi32> to vector<16xi32>
    %gather3A_3275 = tpu.dynamic_gather %get3A_19[%gather3A_3274] in [0] : vector<16xf32>, vector<16xi32> -> vector<16xf32>
    %select_n3A_3276 = arith.select %eq3A_3272, %gather3A_3275, %select_n3A_3269 : vector<16xi1>, vector<16xf32>
    %eq3A_3277 = arith.constant 6 : i32
    %eq3A_3278 = vector.broadcast %eq3A_3277 : i32 to vector<16xi32>
    %eq3A_3279 = arith.cmpi eq, %shift_right_arithmetic3A_3229, %eq3A_3278 : vector<16xi32>
    %broadcast_in_dim3A_3280 = vector.shape_cast %and3A_3232 : vector<16xi32> to vector<16x1xi32>
    %gather3A_3281 = vector.shape_cast %broadcast_in_dim3A_3280 : vector<16x1xi32> to vector<16xi32>
    %gather3A_3282 = tpu.dynamic_gather %get3A_22[%gather3A_3281] in [0] : vector<16xf32>, vector<16xi32> -> vector<16xf32>
    %select_n3A_3283 = arith.select %eq3A_3279, %gather3A_3282, %select_n3A_3276 : vector<16xi1>, vector<16xf32>
    %eq3A_3284 = arith.constant 7 : i32
    %eq3A_3285 = vector.broadcast %eq3A_3284 : i32 to vector<16xi32>
    %eq3A_3286 = arith.cmpi eq, %shift_right_arithmetic3A_3229, %eq3A_3285 : vector<16xi32>
    %broadcast_in_dim3A_3287 = vector.shape_cast %and3A_3232 : vector<16xi32> to vector<16x1xi32>
    %gather3A_3288 = vector.shape_cast %broadcast_in_dim3A_3287 : vector<16x1xi32> to vector<16xi32>
    %gather3A_3289 = tpu.dynamic_gather %get3A_25[%gather3A_3288] in [0] : vector<16xf32>, vector<16xi32> -> vector<16xf32>
    %select_n3A_3290 = arith.select %eq3A_3286, %gather3A_3289, %select_n3A_3283 : vector<16xi1>, vector<16xf32>
    %eq3A_3291 = arith.constant 8 : i32
    %eq3A_3292 = vector.broadcast %eq3A_3291 : i32 to vector<16xi32>
    %eq3A_3293 = arith.cmpi eq, %shift_right_arithmetic3A_3229, %eq3A_3292 : vector<16xi32>
    %broadcast_in_dim3A_3294 = vector.shape_cast %and3A_3232 : vector<16xi32> to vector<16x1xi32>
    %gather3A_3295 = vector.shape_cast %broadcast_in_dim3A_3294 : vector<16x1xi32> to vector<16xi32>
    %gather3A_3296 = tpu.dynamic_gather %get3A_28[%gather3A_3295] in [0] : vector<16xf32>, vector<16xi32> -> vector<16xf32>
    %select_n3A_3297 = arith.select %eq3A_3293, %gather3A_3296, %select_n3A_3290 : vector<16xi1>, vector<16xf32>
    %eq3A_3298 = arith.constant 9 : i32
    %eq3A_3299 = vector.broadcast %eq3A_3298 : i32 to vector<16xi32>
    %eq3A_3300 = arith.cmpi eq, %shift_right_arithmetic3A_3229, %eq3A_3299 : vector<16xi32>
    %broadcast_in_dim3A_3301 = vector.shape_cast %and3A_3232 : vector<16xi32> to vector<16x1xi32>
    %gather3A_3302 = vector.shape_cast %broadcast_in_dim3A_3301 : vector<16x1xi32> to vector<16xi32>
    %gather3A_3303 = tpu.dynamic_gather %get3A_31[%gather3A_3302] in [0] : vector<16xf32>, vector<16xi32> -> vector<16xf32>
    %select_n3A_3304 = arith.select %eq3A_3300, %gather3A_3303, %select_n3A_3297 : vector<16xi1>, vector<16xf32>
    %eq3A_3305 = arith.constant 10 : i32
    %eq3A_3306 = vector.broadcast %eq3A_3305 : i32 to vector<16xi32>
    %eq3A_3307 = arith.cmpi eq, %shift_right_arithmetic3A_3229, %eq3A_3306 : vector<16xi32>
    %broadcast_in_dim3A_3308 = vector.shape_cast %and3A_3232 : vector<16xi32> to vector<16x1xi32>
    %gather3A_3309 = vector.shape_cast %broadcast_in_dim3A_3308 : vector<16x1xi32> to vector<16xi32>
    %gather3A_3310 = tpu.dynamic_gather %get3A_34[%gather3A_3309] in [0] : vector<16xf32>, vector<16xi32> -> vector<16xf32>
    %select_n3A_3311 = arith.select %eq3A_3307, %gather3A_3310, %select_n3A_3304 : vector<16xi1>, vector<16xf32>
    %eq3A_3312 = arith.constant 11 : i32
    %eq3A_3313 = vector.broadcast %eq3A_3312 : i32 to vector<16xi32>
    %eq3A_3314 = arith.cmpi eq, %shift_right_arithmetic3A_3229, %eq3A_3313 : vector<16xi32>
    %broadcast_in_dim3A_3315 = vector.shape_cast %and3A_3232 : vector<16xi32> to vector<16x1xi32>
    %gather3A_3316 = vector.shape_cast %broadcast_in_dim3A_3315 : vector<16x1xi32> to vector<16xi32>
    %gather3A_3317 = tpu.dynamic_gather %get3A_37[%gather3A_3316] in [0] : vector<16xf32>, vector<16xi32> -> vector<16xf32>
    %select_n3A_3318 = arith.select %eq3A_3314, %gather3A_3317, %select_n3A_3311 : vector<16xi1>, vector<16xf32>
    %get3A_3319 = arith.constant 496 : index
    %get3A_3320 = tpu.vector_load %arg7[%get3A_3319] {strides = array<i32>} : memref<512xf32, #tpu.memory_space<vmem>>, vector<16xf32>,
    %get3A_3321 = vector.shape_cast %get3A_3320 : vector<16xf32> to vector<16xf32>
    %add3A_3322 = arith.addf %get3A_3321, %select_n3A_3318 : vector<16xf32>
    %swap3A_3323 = arith.constant 496 : index
    %swap3A_3324 = tpu.vector_load %arg9[%swap3A_3323] {strides = array<i32>} : memref<512xf32, #tpu.memory_space<vmem>>, vector<16xf32>,
    %swap3A_3325 = vector.shape_cast %swap3A_3324 : vector<16xf32> to vector<16xf32>
    %swap3A_3326 = vector.shape_cast %add3A_3322 : vector<16xf32> to vector<16xf32>
    tpu.vector_store %arg9[%swap3A_3323], %swap3A_3326 {strides = array<i32>} : memref<512xf32, #tpu.memory_space<vmem>>, vector<16xf32>,
    "tpu.region"() ({
      %run_scoped3A = tpu.sem_alloc : memref<!tpu.dma_semaphore, #tpu.memory_space<semaphore_mem>>
      %dma_start3A = tpu.memref_slice %arg5[%mul3A_2] : memref<16384xf32, #tpu.memory_space<hbm>> -> memref<512xf32, #tpu.memory_space<hbm>>
      %dma_start3A_3327 = tpu.memref_slice %arg5[%mul3A_2] : memref<16384xf32, #tpu.memory_space<hbm>> -> memref<512xf32, #tpu.memory_space<hbm>>
      tpu.enqueue_dma source(%arg9 : memref<512xf32, #tpu.memory_space<vmem>>) target(%dma_start3A_3327 : memref<512xf32, #tpu.memory_space<hbm>>) target_semaphore(%run_scoped3A : memref<!tpu.dma_semaphore, #tpu.memory_space<semaphore_mem>>)
      %dma_wait3A = tpu.memref_slice %arg5[%mul3A_2] : memref<16384xf32, #tpu.memory_space<hbm>> -> memref<512xf32, #tpu.memory_space<hbm>>
      %dma_wait3A_3328 = tpu.memref_slice %arg5[%mul3A_2] : memref<16384xf32, #tpu.memory_space<hbm>> -> memref<512xf32, #tpu.memory_space<hbm>>
      tpu.wait_dma2 semaphore(%run_scoped3A : memref<!tpu.dma_semaphore, #tpu.memory_space<semaphore_mem>>) src(%arg9 : memref<512xf32, #tpu.memory_space<vmem>>) dst(%dma_wait3A_3328 : memref<512xf32, #tpu.memory_space<hbm>>)
      tpu.yield
    }) : () -> ()
    return
  }
}

module attributes {stable_mosaic.version = 14 : i64} {
  func.func @_tc_body(%arg0: i32, %arg1: memref<8192x144xf32, #tpu.memory_space<vmem>>, %arg2: memref<192x144xf32, #tpu.memory_space<vmem>>, %arg3: memref<144x128xf32, #tpu.memory_space<vmem>>, %arg4: memref<1xf32, #tpu.memory_space<vmem>>, %arg5: memref<8192xf32, #tpu.memory_space<vmem>>, %arg6: memref<192xf32, #tpu.memory_space<vmem>>) attributes {dimension_semantics = [#tpu.dimension_semantics<arbitrary>], iteration_bounds = array<i64: 2>, scalar_prefetch = 0 : i64, scratch_operands = 0 : i64, tpu.core_type = #tpu.core_type<tc>, window_params = [{transform_indices = @transform_0, window_bounds = array<i64: 8192, 144>}, {pipeline_mode = #tpu.pipeline_mode<synchronous>, transform_indices = @transform_1, window_bounds = array<i64: 192, 144>}, {pipeline_mode = #tpu.pipeline_mode<synchronous>, transform_indices = @transform_2, window_bounds = array<i64: 144, 128>}, {pipeline_mode = #tpu.pipeline_mode<synchronous>, transform_indices = @transform_3, window_bounds = array<i64: 1>}, {transform_indices = @transform_4, window_bounds = array<i64: 8192>}, {pipeline_mode = #tpu.pipeline_mode<synchronous>, transform_indices = @transform_5, window_bounds = array<i64: 192>}]} {
    %get3A = arith.constant 0 : index
    %get3A_0 = arith.constant 0 : index
    %get3A_1 = vector.load %arg3[%get3A, %get3A_0] : memref<144x128xf32, #tpu.memory_space<vmem>>, vector<144x128xf32>
    %get3A_2 = arith.constant 0 : index
    %get3A_3 = arith.constant 0 : index
    %get3A_4 = vector.load %arg1[%get3A_2, %get3A_3] : memref<8192x144xf32, #tpu.memory_space<vmem>>, vector<8192x144xf32>
    %dot_general3A = arith.constant dense<0.000000e+00> : vector<8192x128xf32>
    %dot_general3A_5 = tpu.matmul %get3A_4, %get3A_1, %dot_general3A {dimension_numbers = #tpu.dot_dimension_numbers<[1], [0], [0], [1], [0, 0, 1, 1], [], []>, transpose_lhs_hint = false} : vector<8192x144xf32>, vector<144x128xf32>, vector<8192x128xf32> -> vector<8192x128xf32>
    %slice3A = vector.extract_strided_slice %dot_general3A_5 {offsets = [0, 0], sizes = [8192, 1], strides = [1, 1]} : vector<8192x128xf32> to vector<8192x1xf32>
    %reshape3A = vector.shape_cast %slice3A : vector<8192x1xf32> to vector<8192xf32>
    %get3A_6 = arith.constant 0 : index
    %get3A_7 = vector.load %arg4[%get3A_6] : memref<1xf32, #tpu.memory_space<vmem>>, vector<1xf32>
    %get3A_8 = vector.extract %get3A_7[0] : f32 from vector<1xf32>
    %add3A = vector.broadcast %get3A_8 : f32 to vector<8192xf32>
    %add3A_9 = arith.addf %reshape3A, %add3A : vector<8192xf32>
    %swap3A = arith.constant 0 : index
    %swap3A_10 = vector.load %arg5[%swap3A] : memref<8192xf32, #tpu.memory_space<vmem>>, vector<8192xf32>
    tpu.vector_store %arg5[%swap3A], %add3A_9 {strides = array<i32>} : memref<8192xf32, #tpu.memory_space<vmem>>, vector<8192xf32>,
    %get3A_11 = arith.constant 0 : index
    %get3A_12 = arith.constant 0 : index
    %get3A_13 = vector.load %arg2[%get3A_11, %get3A_12] : memref<192x144xf32, #tpu.memory_space<vmem>>, vector<192x144xf32>
    %dot_general3A_14 = arith.constant dense<0.000000e+00> : vector<192x128xf32>
    %dot_general3A_15 = tpu.matmul %get3A_13, %get3A_1, %dot_general3A_14 {dimension_numbers = #tpu.dot_dimension_numbers<[1], [0], [0], [1], [0, 0, 1, 1], [], []>, transpose_lhs_hint = false} : vector<192x144xf32>, vector<144x128xf32>, vector<192x128xf32> -> vector<192x128xf32>
    %slice3A_16 = vector.extract_strided_slice %dot_general3A_15 {offsets = [0, 1], sizes = [192, 1], strides = [1, 1]} : vector<192x128xf32> to vector<192x1xf32>
    %reshape3A_17 = vector.shape_cast %slice3A_16 : vector<192x1xf32> to vector<192xf32>
    %swap3A_18 = arith.constant 0 : index
    %swap3A_19 = vector.load %arg6[%swap3A_18] : memref<192xf32, #tpu.memory_space<vmem>>, vector<192xf32>
    tpu.vector_store %arg6[%swap3A_18], %reshape3A_17 {strides = array<i32>} : memref<192xf32, #tpu.memory_space<vmem>>, vector<192xf32>,
    return
  }
  func.func @transform_0(%arg0: i32) -> (i32, i32) {
    %c0_i32 = arith.constant 0 : i32
    %c0_i32_0 = arith.constant 0 : i32
    return %arg0, %c0_i32 : i32, i32
  }
  func.func @transform_1(%arg0: i32) -> (i32, i32) {
    %c0_i32 = arith.constant 0 : i32
    %c0_i32_0 = arith.constant 0 : i32
    %c0_i32_1 = arith.constant 0 : i32
    return %c0_i32, %c0_i32_0 : i32, i32
  }
  func.func @transform_2(%arg0: i32) -> (i32, i32) {
    %c0_i32 = arith.constant 0 : i32
    %c0_i32_0 = arith.constant 0 : i32
    %c0_i32_1 = arith.constant 0 : i32
    return %c0_i32, %c0_i32_0 : i32, i32
  }
  func.func @transform_3(%arg0: i32) -> i32 {
    %c0_i32 = arith.constant 0 : i32
    %c0_i32_0 = arith.constant 0 : i32
    return %c0_i32 : i32
  }
  func.func @transform_4(%arg0: i32) -> i32 {
    %c0_i32 = arith.constant 0 : i32
    return %arg0 : i32
  }
  func.func @transform_5(%arg0: i32) -> i32 {
    %c0_i32 = arith.constant 0 : i32
    %c0_i32_0 = arith.constant 0 : i32
    return %c0_i32 : i32
  }
}

</mosaic_0001>

<sc_bundles>
// kernel: kernel.4.cloned.1.call-start
scs
__scs_entry_jumppad:
0x0: {  	(pc) =	sbr.rel $0x88, $3  }
0x1: {  	(tag) =	ssettag $0x0;
	lr =	simm.s32 $0x1  }
0x2: {  	[smem:$0x3F9C] =	sst lr;
	_ =	strace $0xD0000000  }
0x3: {  	_ = 	snop  }
0x4: {  	_ = 	snop  }
0x5: {  	_ = 	snop  }
0x6: {  	_ = 	snop  }
0x7: {  	_ = 	snop  }
__scs_overlays_trampoline_lowered:
0x8: {  	[smem:$0x3FAB] =	sst s0  }
0x9: {  	[smem:$0x3FAC] =	sst s1  }
0xa: {  	[smem:$0x3FAD] =	sst s2  }
0xb: {  	[smem:$0x3FAE] =	sst s3  }
0xc: {  	[smem:$0x3FAF] =	sst s4  }
0xd: {  	[smem:$0x3FB0] =	sst s5  }
0xe: {  	[smem:$0x3FB1] =	sst s6  }
0xf: {  	[smem:$0x3FB2] =	sst s7  }
0x10: {  	[smem:$0x3FB3] =	sst s8  }
0x11: {  	[smem:$0x3FB4] =	sst s9;
	s0 =	simm.s32 @!p0 $0x0  }
0x12: {  	s1 =	sld [smem:$0x3F9A];
	s0 =	simm.s32 @p0 $0x1  }
0x13: {  	[smem:$0x3FB5] =	sst s0;
	s0 =	simm.s32 @!p1 $0x0  }
0x14: {  	s2 =	sld [smem:$0x3F99];
	s0 =	simm.s32 @p1 $0x1  }
0x15: {  	[smem:$0x3FB6] =	sst s0;
	s0 =	simm.s32 @!p2 $0x0  }
0x16: {  	s3 =	sld [smem:$0x3FDB];
	s0 =	simm.s32 @p2 $0x1  }
0x17: {  	s4 =	simm.s32 $0x1BF5;
	[smem:$0x3FB8] =	sst s0  }
0x18: {  	s0 =	sld [smem:$0x3F9B];
	_ =	swait.ge [sflag:s4], $0x0  }
0x19: {  	s7 =	sld [smem:$0x3F9C]  }
0x1a: {  	s8 =	sadd.s32 $0xFFFFE003, lr  }
0x1b: {  	s9 =	sadd.s32 $0xFFFFFEF7, lr;
	s5 =	simm.s32 $0xFFFFFFFF;
	p2 =	slt.u32 s8, $0xFFFFF086  }
0x1c: {  	p1 =	slt.u32 s9, $0xF7A;
	s5 =	simm.s32 @!p2 $0x0  }
0x1d: {  	s5 =	simm.s32 @p1 $0x1;
	p0 =	seq.s32 s7, s2  }
0x1e: {  	s7 =	smul.u32 @!p0 $0xF7A, s2;
	p2 =	seq.s32 @!p0 s5, $0x0  }
0x1f: {  	s9 =	smul.u32 $0xF7A, s1;
	s8 =	simm.s32 @!p0 $0x1BF5;
	p2 =	por !p2, p0  }
0x20: {  	[sflag:s8] =	ssyncset.s32 @!p0 $0xFFFFF086;
	s6 =	sadd.s32 @!p0 s3, s7;
	s7 =	simm.s32 @!p0 $0x108  }
0x21: {  	s3 =	sadd.s32 s3, s9;
	s6 =	sadd.s32 @!p0 $0x88, s6;
	s7 =	simm.s32 @p2 $0x1082  }
0x22: {  	[simem:s7], [sflag:s8] =	dma.local @!p0 [hbm:s6], $0xF7A  }
0x23: {  	s9 =	sor.u32 $0xD0000000, s2;
	s6 =	simm.s32 $0x108;
	_ =	swait.ge @!p0 [sflag:s8], $0x0  }
0x24: {  	s3 =	sadd.s32 $0x88, s3;
	s6 =	simm.s32 @!p1 $0x1082;
	[sflag:s4] =	ssyncset.s32 $0xFFFFF086  }
0x25: {  	[simem:s6], [sflag:s4] =	dma.local [hbm:s3], $0xF7A  }
0x26: {  	[smem:$0x3F9C] =	sst s1;
	(tag) =	ssettag s2;
	_ =	strace s9  }
0x27: {  	s1 =	sld [smem:$0x3FAC]  }
0x28: {  	s2 =	sld [smem:$0x3FAD]  }
0x29: {  	s4 =	sld [smem:$0x3FAF]  }
0x2a: {  	p0 =	seq.s32 s5, $0x0;
	s5 =	sld [smem:$0x3FB0]  }
0x2b: {  	s6 =	sld [smem:$0x3FB1]  }
0x2c: {  	s7 =	sld [smem:$0x3FB2]  }
0x2d: {  	s3 =	simm.s32 $0x108;
	s8 =	sld [smem:$0x3FB3]  }
0x2e: {  	s3 =	simm.s32 @!p0 $0x1082;
	s9 =	sld [smem:$0x3FB4]  }
0x2f: {  	lr =	sadd.s32 s0, s3;
	s0 =	sld [smem:$0x3FAB]  }
0x30: {  	s3 =	sld [smem:$0x3FAE]  }
0x31: {  	[smem:$0x3FB7] =	sst s10  }
0x32: {  	s10 =	sld [smem:$0x3FB5];
	_ =	sdelay $0x3  }
0x33: {  	p0 =	seq.s32 s10, $0x1;
	s10 =	sld [smem:$0x3FB7];
	_ =	sdelay $0x3  }
0x34: {  	[smem:$0x3FB7] =	sst s10  }
0x35: {  	s10 =	sld [smem:$0x3FB6];
	_ =	sdelay $0x3  }
0x36: {  	p1 =	seq.s32 s10, $0x1;
	s10 =	sld [smem:$0x3FB7];
	_ =	sdelay $0x3  }
0x37: {  	[smem:$0x3FB7] =	sst s10  }
0x38: {  	s10 =	sld [smem:$0x3FB8]  }
0x39: {  	_ = 	snop;
	(pc) =	sbr.ind lr, $3  }
0x3a: {  	_ = 	snop  }
0x3b: {  	_ = 	snop  }
0x3c: {  	p2 =	seq.s32 s10, $0x1;
	s10 =	sld [smem:$0x3FB7]  }
0x3d: {  	_ =	shalt  }
0x3e: {  	_ =	shalt  }
0x3f: {  	_ =	shalt  }
0x40: {  	_ =	shalt  }
0x41: {  	_ =	shalt  }
0x42: {  	_ =	shalt  }
0x43: {  	_ =	shalt  }
0x44: {  	_ =	shalt  }
0x45: {  	_ =	shalt  }
0x46: {  	_ =	shalt  }
0x47: {  	_ =	shalt  }
0x48: {  	_ =	shalt  }
0x49: {  	_ =	shalt  }
0x4a: {  	_ =	shalt  }
0x4b: {  	_ =	shalt  }
0x4c: {  	_ =	shalt  }
0x4d: {  	_ =	shalt  }
0x4e: {  	_ =	shalt  }
0x4f: {  	_ =	shalt  }
0x50: {  	_ =	shalt  }
0x51: {  	_ =	shalt  }
0x52: {  	_ =	shalt  }
0x53: {  	_ =	shalt  }
0x54: {  	_ =	shalt  }
0x55: {  	_ =	shalt  }
0x56: {  	_ =	shalt  }
0x57: {  	_ =	shalt  }
0x58: {  	_ =	shalt  }
0x59: {  	_ =	shalt  }
0x5a: {  	_ =	shalt  }
0x5b: {  	_ =	shalt  }
0x5c: {  	_ =	shalt  }
0x5d: {  	_ =	shalt  }
0x5e: {  	_ =	shalt  }
0x5f: {  	_ =	shalt  }
0x60: {  	_ =	shalt  }
0x61: {  	_ =	shalt  }
0x62: {  	_ =	shalt  }
0x63: {  	_ =	shalt  }
0x64: {  	_ =	shalt  }
0x65: {  	_ =	shalt  }
0x66: {  	_ =	shalt  }
0x67: {  	_ =	shalt  }
0x68: {  	_ =	shalt  }
0x69: {  	_ =	shalt  }
0x6a: {  	_ =	shalt  }
0x6b: {  	_ =	shalt  }
0x6c: {  	_ =	shalt  }
0x6d: {  	_ =	shalt  }
0x6e: {  	_ =	shalt  }
0x6f: {  	_ =	shalt  }
0x70: {  	_ =	shalt  }
0x71: {  	_ =	shalt  }
0x72: {  	_ =	shalt  }
0x73: {  	_ =	shalt  }
0x74: {  	_ =	shalt  }
0x75: {  	_ =	shalt  }
0x76: {  	_ =	shalt  }
0x77: {  	_ =	shalt  }
0x78: {  	_ =	shalt  }
0x79: {  	_ =	shalt  }
0x7a: {  	_ =	shalt  }
0x7b: {  	_ =	shalt  }
0x7c: {  	_ =	shalt  }
0x7d: {  	_ =	shalt  }
0x7e: {  	_ =	shalt  }
0x7f: {  	_ =	shalt  }
0x80: {  	_ =	shalt  }
0x81: {  	_ =	shalt  }
0x82: {  	_ =	shalt  }
0x83: {  	_ =	shalt  }
0x84: {  	_ =	shalt  }
0x85: {  	_ =	shalt  }
0x86: {  	_ =	shalt  }
0x87: {  	_ =	shalt  }
.Lfunc_end0:
.L_simem_size_0:
called_computation_lowered:
.L_overlay_start_0:
0x88: {  	s2 =	sld [smem:$0x3FD9]  }
0x89: {  	s3 =	sld [smem:$0x3FFE];
	_ =	sdelay $0x1  }
0x8a: {  	s1 =	srdreg.scid  }
0x8b: {  	s0 =	sand.u32 $0x1, s1  }
0x8c: {  	s17 =	sshll.u32 s0, $0xA;
	s2 =	sadd.s32 s3, s2  }
0x8d: {  	s2 =	sadd.s32 s2, s17  }
0x8e: {  	[smem:$0x3FC3] =	sst s2  }
0x8f: {  	_ = 	snop  }
0x90: {  	s2 =	sld [smem:$0x3FC9]  }
0x91: {  	s18 =	sld [smem:$0x3FD0];
	(tm) =	ssettm $0x1  }
0x92: {  	s4 =	sld [smem:$0x3FFB];
	_ =	sdelay $0x3  }
0x93: {  	_ =	strace s4  }
0x94: {  	s4 =	sld [smem:$0x3FFC];
	_ =	sdelay $0x3  }
0x95: {  	_ =	strace s4  }
0x96: {  	s4 =	sld [smem:$0x3FFD];
	_ =	sdelay $0x3  }
0x97: {  	_ =	strace s4  }
0x98: {  	_ =	strace $0x8FFFFFFF  }
0x99: {  	s19 =	sld [smem:$0x3FDB];
	_ =	sdelay $0x1  }
0x9a: {  	s5 =	simm.s32 $_scs_section_size  }
0x9b: {  	s6 =	simm.s32 $_size__tile_overlayer_lowered;
	s7 =	simm.s32 $_tile_overlayer_lowered  }
0x9c: {  	s22 =	simm.s32 $0x1BFF;
	s21 =	sshll.u32 s7, $0x1;
	s4 =	sadd.s32 s5, s19  }
0x9d: {  	s8 =	simm.s32 $0x0;
	s20 =	sshll.u32 s6, $0x1;
	s6 =	sadd.s32 s21, s4  }
0x9e: {  	[timem:s8], [sflag:s22] =	dma.local [hbm:s6], s20  }
0x9f: {  	_ =	swait.ge [sflag:s22], s20  }
0xa0: {  	s5 =	ssub.s32 $0x0, s20;
	[sflag:s22] =	ssyncset.done $0x0  }
0xa1: {  	[sflag:s22] =	ssyncadd.s32 s5;
	_ =	sdelay $0x1  }
0xa2: {  	s23 =	simm.s32 $0x1B8B  }
0xa3: {  	_ =	swait.ge [sflag:s23], $0x1  }
0xa4: {  	[sflag:s23] =	ssyncset.done $0x0  }
0xa5: {  	s25 =	simm.s32 $0x1B8E;
	s24 =	sld [smem:$0x3FFE];
	[sflag:s23] =	ssyncadd.s32 $0xFFFFFFFF  }
0xa6: {  	s26 =	simm.s32 $execute0_lowered;
	[smem:$0x3FD2] =	sst s25  }
0xa7: {  	s6 =	sshll.u32 s26, $0x1;
	_ =	strace $0x80000046;
	[dreg:$0x1] =	wrdreg $0xFFFFFFFF  }
0xa8: {  	s28 =	simm.s32 $_size_execute0_lowered;
	s4 =	sadd.s32 s4, s6;
	[dreg:$0x0] =	wrdreg $0x0  }
0xa9: {  	s6 =	sshll.u32 s28, $0x1;
	[dreg:$0x2] =	wrdreg s4  }
0xaa: {  	[dreg:$0x3] =	wrdreg s6  }
0xab: {  	[dreg:$0x4] =	wrdreg $0xC0  }
0xac: {  	_ =	task [dreg:s8], $0x5FFFF  }
0xad: {  	[dreg:$0x1] =	wrdreg $0xFFFFFFFF  }
0xae: {  	[dreg:$0x0] =	wrdreg $0x60  }
0xaf: {  	[dreg:$0x2] =	wrdreg s2  }
0xb0: {  	[dreg:$0x3] =	wrdreg s24  }
0xb1: {  	[dreg:$0x4] =	wrdreg s18  }
0xb2: {  	[dreg:$0x5] =	wrdreg $0x9  }
0xb3: {  	_ =	task.clear_ibuf [dreg:s8], $0x6FFFF;
	_ =	strace $0x90000046  }
0xb4: {  	s29 =	simm.s32 $0x9;
	_ =	strace $0x80000048  }
0xb5: {  	_ =	swait.ge [sflag:s29], $0x1  }
0xb6: {  	[sflag:s29] =	ssyncadd.s32 $0xFFFFFFFF  }
0xb7: {  	_ =	strace $0x90000048  }
0xb8: {  	_ =	sfence  }
0xb9: {  	s30 =	sld [smem:$0x0];
	_ =	sdelay $0x2  }
0xba: {  	s31 =	sshll.u32 s1, $0xD;
	s1 =	sshrl.u32 s1, $0x2  }
0xbb: {  	s3 =	sand.u32 $0x4000, s31;
	s1 =	sadd.s32 s1, s30  }
0xbc: {  	s0 =	sor.u32 s3, s0;
	s1 =	sshll.u32 s1, $0x11  }
0xbd: {  	s0 =	sor.u32 s1, s0  }
0xbe: {  	s0 =	sadd.s32 $0x8F2B, s0  }
0xbf: {  	[sflag:s0] =	ssyncadd.remote.s32 $0x1  }
0xc0: {  	_ =	sfence.sel $0xFFFF  }
0xc1: {  	[dreg:$0x0] =	wrdreg $0xFFFFFFFF;
	(pc) =	sbr.abs _section_cstart, $3  }
0xc2: {  	[dreg:$0x1] =	wrdreg $0xFFFFFFFF  }
0xc3: {  	_ =	task.clear_ibuf [dreg:s8], $0x2FFFF;
	_ =	strace $0x9FFFFFFF  }
0xc4: {  	(tm) =	ssettm $0x7FFFFFFF  }
0xc5: {  	_ =	shalt  }
tec
execute0_lowered:
.L_overlay_start_1:
0x0: {  	(tag) =	ssettag $0x1  }
0x1: {  	s4 =	rddreg [dreg:$0x0]  }
0x2: {  	s3 =	rddreg [dreg:$0x1]  }
0x3: {  	s6 =	rddreg [dreg:$0x2]  }
0x4: {  	s0 =	rddreg [dreg:$0x3];
	s5 =	srdreg.scid  }
0x5: {  	s2 =	simm.s32 $0x0;
	s1 =	stileid.u32;
	s10 =	simm.s32 $0x400  }
0x6: {  	s11 =	simm.s32 $0x500;
	s5 =	sand.u32 $0x1, s5;
	[smem:$0x7FF] =	sst s2  }
0x7: {  	s8 =	sshll.u32 s1, $0x6;
	s7 =	sshll.u32 s5, $0xA;
	s5 =	ssub.s32 $0x2, s5  }
0x8: {  	_ =	strace $0x80000047;
	s7 =	sor.u32 s8, s7;
	s9 =	sshrl.u32 s5, $0x1  }
0x9: {  	s8 =	sadd.s32 s7, s3;
	s3 =	sadd.s32 $0x1400, s3;
	s9 =	ssub.s32 s5, s9  }
0xa: {  	s4 =	sadd.s32 s4, s7;
	s6 =	sadd.s32 s6, s7;
	s5 =	sadd.s32 $0xC00, s8  }
0xb: {  	s7 =	smax.u32 s9, $0x1;
	s8 =	simm.s32 $0x1;
	s9 =	simm.s32 $0x200  }
.LBB2_1:
0xc: {  	[tilespmem:s2], [sflag:$0x1] =	stream.linear.gather [hbm4b:s4+s2], $0x200, $0x38;
	[tilespmem:$0x700] =	vst v63  }
0xd: {  	_ =	swait.ge [sflag:s8], $0x200  }
0xe: {  	[sflag:s8] =	ssyncset.done $0x0  }
0xf: {  	[sflag:s8] =	ssyncadd.s32 $0xFFFFFE00  }
0x10: {  	[tilespmem:s9], [sflag:$0x1] =	stream.linear.gather [hbm4b:s5+s2], $0x200, $0x38;
	[tilespmem:$0x700] =	vst v63  }
0x11: {  	_ =	swait.ge [sflag:s8], $0x200  }
0x12: {  	[sflag:s8] =	ssyncset.done $0x0  }
0x13: {  	[sflag:s8] =	ssyncadd.s32 $0xFFFFFE00  }
0x14: {  	[tilespmem:s10], [sflag:$0x1] =	stream.linear.gather [hbm4b:s3+s2], $0x100, $0x38;
	[tilespmem:$0x700] =	vst v63  }
0x15: {  	_ =	swait.ge [sflag:s8], $0x100  }
0x16: {  	[sflag:s8] =	ssyncset.done $0x0  }
0x17: {  	[sflag:s8] =	ssyncadd.s32 $0xFFFFFF00  }
0x18: {  	v0 =	vld [tilespmem:$0x0]  }
0x19: {  	v11 =	vld [tilespmem:$0x400]  }
0x1a: {  	v10 =	vld [tilespmem:$0x410]  }
0x1b: {  	v9 =	vld [tilespmem:$0x420]  }
0x1c: {  	v16 =	vld [tilespmem:$0x10]  }
0x1d: {  	v48 =	vld [tilespmem:$0x30]  }
0x1e: {  	v7 =	vld [tilespmem:$0x430]  }
0x1f: {  	v6 =	vld [tilespmem:$0x440]  }
0x20: {  	v5 =	vld [tilespmem:$0x450]  }
0x21: {  	v4 =	vld [tilespmem:$0x460];
	v12 =	vand.u32 $0xF, v0;
	v13 =	vshra.s32 v0, $0x4;
	v25 =	vand.u32 $0xF, v16  }
0x22: {  	v3 =	vld [tilespmem:$0x470];
	v26 =	vshra.s32 v16, $0x4;
	v53 =	vand.u32 $0xF, v48;
	v54 =	vshra.s32 v48, $0x4  }
0x23: {  	v1 =	vld [tilespmem:$0x480];
	v19 =	vperm.xlane v11, v12;
	vm0 =	veq.s32 v13, $0x0;
	v2 =	vperm.xlane v10, v12  }
0x24: {  	vm6 =	veq.s32 v13, $0x1;
	v8 =	vperm.xlane v9, v12;
	vm7 =	veq.s32 v13, $0x2  }
0x25: {  	v14 =	vperm.xlane v7, v12;
	vm8 =	veq.s32 v13, $0x3;
	v15 =	vperm.xlane v6, v12  }
0x26: {  	vm9 =	veq.s32 v13, $0x4;
	v20 =	vperm.xlane v5, v12;
	vm10 =	veq.s32 v13, $0x5  }
0x27: {  	v21 =	vperm.xlane v4, v12;
	vm11 =	veq.s32 v13, $0x6;
	v22 =	vperm.xlane v3, v12  }
0x28: {  	vm12 =	veq.s32 v13, $0x7;
	v17 =	vperm.xlane v1, v12;
	v27 =	vperm.xlane v11, v25  }
0x29: {  	vm13 =	veq.s32 v13, $0x8;
	v28 =	vperm.xlane v10, v25;
	v18 =	vperm.xlane v9, v25  }
0x2a: {  	vm14 =	veq.s32 v13, $0x9;
	v29 =	vperm.xlane v7, v25;
	v30 =	vperm.xlane v6, v25  }
0x2b: {  	vm15 =	veq.s32 v13, $0xA;
	v31 =	vperm.xlane v5, v25;
	v32 =	vperm.xlane v4, v25  }
0x2c: {  	vm4 =	veq.s32 v13, $0xB;
	v33 =	vperm.xlane v3, v25;
	v34 =	vperm.xlane v1, v25  }
0x2d: {  	vm1 =	veq.s32 v26, $0x0;
	v55 =	vperm.xlane v11, v53;
	v56 =	vperm.xlane v7, v53  }
0x2e: {  	vm5 =	veq.s32 v26, $0x1;
	v57 =	vperm.xlane v6, v53;
	v58 =	vperm.xlane v5, v53  }
0x2f: {  	v59 =	vperm.xlane v4, v53;
	v60 =	vperm.xlane v3, v53;
	v0 =	vnsel vm0, $0x0, v19  }
0x30: {  	v61 =	vperm.xlane v1, v53;
	v16 =	vnsel vm1, $0x0, v27;
	v19 =	vld [tilespmem:$0x20];
	v0 =	vsel vm6, v2, v0  }
0x31: {  	v16 =	vsel vm5, v28, v16;
	vm6 =	veq.s32 v26, $0x2;
	v8 =	vsel vm7, v8, v0  }
0x32: {  	v2 =	vld [tilespmem:$0x490];
	v16 =	vsel vm6, v18, v16;
	vm7 =	veq.s32 v26, $0x3;
	v8 =	vsel vm8, v14, v8  }
0x33: {  	v16 =	vsel vm7, v29, v16;
	vm8 =	veq.s32 v26, $0x4;
	v8 =	vsel vm9, v15, v8  }
0x34: {  	v16 =	vsel vm8, v30, v16;
	vm9 =	veq.s32 v26, $0x5;
	v8 =	vsel vm10, v20, v8  }
0x35: {  	v16 =	vsel vm9, v31, v16;
	vm10 =	veq.s32 v26, $0x6;
	v38 =	vand.u32 $0xF, v19  }
0x36: {  	v39 =	vshra.s32 v19, $0x4;
	v20 =	vperm.xlane v10, v53;
	v15 =	vsel vm11, v21, v8  }
0x37: {  	v23 =	vperm.xlane v2, v12;
	v16 =	vsel vm10, v32, v16;
	v35 =	vperm.xlane v2, v25  }
0x38: {  	vm11 =	veq.s32 v26, $0x7;
	v40 =	vperm.xlane v11, v38;
	v41 =	vperm.xlane v10, v38  }
0x39: {  	v0 =	vld [tilespmem:$0x4A0];
	vm5 =	veq.s32 v39, $0x1;
	v43 =	vperm.xlane v9, v38;
	vm6 =	veq.s32 v39, $0x2  }
0x3a: {  	v44 =	vperm.xlane v7, v38;
	vm7 =	veq.s32 v39, $0x3;
	v45 =	vperm.xlane v6, v38  }
0x3b: {  	vm8 =	veq.s32 v39, $0x4;
	v46 =	vperm.xlane v5, v38;
	v47 =	vperm.xlane v4, v38  }
0x3c: {  	vm9 =	veq.s32 v39, $0x5;
	v49 =	vperm.xlane v3, v38;
	v50 =	vperm.xlane v1, v38  }
0x3d: {  	vm10 =	veq.s32 v39, $0x6;
	v51 =	vperm.xlane v2, v38;
	v21 =	vperm.xlane v9, v53  }
0x3e: {  	v8 =	vld [tilespmem:$0x4B0];
	v62 =	vperm.xlane v2, v53;
	v14 =	vsel vm12, v22, v15;
	v24 =	vperm.xlane v0, v12  }
0x3f: {  	v16 =	vsel vm11, v33, v16;
	vm12 =	veq.s32 v26, $0x8;
	v36 =	vperm.xlane v0, v25;
	v22 =	vld [tilespmem:$0x40]  }
0x40: {  	vm11 =	veq.s32 v39, $0x7;
	v52 =	vperm.xlane v0, v38;
	v63 =	vperm.xlane v0, v53  }
0x41: {  	v14 =	vsel vm13, v17, v14;
	v16 =	vsel vm12, v34, v16;
	vm13 =	veq.s32 v26, $0x9  }
0x42: {  	vm12 =	veq.s32 v39, $0x8;
	v14 =	vsel vm14, v23, v14;
	v37 =	vsel vm13, v35, v16  }
0x43: {  	vm14 =	veq.s32 v26, $0xA;
	vm13 =	veq.s32 v39, $0x9;
	v14 =	vsel vm15, v24, v14  }
0x44: {  	v12 =	vperm.xlane v8, v12;
	v15 =	vperm.xlane v8, v25;
	v25 =	vand.u32 $0xF, v22  }
0x45: {  	vm15 =	veq.s32 v26, $0xB;
	v16 =	vperm.xlane v8, v38;
	v27 =	vperm.xlane v11, v25  }
0x46: {  	v26 =	vshra.s32 v22, $0x4;
	v28 =	vperm.xlane v10, v25;
	v29 =	vperm.xlane v9, v25  }
0x47: {  	v12 =	vsel vm4, v12, v14;
	v30 =	vperm.xlane v7, v25;
	v31 =	vperm.xlane v6, v25  }
0x48: {  	v35 =	vld [tilespmem:$0x50];
	v14 =	vsel vm14, v36, v37;
	v32 =	vperm.xlane v5, v25;
	v33 =	vperm.xlane v4, v25  }
0x49: {  	vm4 =	veq.s32 v39, $0x0;
	v34 =	vperm.xlane v3, v25;
	v36 =	vperm.xlane v1, v25  }
0x4a: {  	vm14 =	veq.s32 v39, $0xA;
	v37 =	vperm.xlane v2, v25;
	v38 =	vperm.xlane v0, v25  }
0x4b: {  	v17 =	vperm.xlane v8, v25;
	v13 =	vsel vm15, v15, v14;
	v42 =	vnsel vm4, $0x0, v40  }
0x4c: {  	vm15 =	veq.s32 v54, $0x0;
	vm4 =	veq.s32 v54, $0x1;
	v15 =	vperm.xlane v8, v53  }
0x4d: {  	v40 =	vand.u32 $0xF, v35;
	v14 =	vsel vm5, v41, v42;
	v19 =	vnsel vm15, $0x0, v55  }
0x4e: {  	vm5 =	veq.s32 v54, $0x2;
	vm15 =	veq.s32 v54, $0xB;
	v42 =	vperm.xlane v11, v40  }
0x4f: {  	v41 =	vshra.s32 v35, $0x4;
	v48 =	vperm.xlane v4, v40;
	v53 =	vperm.xlane v0, v40  }
0x50: {  	v14 =	vsel vm6, v43, v14;
	v19 =	vsel vm4, v20, v19;
	vm6 =	veq.s32 v54, $0x3  }
0x51: {  	vm4 =	veq.s32 v26, $0x0;
	v43 =	vperm.xlane v10, v40;
	v14 =	vsel vm7, v44, v14  }
0x52: {  	v19 =	vsel vm5, v21, v19;
	vm7 =	veq.s32 v54, $0x4;
	vm5 =	veq.s32 v26, $0x1  }
0x53: {  	v44 =	vperm.xlane v9, v40;
	v14 =	vsel vm8, v45, v14;
	v19 =	vsel vm6, v56, v19  }
0x54: {  	vm8 =	veq.s32 v54, $0x5;
	vm6 =	veq.s32 v26, $0x2;
	v45 =	vperm.xlane v7, v40  }
0x55: {  	v14 =	vsel vm9, v46, v14;
	v19 =	vsel vm7, v57, v19;
	vm9 =	veq.s32 v54, $0x6  }
0x56: {  	vm7 =	veq.s32 v26, $0x3;
	v46 =	vperm.xlane v6, v40;
	v14 =	vsel vm10, v47, v14  }
0x57: {  	v19 =	vsel vm8, v58, v19;
	vm10 =	veq.s32 v54, $0x7;
	vm8 =	veq.s32 v26, $0x4  }
0x58: {  	v47 =	vperm.xlane v5, v40;
	v14 =	vsel vm11, v49, v14;
	v19 =	vsel vm9, v59, v19  }
0x59: {  	vm11 =	veq.s32 v54, $0x8;
	vm9 =	veq.s32 v26, $0x5;
	v14 =	vsel vm12, v50, v14  }
0x5a: {  	v19 =	vsel vm10, v60, v19;
	vm12 =	veq.s32 v54, $0x9;
	vm10 =	veq.s32 v26, $0x6  }
0x5b: {  	v50 =	vperm.xlane v3, v40;
	v14 =	vsel vm13, v51, v14;
	v19 =	vsel vm11, v61, v19  }
0x5c: {  	vm13 =	veq.s32 v39, $0xB;
	vm11 =	veq.s32 v26, $0x7;
	v51 =	vperm.xlane v1, v40  }
0x5d: {  	v49 =	vld [tilespmem:$0x60];
	v14 =	vsel vm14, v52, v14;
	v23 =	vsel vm12, v62, v19;
	vm14 =	veq.s32 v54, $0xA  }
0x5e: {  	v19 =	vnsel vm4, $0x0, v27;
	vm12 =	veq.s32 v26, $0x8;
	vm4 =	veq.s32 v41, $0x0  }
0x5f: {  	v52 =	vperm.xlane v2, v40;
	v14 =	vsel vm13, v16, v14;
	v24 =	vsel vm14, v63, v23  }
0x60: {  	v19 =	vsel vm5, v28, v19;
	vm13 =	veq.s32 v26, $0x9;
	vm14 =	veq.s32 v26, $0xA  }
0x61: {  	v20 =	vnsel vm4, $0x0, v42;
	vm5 =	veq.s32 v41, $0x1;
	v19 =	vsel vm6, v29, v19  }
0x62: {  	v15 =	vsel vm15, v15, v24;
	vm15 =	veq.s32 v26, $0xB;
	v54 =	vand.u32 $0xF, v49  }
0x63: {  	v25 =	vld [tilespmem:$0x70];
	vm6 =	veq.s32 v41, $0x2;
	v56 =	vperm.xlane v11, v54;
	v23 =	vperm.xlane v10, v54  }
0x64: {  	v55 =	vshra.s32 v49, $0x4;
	v24 =	vperm.xlane v9, v54;
	v57 =	vperm.xlane v7, v54  }
0x65: {  	v19 =	vsel vm7, v30, v19;
	v58 =	vperm.xlane v6, v54;
	v59 =	vperm.xlane v5, v54  }
0x66: {  	vm7 =	veq.s32 v41, $0x3;
	v60 =	vperm.xlane v4, v54;
	v61 =	vperm.xlane v3, v54  }
0x67: {  	vm4 =	veq.s32 v55, $0x1;
	v62 =	vperm.xlane v1, v54;
	v63 =	vperm.xlane v2, v54  }
0x68: {  	v28 =	vperm.xlane v0, v54;
	v30 =	vand.u32 $0xF, v25;
	v19 =	vsel vm8, v31, v19  }
0x69: {  	vm8 =	veq.s32 v41, $0x4;
	v31 =	vshra.s32 v25, $0x4;
	v35 =	vperm.xlane v7, v30  }
0x6a: {  	v42 =	vperm.xlane v2, v30;
	v19 =	vsel vm9, v32, v19;
	vm9 =	veq.s32 v41, $0x5  }
0x6b: {  	v32 =	vperm.xlane v11, v30;
	v19 =	vsel vm10, v33, v19;
	vm10 =	veq.s32 v41, $0x6  }
0x6c: {  	v33 =	vperm.xlane v10, v30;
	v19 =	vsel vm11, v34, v19;
	vm11 =	veq.s32 v41, $0x7  }
0x6d: {  	v34 =	vperm.xlane v9, v30;
	v19 =	vsel vm12, v36, v19;
	vm12 =	veq.s32 v41, $0x8  }
0x6e: {  	v36 =	vperm.xlane v6, v30;
	v39 =	vsel vm13, v37, v19;
	vm13 =	veq.s32 v41, $0x9  }
0x6f: {  	v19 =	vperm.xlane v8, v40;
	v37 =	vperm.xlane v5, v30;
	v16 =	vsel vm14, v38, v39  }
0x70: {  	vm14 =	veq.s32 v41, $0xA;
	v38 =	vperm.xlane v4, v30;
	v39 =	vperm.xlane v3, v30  }
0x71: {  	v16 =	vsel vm15, v17, v16;
	v17 =	vsel vm5, v43, v20;
	vm15 =	veq.s32 v55, $0x0  }
0x72: {  	v40 =	vld [tilespmem:$0x80];
	vm5 =	veq.s32 v55, $0x2;
	v20 =	vperm.xlane v8, v54;
	v43 =	vperm.xlane v0, v30  }
0x73: {  	v17 =	vsel vm6, v44, v17;
	v22 =	vnsel vm15, $0x0, v56;
	vm6 =	veq.s32 v55, $0x3  }
0x74: {  	vm15 =	veq.s32 v55, $0xB;
	v17 =	vsel vm7, v45, v17;
	v22 =	vsel vm4, v23, v22  }
0x75: {  	vm7 =	veq.s32 v55, $0x4;
	vm4 =	veq.s32 v31, $0x0;
	v17 =	vsel vm8, v46, v17  }
0x76: {  	v22 =	vsel vm5, v24, v22;
	vm8 =	veq.s32 v55, $0x5;
	vm5 =	veq.s32 v31, $0x1  }
0x77: {  	v45 =	vand.u32 $0xF, v40;
	v46 =	vshra.s32 v40, $0x4;
	v17 =	vsel vm9, v47, v17  }
0x78: {  	v22 =	vsel vm6, v57, v22;
	vm9 =	veq.s32 v55, $0x6;
	v47 =	vperm.xlane v11, v45  }
0x79: {  	v26 =	vld [tilespmem:$0x90];
	vm6 =	veq.s32 v31, $0x2;
	v49 =	vperm.xlane v9, v45;
	v54 =	vperm.xlane v4, v45  }
0x7a: {  	v56 =	vperm.xlane v1, v45;
	v57 =	vperm.xlane v2, v45;
	v17 =	vsel vm10, v48, v17  }
0x7b: {  	v22 =	vsel vm7, v58, v22;
	vm10 =	veq.s32 v55, $0x7;
	vm7 =	veq.s32 v31, $0x3  }
0x7c: {  	v48 =	vperm.xlane v10, v45;
	v58 =	vperm.xlane v0, v45;
	v17 =	vsel vm11, v50, v17  }
0x7d: {  	v22 =	vsel vm8, v59, v22;
	vm11 =	veq.s32 v55, $0x8;
	vm8 =	veq.s32 v31, $0x4  }
0x7e: {  	v50 =	vperm.xlane v7, v45;
	v59 =	vand.u32 $0xF, v26;
	v17 =	vsel vm12, v51, v17  }
0x7f: {  	v22 =	vsel vm9, v60, v22;
	vm12 =	veq.s32 v55, $0x9;
	vm9 =	veq.s32 v31, $0x5  }
0x80: {  	v51 =	vperm.xlane v6, v45;
	v60 =	vshra.s32 v26, $0x4;
	v17 =	vsel vm13, v52, v17  }
0x81: {  	v22 =	vsel vm10, v61, v22;
	vm13 =	veq.s32 v41, $0xB;
	v41 =	vperm.xlane v1, v30  }
0x82: {  	vm10 =	veq.s32 v31, $0x6;
	v52 =	vperm.xlane v5, v45;
	v61 =	vperm.xlane v11, v59  }
0x83: {  	v17 =	vsel vm14, v53, v17;
	v22 =	vsel vm11, v62, v22;
	vm14 =	veq.s32 v55, $0xA  }
0x84: {  	vm11 =	veq.s32 v31, $0x7;
	v55 =	vperm.xlane v3, v45;
	v62 =	vperm.xlane v10, v59  }
0x85: {  	v29 =	vsel vm12, v63, v22;
	v17 =	vsel vm13, v19, v17;
	v22 =	vnsel vm4, $0x0, v32  }
0x86: {  	vm12 =	veq.s32 v31, $0x8;
	vm13 =	veq.s32 v31, $0x9;
	v19 =	vperm.xlane v8, v30  }
0x87: {  	vm4 =	veq.s32 v46, $0x0;
	v63 =	vperm.xlane v9, v59;
	v30 =	vperm.xlane v5, v59  }
0x88: {  	v32 =	vperm.xlane v4, v59;
	v18 =	vsel vm14, v28, v29;
	v22 =	vsel vm5, v33, v22  }
0x89: {  	vm14 =	veq.s32 v31, $0xA;
	v23 =	vnsel vm4, $0x0, v47;
	vm5 =	veq.s32 v46, $0x1  }
0x8a: {  	v53 =	vld [tilespmem:$0x200];
	vm4 =	veq.s32 v60, $0x0;
	v28 =	vperm.xlane v7, v59;
	v29 =	vperm.xlane v6, v59  }
0x8b: {  	v27 =	vld [tilespmem:$0xA0];
	v33 =	vperm.xlane v3, v59;
	v22 =	vsel vm6, v34, v22;
	v18 =	vsel vm15, v20, v18  }
0x8c: {  	vm15 =	veq.s32 v31, $0xB;
	vm6 =	veq.s32 v46, $0x2;
	v24 =	vnsel vm4, $0x0, v61  }
0x8d: {  	v34 =	vperm.xlane v1, v59;
	v22 =	vsel vm7, v35, v22;
	vm7 =	veq.s32 v46, $0x3  }
0x8e: {  	v31 =	vld [tilespmem:$0x210];
	v35 =	vperm.xlane v2, v59;
	v22 =	vsel vm8, v36, v22;
	vm8 =	veq.s32 v46, $0x4  }
0x8f: {  	v61 =	vld [tilespmem:$0x230];
	v12 =	vadd.f32 v12, v53;
	v36 =	vperm.xlane v0, v59;
	v22 =	vsel vm9, v37, v22  }
0x90: {  	vm9 =	veq.s32 v46, $0x5;
	v37 =	vand.u32 $0xF, v27;
	v22 =	vsel vm10, v38, v22  }
0x91: {  	vm10 =	veq.s32 v46, $0x6;
	v38 =	vshra.s32 v27, $0x4;
	v40 =	vperm.xlane v10, v37  }
0x92: {  	v47 =	vperm.xlane v4, v37;
	v22 =	vsel vm11, v39, v22;
	vm11 =	veq.s32 v46, $0x7  }
0x93: {  	v13 =	vadd.f32 v13, v31;
	v39 =	vperm.xlane v11, v37;
	v22 =	vsel vm12, v41, v22  }
0x94: {  	vm4 =	veq.s32 v38, $0x0;
	v15 =	vadd.f32 v15, v61;
	v44 =	vsel vm13, v42, v22  }
0x95: {  	vm12 =	veq.s32 v46, $0x8;
	vm13 =	veq.s32 v46, $0x9;
	v20 =	vsel vm14, v43, v44  }
0x96: {  	v22 =	vperm.xlane v8, v45;
	v19 =	vsel vm15, v19, v20;
	v20 =	vsel vm5, v48, v23  }
0x97: {  	v41 =	vnsel vm4, $0x0, v39;
	v42 =	vperm.xlane v9, v37;
	v20 =	vsel vm6, v49, v20  }
0x98: {  	v45 =	vperm.xlane v5, v37;
	vm14 =	veq.s32 v46, $0xA;
	v20 =	vsel vm7, v50, v20  }
0x99: {  	v43 =	vperm.xlane v7, v37;
	v44 =	vperm.xlane v6, v37;
	v20 =	vsel vm8, v51, v20  }
0x9a: {  	vm15 =	veq.s32 v46, $0xB;
	vm5 =	veq.s32 v60, $0x1;
	v20 =	vsel vm9, v52, v20  }
0x9b: {  	v23 =	vperm.xlane v8, v59;
	v48 =	vperm.xlane v3, v37;
	v20 =	vsel vm10, v54, v20  }
0x9c: {  	v46 =	vld [tilespmem:$0x220];
	vm6 =	veq.s32 v60, $0x2;
	v49 =	vperm.xlane v1, v37;
	v20 =	vsel vm11, v55, v20  }
0x9d: {  	vm7 =	veq.s32 v60, $0x3;
	v50 =	vperm.xlane v2, v37;
	v20 =	vsel vm12, v56, v20  }
0x9e: {  	vm8 =	veq.s32 v60, $0x4;
	v51 =	vperm.xlane v0, v37;
	v20 =	vsel vm13, v57, v20  }
0x9f: {  	vm9 =	veq.s32 v60, $0x5;
	v52 =	vperm.xlane v8, v37;
	v20 =	vsel vm14, v58, v20  }
0xa0: {  	vm10 =	veq.s32 v60, $0x6;
	v20 =	vsel vm15, v22, v20;
	v22 =	vsel vm5, v62, v24  }
0xa1: {  	v14 =	vadd.f32 v14, v46;
	vm11 =	veq.s32 v60, $0x7;
	v22 =	vsel vm6, v63, v22  }
0xa2: {  	vm12 =	veq.s32 v60, $0x8;
	vm13 =	veq.s32 v60, $0x9;
	v22 =	vsel vm7, v28, v22;
	v28 =	vld [tilespmem:$0xB0]  }
0xa3: {  	vm14 =	veq.s32 v60, $0xA;
	vm15 =	veq.s32 v60, $0xB;
	v22 =	vsel vm8, v29, v22  }
0xa4: {  	vm5 =	veq.s32 v38, $0x1;
	vm6 =	veq.s32 v38, $0x2;
	v22 =	vsel vm9, v30, v22  }
0xa5: {  	vm7 =	veq.s32 v38, $0x3;
	vm8 =	veq.s32 v38, $0x4;
	v22 =	vsel vm10, v32, v22  }
0xa6: {  	vm9 =	veq.s32 v38, $0x5;
	vm10 =	veq.s32 v38, $0x6;
	v22 =	vsel vm11, v33, v22  }
0xa7: {  	vm11 =	veq.s32 v38, $0x7;
	v22 =	vsel vm12, v34, v22;
	v53 =	vand.u32 $0xF, v28  }
0xa8: {  	v29 =	vld [tilespmem:$0xC0];
	vm12 =	veq.s32 v38, $0x8;
	v55 =	vperm.xlane v11, v53;
	v56 =	vperm.xlane v10, v53  }
0xa9: {  	v54 =	vshra.s32 v28, $0x4;
	v57 =	vperm.xlane v9, v53;
	v58 =	vperm.xlane v7, v53  }
0xaa: {  	v22 =	vsel vm13, v35, v22;
	v59 =	vperm.xlane v6, v53;
	v60 =	vperm.xlane v5, v53  }
0xab: {  	vm13 =	veq.s32 v38, $0x9;
	v62 =	vperm.xlane v4, v53;
	v63 =	vperm.xlane v3, v53  }
0xac: {  	vm4 =	veq.s32 v54, $0x0;
	v30 =	vperm.xlane v1, v53;
	v31 =	vperm.xlane v2, v53  }
0xad: {  	v32 =	vperm.xlane v0, v53;
	v24 =	vperm.xlane v8, v53;
	v33 =	vand.u32 $0xF, v29  }
0xae: {  	v34 =	vshra.s32 v29, $0x4;
	v22 =	vsel vm14, v36, v22;
	v35 =	vperm.xlane v11, v33  }
0xaf: {  	vm14 =	veq.s32 v38, $0xA;
	v36 =	vperm.xlane v10, v33;
	v37 =	vperm.xlane v9, v33  }
0xb0: {  	v39 =	vperm.xlane v6, v33;
	v46 =	vperm.xlane v0, v33;
	v21 =	vsel vm15, v23, v22  }
0xb1: {  	v22 =	vsel vm5, v40, v41;
	vm15 =	veq.s32 v38, $0xB;
	v26 =	vnsel vm4, $0x0, v55  }
0xb2: {  	vm5 =	veq.s32 v54, $0x1;
	vm4 =	veq.s32 v34, $0x0;
	v38 =	vperm.xlane v7, v33  }
0xb3: {  	v40 =	vperm.xlane v5, v33;
	v22 =	vsel vm6, v42, v22;
	v23 =	vsel vm5, v56, v26  }
0xb4: {  	vm6 =	veq.s32 v54, $0x2;
	v27 =	vnsel vm4, $0x0, v35;
	vm5 =	veq.s32 v34, $0x1  }
0xb5: {  	v42 =	vperm.xlane v4, v33;
	v26 =	vperm.xlane v8, v33;
	v22 =	vsel vm7, v43, v22  }
0xb6: {  	v41 =	vld [tilespmem:$0x240];
	v23 =	vsel vm6, v57, v23;
	vm7 =	veq.s32 v54, $0x3;
	vm6 =	veq.s32 v34, $0x2  }
0xb7: {  	v55 =	vld [tilespmem:$0x250];
	v43 =	vperm.xlane v3, v33;
	v22 =	vsel vm8, v44, v22;
	v23 =	vsel vm7, v58, v23  }
0xb8: {  	vm8 =	veq.s32 v54, $0x4;
	vm7 =	veq.s32 v34, $0x3;
	v44 =	vperm.xlane v1, v33  }
0xb9: {  	v22 =	vsel vm9, v45, v22;
	v23 =	vsel vm8, v59, v23;
	vm9 =	veq.s32 v54, $0x5  }
0xba: {  	vm8 =	veq.s32 v34, $0x4;
	v45 =	vperm.xlane v2, v33;
	v22 =	vsel vm10, v47, v22  }
0xbb: {  	v23 =	vsel vm9, v60, v23;
	vm10 =	veq.s32 v54, $0x6;
	vm9 =	veq.s32 v34, $0x5  }
0xbc: {  	v16 =	vadd.f32 v16, v41;
	v17 =	vadd.f32 v17, v55;
	v22 =	vsel vm11, v48, v22  }
0xbd: {  	v23 =	vsel vm10, v62, v23;
	vm11 =	veq.s32 v54, $0x7;
	vm10 =	veq.s32 v34, $0x6  }
0xbe: {  	v22 =	vsel vm12, v49, v22;
	v23 =	vsel vm11, v63, v23;
	vm12 =	veq.s32 v54, $0x8  }
0xbf: {  	v22 =	vsel vm13, v50, v22;
	v23 =	vsel vm12, v30, v23;
	vm13 =	veq.s32 v54, $0x9  }
0xc0: {  	v30 =	vld [tilespmem:$0xD0];
	v22 =	vsel vm14, v51, v22;
	v23 =	vsel vm13, v31, v23;
	vm14 =	veq.s32 v54, $0xA  }
0xc1: {  	v22 =	vsel vm15, v52, v22;
	v23 =	vsel vm14, v32, v23;
	vm15 =	veq.s32 v54, $0xB  }
0xc2: {  	vm11 =	veq.s32 v34, $0x7;
	v23 =	vsel vm15, v24, v23;
	v24 =	vsel vm5, v36, v27  }
0xc3: {  	vm12 =	veq.s32 v34, $0x8;
	vm13 =	veq.s32 v34, $0x9;
	v24 =	vsel vm6, v37, v24  }
0xc4: {  	vm14 =	veq.s32 v34, $0xA;
	vm15 =	veq.s32 v34, $0xB;
	v24 =	vsel vm7, v38, v24  }
0xc5: {  	v47 =	vand.u32 $0xF, v30;
	v48 =	vshra.s32 v30, $0x4;
	v24 =	vsel vm8, v39, v24  }
0xc6: {  	v31 =	vld [tilespmem:$0xE0];
	v49 =	vperm.xlane v11, v47;
	vm4 =	veq.s32 v48, $0x0;
	v50 =	vperm.xlane v10, v47  }
0xc7: {  	vm5 =	veq.s32 v48, $0x1;
	v51 =	vperm.xlane v9, v47;
	v52 =	vperm.xlane v7, v47  }
0xc8: {  	vm6 =	veq.s32 v48, $0x2;
	v53 =	vperm.xlane v6, v47;
	v54 =	vperm.xlane v5, v47  }
0xc9: {  	vm7 =	veq.s32 v48, $0x3;
	v56 =	vperm.xlane v4, v47;
	v57 =	vperm.xlane v3, v47  }
0xca: {  	v32 =	vld [tilespmem:$0xF0];
	vm8 =	veq.s32 v48, $0x4;
	v58 =	vperm.xlane v1, v47;
	v59 =	vperm.xlane v2, v47  }
0xcb: {  	v60 =	vperm.xlane v0, v47;
	v27 =	vperm.xlane v8, v47;
	v61 =	vand.u32 $0xF, v31  }
0xcc: {  	v62 =	vshra.s32 v31, $0x4;
	v63 =	vperm.xlane v11, v61;
	v33 =	vperm.xlane v10, v61  }
0xcd: {  	v24 =	vsel vm9, v40, v24;
	v35 =	vperm.xlane v9, v61;
	v36 =	vperm.xlane v7, v61  }
0xce: {  	vm9 =	veq.s32 v48, $0x5;
	v37 =	vperm.xlane v6, v61;
	v38 =	vperm.xlane v5, v61  }
0xcf: {  	v40 =	vperm.xlane v4, v61;
	v41 =	vperm.xlane v3, v61;
	v47 =	vshra.s32 v32, $0x4  }
0xd0: {  	v39 =	vld [tilespmem:$0x260];
	v24 =	vsel vm10, v42, v24;
	v28 =	vnsel vm4, $0x0, v49;
	vm10 =	veq.s32 v48, $0x6  }
0xd1: {  	vm4 =	veq.s32 v62, $0x0;
	v42 =	vperm.xlane v1, v61;
	v24 =	vsel vm11, v43, v24  }
0xd2: {  	vm11 =	veq.s32 v48, $0x7;
	v34 =	vnsel vm4, $0x0, v63;
	v43 =	vperm.xlane v2, v61  }
0xd3: {  	vm4 =	veq.s32 v47, $0x0;
	v24 =	vsel vm12, v44, v24;
	vm12 =	veq.s32 v48, $0x8  }
0xd4: {  	v44 =	vperm.xlane v0, v61;
	v24 =	vsel vm13, v45, v24;
	vm13 =	veq.s32 v48, $0x9  }
0xd5: {  	v18 =	vadd.f32 v18, v39;
	v45 =	vperm.xlane v8, v61;
	v24 =	vsel vm14, v46, v24  }
0xd6: {  	vm14 =	veq.s32 v48, $0xA;
	v46 =	vand.u32 $0xF, v32;
	v24 =	vsel vm15, v26, v24  }
0xd7: {  	v26 =	vsel vm5, v50, v28;
	vm15 =	veq.s32 v48, $0xB;
	v48 =	vperm.xlane v11, v46  }
0xd8: {  	vm5 =	veq.s32 v62, $0x1;
	v49 =	vperm.xlane v10, v46;
	v50 =	vperm.xlane v9, v46  }
0xd9: {  	v55 =	vperm.xlane v4, v46;
	v28 =	vperm.xlane v8, v46;
	v26 =	vsel vm6, v51, v26  }
0xda: {  	vm6 =	veq.s32 v62, $0x2;
	v51 =	vperm.xlane v7, v46;
	v26 =	vsel vm7, v52, v26  }
0xdb: {  	vm7 =	veq.s32 v62, $0x3;
	v30 =	vnsel vm4, $0x0, v48;
	v26 =	vsel vm8, v53, v26  }
0xdc: {  	v52 =	vperm.xlane v6, v46;
	vm8 =	veq.s32 v62, $0x4;
	v26 =	vsel vm9, v54, v26  }
0xdd: {  	v53 =	vperm.xlane v5, v46;
	vm9 =	veq.s32 v62, $0x5;
	v54 =	vld [tilespmem:$0x270];
	v26 =	vsel vm10, v56, v26  }
0xde: {  	vm10 =	veq.s32 v62, $0x6;
	v56 =	vperm.xlane v3, v46;
	v26 =	vsel vm11, v57, v26  }
0xdf: {  	vm11 =	veq.s32 v62, $0x7;
	v57 =	vperm.xlane v1, v46;
	v26 =	vsel vm12, v58, v26  }
0xe0: {  	vm12 =	veq.s32 v62, $0x8;
	v58 =	vperm.xlane v2, v46;
	v26 =	vsel vm13, v59, v26  }
0xe1: {  	vm13 =	veq.s32 v62, $0x9;
	v59 =	vperm.xlane v0, v46;
	v26 =	vsel vm14, v60, v26  }
0xe2: {  	vm14 =	veq.s32 v62, $0xA;
	v19 =	vadd.f32 v19, v54;
	v25 =	vsel vm15, v27, v26  }
0xe3: {  	v26 =	vsel vm5, v33, v34;
	vm15 =	veq.s32 v62, $0xB;
	vm5 =	veq.s32 v47, $0x1;
	v33 =	vld [tilespmem:$0x100]  }
0xe4: {  	v34 =	vld [tilespmem:$0x110];
	v26 =	vsel vm6, v35, v26;
	v27 =	vsel vm5, v49, v30;
	vm6 =	veq.s32 v47, $0x2  }
0xe5: {  	v26 =	vsel vm7, v36, v26;
	v27 =	vsel vm6, v50, v27;
	vm7 =	veq.s32 v47, $0x3  }
0xe6: {  	v26 =	vsel vm8, v37, v26;
	v27 =	vsel vm7, v51, v27;
	vm8 =	veq.s32 v47, $0x4  }
0xe7: {  	v26 =	vsel vm9, v38, v26;
	v27 =	vsel vm8, v52, v27;
	vm9 =	veq.s32 v47, $0x5  }
0xe8: {  	v26 =	vsel vm10, v40, v26;
	v27 =	vsel vm9, v53, v27;
	vm10 =	veq.s32 v47, $0x6  }
0xe9: {  	v60 =	vand.u32 $0xF, v33;
	v61 =	vshra.s32 v33, $0x4;
	v46 =	vand.u32 $0xF, v34  }
0xea: {  	v26 =	vsel vm11, v41, v26;
	v27 =	vsel vm10, v55, v27;
	vm11 =	veq.s32 v47, $0x7  }
0xeb: {  	v62 =	vperm.xlane v11, v60;
	vm4 =	veq.s32 v61, $0x0;
	v63 =	vperm.xlane v10, v60  }
0xec: {  	vm5 =	veq.s32 v61, $0x1;
	v36 =	vperm.xlane v9, v60;
	v37 =	vperm.xlane v7, v60  }
0xed: {  	vm6 =	veq.s32 v61, $0x2;
	v38 =	vperm.xlane v6, v60;
	v39 =	vperm.xlane v5, v60  }
0xee: {  	vm7 =	veq.s32 v61, $0x3;
	v41 =	vperm.xlane v4, v60;
	v30 =	vperm.xlane v8, v60  }
0xef: {  	vm8 =	veq.s32 v61, $0x4;
	v48 =	vperm.xlane v11, v46;
	v49 =	vperm.xlane v10, v46  }
0xf0: {  	vm9 =	veq.s32 v61, $0x5;
	v51 =	vperm.xlane v9, v46;
	v52 =	vperm.xlane v7, v46  }
0xf1: {  	v35 =	vld [tilespmem:$0x120];
	vm10 =	veq.s32 v61, $0x6;
	v53 =	vperm.xlane v6, v46;
	v54 =	vperm.xlane v5, v46  }
0xf2: {  	v26 =	vsel vm12, v42, v26;
	v27 =	vsel vm11, v56, v27;
	vm12 =	veq.s32 v47, $0x8  }
0xf3: {  	v42 =	vperm.xlane v3, v60;
	vm11 =	veq.s32 v61, $0x7;
	v56 =	vperm.xlane v4, v46  }
0xf4: {  	v26 =	vsel vm13, v43, v26;
	v27 =	vsel vm12, v57, v27;
	vm13 =	veq.s32 v47, $0x9  }
0xf5: {  	v40 =	vld [tilespmem:$0x280];
	v31 =	vnsel vm4, $0x0, v62;
	v43 =	vperm.xlane v1, v60;
	vm12 =	veq.s32 v61, $0x8  }
0xf6: {  	v57 =	vperm.xlane v3, v46;
	v62 =	vand.u32 $0xF, v35;
	v26 =	vsel vm14, v44, v26  }
0xf7: {  	v27 =	vsel vm13, v58, v27;
	vm14 =	veq.s32 v47, $0xA;
	v44 =	vperm.xlane v2, v60  }
0xf8: {  	v55 =	vld [tilespmem:$0x290];
	vm13 =	veq.s32 v61, $0x9;
	v58 =	vperm.xlane v1, v46;
	v26 =	vsel vm15, v45, v26  }
0xf9: {  	v27 =	vsel vm14, v59, v27;
	vm15 =	veq.s32 v47, $0xB;
	v45 =	vperm.xlane v0, v60  }
0xfa: {  	v20 =	vadd.f32 v20, v40;
	vm14 =	veq.s32 v61, $0xA;
	v59 =	vperm.xlane v2, v46  }
0xfb: {  	v47 =	vshra.s32 v34, $0x4;
	v60 =	vperm.xlane v0, v46;
	v40 =	vperm.xlane v6, v62  }
0xfc: {  	v28 =	vsel vm15, v28, v27;
	v27 =	vsel vm5, v63, v31;
	vm15 =	veq.s32 v61, $0xB  }
0xfd: {  	vm4 =	veq.s32 v47, $0x0;
	vm5 =	veq.s32 v47, $0x1;
	v21 =	vadd.f32 v21, v55  }
0xfe: {  	v61 =	vperm.xlane v8, v46;
	v63 =	vshra.s32 v35, $0x4;
	v46 =	vperm.xlane v2, v62  }
0xff: {  	v31 =	vperm.xlane v8, v62;
	v27 =	vsel vm6, v36, v27;
	v50 =	vnsel vm4, $0x0, v48  }
0x100: {  	vm6 =	veq.s32 v47, $0x2;
	v36 =	vperm.xlane v11, v62;
	vm4 =	veq.s32 v63, $0x0  }
0x101: {  	v27 =	vsel vm7, v37, v27;
	vm7 =	veq.s32 v47, $0x3;
	v37 =	vperm.xlane v10, v62  }
0x102: {  	v27 =	vsel vm8, v38, v27;
	vm8 =	veq.s32 v47, $0x4;
	v33 =	vnsel vm4, $0x0, v36  }
0x103: {  	v38 =	vperm.xlane v9, v62;
	v36 =	vld [tilespmem:$0x130];
	v27 =	vsel vm9, v39, v27;
	vm9 =	veq.s32 v47, $0x5  }
0x104: {  	v39 =	vperm.xlane v7, v62;
	v27 =	vsel vm10, v41, v27;
	vm10 =	veq.s32 v47, $0x6  }
0x105: {  	v41 =	vperm.xlane v5, v62;
	v27 =	vsel vm11, v42, v27;
	vm11 =	veq.s32 v47, $0x7  }
0x106: {  	v27 =	vsel vm12, v43, v27;
	vm12 =	veq.s32 v47, $0x8;
	v43 =	vperm.xlane v4, v62  }
0x107: {  	v42 =	vld [tilespmem:$0x2A0];
	v27 =	vsel vm13, v44, v27;
	vm13 =	veq.s32 v47, $0x9;
	v44 =	vperm.xlane v3, v62  }
0x108: {  	v48 =	vand.u32 $0xF, v36;
	v27 =	vsel vm14, v45, v27;
	vm14 =	veq.s32 v47, $0xA  }
0x109: {  	v45 =	vperm.xlane v1, v62;
	v55 =	vperm.xlane v5, v48;
	v29 =	vsel vm15, v30, v27  }
0x10a: {  	v27 =	vsel vm5, v49, v50;
	vm15 =	veq.s32 v47, $0xB;
	vm5 =	veq.s32 v63, $0x1  }
0x10b: {  	v47 =	vperm.xlane v0, v62;
	v49 =	vshra.s32 v36, $0x4;
	v50 =	vperm.xlane v11, v48  }
0x10c: {  	v27 =	vsel vm6, v51, v27;
	vm6 =	veq.s32 v63, $0x2;
	v22 =	vadd.f32 v22, v42  }
0x10d: {  	vm4 =	veq.s32 v49, $0x0;
	v51 =	vperm.xlane v10, v48;
	v27 =	vsel vm7, v52, v27  }
0x10e: {  	vm7 =	veq.s32 v63, $0x3;
	v34 =	vnsel vm4, $0x0, v50;
	v27 =	vsel vm8, v53, v27  }
0x10f: {  	v52 =	vperm.xlane v9, v48;
	vm8 =	veq.s32 v63, $0x4;
	v27 =	vsel vm9, v54, v27  }
0x110: {  	v53 =	vperm.xlane v7, v48;
	vm9 =	veq.s32 v63, $0x5;
	v27 =	vsel vm10, v56, v27  }
0x111: {  	v54 =	vperm.xlane v6, v48;
	vm10 =	veq.s32 v63, $0x6;
	v27 =	vsel vm11, v57, v27  }
0x112: {  	vm11 =	veq.s32 v63, $0x7;
	v57 =	vperm.xlane v4, v48;
	v27 =	vsel vm12, v58, v27  }
0x113: {  	v56 =	vld [tilespmem:$0x2B0];
	vm12 =	veq.s32 v63, $0x8;
	v58 =	vperm.xlane v3, v48;
	v27 =	vsel vm13, v59, v27  }
0x114: {  	vm13 =	veq.s32 v63, $0x9;
	v59 =	vperm.xlane v1, v48;
	v27 =	vsel vm14, v60, v27  }
0x115: {  	vm14 =	veq.s32 v63, $0xA;
	v30 =	vsel vm15, v61, v27;
	v27 =	vsel vm5, v37, v33  }
0x116: {  	v60 =	vperm.xlane v2, v48;
	vm15 =	veq.s32 v63, $0xB;
	v37 =	vld [tilespmem:$0x140];
	v27 =	vsel vm6, v38, v27  }
0x117: {  	vm5 =	veq.s32 v49, $0x1;
	v61 =	vperm.xlane v0, v48;
	v27 =	vsel vm7, v39, v27  }
0x118: {  	v23 =	vadd.f32 v23, v56;
	v33 =	vperm.xlane v8, v48;
	v27 =	vsel vm8, v40, v27  }
0x119: {  	vm6 =	veq.s32 v49, $0x2;
	vm7 =	veq.s32 v49, $0x3;
	v27 =	vsel vm9, v41, v27  }
0x11a: {  	vm8 =	veq.s32 v49, $0x4;
	vm9 =	veq.s32 v49, $0x5;
	v27 =	vsel vm10, v43, v27  }
0x11b: {  	vm10 =	veq.s32 v49, $0x6;
	v62 =	vand.u32 $0xF, v37;
	v63 =	vshra.s32 v37, $0x4  }
0x11c: {  	v27 =	vsel vm11, v44, v27;
	v40 =	vperm.xlane v11, v62;
	v41 =	vperm.xlane v10, v62  }
0x11d: {  	vm11 =	veq.s32 v49, $0x7;
	v43 =	vperm.xlane v9, v62;
	v44 =	vperm.xlane v7, v62  }
0x11e: {  	vm4 =	veq.s32 v63, $0x0;
	v48 =	vperm.xlane v4, v62;
	v50 =	vperm.xlane v1, v62  }
0x11f: {  	v27 =	vsel vm12, v45, v27;
	vm12 =	veq.s32 v49, $0x8;
	v45 =	vperm.xlane v6, v62  }
0x120: {  	v27 =	vsel vm13, v46, v27;
	vm13 =	veq.s32 v49, $0x9;
	v42 =	vnsel vm4, $0x0, v40  }
0x121: {  	v38 =	vld [tilespmem:$0x150];
	v46 =	vperm.xlane v5, v62;
	v27 =	vsel vm14, v47, v27;
	vm14 =	veq.s32 v49, $0xA  }
0x122: {  	v47 =	vld [tilespmem:$0x2C0];
	v31 =	vsel vm15, v31, v27;
	v27 =	vsel vm5, v51, v34;
	vm15 =	veq.s32 v49, $0xB  }
0x123: {  	vm5 =	veq.s32 v63, $0x1;
	v49 =	vperm.xlane v3, v62;
	v51 =	vperm.xlane v2, v62  }
0x124: {  	v39 =	vld [tilespmem:$0x160];
	v27 =	vsel vm6, v52, v27;
	vm6 =	veq.s32 v63, $0x2;
	v52 =	vperm.xlane v0, v62  }
0x125: {  	v27 =	vsel vm7, v53, v27;
	vm7 =	veq.s32 v63, $0x3;
	v53 =	vperm.xlane v8, v62  }
0x126: {  	v27 =	vsel vm8, v54, v27;
	vm8 =	veq.s32 v63, $0x4;
	v54 =	vand.u32 $0xF, v38  }
0x127: {  	v27 =	vsel vm9, v55, v27;
	vm9 =	veq.s32 v63, $0x5;
	v24 =	vadd.f32 v24, v47  }
0x128: {  	v62 =	vld [tilespmem:$0x2D0];
	v55 =	vshra.s32 v38, $0x4;
	v56 =	vperm.xlane v11, v54;
	v34 =	vperm.xlane v8, v54  }
0x129: {  	v47 =	vshra.s32 v39, $0x4;
	v27 =	vsel vm10, v57, v27;
	vm10 =	veq.s32 v63, $0x6  }
0x12a: {  	vm4 =	veq.s32 v55, $0x0;
	v57 =	vperm.xlane v10, v54;
	v27 =	vsel vm11, v58, v27  }
0x12b: {  	vm11 =	veq.s32 v63, $0x7;
	v36 =	vnsel vm4, $0x0, v56;
	v58 =	vperm.xlane v9, v54  }
0x12c: {  	vm4 =	veq.s32 v47, $0x0;
	v27 =	vsel vm12, v59, v27;
	vm12 =	veq.s32 v63, $0x8  }
0x12d: {  	v59 =	vperm.xlane v7, v54;
	v25 =	vadd.f32 v25, v62;
	v27 =	vsel vm13, v60, v27  }
0x12e: {  	vm13 =	veq.s32 v63, $0x9;
	v60 =	vperm.xlane v6, v54;
	v27 =	vsel vm14, v61, v27  }
0x12f: {  	vm14 =	veq.s32 v63, $0xA;
	v61 =	vperm.xlane v5, v54;
	v32 =	vsel vm15, v33, v27  }
0x130: {  	v27 =	vsel vm5, v41, v42;
	vm15 =	veq.s32 v63, $0xB;
	vm5 =	veq.s32 v55, $0x1  }
0x131: {  	v63 =	vperm.xlane v4, v54;
	v42 =	vperm.xlane v3, v54;
	v27 =	vsel vm6, v43, v27  }
0x132: {  	vm6 =	veq.s32 v55, $0x2;
	v43 =	vperm.xlane v1, v54;
	v27 =	vsel vm7, v44, v27  }
0x133: {  	vm7 =	veq.s32 v55, $0x3;
	v44 =	vperm.xlane v2, v54;
	v27 =	vsel vm8, v45, v27  }
0x134: {  	vm8 =	veq.s32 v55, $0x4;
	v45 =	vperm.xlane v0, v54;
	v27 =	vsel vm9, v46, v27  }
0x135: {  	v54 =	vld [tilespmem:$0x2E0];
	vm9 =	veq.s32 v55, $0x5;
	v46 =	vand.u32 $0xF, v39;
	v27 =	vsel vm10, v48, v27  }
0x136: {  	vm10 =	veq.s32 v55, $0x6;
	v48 =	vperm.xlane v11, v46;
	v56 =	vperm.xlane v3, v46  }
0x137: {  	v27 =	vsel vm11, v49, v27;
	vm11 =	veq.s32 v55, $0x7;
	v49 =	vperm.xlane v10, v46  }
0x138: {  	v27 =	vsel vm12, v50, v27;
	vm12 =	veq.s32 v55, $0x8;
	v37 =	vnsel vm4, $0x0, v48  }
0x139: {  	v50 =	vperm.xlane v9, v46;
	v27 =	vsel vm13, v51, v27;
	vm13 =	veq.s32 v55, $0x9  }
0x13a: {  	v51 =	vperm.xlane v7, v46;
	v26 =	vadd.f32 v26, v54;
	v27 =	vsel vm14, v52, v27  }
0x13b: {  	vm14 =	veq.s32 v55, $0xA;
	v52 =	vperm.xlane v6, v46;
	v33 =	vsel vm15, v53, v27  }
0x13c: {  	v40 =	vld [tilespmem:$0x170];
	v27 =	vsel vm5, v57, v36;
	vm15 =	veq.s32 v55, $0xB;
	v53 =	vperm.xlane v5, v46  }
0x13d: {  	vm5 =	veq.s32 v47, $0x1;
	v55 =	vperm.xlane v4, v46;
	v57 =	vperm.xlane v1, v46  }
0x13e: {  	v36 =	vperm.xlane v8, v46;
	v27 =	vsel vm6, v58, v27;
	vm6 =	veq.s32 v47, $0x2  }
0x13f: {  	v58 =	vperm.xlane v2, v46;
	v27 =	vsel vm7, v59, v27;
	vm7 =	veq.s32 v47, $0x3  }
0x140: {  	v59 =	vperm.xlane v0, v46;
	v27 =	vsel vm8, v60, v27;
	vm8 =	veq.s32 v47, $0x4  }
0x141: {  	v46 =	vld [tilespmem:$0x2F0];
	v60 =	vand.u32 $0xF, v40;
	v27 =	vsel vm9, v61, v27;
	vm9 =	veq.s32 v47, $0x5  }
0x142: {  	v61 =	vshra.s32 v40, $0x4;
	v62 =	vperm.xlane v11, v60;
	v48 =	vperm.xlane v3, v60  }
0x143: {  	v27 =	vsel vm10, v63, v27;
	vm10 =	veq.s32 v47, $0x6;
	vm4 =	veq.s32 v61, $0x0  }
0x144: {  	v63 =	vperm.xlane v10, v60;
	v27 =	vsel vm11, v42, v27;
	vm11 =	veq.s32 v47, $0x7  }
0x145: {  	v38 =	vnsel vm4, $0x0, v62;
	v42 =	vperm.xlane v9, v60;
	v27 =	vsel vm12, v43, v27  }
0x146: {  	vm12 =	veq.s32 v47, $0x8;
	v43 =	vperm.xlane v7, v60;
	v28 =	vadd.f32 v28, v46  }
0x147: {  	v27 =	vsel vm13, v44, v27;
	vm13 =	veq.s32 v47, $0x9;
	v44 =	vperm.xlane v6, v60  }
0x148: {  	v27 =	vsel vm14, v45, v27;
	vm14 =	veq.s32 v47, $0xA;
	v45 =	vperm.xlane v5, v60  }
0x149: {  	v41 =	vld [tilespmem:$0x180];
	v27 =	vsel vm15, v34, v27;
	v34 =	vsel vm5, v49, v37;
	vm15 =	veq.s32 v47, $0xB  }
0x14a: {  	vm5 =	veq.s32 v61, $0x1;
	v47 =	vperm.xlane v4, v60;
	v49 =	vperm.xlane v1, v60  }
0x14b: {  	v37 =	vperm.xlane v8, v60;
	v34 =	vsel vm6, v50, v34;
	vm6 =	veq.s32 v61, $0x2  }
0x14c: {  	v50 =	vperm.xlane v2, v60;
	v34 =	vsel vm7, v51, v34;
	vm7 =	veq.s32 v61, $0x3  }
0x14d: {  	v51 =	vperm.xlane v0, v60;
	v34 =	vsel vm8, v52, v34;
	vm8 =	veq.s32 v61, $0x4  }
0x14e: {  	v52 =	vand.u32 $0xF, v41;
	v34 =	vsel vm9, v53, v34;
	vm9 =	veq.s32 v61, $0x5  }
0x14f: {  	v53 =	vshra.s32 v41, $0x4;
	v54 =	vperm.xlane v11, v52;
	v60 =	vperm.xlane v5, v52  }
0x150: {  	v62 =	vperm.xlane v4, v52;
	v46 =	vperm.xlane v0, v52;
	v34 =	vsel vm10, v55, v34  }
0x151: {  	vm10 =	veq.s32 v61, $0x6;
	vm4 =	veq.s32 v53, $0x0;
	v55 =	vperm.xlane v10, v52  }
0x152: {  	v34 =	vsel vm11, v56, v34;
	vm11 =	veq.s32 v61, $0x7;
	v56 =	vnsel vm4, $0x0, v54  }
0x153: {  	v34 =	vsel vm12, v57, v34;
	vm12 =	veq.s32 v61, $0x8;
	v57 =	vperm.xlane v9, v52  }
0x154: {  	v34 =	vsel vm13, v58, v34;
	vm13 =	veq.s32 v61, $0x9;
	v58 =	vperm.xlane v7, v52  }
0x155: {  	v34 =	vsel vm14, v59, v34;
	vm14 =	veq.s32 v61, $0xA;
	v59 =	vperm.xlane v6, v52  }
0x156: {  	v34 =	vsel vm15, v36, v34;
	v36 =	vsel vm5, v63, v38;
	vm15 =	veq.s32 v61, $0xB;
	v61 =	vld [tilespmem:$0x300]  }
0x157: {  	vm5 =	veq.s32 v53, $0x1;
	v63 =	vperm.xlane v3, v52;
	v36 =	vsel vm6, v42, v36  }
0x158: {  	vm6 =	veq.s32 v53, $0x2;
	v42 =	vld [tilespmem:$0x190];
	v36 =	vsel vm7, v43, v36;
	vm7 =	veq.s32 v53, $0x3  }
0x159: {  	v36 =	vsel vm8, v44, v36;
	vm8 =	veq.s32 v53, $0x4;
	v44 =	vperm.xlane v1, v52  }
0x15a: {  	v36 =	vsel vm9, v45, v36;
	vm9 =	veq.s32 v53, $0x5;
	v45 =	vperm.xlane v2, v52  }
0x15b: {  	v36 =	vsel vm10, v47, v36;
	vm10 =	veq.s32 v53, $0x6;
	v29 =	vadd.f32 v29, v61  }
0x15c: {  	v47 =	vperm.xlane v8, v52;
	v36 =	vsel vm11, v48, v36;
	vm11 =	veq.s32 v53, $0x7  }
0x15d: {  	v48 =	vand.u32 $0xF, v42;
	v36 =	vsel vm12, v49, v36;
	vm12 =	veq.s32 v53, $0x8  }
0x15e: {  	v49 =	vshra.s32 v42, $0x4;
	v52 =	vperm.xlane v9, v48;
	v54 =	vperm.xlane v6, v48  }
0x15f: {  	v61 =	vperm.xlane v0, v48;
	v38 =	vperm.xlane v8, v48;
	v36 =	vsel vm13, v50, v36  }
0x160: {  	vm13 =	veq.s32 v53, $0x9;
	v50 =	vperm.xlane v11, v48;
	vm4 =	veq.s32 v49, $0x0  }
0x161: {  	v36 =	vsel vm14, v51, v36;
	vm14 =	veq.s32 v53, $0xA;
	v51 =	vperm.xlane v10, v48  }
0x162: {  	v35 =	vsel vm15, v37, v36;
	v36 =	vsel vm5, v55, v56;
	vm15 =	veq.s32 v53, $0xB  }
0x163: {  	v43 =	vld [tilespmem:$0x1A0];
	v40 =	vnsel vm4, $0x0, v50;
	vm5 =	veq.s32 v49, $0x1;
	v53 =	vperm.xlane v7, v48  }
0x164: {  	v55 =	vperm.xlane v5, v48;
	v56 =	vld [tilespmem:$0x310];
	v36 =	vsel vm6, v57, v36;
	vm6 =	veq.s32 v49, $0x2  }
0x165: {  	v57 =	vperm.xlane v4, v48;
	v36 =	vsel vm7, v58, v36;
	vm7 =	veq.s32 v49, $0x3  }
0x166: {  	v58 =	vperm.xlane v3, v48;
	v36 =	vsel vm8, v59, v36;
	vm8 =	veq.s32 v49, $0x4  }
0x167: {  	v59 =	vperm.xlane v1, v48;
	v36 =	vsel vm9, v60, v36;
	vm9 =	veq.s32 v49, $0x5  }
0x168: {  	v60 =	vperm.xlane v2, v48;
	v36 =	vsel vm10, v62, v36;
	vm10 =	veq.s32 v49, $0x6  }
0x169: {  	v30 =	vadd.f32 v30, v56;
	v62 =	vand.u32 $0xF, v43;
	v36 =	vsel vm11, v63, v36  }
0x16a: {  	vm11 =	veq.s32 v49, $0x7;
	v63 =	vshra.s32 v43, $0x4;
	v48 =	vperm.xlane v7, v62  }
0x16b: {  	v50 =	vperm.xlane v5, v62;
	v56 =	vperm.xlane v0, v62;
	v36 =	vsel vm12, v44, v36  }
0x16c: {  	vm12 =	veq.s32 v49, $0x8;
	vm4 =	veq.s32 v63, $0x0;
	v36 =	vsel vm13, v45, v36  }
0x16d: {  	vm13 =	veq.s32 v49, $0x9;
	v45 =	vperm.xlane v11, v62;
	v36 =	vsel vm14, v46, v36  }
0x16e: {  	vm14 =	veq.s32 v49, $0xA;
	v46 =	vperm.xlane v10, v62;
	v37 =	vsel vm15, v47, v36  }
0x16f: {  	v36 =	vsel vm5, v51, v40;
	vm15 =	veq.s32 v49, $0xB;
	v41 =	vnsel vm4, $0x0, v45  }
0x170: {  	v44 =	vld [tilespmem:$0x1B0];
	vm5 =	veq.s32 v63, $0x1;
	v47 =	vperm.xlane v9, v62;
	v49 =	vperm.xlane v6, v62  }
0x171: {  	v51 =	vld [tilespmem:$0x320];
	v40 =	vperm.xlane v8, v62;
	v36 =	vsel vm6, v52, v36;
	vm6 =	veq.s32 v63, $0x2  }
0x172: {  	v52 =	vperm.xlane v4, v62;
	v36 =	vsel vm7, v53, v36;
	vm7 =	veq.s32 v63, $0x3  }
0x173: {  	v53 =	vperm.xlane v3, v62;
	v36 =	vsel vm8, v54, v36;
	vm8 =	veq.s32 v63, $0x4  }
0x174: {  	v54 =	vperm.xlane v1, v62;
	v36 =	vsel vm9, v55, v36;
	vm9 =	veq.s32 v63, $0x5  }
0x175: {  	v55 =	vperm.xlane v2, v62;
	v36 =	vsel vm10, v57, v36;
	vm10 =	veq.s32 v63, $0x6  }
0x176: {  	v31 =	vadd.f32 v31, v51;
	v57 =	vand.u32 $0xF, v44;
	v36 =	vsel vm11, v58, v36  }
0x177: {  	vm11 =	veq.s32 v63, $0x7;
	v58 =	vshra.s32 v44, $0x4;
	v62 =	vperm.xlane v7, v57  }
0x178: {  	v51 =	vperm.xlane v3, v57;
	v36 =	vsel vm12, v59, v36;
	vm12 =	veq.s32 v63, $0x8  }
0x179: {  	v59 =	vperm.xlane v11, v57;
	vm4 =	veq.s32 v58, $0x0;
	v36 =	vsel vm13, v60, v36  }
0x17a: {  	vm13 =	veq.s32 v63, $0x9;
	v60 =	vperm.xlane v10, v57;
	v36 =	vsel vm14, v61, v36  }
0x17b: {  	vm14 =	veq.s32 v63, $0xA;
	v42 =	vnsel vm4, $0x0, v59;
	v61 =	vperm.xlane v9, v57  }
0x17c: {  	v36 =	vsel vm15, v38, v36;
	v38 =	vsel vm5, v46, v41;
	vm15 =	veq.s32 v63, $0xB  }
0x17d: {  	vm5 =	veq.s32 v58, $0x1;
	v63 =	vperm.xlane v6, v57;
	v46 =	vld [tilespmem:$0x1D0];
	v38 =	vsel vm6, v47, v38  }
0x17e: {  	v41 =	vperm.xlane v8, v57;
	vm6 =	veq.s32 v58, $0x2;
	v47 =	vld [tilespmem:$0x360];
	v38 =	vsel vm7, v48, v38  }
0x17f: {  	vm7 =	veq.s32 v58, $0x3;
	v48 =	vperm.xlane v5, v57;
	v38 =	vsel vm8, v49, v38  }
0x180: {  	vm8 =	veq.s32 v58, $0x4;
	v49 =	vld [tilespmem:$0x330];
	v38 =	vsel vm9, v50, v38;
	vm9 =	veq.s32 v58, $0x5  }
0x181: {  	v45 =	vld [tilespmem:$0x1C0];
	v50 =	vperm.xlane v4, v57;
	v38 =	vsel vm10, v52, v38;
	vm10 =	veq.s32 v58, $0x6  }
0x182: {  	v52 =	vperm.xlane v1, v57;
	v43 =	vshra.s32 v46, $0x4;
	v38 =	vsel vm11, v53, v38  }
0x183: {  	vm11 =	veq.s32 v58, $0x7;
	v53 =	vperm.xlane v2, v57;
	v34 =	vadd.f32 v34, v47  }
0x184: {  	v38 =	vsel vm12, v54, v38;
	vm12 =	veq.s32 v58, $0x8;
	v54 =	vperm.xlane v0, v57  }
0x185: {  	v38 =	vsel vm13, v55, v38;
	vm13 =	veq.s32 v58, $0x9;
	v32 =	vadd.f32 v32, v49  }
0x186: {  	v55 =	vand.u32 $0xF, v45;
	v38 =	vsel vm14, v56, v38;
	vm14 =	veq.s32 v58, $0xA  }
0x187: {  	v56 =	vshra.s32 v45, $0x4;
	v57 =	vperm.xlane v11, v55;
	v49 =	vperm.xlane v4, v55  }
0x188: {  	v38 =	vsel vm15, v40, v38;
	v40 =	vsel vm5, v60, v42;
	vm15 =	veq.s32 v58, $0xB  }
0x189: {  	vm4 =	veq.s32 v56, $0x0;
	v58 =	vperm.xlane v10, v55;
	vm5 =	veq.s32 v56, $0x1  }
0x18a: {  	v60 =	vperm.xlane v9, v55;
	v42 =	vand.u32 $0xF, v46;
	v40 =	vsel vm6, v61, v40  }
0x18b: {  	v59 =	vnsel vm4, $0x0, v57;
	vm6 =	veq.s32 v56, $0x2;
	v61 =	vperm.xlane v7, v55  }
0x18c: {  	vm4 =	veq.s32 v43, $0x0;
	v57 =	vperm.xlane v9, v42;
	v40 =	vsel vm7, v62, v40  }
0x18d: {  	vm7 =	veq.s32 v56, $0x3;
	v62 =	vperm.xlane v6, v55;
	v40 =	vsel vm8, v63, v40  }
0x18e: {  	vm8 =	veq.s32 v56, $0x4;
	v63 =	vperm.xlane v5, v55;
	v40 =	vsel vm9, v48, v40;
	v48 =	vld [tilespmem:$0x340]  }
0x18f: {  	vm9 =	veq.s32 v56, $0x5;
	v40 =	vsel vm10, v50, v40;
	vm10 =	veq.s32 v56, $0x6  }
0x190: {  	v50 =	vperm.xlane v3, v55;
	v40 =	vsel vm11, v51, v40;
	vm11 =	veq.s32 v56, $0x7  }
0x191: {  	v51 =	vperm.xlane v1, v55;
	v40 =	vsel vm12, v52, v40;
	vm12 =	veq.s32 v56, $0x8  }
0x192: {  	v52 =	vperm.xlane v2, v55;
	v40 =	vsel vm13, v53, v40;
	vm13 =	veq.s32 v56, $0x9  }
0x193: {  	v53 =	vperm.xlane v0, v55;
	v40 =	vsel vm14, v54, v40;
	v33 =	vadd.f32 v33, v48  }
0x194: {  	vm14 =	veq.s32 v56, $0xA;
	v54 =	vperm.xlane v8, v55;
	v55 =	vperm.xlane v11, v42  }
0x195: {  	v39 =	vsel vm15, v41, v40;
	v40 =	vsel vm5, v58, v59;
	vm15 =	veq.s32 v56, $0xB  }
0x196: {  	v56 =	vperm.xlane v10, v42;
	vm5 =	veq.s32 v43, $0x1;
	v58 =	vperm.xlane v7, v42  }
0x197: {  	v48 =	vld [tilespmem:$0x370];
	v40 =	vsel vm6, v60, v40;
	v44 =	vnsel vm4, $0x0, v55;
	vm6 =	veq.s32 v43, $0x2  }
0x198: {  	v60 =	vperm.xlane v6, v42;
	v55 =	vperm.xlane v8, v42;
	v40 =	vsel vm7, v61, v40  }
0x199: {  	v59 =	vld [tilespmem:$0x350];
	v41 =	vsel vm5, v56, v44;
	vm7 =	veq.s32 v43, $0x3;
	v61 =	vperm.xlane v5, v42  }
0x19a: {  	v40 =	vsel vm8, v62, v40;
	v41 =	vsel vm6, v57, v41;
	vm8 =	veq.s32 v43, $0x4  }
0x19b: {  	v62 =	vperm.xlane v4, v42;
	v40 =	vsel vm9, v63, v40;
	v41 =	vsel vm7, v58, v41  }
0x19c: {  	vm9 =	veq.s32 v43, $0x5;
	v63 =	vperm.xlane v3, v42;
	v35 =	vadd.f32 v35, v48  }
0x19d: {  	v40 =	vsel vm10, v49, v40;
	v41 =	vsel vm8, v60, v41;
	vm10 =	veq.s32 v43, $0x6  }
0x19e: {  	v49 =	vld [tilespmem:$0x380];
	v27 =	vadd.f32 v27, v59;
	v40 =	vsel vm11, v50, v40;
	v41 =	vsel vm9, v61, v41  }
0x19f: {  	vm11 =	veq.s32 v43, $0x7;
	v50 =	vld [tilespmem:$0x1E0];
	v40 =	vsel vm12, v51, v40;
	v41 =	vsel vm10, v62, v41  }
0x1a0: {  	v44 =	vld [tilespmem:$0x3B0];
	vm12 =	veq.s32 v43, $0x8;
	v40 =	vsel vm13, v52, v40;
	v52 =	vperm.xlane v1, v42  }
0x1a1: {  	v41 =	vsel vm11, v63, v41;
	vm13 =	veq.s32 v43, $0x9;
	v40 =	vsel vm14, v53, v40  }
0x1a2: {  	v53 =	vperm.xlane v2, v42;
	vm14 =	veq.s32 v43, $0xA;
	v40 =	vsel vm15, v54, v40  }
0x1a3: {  	[tilespmem:$0x500] =	vst v12;
	v41 =	vsel vm12, v52, v41;
	v54 =	vperm.xlane v0, v42;
	v12 =	vadd.f32 v37, v49  }
0x1a4: {  	vm15 =	veq.s32 v43, $0xB;
	v41 =	vsel vm13, v53, v41;
	v56 =	vand.u32 $0xF, v50  }
0x1a5: {  	[tilespmem:$0x510] =	vst v13;
	v13 =	vshra.s32 v50, $0x4;
	v53 =	vadd.f32 v39, v44;
	v41 =	vsel vm14, v54, v41  }
0x1a6: {  	[tilespmem:$0x530] =	vst v15;
	v57 =	vperm.xlane v11, v56;
	vm4 =	veq.s32 v13, $0x0;
	v58 =	vperm.xlane v10, v56  }
0x1a7: {  	[tilespmem:$0x520] =	vst v14;
	v46 =	vld [tilespmem:$0x3C0];
	vm5 =	veq.s32 v13, $0x1;
	v60 =	vperm.xlane v9, v56;
	vm6 =	veq.s32 v13, $0x2  }
0x1a8: {  	[tilespmem:$0x540] =	vst v16;
	v62 =	vld [tilespmem:$0x390];
	v61 =	vperm.xlane v7, v56;
	vm7 =	veq.s32 v13, $0x3;
	v63 =	vperm.xlane v6, v56  }
0x1a9: {  	[tilespmem:$0x550] =	vst v17;
	vm8 =	veq.s32 v13, $0x4;
	v43 =	vperm.xlane v5, v56;
	vm9 =	veq.s32 v13, $0x5  }
0x1aa: {  	[tilespmem:$0x560] =	vst v18;
	v49 =	vld [tilespmem:$0x1F0];
	v45 =	vperm.xlane v4, v56;
	vm10 =	veq.s32 v13, $0x6;
	v47 =	vperm.xlane v3, v56  }
0x1ab: {  	[tilespmem:$0x570] =	vst v19;
	vm11 =	veq.s32 v13, $0x7;
	v48 =	vperm.xlane v1, v56;
	vm12 =	veq.s32 v13, $0x8  }
0x1ac: {  	[tilespmem:$0x580] =	vst v20;
	v50 =	vperm.xlane v2, v56;
	vm13 =	veq.s32 v13, $0x9;
	v51 =	vperm.xlane v0, v56  }
0x1ad: {  	[tilespmem:$0x590] =	vst v21;
	v17 =	vadd.f32 v36, v62;
	vm14 =	veq.s32 v13, $0xA;
	v54 =	vadd.f32 v40, v46  }
0x1ae: {  	[tilespmem:$0x5A0] =	vst v22;
	v14 =	vsel vm15, v55, v41;
	v55 =	vperm.xlane v8, v56;
	v59 =	vnsel vm4, $0x0, v57  }
0x1af: {  	[tilespmem:$0x5B0] =	vst v23;
	vm15 =	veq.s32 v13, $0xB;
	v15 =	vsel vm5, v58, v59;
	v56 =	vand.u32 $0xF, v49  }
0x1b0: {  	[tilespmem:$0x5C0] =	vst v24;
	v57 =	vshra.s32 v49, $0x4;
	v11 =	vperm.xlane v11, v56;
	v10 =	vperm.xlane v10, v56  }
0x1b1: {  	[tilespmem:$0x5D0] =	vst v25;
	v15 =	vsel vm6, v60, v15;
	v9 =	vperm.xlane v9, v56;
	v7 =	vperm.xlane v7, v56  }
0x1b2: {  	[tilespmem:$0x5E0] =	vst v26;
	v41 =	vld [tilespmem:$0x3A0];
	vm4 =	veq.s32 v57, $0x0;
	v6 =	vperm.xlane v6, v56;
	v5 =	vperm.xlane v5, v56  }
0x1b3: {  	[tilespmem:$0x5F0] =	vst v28;
	vm5 =	veq.s32 v57, $0x1;
	v4 =	vperm.xlane v4, v56;
	v3 =	vperm.xlane v3, v56  }
0x1b4: {  	[tilespmem:$0x600] =	vst v29;
	vm6 =	veq.s32 v57, $0x2;
	v1 =	vperm.xlane v1, v56;
	v2 =	vperm.xlane v2, v56  }
0x1b5: {  	[tilespmem:$0x610] =	vst v30;
	v58 =	vld [tilespmem:$0x3D0];
	v0 =	vperm.xlane v0, v56;
	v15 =	vsel vm7, v61, v15;
	v11 =	vnsel vm4, $0x0, v11  }
0x1b6: {  	[tilespmem:$0x620] =	vst v31;
	vm7 =	veq.s32 v57, $0x3;
	v61 =	vperm.xlane v8, v56;
	v10 =	vsel vm5, v10, v11  }
0x1b7: {  	[tilespmem:$0x660] =	vst v34;
	v15 =	vsel vm8, v63, v15;
	v52 =	vadd.f32 v38, v41;
	v9 =	vsel vm6, v9, v10  }
0x1b8: {  	[tilespmem:$0x630] =	vst v32;
	vm8 =	veq.s32 v57, $0x4;
	v15 =	vsel vm9, v43, v15;
	v7 =	vsel vm7, v7, v9  }
0x1b9: {  	[tilespmem:$0x640] =	vst v33;
	vm9 =	veq.s32 v57, $0x5;
	v15 =	vsel vm10, v45, v15;
	v6 =	vsel vm8, v6, v7  }
0x1ba: {  	[tilespmem:$0x670] =	vst v35;
	vm10 =	veq.s32 v57, $0x6;
	v62 =	vadd.f32 v14, v58;
	v5 =	vsel vm9, v5, v6  }
0x1bb: {  	[tilespmem:$0x650] =	vst v27;
	v59 =	vld [tilespmem:$0x3E0];
	v15 =	vsel vm11, v47, v15;
	vm11 =	veq.s32 v57, $0x7;
	v4 =	vsel vm10, v4, v5  }
0x1bc: {  	[tilespmem:$0x680] =	vst v12;
	v60 =	vld [tilespmem:$0x3F0];
	v15 =	vsel vm12, v48, v15;
	vm12 =	veq.s32 v57, $0x8;
	v3 =	vsel vm11, v3, v4  }
0x1bd: {  	[tilespmem:$0x6B0] =	vst v53;
	v15 =	vsel vm13, v50, v15;
	vm13 =	veq.s32 v57, $0x9;
	v1 =	vsel vm12, v1, v3  }
0x1be: {  	[tilespmem:$0x690] =	vst v17;
	v15 =	vsel vm14, v51, v15;
	vm14 =	veq.s32 v57, $0xA;
	v1 =	vsel vm13, v2, v1  }
0x1bf: {  	[tilespmem:$0x6C0] =	vst v54;
	v15 =	vsel vm15, v55, v15;
	vm15 =	veq.s32 v57, $0xB;
	v0 =	vsel vm14, v0, v1  }
0x1c0: {  	[tilespmem:$0x6A0] =	vst v52;
	v63 =	vadd.f32 v15, v59;
	v0 =	vsel vm15, v61, v0  }
0x1c1: {  	[tilespmem:$0x6D0] =	vst v62;
	v0 =	vadd.f32 v0, v60  }
0x1c2: {  	p0 =	sne.s32 s7, $0x1;
	[tilespmem:$0x6E0] =	vst v63  }
.Ltmp0:
0x1c3: {  	[tilespmem:$0x6F0] =	vst v0;
	(pc) =	sbr.rel @p0 .LBB2_1-.Ltmp0, $4  }
0x1c4: {  	[hbm4b:s6+s2] =	stream.linear.scatter [tilespmem:s11], [sflag:$0x1], $0x200, $0x38;
	[tilespmem:$0x700] =	vst v63  }
0x1c5: {  	_ =	swait.ge [sflag:s8], $0x200  }
0x1c6: {  	[sflag:s8] =	ssyncset.done $0x0  }
0x1c7: {  	s7 =	sadd.s32 $0xFFFFFFFF, s7;
	[sflag:s8] =	ssyncadd.s32 $0xFFFFFE00  }
0x1c8: {  	_ =	sfence.sel $0x180000  }
0x1c9: {  	[bflag:$0x0] =	sbarrier.arrive $0xFFFF  }
0x1ca: {  	p0 =	sne.s32 s1, $0x0;
	_ =	strace $0x90000047  }
0x1cb: {  	s0 =	sadd.s32 @!p0 $0x100000, s0;
	[bflag:$0x2] =	sbarrier.arrive $0xFFFF  }
0x1cc: {  	[sflag:s0] =	ssyncadd.tile.s32 @!p0 $0x1;
	_ =	shalt  }
.Lfunc_end2:
_tile_overlayer_lowered:
.L_overlay_start_2:
0x1cd: {  	(tag) =	ssettag $0x2  }
0x1ce: {  	s0 =	rddreg [dreg:$0x0];
	s2 =	stileid.u32  }
0x1cf: {  	s1 =	rddreg [dreg:$0x1];
	p0 =	sne.s32 s2, $0x0  }
0x1d0: {  	s3 =	rddreg [dreg:$0x2];
	[bflag:$0x3] =	sbarrier.arrive $0xFFFF;
	s2 =	simm.s32 @!p0 $0x1C01  }
0x1d1: {  	[timem:s3], [sflag:s2] =	dma.local @!p0 [hbm:s0], s1  }
0x1d2: {  	s0 =	simm.s32 @!p0 $0x1  }
0x1d3: {  	_ =	swait.ge @!p0 [sflag:s0], s1  }
0x1d4: {  	s1 =	ssub.s32 @!p0 $0x0, s1;
	[sflag:s0] =	ssyncset.done @!p0 $0x0  }
0x1d5: {  	[sflag:s0] =	ssyncadd.s32 @!p0 s1  }
0x1d6: {  	[bflag:$0x3] =	sbarrier.arrive $0xFFFF  }
0x1d7: {  	_ =	shalt  }

</sc_bundles>
